<compile_context>
chip_gen: v7x
topology: tpu7x:2x2x1
jax: 0.10.2.dev20260603
libtpu: 0.0.44.dev20260713+nightly
codegen_flags: <defaults>
</compile_context>

<pallas_src>
import jax
import jax.numpy as jnp
from jax import lax
from jax.experimental import pallas as pl
from jax.experimental.pallas import tpu as pltpu
from jax.experimental.pallas import tpu_sc as plsc

NC = 2
NS = 16
NW = NC * NS
L = 16
BB = 128
XP = 129
NB = 4


def _emb_body(tokt_hbm, table_hbm, out_hbm, idx_v, rows, xps,
              tsems, gsems, wsems):
    D = table_hbm.shape[1]
    scale = float(D) ** 0.5
    ncg = D // 8
    nbb = out_hbm.shape[2]
    n_items = tokt_hbm.shape[0] // BB
    ipw = n_items // NW
    wid = lax.axis_index("s") * NC + lax.axis_index("c")
    m0 = wid * ipw

    col_ids = [lax.iota(jnp.int32, L) + c * L for c in range(D // L)]

    def tok_slice(m):
        return tokt_hbm.at[pl.ds(m * BB, BB)]

    def tok_start(m, s):
        pltpu.async_copy(tok_slice(m), idx_v.at[s], tsems[s])

    def tok_wait(s):
        pltpu.make_async_copy(tok_slice(0), idx_v.at[s], tsems[s]).wait()

    def gather_start(s):
        pltpu.async_copy(table_hbm.at[idx_v.at[s]], rows[s], gsems[s])

    def gather_wait(s):
        pltpu.make_async_copy(table_hbm.at[idx_v.at[s]], rows[s],
                              gsems[s]).wait()

    def write_start(m, x):
        t = m // nbb
        bb = m % nbb
        for cg in range(ncg):
            pltpu.async_copy(xps[x].at[pl.ds(cg * 8, 8), pl.ds(0, BB)],
                             out_hbm.at[t, cg, bb], wsems[x])

    def write_drain(x):
        for cg in range(ncg):
            pltpu.make_async_copy(xps[x].at[pl.ds(cg * 8, 8), pl.ds(0, BB)],
                                  out_hbm.at[0, cg, 0], wsems[x]).wait()

    for j in range(NB):
        tok_start(m0 + j, j)
    for j in range(NB - 1):
        tok_wait(j)
        gather_start(j)

    @pl.loop(0, ipw, step=NB)
    def block(k0):
        for j in range(NB):
            m = k0 + j

            gather_wait(j)

            @pl.when(m + NB < ipw)
            def _():
                tok_start(m0 + m + NB, j)

            @pl.when(m >= NB)
            def _():
                write_drain(j)

            @plsc.parallel_loop(0, BB, step=1, unroll=4)
            def transpose_row(r):
                rv = jnp.full((L,), r, dtype=jnp.int32)
                for c in range(D // L):
                    v = rows[j][r, pl.ds(c * L, L)]
                    plsc.store_scatter(xps[j], [col_ids[c], rv], v * scale)

            write_start(m0 + m, j)

            @pl.when(m + NB - 1 < ipw)
            def _():
                tok_wait((j + NB - 1) % NB)
                gather_start((j + NB - 1) % NB)

    for x in range(NB):
        write_drain(x)


def kernel(tokens, table):
    Bdim, T = tokens.shape
    V, D = table.shape
    nbb = Bdim // BB
    tokt = jnp.transpose(tokens).reshape(-1).astype(jnp.int32)
    mesh = plsc.VectorSubcoreMesh(
        core_axis_name="c", subcore_axis_name="s",
        num_cores=NC, num_subcores=NS,
    )
    out5 = pl.kernel(
        _emb_body,
        out_type=jax.ShapeDtypeStruct((T, D // 8, nbb, 8, BB), table.dtype),
        mesh=mesh,
        scratch_types=[
            pltpu.VMEM((NB, BB), jnp.int32),
            [pltpu.VMEM((BB, D), jnp.float32) for _ in range(NB)],
            [pltpu.VMEM((D, XP), jnp.float32) for _ in range(NB)],
            [pltpu.SemaphoreType.DMA for _ in range(NB)],
            [pltpu.SemaphoreType.DMA for _ in range(NB)],
            [pltpu.SemaphoreType.DMA for _ in range(NB)],
        ],
        compiler_params=pltpu.CompilerParams(
            use_tc_tiling_on_sc=False, needs_layout_passes=False),
    )(tokt, table)
    return out5.transpose(2, 4, 0, 1, 3).reshape(Bdim, T, D)

# --- scband reference (transcript-rebuilt; emitter-appended) ---
"""Pipeline reference for scband-token-embedding-25022479466870 (READ-ONLY COPY).

The authoritative reference and input builder live on the scoring server;
editing this copy changes nothing except your own understanding.
"""

import jax, jax.numpy as jnp
import numpy as np
import math

VOCAB = 1000000
EMB = 64

def setup_inputs(seed: int = 0) -> dict:
    key = jax.random.key(seed)
    k1, k2 = jax.random.split(key)
    tokens = jax.random.randint(k1, (4096, 200), 0, VOCAB, dtype=jnp.int64 if jax.config.jax_enable_x64 else jnp.int32)
    table = jax.random.normal(k2, (VOCAB, EMB), dtype=jnp.float32)
    return {"tokens": tokens, "table": table}

def reference(tokens, table):
    emb = jnp.take(table, tokens, axis=0)
    return emb * math.sqrt(EMB)

if __name__ == "__main__":
    import jax
    _d = setup_inputs()
    print(jax.jit(kernel)(*tuple(_d.values())))

</pallas_src>

<mosaic_0001>
#map = affine_map<(d0, d1) -> (0)>
#map1 = affine_map<(d0, d1) -> (0, 0)>
#map2 = affine_map<(d0, d1) -> (0, 0, 0, 0, 0)>
module attributes {stable_mosaic.version = 14 : i64} {
  func.func @_emb_body(%arg0: i32, %arg1: i32, %arg2: memref<819200xi32, #tpu.memory_space<hbm>>, %arg3: memref<1000000x64xf32, #tpu.memory_space<hbm>>, %arg4: memref<200x8x32x8x128xf32, #tpu.memory_space<hbm>>, %arg5: memref<4x128xi32, #tpu.memory_space<vmem>>, %arg6: memref<128x64xf32, #tpu.memory_space<vmem>>, %arg7: memref<128x64xf32, #tpu.memory_space<vmem>>, %arg8: memref<128x64xf32, #tpu.memory_space<vmem>>, %arg9: memref<128x64xf32, #tpu.memory_space<vmem>>, %arg10: memref<64x129xf32, #tpu.memory_space<vmem>>, %arg11: memref<64x129xf32, #tpu.memory_space<vmem>>, %arg12: memref<64x129xf32, #tpu.memory_space<vmem>>, %arg13: memref<64x129xf32, #tpu.memory_space<vmem>>, %arg14: memref<!tpu.dma_semaphore, #tpu.memory_space<semaphore_mem>>, %arg15: memref<!tpu.dma_semaphore, #tpu.memory_space<semaphore_mem>>, %arg16: memref<!tpu.dma_semaphore, #tpu.memory_space<semaphore_mem>>, %arg17: memref<!tpu.dma_semaphore, #tpu.memory_space<semaphore_mem>>, %arg18: memref<!tpu.dma_semaphore, #tpu.memory_space<semaphore_mem>>, %arg19: memref<!tpu.dma_semaphore, #tpu.memory_space<semaphore_mem>>, %arg20: memref<!tpu.dma_semaphore, #tpu.memory_space<semaphore_mem>>, %arg21: memref<!tpu.dma_semaphore, #tpu.memory_space<semaphore_mem>>, %arg22: memref<!tpu.dma_semaphore, #tpu.memory_space<semaphore_mem>>, %arg23: memref<!tpu.dma_semaphore, #tpu.memory_space<semaphore_mem>>, %arg24: memref<!tpu.dma_semaphore, #tpu.memory_space<semaphore_mem>>, %arg25: memref<!tpu.dma_semaphore, #tpu.memory_space<semaphore_mem>>) attributes {dimension_semantics = [#tpu.dimension_semantics<core_parallel>, #tpu.dimension_semantics<subcore_parallel>], iteration_bounds = array<i64: 2, 16>, scalar_prefetch = 0 : i64, scratch_operands = 21 : i64, tpu.core_type = #tpu.core_type<sc_vector_subcore>, window_params = [{transform_indices = #map}, {transform_indices = #map1}, {transform_indices = #map2}]} {
    %mul3A = arith.constant 2 : i32
    %mul3A_0 = arith.muli %arg1, %mul3A : i32
    %add3A = arith.addi %mul3A_0, %arg0 : i32
    %mul3A_1 = arith.constant 200 : i32
    %mul3A_2 = arith.muli %add3A, %mul3A_1 : i32
    %iota3A = tpu.iota {dimensions = array<i32: 0>} : vector<16xi32>
    %add3A_3 = arith.constant 0 : i32
    %add3A_4 = vector.broadcast %add3A_3 : i32 to vector<16xi32>
    %add3A_5 = arith.addi %iota3A, %add3A_4 : vector<16xi32>
    %iota3A_6 = tpu.iota {dimensions = array<i32: 0>} : vector<16xi32>
    %add3A_7 = arith.constant 16 : i32
    %add3A_8 = vector.broadcast %add3A_7 : i32 to vector<16xi32>
    %add3A_9 = arith.addi %iota3A_6, %add3A_8 : vector<16xi32>
    %iota3A_10 = tpu.iota {dimensions = array<i32: 0>} : vector<16xi32>
    %add3A_11 = arith.constant 32 : i32
    %add3A_12 = vector.broadcast %add3A_11 : i32 to vector<16xi32>
    %add3A_13 = arith.addi %iota3A_10, %add3A_12 : vector<16xi32>
    %iota3A_14 = tpu.iota {dimensions = array<i32: 0>} : vector<16xi32>
    %add3A_15 = arith.constant 48 : i32
    %add3A_16 = vector.broadcast %add3A_15 : i32 to vector<16xi32>
    %add3A_17 = arith.addi %iota3A_14, %add3A_16 : vector<16xi32>
    %add3A_18 = arith.constant 0 : i32
    %add3A_19 = arith.addi %mul3A_2, %add3A_18 : i32
    %mul3A_20 = arith.constant 128 : i32
    %mul3A_21 = arith.muli %add3A_19, %mul3A_20 : i32
    %dma_start3A = arith.constant 0 : i32
    %dma_start3A_22 = arith.constant 0 : i32
    %dma_start3A_23 = tpu.memref_slice %arg5[%dma_start3A, %dma_start3A_22] : memref<4x128xi32, #tpu.memory_space<vmem>> -> memref<1x128xi32, #tpu.memory_space<vmem>>
    %dma_start3A_24 = tpu.memref_squeeze %dma_start3A_23 : memref<1x128xi32, #tpu.memory_space<vmem>> -> memref<128xi32, #tpu.memory_space<vmem>>
    %dma_start3A_25 = tpu.memref_slice %arg2[%mul3A_21] : memref<819200xi32, #tpu.memory_space<hbm>> -> memref<128xi32, #tpu.memory_space<hbm>>
    %dma_start3A_26 = arith.constant 0 : i32
    %dma_start3A_27 = tpu.memref_slice %arg5[%dma_start3A, %dma_start3A_26] : memref<4x128xi32, #tpu.memory_space<vmem>> -> memref<1x128xi32, #tpu.memory_space<vmem>>
    %dma_start3A_28 = tpu.memref_squeeze %dma_start3A_27 : memref<1x128xi32, #tpu.memory_space<vmem>> -> memref<128xi32, #tpu.memory_space<vmem>>
    %dma_start3A_29 = tpu.memref_slice %arg2[%mul3A_21] : memref<819200xi32, #tpu.memory_space<hbm>> -> memref<128xi32, #tpu.memory_space<hbm>>
    tpu.enqueue_dma source(%dma_start3A_29 : memref<128xi32, #tpu.memory_space<hbm>>) target(%dma_start3A_28 : memref<128xi32, #tpu.memory_space<vmem>>) target_semaphore(%arg14 : memref<!tpu.dma_semaphore, #tpu.memory_space<semaphore_mem>>)
    %add3A_30 = arith.constant 1 : i32
    %add3A_31 = arith.addi %mul3A_2, %add3A_30 : i32
    %mul3A_32 = arith.constant 128 : i32
    %mul3A_33 = arith.muli %add3A_31, %mul3A_32 : i32
    %dma_start3A_34 = arith.constant 1 : i32
    %dma_start3A_35 = arith.constant 0 : i32
    %dma_start3A_36 = tpu.memref_slice %arg5[%dma_start3A_34, %dma_start3A_35] : memref<4x128xi32, #tpu.memory_space<vmem>> -> memref<1x128xi32, #tpu.memory_space<vmem>>
    %dma_start3A_37 = tpu.memref_squeeze %dma_start3A_36 : memref<1x128xi32, #tpu.memory_space<vmem>> -> memref<128xi32, #tpu.memory_space<vmem>>
    %dma_start3A_38 = tpu.memref_slice %arg2[%mul3A_33] : memref<819200xi32, #tpu.memory_space<hbm>> -> memref<128xi32, #tpu.memory_space<hbm>>
    %dma_start3A_39 = arith.constant 0 : i32
    %dma_start3A_40 = tpu.memref_slice %arg5[%dma_start3A_34, %dma_start3A_39] : memref<4x128xi32, #tpu.memory_space<vmem>> -> memref<1x128xi32, #tpu.memory_space<vmem>>
    %dma_start3A_41 = tpu.memref_squeeze %dma_start3A_40 : memref<1x128xi32, #tpu.memory_space<vmem>> -> memref<128xi32, #tpu.memory_space<vmem>>
    %dma_start3A_42 = tpu.memref_slice %arg2[%mul3A_33] : memref<819200xi32, #tpu.memory_space<hbm>> -> memref<128xi32, #tpu.memory_space<hbm>>
    tpu.enqueue_dma source(%dma_start3A_42 : memref<128xi32, #tpu.memory_space<hbm>>) target(%dma_start3A_41 : memref<128xi32, #tpu.memory_space<vmem>>) target_semaphore(%arg15 : memref<!tpu.dma_semaphore, #tpu.memory_space<semaphore_mem>>)
    %add3A_43 = arith.constant 2 : i32
    %add3A_44 = arith.addi %mul3A_2, %add3A_43 : i32
    %mul3A_45 = arith.constant 128 : i32
    %mul3A_46 = arith.muli %add3A_44, %mul3A_45 : i32
    %dma_start3A_47 = arith.constant 2 : i32
    %dma_start3A_48 = arith.constant 0 : i32
    %dma_start3A_49 = tpu.memref_slice %arg5[%dma_start3A_47, %dma_start3A_48] : memref<4x128xi32, #tpu.memory_space<vmem>> -> memref<1x128xi32, #tpu.memory_space<vmem>>
    %dma_start3A_50 = tpu.memref_squeeze %dma_start3A_49 : memref<1x128xi32, #tpu.memory_space<vmem>> -> memref<128xi32, #tpu.memory_space<vmem>>
    %dma_start3A_51 = tpu.memref_slice %arg2[%mul3A_46] : memref<819200xi32, #tpu.memory_space<hbm>> -> memref<128xi32, #tpu.memory_space<hbm>>
    %dma_start3A_52 = arith.constant 0 : i32
    %dma_start3A_53 = tpu.memref_slice %arg5[%dma_start3A_47, %dma_start3A_52] : memref<4x128xi32, #tpu.memory_space<vmem>> -> memref<1x128xi32, #tpu.memory_space<vmem>>
    %dma_start3A_54 = tpu.memref_squeeze %dma_start3A_53 : memref<1x128xi32, #tpu.memory_space<vmem>> -> memref<128xi32, #tpu.memory_space<vmem>>
    %dma_start3A_55 = tpu.memref_slice %arg2[%mul3A_46] : memref<819200xi32, #tpu.memory_space<hbm>> -> memref<128xi32, #tpu.memory_space<hbm>>
    tpu.enqueue_dma source(%dma_start3A_55 : memref<128xi32, #tpu.memory_space<hbm>>) target(%dma_start3A_54 : memref<128xi32, #tpu.memory_space<vmem>>) target_semaphore(%arg16 : memref<!tpu.dma_semaphore, #tpu.memory_space<semaphore_mem>>)
    %add3A_56 = arith.constant 3 : i32
    %add3A_57 = arith.addi %mul3A_2, %add3A_56 : i32
    %mul3A_58 = arith.constant 128 : i32
    %mul3A_59 = arith.muli %add3A_57, %mul3A_58 : i32
    %dma_start3A_60 = arith.constant 3 : i32
    %dma_start3A_61 = arith.constant 0 : i32
    %dma_start3A_62 = tpu.memref_slice %arg5[%dma_start3A_60, %dma_start3A_61] : memref<4x128xi32, #tpu.memory_space<vmem>> -> memref<1x128xi32, #tpu.memory_space<vmem>>
    %dma_start3A_63 = tpu.memref_squeeze %dma_start3A_62 : memref<1x128xi32, #tpu.memory_space<vmem>> -> memref<128xi32, #tpu.memory_space<vmem>>
    %dma_start3A_64 = tpu.memref_slice %arg2[%mul3A_59] : memref<819200xi32, #tpu.memory_space<hbm>> -> memref<128xi32, #tpu.memory_space<hbm>>
    %dma_start3A_65 = arith.constant 0 : i32
    %dma_start3A_66 = tpu.memref_slice %arg5[%dma_start3A_60, %dma_start3A_65] : memref<4x128xi32, #tpu.memory_space<vmem>> -> memref<1x128xi32, #tpu.memory_space<vmem>>
    %dma_start3A_67 = tpu.memref_squeeze %dma_start3A_66 : memref<1x128xi32, #tpu.memory_space<vmem>> -> memref<128xi32, #tpu.memory_space<vmem>>
    %dma_start3A_68 = tpu.memref_slice %arg2[%mul3A_59] : memref<819200xi32, #tpu.memory_space<hbm>> -> memref<128xi32, #tpu.memory_space<hbm>>
    tpu.enqueue_dma source(%dma_start3A_68 : memref<128xi32, #tpu.memory_space<hbm>>) target(%dma_start3A_67 : memref<128xi32, #tpu.memory_space<vmem>>) target_semaphore(%arg17 : memref<!tpu.dma_semaphore, #tpu.memory_space<semaphore_mem>>)
    %dma_wait3A = arith.constant 0 : i32
    %dma_wait3A_69 = arith.constant 0 : i32
    %dma_wait3A_70 = tpu.memref_slice %arg5[%dma_wait3A, %dma_wait3A_69] : memref<4x128xi32, #tpu.memory_space<vmem>> -> memref<1x128xi32, #tpu.memory_space<vmem>>
    %dma_wait3A_71 = tpu.memref_squeeze %dma_wait3A_70 : memref<1x128xi32, #tpu.memory_space<vmem>> -> memref<128xi32, #tpu.memory_space<vmem>>
    %dma_wait3A_72 = arith.constant 0 : i32
    %dma_wait3A_73 = tpu.memref_slice %arg2[%dma_wait3A_72] : memref<819200xi32, #tpu.memory_space<hbm>> -> memref<128xi32, #tpu.memory_space<hbm>>
    %dma_wait3A_74 = arith.constant 0 : i32
    %dma_wait3A_75 = tpu.memref_slice %arg5[%dma_wait3A, %dma_wait3A_74] : memref<4x128xi32, #tpu.memory_space<vmem>> -> memref<1x128xi32, #tpu.memory_space<vmem>>
    %dma_wait3A_76 = tpu.memref_squeeze %dma_wait3A_75 : memref<1x128xi32, #tpu.memory_space<vmem>> -> memref<128xi32, #tpu.memory_space<vmem>>
    %dma_wait3A_77 = arith.constant 0 : i32
    %dma_wait3A_78 = tpu.memref_slice %arg2[%dma_wait3A_77] : memref<819200xi32, #tpu.memory_space<hbm>> -> memref<128xi32, #tpu.memory_space<hbm>>
    tpu.wait_dma2 semaphore(%arg14 : memref<!tpu.dma_semaphore, #tpu.memory_space<semaphore_mem>>) src(%dma_wait3A_78 : memref<128xi32, #tpu.memory_space<hbm>>) dst(%dma_wait3A_76 : memref<128xi32, #tpu.memory_space<vmem>>)
    %dma_start3A_79 = arith.constant 0 : i32
    %dma_start3A_80 = arith.constant 0 : i32
    %dma_start3A_81 = tpu.memref_slice %arg5[%dma_start3A_79, %dma_start3A_80] : memref<4x128xi32, #tpu.memory_space<vmem>> -> memref<1x128xi32, #tpu.memory_space<vmem>>
    %dma_start3A_82 = tpu.memref_squeeze %dma_start3A_81 : memref<1x128xi32, #tpu.memory_space<vmem>> -> memref<128xi32, #tpu.memory_space<vmem>>
    %dma_start3A_83 = arith.constant 0 : i32
    %dma_start3A_84 = arith.constant 0 : i32
    %dma_start3A_85 = tpu.memref_slice %arg3[%dma_start3A_83, %dma_start3A_84] : memref<1000000x64xf32, #tpu.memory_space<hbm>> -> memref<1000000x64xf32, #tpu.memory_space<hbm>>
    tpu.enqueue_indirect_dma source(%dma_start3A_85 : memref<1000000x64xf32, #tpu.memory_space<hbm>>) target(%arg6 : memref<128x64xf32, #tpu.memory_space<vmem>>) offsets(%dma_start3A_82 : memref<128xi32, #tpu.memory_space<vmem>>) semaphore(%arg18 : memref<!tpu.dma_semaphore, #tpu.memory_space<semaphore_mem>>)
    %dma_wait3A_86 = arith.constant 1 : i32
    %dma_wait3A_87 = arith.constant 0 : i32
    %dma_wait3A_88 = tpu.memref_slice %arg5[%dma_wait3A_86, %dma_wait3A_87] : memref<4x128xi32, #tpu.memory_space<vmem>> -> memref<1x128xi32, #tpu.memory_space<vmem>>
    %dma_wait3A_89 = tpu.memref_squeeze %dma_wait3A_88 : memref<1x128xi32, #tpu.memory_space<vmem>> -> memref<128xi32, #tpu.memory_space<vmem>>
    %dma_wait3A_90 = arith.constant 0 : i32
    %dma_wait3A_91 = tpu.memref_slice %arg2[%dma_wait3A_90] : memref<819200xi32, #tpu.memory_space<hbm>> -> memref<128xi32, #tpu.memory_space<hbm>>
    %dma_wait3A_92 = arith.constant 0 : i32
    %dma_wait3A_93 = tpu.memref_slice %arg5[%dma_wait3A_86, %dma_wait3A_92] : memref<4x128xi32, #tpu.memory_space<vmem>> -> memref<1x128xi32, #tpu.memory_space<vmem>>
    %dma_wait3A_94 = tpu.memref_squeeze %dma_wait3A_93 : memref<1x128xi32, #tpu.memory_space<vmem>> -> memref<128xi32, #tpu.memory_space<vmem>>
    %dma_wait3A_95 = arith.constant 0 : i32
    %dma_wait3A_96 = tpu.memref_slice %arg2[%dma_wait3A_95] : memref<819200xi32, #tpu.memory_space<hbm>> -> memref<128xi32, #tpu.memory_space<hbm>>
    tpu.wait_dma2 semaphore(%arg15 : memref<!tpu.dma_semaphore, #tpu.memory_space<semaphore_mem>>) src(%dma_wait3A_96 : memref<128xi32, #tpu.memory_space<hbm>>) dst(%dma_wait3A_94 : memref<128xi32, #tpu.memory_space<vmem>>)
    %dma_start3A_97 = arith.constant 1 : i32
    %dma_start3A_98 = arith.constant 0 : i32
    %dma_start3A_99 = tpu.memref_slice %arg5[%dma_start3A_97, %dma_start3A_98] : memref<4x128xi32, #tpu.memory_space<vmem>> -> memref<1x128xi32, #tpu.memory_space<vmem>>
    %dma_start3A_100 = tpu.memref_squeeze %dma_start3A_99 : memref<1x128xi32, #tpu.memory_space<vmem>> -> memref<128xi32, #tpu.memory_space<vmem>>
    %dma_start3A_101 = arith.constant 0 : i32
    %dma_start3A_102 = arith.constant 0 : i32
    %dma_start3A_103 = tpu.memref_slice %arg3[%dma_start3A_101, %dma_start3A_102] : memref<1000000x64xf32, #tpu.memory_space<hbm>> -> memref<1000000x64xf32, #tpu.memory_space<hbm>>
    tpu.enqueue_indirect_dma source(%dma_start3A_103 : memref<1000000x64xf32, #tpu.memory_space<hbm>>) target(%arg7 : memref<128x64xf32, #tpu.memory_space<vmem>>) offsets(%dma_start3A_100 : memref<128xi32, #tpu.memory_space<vmem>>) semaphore(%arg19 : memref<!tpu.dma_semaphore, #tpu.memory_space<semaphore_mem>>)
    %dma_wait3A_104 = arith.constant 2 : i32
    %dma_wait3A_105 = arith.constant 0 : i32
    %dma_wait3A_106 = tpu.memref_slice %arg5[%dma_wait3A_104, %dma_wait3A_105] : memref<4x128xi32, #tpu.memory_space<vmem>> -> memref<1x128xi32, #tpu.memory_space<vmem>>
    %dma_wait3A_107 = tpu.memref_squeeze %dma_wait3A_106 : memref<1x128xi32, #tpu.memory_space<vmem>> -> memref<128xi32, #tpu.memory_space<vmem>>
    %dma_wait3A_108 = arith.constant 0 : i32
    %dma_wait3A_109 = tpu.memref_slice %arg2[%dma_wait3A_108] : memref<819200xi32, #tpu.memory_space<hbm>> -> memref<128xi32, #tpu.memory_space<hbm>>
    %dma_wait3A_110 = arith.constant 0 : i32
    %dma_wait3A_111 = tpu.memref_slice %arg5[%dma_wait3A_104, %dma_wait3A_110] : memref<4x128xi32, #tpu.memory_space<vmem>> -> memref<1x128xi32, #tpu.memory_space<vmem>>
    %dma_wait3A_112 = tpu.memref_squeeze %dma_wait3A_111 : memref<1x128xi32, #tpu.memory_space<vmem>> -> memref<128xi32, #tpu.memory_space<vmem>>
    %dma_wait3A_113 = arith.constant 0 : i32
    %dma_wait3A_114 = tpu.memref_slice %arg2[%dma_wait3A_113] : memref<819200xi32, #tpu.memory_space<hbm>> -> memref<128xi32, #tpu.memory_space<hbm>>
    tpu.wait_dma2 semaphore(%arg16 : memref<!tpu.dma_semaphore, #tpu.memory_space<semaphore_mem>>) src(%dma_wait3A_114 : memref<128xi32, #tpu.memory_space<hbm>>) dst(%dma_wait3A_112 : memref<128xi32, #tpu.memory_space<vmem>>)
    %dma_start3A_115 = arith.constant 2 : i32
    %dma_start3A_116 = arith.constant 0 : i32
    %dma_start3A_117 = tpu.memref_slice %arg5[%dma_start3A_115, %dma_start3A_116] : memref<4x128xi32, #tpu.memory_space<vmem>> -> memref<1x128xi32, #tpu.memory_space<vmem>>
    %dma_start3A_118 = tpu.memref_squeeze %dma_start3A_117 : memref<1x128xi32, #tpu.memory_space<vmem>> -> memref<128xi32, #tpu.memory_space<vmem>>
    %dma_start3A_119 = arith.constant 0 : i32
    %dma_start3A_120 = arith.constant 0 : i32
    %dma_start3A_121 = tpu.memref_slice %arg3[%dma_start3A_119, %dma_start3A_120] : memref<1000000x64xf32, #tpu.memory_space<hbm>> -> memref<1000000x64xf32, #tpu.memory_space<hbm>>
    tpu.enqueue_indirect_dma source(%dma_start3A_121 : memref<1000000x64xf32, #tpu.memory_space<hbm>>) target(%arg8 : memref<128x64xf32, #tpu.memory_space<vmem>>) offsets(%dma_start3A_118 : memref<128xi32, #tpu.memory_space<vmem>>) semaphore(%arg20 : memref<!tpu.dma_semaphore, #tpu.memory_space<semaphore_mem>>)
    %scan3A = arith.constant 0 : i32
    %scan3A_122 = arith.constant 50 : i32
    %scan3A_123 = arith.addi %scan3A, %scan3A_122 : i32
    %scan3A_124 = arith.constant 1 : i32
    scf.for %scan3A_670 = %scan3A to %scan3A_123 step %scan3A_124  : i32 {
      %mul3A_671 = arith.constant 4 : i32
      %mul3A_672 = arith.muli %scan3A_670, %mul3A_671 : i32
      %add3A_673 = arith.constant 0 : i32
      %add3A_674 = arith.addi %add3A_673, %mul3A_672 : i32
      %add3A_675 = arith.constant 0 : i32
      %add3A_676 = arith.addi %add3A_674, %add3A_675 : i32
      %dma_wait3A_677 = arith.constant 0 : i32
      %dma_wait3A_678 = arith.constant 0 : i32
      %dma_wait3A_679 = tpu.memref_slice %arg5[%dma_wait3A_677, %dma_wait3A_678] : memref<4x128xi32, #tpu.memory_space<vmem>> -> memref<1x128xi32, #tpu.memory_space<vmem>>
      %dma_wait3A_680 = tpu.memref_squeeze %dma_wait3A_679 : memref<1x128xi32, #tpu.memory_space<vmem>> -> memref<128xi32, #tpu.memory_space<vmem>>
      %dma_wait3A_681 = arith.constant 0 : i32
      %dma_wait3A_682 = arith.constant 0 : i32
      %dma_wait3A_683 = tpu.memref_slice %arg3[%dma_wait3A_681, %dma_wait3A_682] : memref<1000000x64xf32, #tpu.memory_space<hbm>> -> memref<1000000x64xf32, #tpu.memory_space<hbm>>
      tpu.wait_indirect_dma semaphore(%arg18 : memref<!tpu.dma_semaphore, #tpu.memory_space<semaphore_mem>>) src(%dma_wait3A_683 : memref<1000000x64xf32, #tpu.memory_space<hbm>>) dst(%arg6 : memref<128x64xf32, #tpu.memory_space<vmem>>)
      %add3A_684 = arith.constant 4 : i32
      %add3A_685 = arith.addi %add3A_676, %add3A_684 : i32
      %lt3A = arith.constant 200 : i32
      %lt3A_686 = arith.cmpi slt, %add3A_685, %lt3A : i32
      %convert_element_type3A = arith.extui %lt3A_686 : i1 to i32
      %cond3A = arith.constant 0 : i32
      %cond3A_687 = arith.cmpi ne, %convert_element_type3A, %cond3A : i32
      scf.if %cond3A_687 {
        %add3A_1437 = arith.addi %mul3A_2, %add3A_676 : i32
        %add3A_1438 = arith.constant 4 : i32
        %add3A_1439 = arith.addi %add3A_1437, %add3A_1438 : i32
        %mul3A_1440 = arith.constant 128 : i32
        %mul3A_1441 = arith.muli %add3A_1439, %mul3A_1440 : i32
        %dma_start3A_1442 = arith.constant 0 : i32
        %dma_start3A_1443 = arith.constant 0 : i32
        %dma_start3A_1444 = tpu.memref_slice %arg5[%dma_start3A_1442, %dma_start3A_1443] : memref<4x128xi32, #tpu.memory_space<vmem>> -> memref<1x128xi32, #tpu.memory_space<vmem>>
        %dma_start3A_1445 = tpu.memref_squeeze %dma_start3A_1444 : memref<1x128xi32, #tpu.memory_space<vmem>> -> memref<128xi32, #tpu.memory_space<vmem>>
        %dma_start3A_1446 = tpu.memref_slice %arg2[%mul3A_1441] : memref<819200xi32, #tpu.memory_space<hbm>> -> memref<128xi32, #tpu.memory_space<hbm>>
        %dma_start3A_1447 = arith.constant 0 : i32
        %dma_start3A_1448 = tpu.memref_slice %arg5[%dma_start3A_1442, %dma_start3A_1447] : memref<4x128xi32, #tpu.memory_space<vmem>> -> memref<1x128xi32, #tpu.memory_space<vmem>>
        %dma_start3A_1449 = tpu.memref_squeeze %dma_start3A_1448 : memref<1x128xi32, #tpu.memory_space<vmem>> -> memref<128xi32, #tpu.memory_space<vmem>>
        %dma_start3A_1450 = tpu.memref_slice %arg2[%mul3A_1441] : memref<819200xi32, #tpu.memory_space<hbm>> -> memref<128xi32, #tpu.memory_space<hbm>>
        tpu.enqueue_dma source(%dma_start3A_1450 : memref<128xi32, #tpu.memory_space<hbm>>) target(%dma_start3A_1449 : memref<128xi32, #tpu.memory_space<vmem>>) target_semaphore(%arg14 : memref<!tpu.dma_semaphore, #tpu.memory_space<semaphore_mem>>)
      } else {
      }
      %ge3A = arith.constant 4 : i32
      %ge3A_688 = arith.cmpi sge, %add3A_676, %ge3A : i32
      %convert_element_type3A_689 = arith.extui %ge3A_688 : i1 to i32
      %cond3A_690 = arith.constant 0 : i32
      %cond3A_691 = arith.cmpi ne, %convert_element_type3A_689, %cond3A_690 : i32
      scf.if %cond3A_691 {
        %dma_wait3A_1437 = arith.constant 0 : i32
        %dma_wait3A_1438 = arith.constant 0 : i32
        %dma_wait3A_1439 = arith.constant 0 : i32
        %dma_wait3A_1440 = arith.constant 0 : i32
        %dma_wait3A_1441 = arith.constant 0 : i32
        %dma_wait3A_1442 = tpu.memref_slice %arg10[%dma_wait3A_1440, %dma_wait3A_1441] : memref<64x129xf32, #tpu.memory_space<vmem>> -> memref<8x128xf32, #tpu.memory_space<vmem>>
        %dma_wait3A_1443 = arith.constant 0 : i32
        %dma_wait3A_1444 = arith.constant 0 : i32
        %dma_wait3A_1445 = tpu.memref_slice %arg4[%dma_wait3A_1437, %dma_wait3A_1438, %dma_wait3A_1439, %dma_wait3A_1443, %dma_wait3A_1444] : memref<200x8x32x8x128xf32, #tpu.memory_space<hbm>> -> memref<1x1x1x8x128xf32, #tpu.memory_space<hbm>>
        %dma_wait3A_1446 = tpu.memref_squeeze %dma_wait3A_1445 : memref<1x1x1x8x128xf32, #tpu.memory_space<hbm>> -> memref<8x128xf32, #tpu.memory_space<hbm>>
        %dma_wait3A_1447 = arith.constant 0 : i32
        %dma_wait3A_1448 = arith.constant 0 : i32
        %dma_wait3A_1449 = tpu.memref_slice %arg4[%dma_wait3A_1437, %dma_wait3A_1438, %dma_wait3A_1439, %dma_wait3A_1447, %dma_wait3A_1448] : memref<200x8x32x8x128xf32, #tpu.memory_space<hbm>> -> memref<1x1x1x8x128xf32, #tpu.memory_space<hbm>>
        %dma_wait3A_1450 = tpu.memref_squeeze %dma_wait3A_1449 : memref<1x1x1x8x128xf32, #tpu.memory_space<hbm>> -> memref<8x128xf32, #tpu.memory_space<hbm>>
        %dma_wait3A_1451 = arith.constant 0 : i32
        %dma_wait3A_1452 = arith.constant 0 : i32
        %dma_wait3A_1453 = tpu.memref_slice %arg10[%dma_wait3A_1451, %dma_wait3A_1452] : memref<64x129xf32, #tpu.memory_space<vmem>> -> memref<8x128xf32, #tpu.memory_space<vmem>>
        tpu.wait_dma2 semaphore(%arg22 : memref<!tpu.dma_semaphore, #tpu.memory_space<semaphore_mem>>) src(%dma_wait3A_1453 : memref<8x128xf32, #tpu.memory_space<vmem>>) dst(%dma_wait3A_1450 : memref<8x128xf32, #tpu.memory_space<hbm>>)
        %dma_wait3A_1454 = arith.constant 0 : i32
        %dma_wait3A_1455 = arith.constant 1 : i32
        %dma_wait3A_1456 = arith.constant 0 : i32
        %dma_wait3A_1457 = arith.constant 8 : i32
        %dma_wait3A_1458 = arith.constant 0 : i32
        %dma_wait3A_1459 = tpu.memref_slice %arg10[%dma_wait3A_1457, %dma_wait3A_1458] : memref<64x129xf32, #tpu.memory_space<vmem>> -> memref<8x128xf32, #tpu.memory_space<vmem>>
        %dma_wait3A_1460 = arith.constant 0 : i32
        %dma_wait3A_1461 = arith.constant 0 : i32
        %dma_wait3A_1462 = tpu.memref_slice %arg4[%dma_wait3A_1454, %dma_wait3A_1455, %dma_wait3A_1456, %dma_wait3A_1460, %dma_wait3A_1461] : memref<200x8x32x8x128xf32, #tpu.memory_space<hbm>> -> memref<1x1x1x8x128xf32, #tpu.memory_space<hbm>>
        %dma_wait3A_1463 = tpu.memref_squeeze %dma_wait3A_1462 : memref<1x1x1x8x128xf32, #tpu.memory_space<hbm>> -> memref<8x128xf32, #tpu.memory_space<hbm>>
        %dma_wait3A_1464 = arith.constant 0 : i32
        %dma_wait3A_1465 = arith.constant 0 : i32
        %dma_wait3A_1466 = tpu.memref_slice %arg4[%dma_wait3A_1454, %dma_wait3A_1455, %dma_wait3A_1456, %dma_wait3A_1464, %dma_wait3A_1465] : memref<200x8x32x8x128xf32, #tpu.memory_space<hbm>> -> memref<1x1x1x8x128xf32, #tpu.memory_space<hbm>>
        %dma_wait3A_1467 = tpu.memref_squeeze %dma_wait3A_1466 : memref<1x1x1x8x128xf32, #tpu.memory_space<hbm>> -> memref<8x128xf32, #tpu.memory_space<hbm>>
        %dma_wait3A_1468 = arith.constant 8 : i32
        %dma_wait3A_1469 = arith.constant 0 : i32
        %dma_wait3A_1470 = tpu.memref_slice %arg10[%dma_wait3A_1468, %dma_wait3A_1469] : memref<64x129xf32, #tpu.memory_space<vmem>> -> memref<8x128xf32, #tpu.memory_space<vmem>>
        tpu.wait_dma2 semaphore(%arg22 : memref<!tpu.dma_semaphore, #tpu.memory_space<semaphore_mem>>) src(%dma_wait3A_1470 : memref<8x128xf32, #tpu.memory_space<vmem>>) dst(%dma_wait3A_1467 : memref<8x128xf32, #tpu.memory_space<hbm>>)
        %dma_wait3A_1471 = arith.constant 0 : i32
        %dma_wait3A_1472 = arith.constant 2 : i32
        %dma_wait3A_1473 = arith.constant 0 : i32
        %dma_wait3A_1474 = arith.constant 16 : i32
        %dma_wait3A_1475 = arith.constant 0 : i32
        %dma_wait3A_1476 = tpu.memref_slice %arg10[%dma_wait3A_1474, %dma_wait3A_1475] : memref<64x129xf32, #tpu.memory_space<vmem>> -> memref<8x128xf32, #tpu.memory_space<vmem>>
        %dma_wait3A_1477 = arith.constant 0 : i32
        %dma_wait3A_1478 = arith.constant 0 : i32
        %dma_wait3A_1479 = tpu.memref_slice %arg4[%dma_wait3A_1471, %dma_wait3A_1472, %dma_wait3A_1473, %dma_wait3A_1477, %dma_wait3A_1478] : memref<200x8x32x8x128xf32, #tpu.memory_space<hbm>> -> memref<1x1x1x8x128xf32, #tpu.memory_space<hbm>>
        %dma_wait3A_1480 = tpu.memref_squeeze %dma_wait3A_1479 : memref<1x1x1x8x128xf32, #tpu.memory_space<hbm>> -> memref<8x128xf32, #tpu.memory_space<hbm>>
        %dma_wait3A_1481 = arith.constant 0 : i32
        %dma_wait3A_1482 = arith.constant 0 : i32
        %dma_wait3A_1483 = tpu.memref_slice %arg4[%dma_wait3A_1471, %dma_wait3A_1472, %dma_wait3A_1473, %dma_wait3A_1481, %dma_wait3A_1482] : memref<200x8x32x8x128xf32, #tpu.memory_space<hbm>> -> memref<1x1x1x8x128xf32, #tpu.memory_space<hbm>>
        %dma_wait3A_1484 = tpu.memref_squeeze %dma_wait3A_1483 : memref<1x1x1x8x128xf32, #tpu.memory_space<hbm>> -> memref<8x128xf32, #tpu.memory_space<hbm>>
        %dma_wait3A_1485 = arith.constant 16 : i32
        %dma_wait3A_1486 = arith.constant 0 : i32
        %dma_wait3A_1487 = tpu.memref_slice %arg10[%dma_wait3A_1485, %dma_wait3A_1486] : memref<64x129xf32, #tpu.memory_space<vmem>> -> memref<8x128xf32, #tpu.memory_space<vmem>>
        tpu.wait_dma2 semaphore(%arg22 : memref<!tpu.dma_semaphore, #tpu.memory_space<semaphore_mem>>) src(%dma_wait3A_1487 : memref<8x128xf32, #tpu.memory_space<vmem>>) dst(%dma_wait3A_1484 : memref<8x128xf32, #tpu.memory_space<hbm>>)
        %dma_wait3A_1488 = arith.constant 0 : i32
        %dma_wait3A_1489 = arith.constant 3 : i32
        %dma_wait3A_1490 = arith.constant 0 : i32
        %dma_wait3A_1491 = arith.constant 24 : i32
        %dma_wait3A_1492 = arith.constant 0 : i32
        %dma_wait3A_1493 = tpu.memref_slice %arg10[%dma_wait3A_1491, %dma_wait3A_1492] : memref<64x129xf32, #tpu.memory_space<vmem>> -> memref<8x128xf32, #tpu.memory_space<vmem>>
        %dma_wait3A_1494 = arith.constant 0 : i32
        %dma_wait3A_1495 = arith.constant 0 : i32
        %dma_wait3A_1496 = tpu.memref_slice %arg4[%dma_wait3A_1488, %dma_wait3A_1489, %dma_wait3A_1490, %dma_wait3A_1494, %dma_wait3A_1495] : memref<200x8x32x8x128xf32, #tpu.memory_space<hbm>> -> memref<1x1x1x8x128xf32, #tpu.memory_space<hbm>>
        %dma_wait3A_1497 = tpu.memref_squeeze %dma_wait3A_1496 : memref<1x1x1x8x128xf32, #tpu.memory_space<hbm>> -> memref<8x128xf32, #tpu.memory_space<hbm>>
        %dma_wait3A_1498 = arith.constant 0 : i32
        %dma_wait3A_1499 = arith.constant 0 : i32
        %dma_wait3A_1500 = tpu.memref_slice %arg4[%dma_wait3A_1488, %dma_wait3A_1489, %dma_wait3A_1490, %dma_wait3A_1498, %dma_wait3A_1499] : memref<200x8x32x8x128xf32, #tpu.memory_space<hbm>> -> memref<1x1x1x8x128xf32, #tpu.memory_space<hbm>>
        %dma_wait3A_1501 = tpu.memref_squeeze %dma_wait3A_1500 : memref<1x1x1x8x128xf32, #tpu.memory_space<hbm>> -> memref<8x128xf32, #tpu.memory_space<hbm>>
        %dma_wait3A_1502 = arith.constant 24 : i32
        %dma_wait3A_1503 = arith.constant 0 : i32
        %dma_wait3A_1504 = tpu.memref_slice %arg10[%dma_wait3A_1502, %dma_wait3A_1503] : memref<64x129xf32, #tpu.memory_space<vmem>> -> memref<8x128xf32, #tpu.memory_space<vmem>>
        tpu.wait_dma2 semaphore(%arg22 : memref<!tpu.dma_semaphore, #tpu.memory_space<semaphore_mem>>) src(%dma_wait3A_1504 : memref<8x128xf32, #tpu.memory_space<vmem>>) dst(%dma_wait3A_1501 : memref<8x128xf32, #tpu.memory_space<hbm>>)
        %dma_wait3A_1505 = arith.constant 0 : i32
        %dma_wait3A_1506 = arith.constant 4 : i32
        %dma_wait3A_1507 = arith.constant 0 : i32
        %dma_wait3A_1508 = arith.constant 32 : i32
        %dma_wait3A_1509 = arith.constant 0 : i32
        %dma_wait3A_1510 = tpu.memref_slice %arg10[%dma_wait3A_1508, %dma_wait3A_1509] : memref<64x129xf32, #tpu.memory_space<vmem>> -> memref<8x128xf32, #tpu.memory_space<vmem>>
        %dma_wait3A_1511 = arith.constant 0 : i32
        %dma_wait3A_1512 = arith.constant 0 : i32
        %dma_wait3A_1513 = tpu.memref_slice %arg4[%dma_wait3A_1505, %dma_wait3A_1506, %dma_wait3A_1507, %dma_wait3A_1511, %dma_wait3A_1512] : memref<200x8x32x8x128xf32, #tpu.memory_space<hbm>> -> memref<1x1x1x8x128xf32, #tpu.memory_space<hbm>>
        %dma_wait3A_1514 = tpu.memref_squeeze %dma_wait3A_1513 : memref<1x1x1x8x128xf32, #tpu.memory_space<hbm>> -> memref<8x128xf32, #tpu.memory_space<hbm>>
        %dma_wait3A_1515 = arith.constant 0 : i32
        %dma_wait3A_1516 = arith.constant 0 : i32
        %dma_wait3A_1517 = tpu.memref_slice %arg4[%dma_wait3A_1505, %dma_wait3A_1506, %dma_wait3A_1507, %dma_wait3A_1515, %dma_wait3A_1516] : memref<200x8x32x8x128xf32, #tpu.memory_space<hbm>> -> memref<1x1x1x8x128xf32, #tpu.memory_space<hbm>>
        %dma_wait3A_1518 = tpu.memref_squeeze %dma_wait3A_1517 : memref<1x1x1x8x128xf32, #tpu.memory_space<hbm>> -> memref<8x128xf32, #tpu.memory_space<hbm>>
        %dma_wait3A_1519 = arith.constant 32 : i32
        %dma_wait3A_1520 = arith.constant 0 : i32
        %dma_wait3A_1521 = tpu.memref_slice %arg10[%dma_wait3A_1519, %dma_wait3A_1520] : memref<64x129xf32, #tpu.memory_space<vmem>> -> memref<8x128xf32, #tpu.memory_space<vmem>>
        tpu.wait_dma2 semaphore(%arg22 : memref<!tpu.dma_semaphore, #tpu.memory_space<semaphore_mem>>) src(%dma_wait3A_1521 : memref<8x128xf32, #tpu.memory_space<vmem>>) dst(%dma_wait3A_1518 : memref<8x128xf32, #tpu.memory_space<hbm>>)
        %dma_wait3A_1522 = arith.constant 0 : i32
        %dma_wait3A_1523 = arith.constant 5 : i32
        %dma_wait3A_1524 = arith.constant 0 : i32
        %dma_wait3A_1525 = arith.constant 40 : i32
        %dma_wait3A_1526 = arith.constant 0 : i32
        %dma_wait3A_1527 = tpu.memref_slice %arg10[%dma_wait3A_1525, %dma_wait3A_1526] : memref<64x129xf32, #tpu.memory_space<vmem>> -> memref<8x128xf32, #tpu.memory_space<vmem>>
        %dma_wait3A_1528 = arith.constant 0 : i32
        %dma_wait3A_1529 = arith.constant 0 : i32
        %dma_wait3A_1530 = tpu.memref_slice %arg4[%dma_wait3A_1522, %dma_wait3A_1523, %dma_wait3A_1524, %dma_wait3A_1528, %dma_wait3A_1529] : memref<200x8x32x8x128xf32, #tpu.memory_space<hbm>> -> memref<1x1x1x8x128xf32, #tpu.memory_space<hbm>>
        %dma_wait3A_1531 = tpu.memref_squeeze %dma_wait3A_1530 : memref<1x1x1x8x128xf32, #tpu.memory_space<hbm>> -> memref<8x128xf32, #tpu.memory_space<hbm>>
        %dma_wait3A_1532 = arith.constant 0 : i32
        %dma_wait3A_1533 = arith.constant 0 : i32
        %dma_wait3A_1534 = tpu.memref_slice %arg4[%dma_wait3A_1522, %dma_wait3A_1523, %dma_wait3A_1524, %dma_wait3A_1532, %dma_wait3A_1533] : memref<200x8x32x8x128xf32, #tpu.memory_space<hbm>> -> memref<1x1x1x8x128xf32, #tpu.memory_space<hbm>>
        %dma_wait3A_1535 = tpu.memref_squeeze %dma_wait3A_1534 : memref<1x1x1x8x128xf32, #tpu.memory_space<hbm>> -> memref<8x128xf32, #tpu.memory_space<hbm>>
        %dma_wait3A_1536 = arith.constant 40 : i32
        %dma_wait3A_1537 = arith.constant 0 : i32
        %dma_wait3A_1538 = tpu.memref_slice %arg10[%dma_wait3A_1536, %dma_wait3A_1537] : memref<64x129xf32, #tpu.memory_space<vmem>> -> memref<8x128xf32, #tpu.memory_space<vmem>>
        tpu.wait_dma2 semaphore(%arg22 : memref<!tpu.dma_semaphore, #tpu.memory_space<semaphore_mem>>) src(%dma_wait3A_1538 : memref<8x128xf32, #tpu.memory_space<vmem>>) dst(%dma_wait3A_1535 : memref<8x128xf32, #tpu.memory_space<hbm>>)
        %dma_wait3A_1539 = arith.constant 0 : i32
        %dma_wait3A_1540 = arith.constant 6 : i32
        %dma_wait3A_1541 = arith.constant 0 : i32
        %dma_wait3A_1542 = arith.constant 48 : i32
        %dma_wait3A_1543 = arith.constant 0 : i32
        %dma_wait3A_1544 = tpu.memref_slice %arg10[%dma_wait3A_1542, %dma_wait3A_1543] : memref<64x129xf32, #tpu.memory_space<vmem>> -> memref<8x128xf32, #tpu.memory_space<vmem>>
        %dma_wait3A_1545 = arith.constant 0 : i32
        %dma_wait3A_1546 = arith.constant 0 : i32
        %dma_wait3A_1547 = tpu.memref_slice %arg4[%dma_wait3A_1539, %dma_wait3A_1540, %dma_wait3A_1541, %dma_wait3A_1545, %dma_wait3A_1546] : memref<200x8x32x8x128xf32, #tpu.memory_space<hbm>> -> memref<1x1x1x8x128xf32, #tpu.memory_space<hbm>>
        %dma_wait3A_1548 = tpu.memref_squeeze %dma_wait3A_1547 : memref<1x1x1x8x128xf32, #tpu.memory_space<hbm>> -> memref<8x128xf32, #tpu.memory_space<hbm>>
        %dma_wait3A_1549 = arith.constant 0 : i32
        %dma_wait3A_1550 = arith.constant 0 : i32
        %dma_wait3A_1551 = tpu.memref_slice %arg4[%dma_wait3A_1539, %dma_wait3A_1540, %dma_wait3A_1541, %dma_wait3A_1549, %dma_wait3A_1550] : memref<200x8x32x8x128xf32, #tpu.memory_space<hbm>> -> memref<1x1x1x8x128xf32, #tpu.memory_space<hbm>>
        %dma_wait3A_1552 = tpu.memref_squeeze %dma_wait3A_1551 : memref<1x1x1x8x128xf32, #tpu.memory_space<hbm>> -> memref<8x128xf32, #tpu.memory_space<hbm>>
        %dma_wait3A_1553 = arith.constant 48 : i32
        %dma_wait3A_1554 = arith.constant 0 : i32
        %dma_wait3A_1555 = tpu.memref_slice %arg10[%dma_wait3A_1553, %dma_wait3A_1554] : memref<64x129xf32, #tpu.memory_space<vmem>> -> memref<8x128xf32, #tpu.memory_space<vmem>>
        tpu.wait_dma2 semaphore(%arg22 : memref<!tpu.dma_semaphore, #tpu.memory_space<semaphore_mem>>) src(%dma_wait3A_1555 : memref<8x128xf32, #tpu.memory_space<vmem>>) dst(%dma_wait3A_1552 : memref<8x128xf32, #tpu.memory_space<hbm>>)
        %dma_wait3A_1556 = arith.constant 0 : i32
        %dma_wait3A_1557 = arith.constant 7 : i32
        %dma_wait3A_1558 = arith.constant 0 : i32
        %dma_wait3A_1559 = arith.constant 56 : i32
        %dma_wait3A_1560 = arith.constant 0 : i32
        %dma_wait3A_1561 = tpu.memref_slice %arg10[%dma_wait3A_1559, %dma_wait3A_1560] : memref<64x129xf32, #tpu.memory_space<vmem>> -> memref<8x128xf32, #tpu.memory_space<vmem>>
        %dma_wait3A_1562 = arith.constant 0 : i32
        %dma_wait3A_1563 = arith.constant 0 : i32
        %dma_wait3A_1564 = tpu.memref_slice %arg4[%dma_wait3A_1556, %dma_wait3A_1557, %dma_wait3A_1558, %dma_wait3A_1562, %dma_wait3A_1563] : memref<200x8x32x8x128xf32, #tpu.memory_space<hbm>> -> memref<1x1x1x8x128xf32, #tpu.memory_space<hbm>>
        %dma_wait3A_1565 = tpu.memref_squeeze %dma_wait3A_1564 : memref<1x1x1x8x128xf32, #tpu.memory_space<hbm>> -> memref<8x128xf32, #tpu.memory_space<hbm>>
        %dma_wait3A_1566 = arith.constant 0 : i32
        %dma_wait3A_1567 = arith.constant 0 : i32
        %dma_wait3A_1568 = tpu.memref_slice %arg4[%dma_wait3A_1556, %dma_wait3A_1557, %dma_wait3A_1558, %dma_wait3A_1566, %dma_wait3A_1567] : memref<200x8x32x8x128xf32, #tpu.memory_space<hbm>> -> memref<1x1x1x8x128xf32, #tpu.memory_space<hbm>>
        %dma_wait3A_1569 = tpu.memref_squeeze %dma_wait3A_1568 : memref<1x1x1x8x128xf32, #tpu.memory_space<hbm>> -> memref<8x128xf32, #tpu.memory_space<hbm>>
        %dma_wait3A_1570 = arith.constant 56 : i32
        %dma_wait3A_1571 = arith.constant 0 : i32
        %dma_wait3A_1572 = tpu.memref_slice %arg10[%dma_wait3A_1570, %dma_wait3A_1571] : memref<64x129xf32, #tpu.memory_space<vmem>> -> memref<8x128xf32, #tpu.memory_space<vmem>>
        tpu.wait_dma2 semaphore(%arg22 : memref<!tpu.dma_semaphore, #tpu.memory_space<semaphore_mem>>) src(%dma_wait3A_1572 : memref<8x128xf32, #tpu.memory_space<vmem>>) dst(%dma_wait3A_1569 : memref<8x128xf32, #tpu.memory_space<hbm>>)
      } else {
      }
      %parallel_loop3A = arith.constant 0 : i32
      %parallel_loop3A_692 = arith.constant 128 : i32
      %parallel_loop3A_693 = arith.constant 1 : i32
      scf.for %parallel_loop3A_1437 = %parallel_loop3A to %parallel_loop3A_692 step %parallel_loop3A_693  : i32 {
        %parallel_loop3A_1438 = vector.broadcast %parallel_loop3A_1437 : i32 to vector<16xi32>
        %parallel_loop3A_1439 = arith.index_cast %parallel_loop3A_1437 : i32 to index
        %parallel_loop3A_1440 = arith.constant 0 : index
        %parallel_loop3A_1441 = tpu.vector_load %arg6[%parallel_loop3A_1439, %parallel_loop3A_1440] {strides = array<i32>} : memref<128x64xf32, #tpu.memory_space<vmem>>, vector<16xf32>,
        %parallel_loop3A_1442 = arith.constant 8.000000e+00 : f32
        %parallel_loop3A_1443 = vector.broadcast %parallel_loop3A_1442 : f32 to vector<16xf32>
        %parallel_loop3A_1444 = arith.mulf %parallel_loop3A_1441, %parallel_loop3A_1443 : vector<16xf32>
        tpu.vector_store_idx %arg10[%add3A_5, %parallel_loop3A_1438], %parallel_loop3A_1444 : memref<64x129xf32, #tpu.memory_space<vmem>>[vector<16xi32>, vector<16xi32>], vector<16xf32>,
        %parallel_loop3A_1445 = arith.index_cast %parallel_loop3A_1437 : i32 to index
        %parallel_loop3A_1446 = arith.constant 16 : index
        %parallel_loop3A_1447 = tpu.vector_load %arg6[%parallel_loop3A_1445, %parallel_loop3A_1446] {strides = array<i32>} : memref<128x64xf32, #tpu.memory_space<vmem>>, vector<16xf32>,
        %parallel_loop3A_1448 = arith.constant 8.000000e+00 : f32
        %parallel_loop3A_1449 = vector.broadcast %parallel_loop3A_1448 : f32 to vector<16xf32>
        %parallel_loop3A_1450 = arith.mulf %parallel_loop3A_1447, %parallel_loop3A_1449 : vector<16xf32>
        tpu.vector_store_idx %arg10[%add3A_9, %parallel_loop3A_1438], %parallel_loop3A_1450 : memref<64x129xf32, #tpu.memory_space<vmem>>[vector<16xi32>, vector<16xi32>], vector<16xf32>,
        %parallel_loop3A_1451 = arith.index_cast %parallel_loop3A_1437 : i32 to index
        %parallel_loop3A_1452 = arith.constant 32 : index
        %parallel_loop3A_1453 = tpu.vector_load %arg6[%parallel_loop3A_1451, %parallel_loop3A_1452] {strides = array<i32>} : memref<128x64xf32, #tpu.memory_space<vmem>>, vector<16xf32>,
        %parallel_loop3A_1454 = arith.constant 8.000000e+00 : f32
        %parallel_loop3A_1455 = vector.broadcast %parallel_loop3A_1454 : f32 to vector<16xf32>
        %parallel_loop3A_1456 = arith.mulf %parallel_loop3A_1453, %parallel_loop3A_1455 : vector<16xf32>
        tpu.vector_store_idx %arg10[%add3A_13, %parallel_loop3A_1438], %parallel_loop3A_1456 : memref<64x129xf32, #tpu.memory_space<vmem>>[vector<16xi32>, vector<16xi32>], vector<16xf32>,
        %parallel_loop3A_1457 = arith.index_cast %parallel_loop3A_1437 : i32 to index
        %parallel_loop3A_1458 = arith.constant 48 : index
        %parallel_loop3A_1459 = tpu.vector_load %arg6[%parallel_loop3A_1457, %parallel_loop3A_1458] {strides = array<i32>} : memref<128x64xf32, #tpu.memory_space<vmem>>, vector<16xf32>,
        %parallel_loop3A_1460 = arith.constant 8.000000e+00 : f32
        %parallel_loop3A_1461 = vector.broadcast %parallel_loop3A_1460 : f32 to vector<16xf32>
        %parallel_loop3A_1462 = arith.mulf %parallel_loop3A_1459, %parallel_loop3A_1461 : vector<16xf32>
        tpu.vector_store_idx %arg10[%add3A_17, %parallel_loop3A_1438], %parallel_loop3A_1462 : memref<64x129xf32, #tpu.memory_space<vmem>>[vector<16xi32>, vector<16xi32>], vector<16xf32>,
      } {sc.loop_unroll_factor = 4 : i64, sc.parallel_access}
      %add3A_694 = arith.addi %mul3A_2, %add3A_676 : i32
      %jit3A = arith.constant 32 : i32
      %div3A = arith.divsi %add3A_694, %jit3A : i32
      %sign3A = arith.constant 0 : i32
      %sign3A_695 = arith.cmpi sgt, %add3A_694, %sign3A : i32
      %sign3A_696 = arith.extui %sign3A_695 : i1 to i32
      %sign3A_697 = arith.constant 0 : i32
      %sign3A_698 = arith.cmpi slt, %add3A_694, %sign3A_697 : i32
      %sign3A_699 = arith.extui %sign3A_698 : i1 to i32
      %sign3A_700 = arith.subi %sign3A_696, %sign3A_699 : i32
      %sign3A_701 = arith.constant 0 : i32
      %sign3A_702 = arith.cmpi sgt, %jit3A, %sign3A_701 : i32
      %sign3A_703 = arith.extui %sign3A_702 : i1 to i32
      %sign3A_704 = arith.constant 0 : i32
      %sign3A_705 = arith.cmpi slt, %jit3A, %sign3A_704 : i32
      %sign3A_706 = arith.extui %sign3A_705 : i1 to i32
      %sign3A_707 = arith.subi %sign3A_703, %sign3A_706 : i32
      %ne3A = arith.cmpi ne, %sign3A_700, %sign3A_707 : i32
      %rem3A = arith.remsi %add3A_694, %jit3A : i32
      %ne3A_708 = arith.constant 0 : i32
      %ne3A_709 = arith.cmpi ne, %rem3A, %ne3A_708 : i32
      %and3A = arith.andi %ne3A, %ne3A_709 : i1
      %sub3A = arith.constant 1 : i32
      %sub3A_710 = arith.subi %div3A, %sub3A : i32
      %select_n3A = arith.select %and3A, %sub3A_710, %div3A : i32
      %jit3A_711 = arith.constant 32 : i32
      %eq3A = arith.constant 0 : i32
      %eq3A_712 = arith.cmpi eq, %jit3A_711, %eq3A : i32
      %jit3A_713 = arith.constant 1 : i32
      %select_n3A_714 = arith.select %eq3A_712, %jit3A_713, %jit3A_711 : i32
      %rem3A_715 = arith.remsi %add3A_694, %select_n3A_714 : i32
      %ne3A_716 = arith.constant 0 : i32
      %ne3A_717 = arith.cmpi ne, %rem3A_715, %ne3A_716 : i32
      %lt3A_718 = arith.constant 0 : i32
      %lt3A_719 = arith.cmpi slt, %rem3A_715, %lt3A_718 : i32
      %lt3A_720 = arith.constant 0 : i32
      %lt3A_721 = arith.cmpi slt, %select_n3A_714, %lt3A_720 : i32
      %ne3A_722 = arith.xori %lt3A_719, %lt3A_721 : i1
      %and3A_723 = arith.andi %ne3A_722, %ne3A_717 : i1
      %add3A_724 = arith.addi %rem3A_715, %select_n3A_714 : i32
      %select_n3A_725 = arith.select %and3A_723, %add3A_724, %rem3A_715 : i32
      %dma_start3A_726 = arith.constant 0 : i32
      %dma_start3A_727 = arith.constant 0 : i32
      %dma_start3A_728 = arith.constant 0 : i32
      %dma_start3A_729 = tpu.memref_slice %arg10[%dma_start3A_727, %dma_start3A_728] : memref<64x129xf32, #tpu.memory_space<vmem>> -> memref<8x128xf32, #tpu.memory_space<vmem>>
      %dma_start3A_730 = arith.constant 0 : i32
      %dma_start3A_731 = arith.constant 0 : i32
      %dma_start3A_732 = tpu.memref_slice %arg4[%select_n3A, %dma_start3A_726, %select_n3A_725, %dma_start3A_730, %dma_start3A_731] : memref<200x8x32x8x128xf32, #tpu.memory_space<hbm>> -> memref<1x1x1x8x128xf32, #tpu.memory_space<hbm>>
      %dma_start3A_733 = tpu.memref_squeeze %dma_start3A_732 : memref<1x1x1x8x128xf32, #tpu.memory_space<hbm>> -> memref<8x128xf32, #tpu.memory_space<hbm>>
      %dma_start3A_734 = arith.constant 0 : i32
      %dma_start3A_735 = arith.constant 0 : i32
      %dma_start3A_736 = tpu.memref_slice %arg4[%select_n3A, %dma_start3A_726, %select_n3A_725, %dma_start3A_734, %dma_start3A_735] : memref<200x8x32x8x128xf32, #tpu.memory_space<hbm>> -> memref<1x1x1x8x128xf32, #tpu.memory_space<hbm>>
      %dma_start3A_737 = tpu.memref_squeeze %dma_start3A_736 : memref<1x1x1x8x128xf32, #tpu.memory_space<hbm>> -> memref<8x128xf32, #tpu.memory_space<hbm>>
      %dma_start3A_738 = arith.constant 0 : i32
      %dma_start3A_739 = arith.constant 0 : i32
      %dma_start3A_740 = tpu.memref_slice %arg10[%dma_start3A_738, %dma_start3A_739] : memref<64x129xf32, #tpu.memory_space<vmem>> -> memref<8x128xf32, #tpu.memory_space<vmem>>
      tpu.enqueue_dma source(%dma_start3A_740 : memref<8x128xf32, #tpu.memory_space<vmem>>) target(%dma_start3A_737 : memref<8x128xf32, #tpu.memory_space<hbm>>) target_semaphore(%arg22 : memref<!tpu.dma_semaphore, #tpu.memory_space<semaphore_mem>>)
      %dma_start3A_741 = arith.constant 1 : i32
      %dma_start3A_742 = arith.constant 8 : i32
      %dma_start3A_743 = arith.constant 0 : i32
      %dma_start3A_744 = tpu.memref_slice %arg10[%dma_start3A_742, %dma_start3A_743] : memref<64x129xf32, #tpu.memory_space<vmem>> -> memref<8x128xf32, #tpu.memory_space<vmem>>
      %dma_start3A_745 = arith.constant 0 : i32
      %dma_start3A_746 = arith.constant 0 : i32
      %dma_start3A_747 = tpu.memref_slice %arg4[%select_n3A, %dma_start3A_741, %select_n3A_725, %dma_start3A_745, %dma_start3A_746] : memref<200x8x32x8x128xf32, #tpu.memory_space<hbm>> -> memref<1x1x1x8x128xf32, #tpu.memory_space<hbm>>
      %dma_start3A_748 = tpu.memref_squeeze %dma_start3A_747 : memref<1x1x1x8x128xf32, #tpu.memory_space<hbm>> -> memref<8x128xf32, #tpu.memory_space<hbm>>
      %dma_start3A_749 = arith.constant 0 : i32
      %dma_start3A_750 = arith.constant 0 : i32
      %dma_start3A_751 = tpu.memref_slice %arg4[%select_n3A, %dma_start3A_741, %select_n3A_725, %dma_start3A_749, %dma_start3A_750] : memref<200x8x32x8x128xf32, #tpu.memory_space<hbm>> -> memref<1x1x1x8x128xf32, #tpu.memory_space<hbm>>
      %dma_start3A_752 = tpu.memref_squeeze %dma_start3A_751 : memref<1x1x1x8x128xf32, #tpu.memory_space<hbm>> -> memref<8x128xf32, #tpu.memory_space<hbm>>
      %dma_start3A_753 = arith.constant 8 : i32
      %dma_start3A_754 = arith.constant 0 : i32
      %dma_start3A_755 = tpu.memref_slice %arg10[%dma_start3A_753, %dma_start3A_754] : memref<64x129xf32, #tpu.memory_space<vmem>> -> memref<8x128xf32, #tpu.memory_space<vmem>>
      tpu.enqueue_dma source(%dma_start3A_755 : memref<8x128xf32, #tpu.memory_space<vmem>>) target(%dma_start3A_752 : memref<8x128xf32, #tpu.memory_space<hbm>>) target_semaphore(%arg22 : memref<!tpu.dma_semaphore, #tpu.memory_space<semaphore_mem>>)
      %dma_start3A_756 = arith.constant 2 : i32
      %dma_start3A_757 = arith.constant 16 : i32
      %dma_start3A_758 = arith.constant 0 : i32
      %dma_start3A_759 = tpu.memref_slice %arg10[%dma_start3A_757, %dma_start3A_758] : memref<64x129xf32, #tpu.memory_space<vmem>> -> memref<8x128xf32, #tpu.memory_space<vmem>>
      %dma_start3A_760 = arith.constant 0 : i32
      %dma_start3A_761 = arith.constant 0 : i32
      %dma_start3A_762 = tpu.memref_slice %arg4[%select_n3A, %dma_start3A_756, %select_n3A_725, %dma_start3A_760, %dma_start3A_761] : memref<200x8x32x8x128xf32, #tpu.memory_space<hbm>> -> memref<1x1x1x8x128xf32, #tpu.memory_space<hbm>>
      %dma_start3A_763 = tpu.memref_squeeze %dma_start3A_762 : memref<1x1x1x8x128xf32, #tpu.memory_space<hbm>> -> memref<8x128xf32, #tpu.memory_space<hbm>>
      %dma_start3A_764 = arith.constant 0 : i32
      %dma_start3A_765 = arith.constant 0 : i32
      %dma_start3A_766 = tpu.memref_slice %arg4[%select_n3A, %dma_start3A_756, %select_n3A_725, %dma_start3A_764, %dma_start3A_765] : memref<200x8x32x8x128xf32, #tpu.memory_space<hbm>> -> memref<1x1x1x8x128xf32, #tpu.memory_space<hbm>>
      %dma_start3A_767 = tpu.memref_squeeze %dma_start3A_766 : memref<1x1x1x8x128xf32, #tpu.memory_space<hbm>> -> memref<8x128xf32, #tpu.memory_space<hbm>>
      %dma_start3A_768 = arith.constant 16 : i32
      %dma_start3A_769 = arith.constant 0 : i32
      %dma_start3A_770 = tpu.memref_slice %arg10[%dma_start3A_768, %dma_start3A_769] : memref<64x129xf32, #tpu.memory_space<vmem>> -> memref<8x128xf32, #tpu.memory_space<vmem>>
      tpu.enqueue_dma source(%dma_start3A_770 : memref<8x128xf32, #tpu.memory_space<vmem>>) target(%dma_start3A_767 : memref<8x128xf32, #tpu.memory_space<hbm>>) target_semaphore(%arg22 : memref<!tpu.dma_semaphore, #tpu.memory_space<semaphore_mem>>)
      %dma_start3A_771 = arith.constant 3 : i32
      %dma_start3A_772 = arith.constant 24 : i32
      %dma_start3A_773 = arith.constant 0 : i32
      %dma_start3A_774 = tpu.memref_slice %arg10[%dma_start3A_772, %dma_start3A_773] : memref<64x129xf32, #tpu.memory_space<vmem>> -> memref<8x128xf32, #tpu.memory_space<vmem>>
      %dma_start3A_775 = arith.constant 0 : i32
      %dma_start3A_776 = arith.constant 0 : i32
      %dma_start3A_777 = tpu.memref_slice %arg4[%select_n3A, %dma_start3A_771, %select_n3A_725, %dma_start3A_775, %dma_start3A_776] : memref<200x8x32x8x128xf32, #tpu.memory_space<hbm>> -> memref<1x1x1x8x128xf32, #tpu.memory_space<hbm>>
      %dma_start3A_778 = tpu.memref_squeeze %dma_start3A_777 : memref<1x1x1x8x128xf32, #tpu.memory_space<hbm>> -> memref<8x128xf32, #tpu.memory_space<hbm>>
      %dma_start3A_779 = arith.constant 0 : i32
      %dma_start3A_780 = arith.constant 0 : i32
      %dma_start3A_781 = tpu.memref_slice %arg4[%select_n3A, %dma_start3A_771, %select_n3A_725, %dma_start3A_779, %dma_start3A_780] : memref<200x8x32x8x128xf32, #tpu.memory_space<hbm>> -> memref<1x1x1x8x128xf32, #tpu.memory_space<hbm>>
      %dma_start3A_782 = tpu.memref_squeeze %dma_start3A_781 : memref<1x1x1x8x128xf32, #tpu.memory_space<hbm>> -> memref<8x128xf32, #tpu.memory_space<hbm>>
      %dma_start3A_783 = arith.constant 24 : i32
      %dma_start3A_784 = arith.constant 0 : i32
      %dma_start3A_785 = tpu.memref_slice %arg10[%dma_start3A_783, %dma_start3A_784] : memref<64x129xf32, #tpu.memory_space<vmem>> -> memref<8x128xf32, #tpu.memory_space<vmem>>
      tpu.enqueue_dma source(%dma_start3A_785 : memref<8x128xf32, #tpu.memory_space<vmem>>) target(%dma_start3A_782 : memref<8x128xf32, #tpu.memory_space<hbm>>) target_semaphore(%arg22 : memref<!tpu.dma_semaphore, #tpu.memory_space<semaphore_mem>>)
      %dma_start3A_786 = arith.constant 4 : i32
      %dma_start3A_787 = arith.constant 32 : i32
      %dma_start3A_788 = arith.constant 0 : i32
      %dma_start3A_789 = tpu.memref_slice %arg10[%dma_start3A_787, %dma_start3A_788] : memref<64x129xf32, #tpu.memory_space<vmem>> -> memref<8x128xf32, #tpu.memory_space<vmem>>
      %dma_start3A_790 = arith.constant 0 : i32
      %dma_start3A_791 = arith.constant 0 : i32
      %dma_start3A_792 = tpu.memref_slice %arg4[%select_n3A, %dma_start3A_786, %select_n3A_725, %dma_start3A_790, %dma_start3A_791] : memref<200x8x32x8x128xf32, #tpu.memory_space<hbm>> -> memref<1x1x1x8x128xf32, #tpu.memory_space<hbm>>
      %dma_start3A_793 = tpu.memref_squeeze %dma_start3A_792 : memref<1x1x1x8x128xf32, #tpu.memory_space<hbm>> -> memref<8x128xf32, #tpu.memory_space<hbm>>
      %dma_start3A_794 = arith.constant 0 : i32
      %dma_start3A_795 = arith.constant 0 : i32
      %dma_start3A_796 = tpu.memref_slice %arg4[%select_n3A, %dma_start3A_786, %select_n3A_725, %dma_start3A_794, %dma_start3A_795] : memref<200x8x32x8x128xf32, #tpu.memory_space<hbm>> -> memref<1x1x1x8x128xf32, #tpu.memory_space<hbm>>
      %dma_start3A_797 = tpu.memref_squeeze %dma_start3A_796 : memref<1x1x1x8x128xf32, #tpu.memory_space<hbm>> -> memref<8x128xf32, #tpu.memory_space<hbm>>
      %dma_start3A_798 = arith.constant 32 : i32
      %dma_start3A_799 = arith.constant 0 : i32
      %dma_start3A_800 = tpu.memref_slice %arg10[%dma_start3A_798, %dma_start3A_799] : memref<64x129xf32, #tpu.memory_space<vmem>> -> memref<8x128xf32, #tpu.memory_space<vmem>>
      tpu.enqueue_dma source(%dma_start3A_800 : memref<8x128xf32, #tpu.memory_space<vmem>>) target(%dma_start3A_797 : memref<8x128xf32, #tpu.memory_space<hbm>>) target_semaphore(%arg22 : memref<!tpu.dma_semaphore, #tpu.memory_space<semaphore_mem>>)
      %dma_start3A_801 = arith.constant 5 : i32
      %dma_start3A_802 = arith.constant 40 : i32
      %dma_start3A_803 = arith.constant 0 : i32
      %dma_start3A_804 = tpu.memref_slice %arg10[%dma_start3A_802, %dma_start3A_803] : memref<64x129xf32, #tpu.memory_space<vmem>> -> memref<8x128xf32, #tpu.memory_space<vmem>>
      %dma_start3A_805 = arith.constant 0 : i32
      %dma_start3A_806 = arith.constant 0 : i32
      %dma_start3A_807 = tpu.memref_slice %arg4[%select_n3A, %dma_start3A_801, %select_n3A_725, %dma_start3A_805, %dma_start3A_806] : memref<200x8x32x8x128xf32, #tpu.memory_space<hbm>> -> memref<1x1x1x8x128xf32, #tpu.memory_space<hbm>>
      %dma_start3A_808 = tpu.memref_squeeze %dma_start3A_807 : memref<1x1x1x8x128xf32, #tpu.memory_space<hbm>> -> memref<8x128xf32, #tpu.memory_space<hbm>>
      %dma_start3A_809 = arith.constant 0 : i32
      %dma_start3A_810 = arith.constant 0 : i32
      %dma_start3A_811 = tpu.memref_slice %arg4[%select_n3A, %dma_start3A_801, %select_n3A_725, %dma_start3A_809, %dma_start3A_810] : memref<200x8x32x8x128xf32, #tpu.memory_space<hbm>> -> memref<1x1x1x8x128xf32, #tpu.memory_space<hbm>>
      %dma_start3A_812 = tpu.memref_squeeze %dma_start3A_811 : memref<1x1x1x8x128xf32, #tpu.memory_space<hbm>> -> memref<8x128xf32, #tpu.memory_space<hbm>>
      %dma_start3A_813 = arith.constant 40 : i32
      %dma_start3A_814 = arith.constant 0 : i32
      %dma_start3A_815 = tpu.memref_slice %arg10[%dma_start3A_813, %dma_start3A_814] : memref<64x129xf32, #tpu.memory_space<vmem>> -> memref<8x128xf32, #tpu.memory_space<vmem>>
      tpu.enqueue_dma source(%dma_start3A_815 : memref<8x128xf32, #tpu.memory_space<vmem>>) target(%dma_start3A_812 : memref<8x128xf32, #tpu.memory_space<hbm>>) target_semaphore(%arg22 : memref<!tpu.dma_semaphore, #tpu.memory_space<semaphore_mem>>)
      %dma_start3A_816 = arith.constant 6 : i32
      %dma_start3A_817 = arith.constant 48 : i32
      %dma_start3A_818 = arith.constant 0 : i32
      %dma_start3A_819 = tpu.memref_slice %arg10[%dma_start3A_817, %dma_start3A_818] : memref<64x129xf32, #tpu.memory_space<vmem>> -> memref<8x128xf32, #tpu.memory_space<vmem>>
      %dma_start3A_820 = arith.constant 0 : i32
      %dma_start3A_821 = arith.constant 0 : i32
      %dma_start3A_822 = tpu.memref_slice %arg4[%select_n3A, %dma_start3A_816, %select_n3A_725, %dma_start3A_820, %dma_start3A_821] : memref<200x8x32x8x128xf32, #tpu.memory_space<hbm>> -> memref<1x1x1x8x128xf32, #tpu.memory_space<hbm>>
      %dma_start3A_823 = tpu.memref_squeeze %dma_start3A_822 : memref<1x1x1x8x128xf32, #tpu.memory_space<hbm>> -> memref<8x128xf32, #tpu.memory_space<hbm>>
      %dma_start3A_824 = arith.constant 0 : i32
      %dma_start3A_825 = arith.constant 0 : i32
      %dma_start3A_826 = tpu.memref_slice %arg4[%select_n3A, %dma_start3A_816, %select_n3A_725, %dma_start3A_824, %dma_start3A_825] : memref<200x8x32x8x128xf32, #tpu.memory_space<hbm>> -> memref<1x1x1x8x128xf32, #tpu.memory_space<hbm>>
      %dma_start3A_827 = tpu.memref_squeeze %dma_start3A_826 : memref<1x1x1x8x128xf32, #tpu.memory_space<hbm>> -> memref<8x128xf32, #tpu.memory_space<hbm>>
      %dma_start3A_828 = arith.constant 48 : i32
      %dma_start3A_829 = arith.constant 0 : i32
      %dma_start3A_830 = tpu.memref_slice %arg10[%dma_start3A_828, %dma_start3A_829] : memref<64x129xf32, #tpu.memory_space<vmem>> -> memref<8x128xf32, #tpu.memory_space<vmem>>
      tpu.enqueue_dma source(%dma_start3A_830 : memref<8x128xf32, #tpu.memory_space<vmem>>) target(%dma_start3A_827 : memref<8x128xf32, #tpu.memory_space<hbm>>) target_semaphore(%arg22 : memref<!tpu.dma_semaphore, #tpu.memory_space<semaphore_mem>>)
      %dma_start3A_831 = arith.constant 7 : i32
      %dma_start3A_832 = arith.constant 56 : i32
      %dma_start3A_833 = arith.constant 0 : i32
      %dma_start3A_834 = tpu.memref_slice %arg10[%dma_start3A_832, %dma_start3A_833] : memref<64x129xf32, #tpu.memory_space<vmem>> -> memref<8x128xf32, #tpu.memory_space<vmem>>
      %dma_start3A_835 = arith.constant 0 : i32
      %dma_start3A_836 = arith.constant 0 : i32
      %dma_start3A_837 = tpu.memref_slice %arg4[%select_n3A, %dma_start3A_831, %select_n3A_725, %dma_start3A_835, %dma_start3A_836] : memref<200x8x32x8x128xf32, #tpu.memory_space<hbm>> -> memref<1x1x1x8x128xf32, #tpu.memory_space<hbm>>
      %dma_start3A_838 = tpu.memref_squeeze %dma_start3A_837 : memref<1x1x1x8x128xf32, #tpu.memory_space<hbm>> -> memref<8x128xf32, #tpu.memory_space<hbm>>
      %dma_start3A_839 = arith.constant 0 : i32
      %dma_start3A_840 = arith.constant 0 : i32
      %dma_start3A_841 = tpu.memref_slice %arg4[%select_n3A, %dma_start3A_831, %select_n3A_725, %dma_start3A_839, %dma_start3A_840] : memref<200x8x32x8x128xf32, #tpu.memory_space<hbm>> -> memref<1x1x1x8x128xf32, #tpu.memory_space<hbm>>
      %dma_start3A_842 = tpu.memref_squeeze %dma_start3A_841 : memref<1x1x1x8x128xf32, #tpu.memory_space<hbm>> -> memref<8x128xf32, #tpu.memory_space<hbm>>
      %dma_start3A_843 = arith.constant 56 : i32
      %dma_start3A_844 = arith.constant 0 : i32
      %dma_start3A_845 = tpu.memref_slice %arg10[%dma_start3A_843, %dma_start3A_844] : memref<64x129xf32, #tpu.memory_space<vmem>> -> memref<8x128xf32, #tpu.memory_space<vmem>>
      tpu.enqueue_dma source(%dma_start3A_845 : memref<8x128xf32, #tpu.memory_space<vmem>>) target(%dma_start3A_842 : memref<8x128xf32, #tpu.memory_space<hbm>>) target_semaphore(%arg22 : memref<!tpu.dma_semaphore, #tpu.memory_space<semaphore_mem>>)
      %add3A_846 = arith.constant 4 : i32
      %add3A_847 = arith.addi %add3A_676, %add3A_846 : i32
      %sub3A_848 = arith.constant 1 : i32
      %sub3A_849 = arith.subi %add3A_847, %sub3A_848 : i32
      %lt3A_850 = arith.constant 200 : i32
      %lt3A_851 = arith.cmpi slt, %sub3A_849, %lt3A_850 : i32
      %convert_element_type3A_852 = arith.extui %lt3A_851 : i1 to i32
      %cond3A_853 = arith.constant 0 : i32
      %cond3A_854 = arith.cmpi ne, %convert_element_type3A_852, %cond3A_853 : i32
      scf.if %cond3A_854 {
        %dma_wait3A_1437 = arith.constant 3 : i32
        %dma_wait3A_1438 = arith.constant 0 : i32
        %dma_wait3A_1439 = tpu.memref_slice %arg5[%dma_wait3A_1437, %dma_wait3A_1438] : memref<4x128xi32, #tpu.memory_space<vmem>> -> memref<1x128xi32, #tpu.memory_space<vmem>>
        %dma_wait3A_1440 = tpu.memref_squeeze %dma_wait3A_1439 : memref<1x128xi32, #tpu.memory_space<vmem>> -> memref<128xi32, #tpu.memory_space<vmem>>
        %dma_wait3A_1441 = arith.constant 0 : i32
        %dma_wait3A_1442 = tpu.memref_slice %arg2[%dma_wait3A_1441] : memref<819200xi32, #tpu.memory_space<hbm>> -> memref<128xi32, #tpu.memory_space<hbm>>
        %dma_wait3A_1443 = arith.constant 0 : i32
        %dma_wait3A_1444 = tpu.memref_slice %arg5[%dma_wait3A_1437, %dma_wait3A_1443] : memref<4x128xi32, #tpu.memory_space<vmem>> -> memref<1x128xi32, #tpu.memory_space<vmem>>
        %dma_wait3A_1445 = tpu.memref_squeeze %dma_wait3A_1444 : memref<1x128xi32, #tpu.memory_space<vmem>> -> memref<128xi32, #tpu.memory_space<vmem>>
        %dma_wait3A_1446 = arith.constant 0 : i32
        %dma_wait3A_1447 = tpu.memref_slice %arg2[%dma_wait3A_1446] : memref<819200xi32, #tpu.memory_space<hbm>> -> memref<128xi32, #tpu.memory_space<hbm>>
        tpu.wait_dma2 semaphore(%arg17 : memref<!tpu.dma_semaphore, #tpu.memory_space<semaphore_mem>>) src(%dma_wait3A_1447 : memref<128xi32, #tpu.memory_space<hbm>>) dst(%dma_wait3A_1445 : memref<128xi32, #tpu.memory_space<vmem>>)
        %dma_start3A_1448 = arith.constant 3 : i32
        %dma_start3A_1449 = arith.constant 0 : i32
        %dma_start3A_1450 = tpu.memref_slice %arg5[%dma_start3A_1448, %dma_start3A_1449] : memref<4x128xi32, #tpu.memory_space<vmem>> -> memref<1x128xi32, #tpu.memory_space<vmem>>
        %dma_start3A_1451 = tpu.memref_squeeze %dma_start3A_1450 : memref<1x128xi32, #tpu.memory_space<vmem>> -> memref<128xi32, #tpu.memory_space<vmem>>
        %dma_start3A_1452 = arith.constant 0 : i32
        %dma_start3A_1453 = arith.constant 0 : i32
        %dma_start3A_1454 = tpu.memref_slice %arg3[%dma_start3A_1452, %dma_start3A_1453] : memref<1000000x64xf32, #tpu.memory_space<hbm>> -> memref<1000000x64xf32, #tpu.memory_space<hbm>>
        tpu.enqueue_indirect_dma source(%dma_start3A_1454 : memref<1000000x64xf32, #tpu.memory_space<hbm>>) target(%arg9 : memref<128x64xf32, #tpu.memory_space<vmem>>) offsets(%dma_start3A_1451 : memref<128xi32, #tpu.memory_space<vmem>>) semaphore(%arg21 : memref<!tpu.dma_semaphore, #tpu.memory_space<semaphore_mem>>)
      } else {
      }
      %add3A_855 = arith.constant 1 : i32
      %add3A_856 = arith.addi %add3A_674, %add3A_855 : i32
      %dma_wait3A_857 = arith.constant 1 : i32
      %dma_wait3A_858 = arith.constant 0 : i32
      %dma_wait3A_859 = tpu.memref_slice %arg5[%dma_wait3A_857, %dma_wait3A_858] : memref<4x128xi32, #tpu.memory_space<vmem>> -> memref<1x128xi32, #tpu.memory_space<vmem>>
      %dma_wait3A_860 = tpu.memref_squeeze %dma_wait3A_859 : memref<1x128xi32, #tpu.memory_space<vmem>> -> memref<128xi32, #tpu.memory_space<vmem>>
      %dma_wait3A_861 = arith.constant 0 : i32
      %dma_wait3A_862 = arith.constant 0 : i32
      %dma_wait3A_863 = tpu.memref_slice %arg3[%dma_wait3A_861, %dma_wait3A_862] : memref<1000000x64xf32, #tpu.memory_space<hbm>> -> memref<1000000x64xf32, #tpu.memory_space<hbm>>
      tpu.wait_indirect_dma semaphore(%arg19 : memref<!tpu.dma_semaphore, #tpu.memory_space<semaphore_mem>>) src(%dma_wait3A_863 : memref<1000000x64xf32, #tpu.memory_space<hbm>>) dst(%arg7 : memref<128x64xf32, #tpu.memory_space<vmem>>)
      %add3A_864 = arith.constant 4 : i32
      %add3A_865 = arith.addi %add3A_856, %add3A_864 : i32
      %lt3A_866 = arith.constant 200 : i32
      %lt3A_867 = arith.cmpi slt, %add3A_865, %lt3A_866 : i32
      %convert_element_type3A_868 = arith.extui %lt3A_867 : i1 to i32
      %cond3A_869 = arith.constant 0 : i32
      %cond3A_870 = arith.cmpi ne, %convert_element_type3A_868, %cond3A_869 : i32
      scf.if %cond3A_870 {
        %add3A_1437 = arith.addi %mul3A_2, %add3A_856 : i32
        %add3A_1438 = arith.constant 4 : i32
        %add3A_1439 = arith.addi %add3A_1437, %add3A_1438 : i32
        %mul3A_1440 = arith.constant 128 : i32
        %mul3A_1441 = arith.muli %add3A_1439, %mul3A_1440 : i32
        %dma_start3A_1442 = arith.constant 1 : i32
        %dma_start3A_1443 = arith.constant 0 : i32
        %dma_start3A_1444 = tpu.memref_slice %arg5[%dma_start3A_1442, %dma_start3A_1443] : memref<4x128xi32, #tpu.memory_space<vmem>> -> memref<1x128xi32, #tpu.memory_space<vmem>>
        %dma_start3A_1445 = tpu.memref_squeeze %dma_start3A_1444 : memref<1x128xi32, #tpu.memory_space<vmem>> -> memref<128xi32, #tpu.memory_space<vmem>>
        %dma_start3A_1446 = tpu.memref_slice %arg2[%mul3A_1441] : memref<819200xi32, #tpu.memory_space<hbm>> -> memref<128xi32, #tpu.memory_space<hbm>>
        %dma_start3A_1447 = arith.constant 0 : i32
        %dma_start3A_1448 = tpu.memref_slice %arg5[%dma_start3A_1442, %dma_start3A_1447] : memref<4x128xi32, #tpu.memory_space<vmem>> -> memref<1x128xi32, #tpu.memory_space<vmem>>
        %dma_start3A_1449 = tpu.memref_squeeze %dma_start3A_1448 : memref<1x128xi32, #tpu.memory_space<vmem>> -> memref<128xi32, #tpu.memory_space<vmem>>
        %dma_start3A_1450 = tpu.memref_slice %arg2[%mul3A_1441] : memref<819200xi32, #tpu.memory_space<hbm>> -> memref<128xi32, #tpu.memory_space<hbm>>
        tpu.enqueue_dma source(%dma_start3A_1450 : memref<128xi32, #tpu.memory_space<hbm>>) target(%dma_start3A_1449 : memref<128xi32, #tpu.memory_space<vmem>>) target_semaphore(%arg15 : memref<!tpu.dma_semaphore, #tpu.memory_space<semaphore_mem>>)
      } else {
      }
      %ge3A_871 = arith.constant 4 : i32
      %ge3A_872 = arith.cmpi sge, %add3A_856, %ge3A_871 : i32
      %convert_element_type3A_873 = arith.extui %ge3A_872 : i1 to i32
      %cond3A_874 = arith.constant 0 : i32
      %cond3A_875 = arith.cmpi ne, %convert_element_type3A_873, %cond3A_874 : i32
      scf.if %cond3A_875 {
        %dma_wait3A_1437 = arith.constant 0 : i32
        %dma_wait3A_1438 = arith.constant 0 : i32
        %dma_wait3A_1439 = arith.constant 0 : i32
        %dma_wait3A_1440 = arith.constant 0 : i32
        %dma_wait3A_1441 = arith.constant 0 : i32
        %dma_wait3A_1442 = tpu.memref_slice %arg11[%dma_wait3A_1440, %dma_wait3A_1441] : memref<64x129xf32, #tpu.memory_space<vmem>> -> memref<8x128xf32, #tpu.memory_space<vmem>>
        %dma_wait3A_1443 = arith.constant 0 : i32
        %dma_wait3A_1444 = arith.constant 0 : i32
        %dma_wait3A_1445 = tpu.memref_slice %arg4[%dma_wait3A_1437, %dma_wait3A_1438, %dma_wait3A_1439, %dma_wait3A_1443, %dma_wait3A_1444] : memref<200x8x32x8x128xf32, #tpu.memory_space<hbm>> -> memref<1x1x1x8x128xf32, #tpu.memory_space<hbm>>
        %dma_wait3A_1446 = tpu.memref_squeeze %dma_wait3A_1445 : memref<1x1x1x8x128xf32, #tpu.memory_space<hbm>> -> memref<8x128xf32, #tpu.memory_space<hbm>>
        %dma_wait3A_1447 = arith.constant 0 : i32
        %dma_wait3A_1448 = arith.constant 0 : i32
        %dma_wait3A_1449 = tpu.memref_slice %arg4[%dma_wait3A_1437, %dma_wait3A_1438, %dma_wait3A_1439, %dma_wait3A_1447, %dma_wait3A_1448] : memref<200x8x32x8x128xf32, #tpu.memory_space<hbm>> -> memref<1x1x1x8x128xf32, #tpu.memory_space<hbm>>
        %dma_wait3A_1450 = tpu.memref_squeeze %dma_wait3A_1449 : memref<1x1x1x8x128xf32, #tpu.memory_space<hbm>> -> memref<8x128xf32, #tpu.memory_space<hbm>>
        %dma_wait3A_1451 = arith.constant 0 : i32
        %dma_wait3A_1452 = arith.constant 0 : i32
        %dma_wait3A_1453 = tpu.memref_slice %arg11[%dma_wait3A_1451, %dma_wait3A_1452] : memref<64x129xf32, #tpu.memory_space<vmem>> -> memref<8x128xf32, #tpu.memory_space<vmem>>
        tpu.wait_dma2 semaphore(%arg23 : memref<!tpu.dma_semaphore, #tpu.memory_space<semaphore_mem>>) src(%dma_wait3A_1453 : memref<8x128xf32, #tpu.memory_space<vmem>>) dst(%dma_wait3A_1450 : memref<8x128xf32, #tpu.memory_space<hbm>>)
        %dma_wait3A_1454 = arith.constant 0 : i32
        %dma_wait3A_1455 = arith.constant 1 : i32
        %dma_wait3A_1456 = arith.constant 0 : i32
        %dma_wait3A_1457 = arith.constant 8 : i32
        %dma_wait3A_1458 = arith.constant 0 : i32
        %dma_wait3A_1459 = tpu.memref_slice %arg11[%dma_wait3A_1457, %dma_wait3A_1458] : memref<64x129xf32, #tpu.memory_space<vmem>> -> memref<8x128xf32, #tpu.memory_space<vmem>>
        %dma_wait3A_1460 = arith.constant 0 : i32
        %dma_wait3A_1461 = arith.constant 0 : i32
        %dma_wait3A_1462 = tpu.memref_slice %arg4[%dma_wait3A_1454, %dma_wait3A_1455, %dma_wait3A_1456, %dma_wait3A_1460, %dma_wait3A_1461] : memref<200x8x32x8x128xf32, #tpu.memory_space<hbm>> -> memref<1x1x1x8x128xf32, #tpu.memory_space<hbm>>
        %dma_wait3A_1463 = tpu.memref_squeeze %dma_wait3A_1462 : memref<1x1x1x8x128xf32, #tpu.memory_space<hbm>> -> memref<8x128xf32, #tpu.memory_space<hbm>>
        %dma_wait3A_1464 = arith.constant 0 : i32
        %dma_wait3A_1465 = arith.constant 0 : i32
        %dma_wait3A_1466 = tpu.memref_slice %arg4[%dma_wait3A_1454, %dma_wait3A_1455, %dma_wait3A_1456, %dma_wait3A_1464, %dma_wait3A_1465] : memref<200x8x32x8x128xf32, #tpu.memory_space<hbm>> -> memref<1x1x1x8x128xf32, #tpu.memory_space<hbm>>
        %dma_wait3A_1467 = tpu.memref_squeeze %dma_wait3A_1466 : memref<1x1x1x8x128xf32, #tpu.memory_space<hbm>> -> memref<8x128xf32, #tpu.memory_space<hbm>>
        %dma_wait3A_1468 = arith.constant 8 : i32
        %dma_wait3A_1469 = arith.constant 0 : i32
        %dma_wait3A_1470 = tpu.memref_slice %arg11[%dma_wait3A_1468, %dma_wait3A_1469] : memref<64x129xf32, #tpu.memory_space<vmem>> -> memref<8x128xf32, #tpu.memory_space<vmem>>
        tpu.wait_dma2 semaphore(%arg23 : memref<!tpu.dma_semaphore, #tpu.memory_space<semaphore_mem>>) src(%dma_wait3A_1470 : memref<8x128xf32, #tpu.memory_space<vmem>>) dst(%dma_wait3A_1467 : memref<8x128xf32, #tpu.memory_space<hbm>>)
        %dma_wait3A_1471 = arith.constant 0 : i32
        %dma_wait3A_1472 = arith.constant 2 : i32
        %dma_wait3A_1473 = arith.constant 0 : i32
        %dma_wait3A_1474 = arith.constant 16 : i32
        %dma_wait3A_1475 = arith.constant 0 : i32
        %dma_wait3A_1476 = tpu.memref_slice %arg11[%dma_wait3A_1474, %dma_wait3A_1475] : memref<64x129xf32, #tpu.memory_space<vmem>> -> memref<8x128xf32, #tpu.memory_space<vmem>>
        %dma_wait3A_1477 = arith.constant 0 : i32
        %dma_wait3A_1478 = arith.constant 0 : i32
        %dma_wait3A_1479 = tpu.memref_slice %arg4[%dma_wait3A_1471, %dma_wait3A_1472, %dma_wait3A_1473, %dma_wait3A_1477, %dma_wait3A_1478] : memref<200x8x32x8x128xf32, #tpu.memory_space<hbm>> -> memref<1x1x1x8x128xf32, #tpu.memory_space<hbm>>
        %dma_wait3A_1480 = tpu.memref_squeeze %dma_wait3A_1479 : memref<1x1x1x8x128xf32, #tpu.memory_space<hbm>> -> memref<8x128xf32, #tpu.memory_space<hbm>>
        %dma_wait3A_1481 = arith.constant 0 : i32
        %dma_wait3A_1482 = arith.constant 0 : i32
        %dma_wait3A_1483 = tpu.memref_slice %arg4[%dma_wait3A_1471, %dma_wait3A_1472, %dma_wait3A_1473, %dma_wait3A_1481, %dma_wait3A_1482] : memref<200x8x32x8x128xf32, #tpu.memory_space<hbm>> -> memref<1x1x1x8x128xf32, #tpu.memory_space<hbm>>
        %dma_wait3A_1484 = tpu.memref_squeeze %dma_wait3A_1483 : memref<1x1x1x8x128xf32, #tpu.memory_space<hbm>> -> memref<8x128xf32, #tpu.memory_space<hbm>>
        %dma_wait3A_1485 = arith.constant 16 : i32
        %dma_wait3A_1486 = arith.constant 0 : i32
        %dma_wait3A_1487 = tpu.memref_slice %arg11[%dma_wait3A_1485, %dma_wait3A_1486] : memref<64x129xf32, #tpu.memory_space<vmem>> -> memref<8x128xf32, #tpu.memory_space<vmem>>
        tpu.wait_dma2 semaphore(%arg23 : memref<!tpu.dma_semaphore, #tpu.memory_space<semaphore_mem>>) src(%dma_wait3A_1487 : memref<8x128xf32, #tpu.memory_space<vmem>>) dst(%dma_wait3A_1484 : memref<8x128xf32, #tpu.memory_space<hbm>>)
        %dma_wait3A_1488 = arith.constant 0 : i32
        %dma_wait3A_1489 = arith.constant 3 : i32
        %dma_wait3A_1490 = arith.constant 0 : i32
        %dma_wait3A_1491 = arith.constant 24 : i32
        %dma_wait3A_1492 = arith.constant 0 : i32
        %dma_wait3A_1493 = tpu.memref_slice %arg11[%dma_wait3A_1491, %dma_wait3A_1492] : memref<64x129xf32, #tpu.memory_space<vmem>> -> memref<8x128xf32, #tpu.memory_space<vmem>>
        %dma_wait3A_1494 = arith.constant 0 : i32
        %dma_wait3A_1495 = arith.constant 0 : i32
        %dma_wait3A_1496 = tpu.memref_slice %arg4[%dma_wait3A_1488, %dma_wait3A_1489, %dma_wait3A_1490, %dma_wait3A_1494, %dma_wait3A_1495] : memref<200x8x32x8x128xf32, #tpu.memory_space<hbm>> -> memref<1x1x1x8x128xf32, #tpu.memory_space<hbm>>
        %dma_wait3A_1497 = tpu.memref_squeeze %dma_wait3A_1496 : memref<1x1x1x8x128xf32, #tpu.memory_space<hbm>> -> memref<8x128xf32, #tpu.memory_space<hbm>>
        %dma_wait3A_1498 = arith.constant 0 : i32
        %dma_wait3A_1499 = arith.constant 0 : i32
        %dma_wait3A_1500 = tpu.memref_slice %arg4[%dma_wait3A_1488, %dma_wait3A_1489, %dma_wait3A_1490, %dma_wait3A_1498, %dma_wait3A_1499] : memref<200x8x32x8x128xf32, #tpu.memory_space<hbm>> -> memref<1x1x1x8x128xf32, #tpu.memory_space<hbm>>
        %dma_wait3A_1501 = tpu.memref_squeeze %dma_wait3A_1500 : memref<1x1x1x8x128xf32, #tpu.memory_space<hbm>> -> memref<8x128xf32, #tpu.memory_space<hbm>>
        %dma_wait3A_1502 = arith.constant 24 : i32
        %dma_wait3A_1503 = arith.constant 0 : i32
        %dma_wait3A_1504 = tpu.memref_slice %arg11[%dma_wait3A_1502, %dma_wait3A_1503] : memref<64x129xf32, #tpu.memory_space<vmem>> -> memref<8x128xf32, #tpu.memory_space<vmem>>
        tpu.wait_dma2 semaphore(%arg23 : memref<!tpu.dma_semaphore, #tpu.memory_space<semaphore_mem>>) src(%dma_wait3A_1504 : memref<8x128xf32, #tpu.memory_space<vmem>>) dst(%dma_wait3A_1501 : memref<8x128xf32, #tpu.memory_space<hbm>>)
        %dma_wait3A_1505 = arith.constant 0 : i32
        %dma_wait3A_1506 = arith.constant 4 : i32
        %dma_wait3A_1507 = arith.constant 0 : i32
        %dma_wait3A_1508 = arith.constant 32 : i32
        %dma_wait3A_1509 = arith.constant 0 : i32
        %dma_wait3A_1510 = tpu.memref_slice %arg11[%dma_wait3A_1508, %dma_wait3A_1509] : memref<64x129xf32, #tpu.memory_space<vmem>> -> memref<8x128xf32, #tpu.memory_space<vmem>>
        %dma_wait3A_1511 = arith.constant 0 : i32
        %dma_wait3A_1512 = arith.constant 0 : i32
        %dma_wait3A_1513 = tpu.memref_slice %arg4[%dma_wait3A_1505, %dma_wait3A_1506, %dma_wait3A_1507, %dma_wait3A_1511, %dma_wait3A_1512] : memref<200x8x32x8x128xf32, #tpu.memory_space<hbm>> -> memref<1x1x1x8x128xf32, #tpu.memory_space<hbm>>
        %dma_wait3A_1514 = tpu.memref_squeeze %dma_wait3A_1513 : memref<1x1x1x8x128xf32, #tpu.memory_space<hbm>> -> memref<8x128xf32, #tpu.memory_space<hbm>>
        %dma_wait3A_1515 = arith.constant 0 : i32
        %dma_wait3A_1516 = arith.constant 0 : i32
        %dma_wait3A_1517 = tpu.memref_slice %arg4[%dma_wait3A_1505, %dma_wait3A_1506, %dma_wait3A_1507, %dma_wait3A_1515, %dma_wait3A_1516] : memref<200x8x32x8x128xf32, #tpu.memory_space<hbm>> -> memref<1x1x1x8x128xf32, #tpu.memory_space<hbm>>
        %dma_wait3A_1518 = tpu.memref_squeeze %dma_wait3A_1517 : memref<1x1x1x8x128xf32, #tpu.memory_space<hbm>> -> memref<8x128xf32, #tpu.memory_space<hbm>>
        %dma_wait3A_1519 = arith.constant 32 : i32
        %dma_wait3A_1520 = arith.constant 0 : i32
        %dma_wait3A_1521 = tpu.memref_slice %arg11[%dma_wait3A_1519, %dma_wait3A_1520] : memref<64x129xf32, #tpu.memory_space<vmem>> -> memref<8x128xf32, #tpu.memory_space<vmem>>
        tpu.wait_dma2 semaphore(%arg23 : memref<!tpu.dma_semaphore, #tpu.memory_space<semaphore_mem>>) src(%dma_wait3A_1521 : memref<8x128xf32, #tpu.memory_space<vmem>>) dst(%dma_wait3A_1518 : memref<8x128xf32, #tpu.memory_space<hbm>>)
        %dma_wait3A_1522 = arith.constant 0 : i32
        %dma_wait3A_1523 = arith.constant 5 : i32
        %dma_wait3A_1524 = arith.constant 0 : i32
        %dma_wait3A_1525 = arith.constant 40 : i32
        %dma_wait3A_1526 = arith.constant 0 : i32
        %dma_wait3A_1527 = tpu.memref_slice %arg11[%dma_wait3A_1525, %dma_wait3A_1526] : memref<64x129xf32, #tpu.memory_space<vmem>> -> memref<8x128xf32, #tpu.memory_space<vmem>>
        %dma_wait3A_1528 = arith.constant 0 : i32
        %dma_wait3A_1529 = arith.constant 0 : i32
        %dma_wait3A_1530 = tpu.memref_slice %arg4[%dma_wait3A_1522, %dma_wait3A_1523, %dma_wait3A_1524, %dma_wait3A_1528, %dma_wait3A_1529] : memref<200x8x32x8x128xf32, #tpu.memory_space<hbm>> -> memref<1x1x1x8x128xf32, #tpu.memory_space<hbm>>
        %dma_wait3A_1531 = tpu.memref_squeeze %dma_wait3A_1530 : memref<1x1x1x8x128xf32, #tpu.memory_space<hbm>> -> memref<8x128xf32, #tpu.memory_space<hbm>>
        %dma_wait3A_1532 = arith.constant 0 : i32
        %dma_wait3A_1533 = arith.constant 0 : i32
        %dma_wait3A_1534 = tpu.memref_slice %arg4[%dma_wait3A_1522, %dma_wait3A_1523, %dma_wait3A_1524, %dma_wait3A_1532, %dma_wait3A_1533] : memref<200x8x32x8x128xf32, #tpu.memory_space<hbm>> -> memref<1x1x1x8x128xf32, #tpu.memory_space<hbm>>
        %dma_wait3A_1535 = tpu.memref_squeeze %dma_wait3A_1534 : memref<1x1x1x8x128xf32, #tpu.memory_space<hbm>> -> memref<8x128xf32, #tpu.memory_space<hbm>>
        %dma_wait3A_1536 = arith.constant 40 : i32
        %dma_wait3A_1537 = arith.constant 0 : i32
        %dma_wait3A_1538 = tpu.memref_slice %arg11[%dma_wait3A_1536, %dma_wait3A_1537] : memref<64x129xf32, #tpu.memory_space<vmem>> -> memref<8x128xf32, #tpu.memory_space<vmem>>
        tpu.wait_dma2 semaphore(%arg23 : memref<!tpu.dma_semaphore, #tpu.memory_space<semaphore_mem>>) src(%dma_wait3A_1538 : memref<8x128xf32, #tpu.memory_space<vmem>>) dst(%dma_wait3A_1535 : memref<8x128xf32, #tpu.memory_space<hbm>>)
        %dma_wait3A_1539 = arith.constant 0 : i32
        %dma_wait3A_1540 = arith.constant 6 : i32
        %dma_wait3A_1541 = arith.constant 0 : i32
        %dma_wait3A_1542 = arith.constant 48 : i32
        %dma_wait3A_1543 = arith.constant 0 : i32
        %dma_wait3A_1544 = tpu.memref_slice %arg11[%dma_wait3A_1542, %dma_wait3A_1543] : memref<64x129xf32, #tpu.memory_space<vmem>> -> memref<8x128xf32, #tpu.memory_space<vmem>>
        %dma_wait3A_1545 = arith.constant 0 : i32
        %dma_wait3A_1546 = arith.constant 0 : i32
        %dma_wait3A_1547 = tpu.memref_slice %arg4[%dma_wait3A_1539, %dma_wait3A_1540, %dma_wait3A_1541, %dma_wait3A_1545, %dma_wait3A_1546] : memref<200x8x32x8x128xf32, #tpu.memory_space<hbm>> -> memref<1x1x1x8x128xf32, #tpu.memory_space<hbm>>
        %dma_wait3A_1548 = tpu.memref_squeeze %dma_wait3A_1547 : memref<1x1x1x8x128xf32, #tpu.memory_space<hbm>> -> memref<8x128xf32, #tpu.memory_space<hbm>>
        %dma_wait3A_1549 = arith.constant 0 : i32
        %dma_wait3A_1550 = arith.constant 0 : i32
        %dma_wait3A_1551 = tpu.memref_slice %arg4[%dma_wait3A_1539, %dma_wait3A_1540, %dma_wait3A_1541, %dma_wait3A_1549, %dma_wait3A_1550] : memref<200x8x32x8x128xf32, #tpu.memory_space<hbm>> -> memref<1x1x1x8x128xf32, #tpu.memory_space<hbm>>
        %dma_wait3A_1552 = tpu.memref_squeeze %dma_wait3A_1551 : memref<1x1x1x8x128xf32, #tpu.memory_space<hbm>> -> memref<8x128xf32, #tpu.memory_space<hbm>>
        %dma_wait3A_1553 = arith.constant 48 : i32
        %dma_wait3A_1554 = arith.constant 0 : i32
        %dma_wait3A_1555 = tpu.memref_slice %arg11[%dma_wait3A_1553, %dma_wait3A_1554] : memref<64x129xf32, #tpu.memory_space<vmem>> -> memref<8x128xf32, #tpu.memory_space<vmem>>
        tpu.wait_dma2 semaphore(%arg23 : memref<!tpu.dma_semaphore, #tpu.memory_space<semaphore_mem>>) src(%dma_wait3A_1555 : memref<8x128xf32, #tpu.memory_space<vmem>>) dst(%dma_wait3A_1552 : memref<8x128xf32, #tpu.memory_space<hbm>>)
        %dma_wait3A_1556 = arith.constant 0 : i32
        %dma_wait3A_1557 = arith.constant 7 : i32
        %dma_wait3A_1558 = arith.constant 0 : i32
        %dma_wait3A_1559 = arith.constant 56 : i32
        %dma_wait3A_1560 = arith.constant 0 : i32
        %dma_wait3A_1561 = tpu.memref_slice %arg11[%dma_wait3A_1559, %dma_wait3A_1560] : memref<64x129xf32, #tpu.memory_space<vmem>> -> memref<8x128xf32, #tpu.memory_space<vmem>>
        %dma_wait3A_1562 = arith.constant 0 : i32
        %dma_wait3A_1563 = arith.constant 0 : i32
        %dma_wait3A_1564 = tpu.memref_slice %arg4[%dma_wait3A_1556, %dma_wait3A_1557, %dma_wait3A_1558, %dma_wait3A_1562, %dma_wait3A_1563] : memref<200x8x32x8x128xf32, #tpu.memory_space<hbm>> -> memref<1x1x1x8x128xf32, #tpu.memory_space<hbm>>
        %dma_wait3A_1565 = tpu.memref_squeeze %dma_wait3A_1564 : memref<1x1x1x8x128xf32, #tpu.memory_space<hbm>> -> memref<8x128xf32, #tpu.memory_space<hbm>>
        %dma_wait3A_1566 = arith.constant 0 : i32
        %dma_wait3A_1567 = arith.constant 0 : i32
        %dma_wait3A_1568 = tpu.memref_slice %arg4[%dma_wait3A_1556, %dma_wait3A_1557, %dma_wait3A_1558, %dma_wait3A_1566, %dma_wait3A_1567] : memref<200x8x32x8x128xf32, #tpu.memory_space<hbm>> -> memref<1x1x1x8x128xf32, #tpu.memory_space<hbm>>
        %dma_wait3A_1569 = tpu.memref_squeeze %dma_wait3A_1568 : memref<1x1x1x8x128xf32, #tpu.memory_space<hbm>> -> memref<8x128xf32, #tpu.memory_space<hbm>>
        %dma_wait3A_1570 = arith.constant 56 : i32
        %dma_wait3A_1571 = arith.constant 0 : i32
        %dma_wait3A_1572 = tpu.memref_slice %arg11[%dma_wait3A_1570, %dma_wait3A_1571] : memref<64x129xf32, #tpu.memory_space<vmem>> -> memref<8x128xf32, #tpu.memory_space<vmem>>
        tpu.wait_dma2 semaphore(%arg23 : memref<!tpu.dma_semaphore, #tpu.memory_space<semaphore_mem>>) src(%dma_wait3A_1572 : memref<8x128xf32, #tpu.memory_space<vmem>>) dst(%dma_wait3A_1569 : memref<8x128xf32, #tpu.memory_space<hbm>>)
      } else {
      }
      %parallel_loop3A_876 = arith.constant 0 : i32
      %parallel_loop3A_877 = arith.constant 128 : i32
      %parallel_loop3A_878 = arith.constant 1 : i32
      scf.for %parallel_loop3A_1437 = %parallel_loop3A_876 to %parallel_loop3A_877 step %parallel_loop3A_878  : i32 {
        %parallel_loop3A_1438 = vector.broadcast %parallel_loop3A_1437 : i32 to vector<16xi32>
        %parallel_loop3A_1439 = arith.index_cast %parallel_loop3A_1437 : i32 to index
        %parallel_loop3A_1440 = arith.constant 0 : index
        %parallel_loop3A_1441 = tpu.vector_load %arg7[%parallel_loop3A_1439, %parallel_loop3A_1440] {strides = array<i32>} : memref<128x64xf32, #tpu.memory_space<vmem>>, vector<16xf32>,
        %parallel_loop3A_1442 = arith.constant 8.000000e+00 : f32
        %parallel_loop3A_1443 = vector.broadcast %parallel_loop3A_1442 : f32 to vector<16xf32>
        %parallel_loop3A_1444 = arith.mulf %parallel_loop3A_1441, %parallel_loop3A_1443 : vector<16xf32>
        tpu.vector_store_idx %arg11[%add3A_5, %parallel_loop3A_1438], %parallel_loop3A_1444 : memref<64x129xf32, #tpu.memory_space<vmem>>[vector<16xi32>, vector<16xi32>], vector<16xf32>,
        %parallel_loop3A_1445 = arith.index_cast %parallel_loop3A_1437 : i32 to index
        %parallel_loop3A_1446 = arith.constant 16 : index
        %parallel_loop3A_1447 = tpu.vector_load %arg7[%parallel_loop3A_1445, %parallel_loop3A_1446] {strides = array<i32>} : memref<128x64xf32, #tpu.memory_space<vmem>>, vector<16xf32>,
        %parallel_loop3A_1448 = arith.constant 8.000000e+00 : f32
        %parallel_loop3A_1449 = vector.broadcast %parallel_loop3A_1448 : f32 to vector<16xf32>
        %parallel_loop3A_1450 = arith.mulf %parallel_loop3A_1447, %parallel_loop3A_1449 : vector<16xf32>
        tpu.vector_store_idx %arg11[%add3A_9, %parallel_loop3A_1438], %parallel_loop3A_1450 : memref<64x129xf32, #tpu.memory_space<vmem>>[vector<16xi32>, vector<16xi32>], vector<16xf32>,
        %parallel_loop3A_1451 = arith.index_cast %parallel_loop3A_1437 : i32 to index
        %parallel_loop3A_1452 = arith.constant 32 : index
        %parallel_loop3A_1453 = tpu.vector_load %arg7[%parallel_loop3A_1451, %parallel_loop3A_1452] {strides = array<i32>} : memref<128x64xf32, #tpu.memory_space<vmem>>, vector<16xf32>,
        %parallel_loop3A_1454 = arith.constant 8.000000e+00 : f32
        %parallel_loop3A_1455 = vector.broadcast %parallel_loop3A_1454 : f32 to vector<16xf32>
        %parallel_loop3A_1456 = arith.mulf %parallel_loop3A_1453, %parallel_loop3A_1455 : vector<16xf32>
        tpu.vector_store_idx %arg11[%add3A_13, %parallel_loop3A_1438], %parallel_loop3A_1456 : memref<64x129xf32, #tpu.memory_space<vmem>>[vector<16xi32>, vector<16xi32>], vector<16xf32>,
        %parallel_loop3A_1457 = arith.index_cast %parallel_loop3A_1437 : i32 to index
        %parallel_loop3A_1458 = arith.constant 48 : index
        %parallel_loop3A_1459 = tpu.vector_load %arg7[%parallel_loop3A_1457, %parallel_loop3A_1458] {strides = array<i32>} : memref<128x64xf32, #tpu.memory_space<vmem>>, vector<16xf32>,
        %parallel_loop3A_1460 = arith.constant 8.000000e+00 : f32
        %parallel_loop3A_1461 = vector.broadcast %parallel_loop3A_1460 : f32 to vector<16xf32>
        %parallel_loop3A_1462 = arith.mulf %parallel_loop3A_1459, %parallel_loop3A_1461 : vector<16xf32>
        tpu.vector_store_idx %arg11[%add3A_17, %parallel_loop3A_1438], %parallel_loop3A_1462 : memref<64x129xf32, #tpu.memory_space<vmem>>[vector<16xi32>, vector<16xi32>], vector<16xf32>,
      } {sc.loop_unroll_factor = 4 : i64, sc.parallel_access}
      %add3A_879 = arith.addi %mul3A_2, %add3A_856 : i32
      %jit3A_880 = arith.constant 32 : i32
      %div3A_881 = arith.divsi %add3A_879, %jit3A_880 : i32
      %sign3A_882 = arith.constant 0 : i32
      %sign3A_883 = arith.cmpi sgt, %add3A_879, %sign3A_882 : i32
      %sign3A_884 = arith.extui %sign3A_883 : i1 to i32
      %sign3A_885 = arith.constant 0 : i32
      %sign3A_886 = arith.cmpi slt, %add3A_879, %sign3A_885 : i32
      %sign3A_887 = arith.extui %sign3A_886 : i1 to i32
      %sign3A_888 = arith.subi %sign3A_884, %sign3A_887 : i32
      %sign3A_889 = arith.constant 0 : i32
      %sign3A_890 = arith.cmpi sgt, %jit3A_880, %sign3A_889 : i32
      %sign3A_891 = arith.extui %sign3A_890 : i1 to i32
      %sign3A_892 = arith.constant 0 : i32
      %sign3A_893 = arith.cmpi slt, %jit3A_880, %sign3A_892 : i32
      %sign3A_894 = arith.extui %sign3A_893 : i1 to i32
      %sign3A_895 = arith.subi %sign3A_891, %sign3A_894 : i32
      %ne3A_896 = arith.cmpi ne, %sign3A_888, %sign3A_895 : i32
      %rem3A_897 = arith.remsi %add3A_879, %jit3A_880 : i32
      %ne3A_898 = arith.constant 0 : i32
      %ne3A_899 = arith.cmpi ne, %rem3A_897, %ne3A_898 : i32
      %and3A_900 = arith.andi %ne3A_896, %ne3A_899 : i1
      %sub3A_901 = arith.constant 1 : i32
      %sub3A_902 = arith.subi %div3A_881, %sub3A_901 : i32
      %select_n3A_903 = arith.select %and3A_900, %sub3A_902, %div3A_881 : i32
      %jit3A_904 = arith.constant 32 : i32
      %eq3A_905 = arith.constant 0 : i32
      %eq3A_906 = arith.cmpi eq, %jit3A_904, %eq3A_905 : i32
      %jit3A_907 = arith.constant 1 : i32
      %select_n3A_908 = arith.select %eq3A_906, %jit3A_907, %jit3A_904 : i32
      %rem3A_909 = arith.remsi %add3A_879, %select_n3A_908 : i32
      %ne3A_910 = arith.constant 0 : i32
      %ne3A_911 = arith.cmpi ne, %rem3A_909, %ne3A_910 : i32
      %lt3A_912 = arith.constant 0 : i32
      %lt3A_913 = arith.cmpi slt, %rem3A_909, %lt3A_912 : i32
      %lt3A_914 = arith.constant 0 : i32
      %lt3A_915 = arith.cmpi slt, %select_n3A_908, %lt3A_914 : i32
      %ne3A_916 = arith.xori %lt3A_913, %lt3A_915 : i1
      %and3A_917 = arith.andi %ne3A_916, %ne3A_911 : i1
      %add3A_918 = arith.addi %rem3A_909, %select_n3A_908 : i32
      %select_n3A_919 = arith.select %and3A_917, %add3A_918, %rem3A_909 : i32
      %dma_start3A_920 = arith.constant 0 : i32
      %dma_start3A_921 = arith.constant 0 : i32
      %dma_start3A_922 = arith.constant 0 : i32
      %dma_start3A_923 = tpu.memref_slice %arg11[%dma_start3A_921, %dma_start3A_922] : memref<64x129xf32, #tpu.memory_space<vmem>> -> memref<8x128xf32, #tpu.memory_space<vmem>>
      %dma_start3A_924 = arith.constant 0 : i32
      %dma_start3A_925 = arith.constant 0 : i32
      %dma_start3A_926 = tpu.memref_slice %arg4[%select_n3A_903, %dma_start3A_920, %select_n3A_919, %dma_start3A_924, %dma_start3A_925] : memref<200x8x32x8x128xf32, #tpu.memory_space<hbm>> -> memref<1x1x1x8x128xf32, #tpu.memory_space<hbm>>
      %dma_start3A_927 = tpu.memref_squeeze %dma_start3A_926 : memref<1x1x1x8x128xf32, #tpu.memory_space<hbm>> -> memref<8x128xf32, #tpu.memory_space<hbm>>
      %dma_start3A_928 = arith.constant 0 : i32
      %dma_start3A_929 = arith.constant 0 : i32
      %dma_start3A_930 = tpu.memref_slice %arg4[%select_n3A_903, %dma_start3A_920, %select_n3A_919, %dma_start3A_928, %dma_start3A_929] : memref<200x8x32x8x128xf32, #tpu.memory_space<hbm>> -> memref<1x1x1x8x128xf32, #tpu.memory_space<hbm>>
      %dma_start3A_931 = tpu.memref_squeeze %dma_start3A_930 : memref<1x1x1x8x128xf32, #tpu.memory_space<hbm>> -> memref<8x128xf32, #tpu.memory_space<hbm>>
      %dma_start3A_932 = arith.constant 0 : i32
      %dma_start3A_933 = arith.constant 0 : i32
      %dma_start3A_934 = tpu.memref_slice %arg11[%dma_start3A_932, %dma_start3A_933] : memref<64x129xf32, #tpu.memory_space<vmem>> -> memref<8x128xf32, #tpu.memory_space<vmem>>
      tpu.enqueue_dma source(%dma_start3A_934 : memref<8x128xf32, #tpu.memory_space<vmem>>) target(%dma_start3A_931 : memref<8x128xf32, #tpu.memory_space<hbm>>) target_semaphore(%arg23 : memref<!tpu.dma_semaphore, #tpu.memory_space<semaphore_mem>>)
      %dma_start3A_935 = arith.constant 1 : i32
      %dma_start3A_936 = arith.constant 8 : i32
      %dma_start3A_937 = arith.constant 0 : i32
      %dma_start3A_938 = tpu.memref_slice %arg11[%dma_start3A_936, %dma_start3A_937] : memref<64x129xf32, #tpu.memory_space<vmem>> -> memref<8x128xf32, #tpu.memory_space<vmem>>
      %dma_start3A_939 = arith.constant 0 : i32
      %dma_start3A_940 = arith.constant 0 : i32
      %dma_start3A_941 = tpu.memref_slice %arg4[%select_n3A_903, %dma_start3A_935, %select_n3A_919, %dma_start3A_939, %dma_start3A_940] : memref<200x8x32x8x128xf32, #tpu.memory_space<hbm>> -> memref<1x1x1x8x128xf32, #tpu.memory_space<hbm>>
      %dma_start3A_942 = tpu.memref_squeeze %dma_start3A_941 : memref<1x1x1x8x128xf32, #tpu.memory_space<hbm>> -> memref<8x128xf32, #tpu.memory_space<hbm>>
      %dma_start3A_943 = arith.constant 0 : i32
      %dma_start3A_944 = arith.constant 0 : i32
      %dma_start3A_945 = tpu.memref_slice %arg4[%select_n3A_903, %dma_start3A_935, %select_n3A_919, %dma_start3A_943, %dma_start3A_944] : memref<200x8x32x8x128xf32, #tpu.memory_space<hbm>> -> memref<1x1x1x8x128xf32, #tpu.memory_space<hbm>>
      %dma_start3A_946 = tpu.memref_squeeze %dma_start3A_945 : memref<1x1x1x8x128xf32, #tpu.memory_space<hbm>> -> memref<8x128xf32, #tpu.memory_space<hbm>>
      %dma_start3A_947 = arith.constant 8 : i32
      %dma_start3A_948 = arith.constant 0 : i32
      %dma_start3A_949 = tpu.memref_slice %arg11[%dma_start3A_947, %dma_start3A_948] : memref<64x129xf32, #tpu.memory_space<vmem>> -> memref<8x128xf32, #tpu.memory_space<vmem>>
      tpu.enqueue_dma source(%dma_start3A_949 : memref<8x128xf32, #tpu.memory_space<vmem>>) target(%dma_start3A_946 : memref<8x128xf32, #tpu.memory_space<hbm>>) target_semaphore(%arg23 : memref<!tpu.dma_semaphore, #tpu.memory_space<semaphore_mem>>)
      %dma_start3A_950 = arith.constant 2 : i32
      %dma_start3A_951 = arith.constant 16 : i32
      %dma_start3A_952 = arith.constant 0 : i32
      %dma_start3A_953 = tpu.memref_slice %arg11[%dma_start3A_951, %dma_start3A_952] : memref<64x129xf32, #tpu.memory_space<vmem>> -> memref<8x128xf32, #tpu.memory_space<vmem>>
      %dma_start3A_954 = arith.constant 0 : i32
      %dma_start3A_955 = arith.constant 0 : i32
      %dma_start3A_956 = tpu.memref_slice %arg4[%select_n3A_903, %dma_start3A_950, %select_n3A_919, %dma_start3A_954, %dma_start3A_955] : memref<200x8x32x8x128xf32, #tpu.memory_space<hbm>> -> memref<1x1x1x8x128xf32, #tpu.memory_space<hbm>>
      %dma_start3A_957 = tpu.memref_squeeze %dma_start3A_956 : memref<1x1x1x8x128xf32, #tpu.memory_space<hbm>> -> memref<8x128xf32, #tpu.memory_space<hbm>>
      %dma_start3A_958 = arith.constant 0 : i32
      %dma_start3A_959 = arith.constant 0 : i32
      %dma_start3A_960 = tpu.memref_slice %arg4[%select_n3A_903, %dma_start3A_950, %select_n3A_919, %dma_start3A_958, %dma_start3A_959] : memref<200x8x32x8x128xf32, #tpu.memory_space<hbm>> -> memref<1x1x1x8x128xf32, #tpu.memory_space<hbm>>
      %dma_start3A_961 = tpu.memref_squeeze %dma_start3A_960 : memref<1x1x1x8x128xf32, #tpu.memory_space<hbm>> -> memref<8x128xf32, #tpu.memory_space<hbm>>
      %dma_start3A_962 = arith.constant 16 : i32
      %dma_start3A_963 = arith.constant 0 : i32
      %dma_start3A_964 = tpu.memref_slice %arg11[%dma_start3A_962, %dma_start3A_963] : memref<64x129xf32, #tpu.memory_space<vmem>> -> memref<8x128xf32, #tpu.memory_space<vmem>>
      tpu.enqueue_dma source(%dma_start3A_964 : memref<8x128xf32, #tpu.memory_space<vmem>>) target(%dma_start3A_961 : memref<8x128xf32, #tpu.memory_space<hbm>>) target_semaphore(%arg23 : memref<!tpu.dma_semaphore, #tpu.memory_space<semaphore_mem>>)
      %dma_start3A_965 = arith.constant 3 : i32
      %dma_start3A_966 = arith.constant 24 : i32
      %dma_start3A_967 = arith.constant 0 : i32
      %dma_start3A_968 = tpu.memref_slice %arg11[%dma_start3A_966, %dma_start3A_967] : memref<64x129xf32, #tpu.memory_space<vmem>> -> memref<8x128xf32, #tpu.memory_space<vmem>>
      %dma_start3A_969 = arith.constant 0 : i32
      %dma_start3A_970 = arith.constant 0 : i32
      %dma_start3A_971 = tpu.memref_slice %arg4[%select_n3A_903, %dma_start3A_965, %select_n3A_919, %dma_start3A_969, %dma_start3A_970] : memref<200x8x32x8x128xf32, #tpu.memory_space<hbm>> -> memref<1x1x1x8x128xf32, #tpu.memory_space<hbm>>
      %dma_start3A_972 = tpu.memref_squeeze %dma_start3A_971 : memref<1x1x1x8x128xf32, #tpu.memory_space<hbm>> -> memref<8x128xf32, #tpu.memory_space<hbm>>
      %dma_start3A_973 = arith.constant 0 : i32
      %dma_start3A_974 = arith.constant 0 : i32
      %dma_start3A_975 = tpu.memref_slice %arg4[%select_n3A_903, %dma_start3A_965, %select_n3A_919, %dma_start3A_973, %dma_start3A_974] : memref<200x8x32x8x128xf32, #tpu.memory_space<hbm>> -> memref<1x1x1x8x128xf32, #tpu.memory_space<hbm>>
      %dma_start3A_976 = tpu.memref_squeeze %dma_start3A_975 : memref<1x1x1x8x128xf32, #tpu.memory_space<hbm>> -> memref<8x128xf32, #tpu.memory_space<hbm>>
      %dma_start3A_977 = arith.constant 24 : i32
      %dma_start3A_978 = arith.constant 0 : i32
      %dma_start3A_979 = tpu.memref_slice %arg11[%dma_start3A_977, %dma_start3A_978] : memref<64x129xf32, #tpu.memory_space<vmem>> -> memref<8x128xf32, #tpu.memory_space<vmem>>
      tpu.enqueue_dma source(%dma_start3A_979 : memref<8x128xf32, #tpu.memory_space<vmem>>) target(%dma_start3A_976 : memref<8x128xf32, #tpu.memory_space<hbm>>) target_semaphore(%arg23 : memref<!tpu.dma_semaphore, #tpu.memory_space<semaphore_mem>>)
      %dma_start3A_980 = arith.constant 4 : i32
      %dma_start3A_981 = arith.constant 32 : i32
      %dma_start3A_982 = arith.constant 0 : i32
      %dma_start3A_983 = tpu.memref_slice %arg11[%dma_start3A_981, %dma_start3A_982] : memref<64x129xf32, #tpu.memory_space<vmem>> -> memref<8x128xf32, #tpu.memory_space<vmem>>
      %dma_start3A_984 = arith.constant 0 : i32
      %dma_start3A_985 = arith.constant 0 : i32
      %dma_start3A_986 = tpu.memref_slice %arg4[%select_n3A_903, %dma_start3A_980, %select_n3A_919, %dma_start3A_984, %dma_start3A_985] : memref<200x8x32x8x128xf32, #tpu.memory_space<hbm>> -> memref<1x1x1x8x128xf32, #tpu.memory_space<hbm>>
      %dma_start3A_987 = tpu.memref_squeeze %dma_start3A_986 : memref<1x1x1x8x128xf32, #tpu.memory_space<hbm>> -> memref<8x128xf32, #tpu.memory_space<hbm>>
      %dma_start3A_988 = arith.constant 0 : i32
      %dma_start3A_989 = arith.constant 0 : i32
      %dma_start3A_990 = tpu.memref_slice %arg4[%select_n3A_903, %dma_start3A_980, %select_n3A_919, %dma_start3A_988, %dma_start3A_989] : memref<200x8x32x8x128xf32, #tpu.memory_space<hbm>> -> memref<1x1x1x8x128xf32, #tpu.memory_space<hbm>>
      %dma_start3A_991 = tpu.memref_squeeze %dma_start3A_990 : memref<1x1x1x8x128xf32, #tpu.memory_space<hbm>> -> memref<8x128xf32, #tpu.memory_space<hbm>>
      %dma_start3A_992 = arith.constant 32 : i32
      %dma_start3A_993 = arith.constant 0 : i32
      %dma_start3A_994 = tpu.memref_slice %arg11[%dma_start3A_992, %dma_start3A_993] : memref<64x129xf32, #tpu.memory_space<vmem>> -> memref<8x128xf32, #tpu.memory_space<vmem>>
      tpu.enqueue_dma source(%dma_start3A_994 : memref<8x128xf32, #tpu.memory_space<vmem>>) target(%dma_start3A_991 : memref<8x128xf32, #tpu.memory_space<hbm>>) target_semaphore(%arg23 : memref<!tpu.dma_semaphore, #tpu.memory_space<semaphore_mem>>)
      %dma_start3A_995 = arith.constant 5 : i32
      %dma_start3A_996 = arith.constant 40 : i32
      %dma_start3A_997 = arith.constant 0 : i32
      %dma_start3A_998 = tpu.memref_slice %arg11[%dma_start3A_996, %dma_start3A_997] : memref<64x129xf32, #tpu.memory_space<vmem>> -> memref<8x128xf32, #tpu.memory_space<vmem>>
      %dma_start3A_999 = arith.constant 0 : i32
      %dma_start3A_1000 = arith.constant 0 : i32
      %dma_start3A_1001 = tpu.memref_slice %arg4[%select_n3A_903, %dma_start3A_995, %select_n3A_919, %dma_start3A_999, %dma_start3A_1000] : memref<200x8x32x8x128xf32, #tpu.memory_space<hbm>> -> memref<1x1x1x8x128xf32, #tpu.memory_space<hbm>>
      %dma_start3A_1002 = tpu.memref_squeeze %dma_start3A_1001 : memref<1x1x1x8x128xf32, #tpu.memory_space<hbm>> -> memref<8x128xf32, #tpu.memory_space<hbm>>
      %dma_start3A_1003 = arith.constant 0 : i32
      %dma_start3A_1004 = arith.constant 0 : i32
      %dma_start3A_1005 = tpu.memref_slice %arg4[%select_n3A_903, %dma_start3A_995, %select_n3A_919, %dma_start3A_1003, %dma_start3A_1004] : memref<200x8x32x8x128xf32, #tpu.memory_space<hbm>> -> memref<1x1x1x8x128xf32, #tpu.memory_space<hbm>>
      %dma_start3A_1006 = tpu.memref_squeeze %dma_start3A_1005 : memref<1x1x1x8x128xf32, #tpu.memory_space<hbm>> -> memref<8x128xf32, #tpu.memory_space<hbm>>
      %dma_start3A_1007 = arith.constant 40 : i32
      %dma_start3A_1008 = arith.constant 0 : i32
      %dma_start3A_1009 = tpu.memref_slice %arg11[%dma_start3A_1007, %dma_start3A_1008] : memref<64x129xf32, #tpu.memory_space<vmem>> -> memref<8x128xf32, #tpu.memory_space<vmem>>
      tpu.enqueue_dma source(%dma_start3A_1009 : memref<8x128xf32, #tpu.memory_space<vmem>>) target(%dma_start3A_1006 : memref<8x128xf32, #tpu.memory_space<hbm>>) target_semaphore(%arg23 : memref<!tpu.dma_semaphore, #tpu.memory_space<semaphore_mem>>)
      %dma_start3A_1010 = arith.constant 6 : i32
      %dma_start3A_1011 = arith.constant 48 : i32
      %dma_start3A_1012 = arith.constant 0 : i32
      %dma_start3A_1013 = tpu.memref_slice %arg11[%dma_start3A_1011, %dma_start3A_1012] : memref<64x129xf32, #tpu.memory_space<vmem>> -> memref<8x128xf32, #tpu.memory_space<vmem>>
      %dma_start3A_1014 = arith.constant 0 : i32
      %dma_start3A_1015 = arith.constant 0 : i32
      %dma_start3A_1016 = tpu.memref_slice %arg4[%select_n3A_903, %dma_start3A_1010, %select_n3A_919, %dma_start3A_1014, %dma_start3A_1015] : memref<200x8x32x8x128xf32, #tpu.memory_space<hbm>> -> memref<1x1x1x8x128xf32, #tpu.memory_space<hbm>>
      %dma_start3A_1017 = tpu.memref_squeeze %dma_start3A_1016 : memref<1x1x1x8x128xf32, #tpu.memory_space<hbm>> -> memref<8x128xf32, #tpu.memory_space<hbm>>
      %dma_start3A_1018 = arith.constant 0 : i32
      %dma_start3A_1019 = arith.constant 0 : i32
      %dma_start3A_1020 = tpu.memref_slice %arg4[%select_n3A_903, %dma_start3A_1010, %select_n3A_919, %dma_start3A_1018, %dma_start3A_1019] : memref<200x8x32x8x128xf32, #tpu.memory_space<hbm>> -> memref<1x1x1x8x128xf32, #tpu.memory_space<hbm>>
      %dma_start3A_1021 = tpu.memref_squeeze %dma_start3A_1020 : memref<1x1x1x8x128xf32, #tpu.memory_space<hbm>> -> memref<8x128xf32, #tpu.memory_space<hbm>>
      %dma_start3A_1022 = arith.constant 48 : i32
      %dma_start3A_1023 = arith.constant 0 : i32
      %dma_start3A_1024 = tpu.memref_slice %arg11[%dma_start3A_1022, %dma_start3A_1023] : memref<64x129xf32, #tpu.memory_space<vmem>> -> memref<8x128xf32, #tpu.memory_space<vmem>>
      tpu.enqueue_dma source(%dma_start3A_1024 : memref<8x128xf32, #tpu.memory_space<vmem>>) target(%dma_start3A_1021 : memref<8x128xf32, #tpu.memory_space<hbm>>) target_semaphore(%arg23 : memref<!tpu.dma_semaphore, #tpu.memory_space<semaphore_mem>>)
      %dma_start3A_1025 = arith.constant 7 : i32
      %dma_start3A_1026 = arith.constant 56 : i32
      %dma_start3A_1027 = arith.constant 0 : i32
      %dma_start3A_1028 = tpu.memref_slice %arg11[%dma_start3A_1026, %dma_start3A_1027] : memref<64x129xf32, #tpu.memory_space<vmem>> -> memref<8x128xf32, #tpu.memory_space<vmem>>
      %dma_start3A_1029 = arith.constant 0 : i32
      %dma_start3A_1030 = arith.constant 0 : i32
      %dma_start3A_1031 = tpu.memref_slice %arg4[%select_n3A_903, %dma_start3A_1025, %select_n3A_919, %dma_start3A_1029, %dma_start3A_1030] : memref<200x8x32x8x128xf32, #tpu.memory_space<hbm>> -> memref<1x1x1x8x128xf32, #tpu.memory_space<hbm>>
      %dma_start3A_1032 = tpu.memref_squeeze %dma_start3A_1031 : memref<1x1x1x8x128xf32, #tpu.memory_space<hbm>> -> memref<8x128xf32, #tpu.memory_space<hbm>>
      %dma_start3A_1033 = arith.constant 0 : i32
      %dma_start3A_1034 = arith.constant 0 : i32
      %dma_start3A_1035 = tpu.memref_slice %arg4[%select_n3A_903, %dma_start3A_1025, %select_n3A_919, %dma_start3A_1033, %dma_start3A_1034] : memref<200x8x32x8x128xf32, #tpu.memory_space<hbm>> -> memref<1x1x1x8x128xf32, #tpu.memory_space<hbm>>
      %dma_start3A_1036 = tpu.memref_squeeze %dma_start3A_1035 : memref<1x1x1x8x128xf32, #tpu.memory_space<hbm>> -> memref<8x128xf32, #tpu.memory_space<hbm>>
      %dma_start3A_1037 = arith.constant 56 : i32
      %dma_start3A_1038 = arith.constant 0 : i32
      %dma_start3A_1039 = tpu.memref_slice %arg11[%dma_start3A_1037, %dma_start3A_1038] : memref<64x129xf32, #tpu.memory_space<vmem>> -> memref<8x128xf32, #tpu.memory_space<vmem>>
      tpu.enqueue_dma source(%dma_start3A_1039 : memref<8x128xf32, #tpu.memory_space<vmem>>) target(%dma_start3A_1036 : memref<8x128xf32, #tpu.memory_space<hbm>>) target_semaphore(%arg23 : memref<!tpu.dma_semaphore, #tpu.memory_space<semaphore_mem>>)
      %add3A_1040 = arith.constant 4 : i32
      %add3A_1041 = arith.addi %add3A_856, %add3A_1040 : i32
      %sub3A_1042 = arith.constant 1 : i32
      %sub3A_1043 = arith.subi %add3A_1041, %sub3A_1042 : i32
      %lt3A_1044 = arith.constant 200 : i32
      %lt3A_1045 = arith.cmpi slt, %sub3A_1043, %lt3A_1044 : i32
      %convert_element_type3A_1046 = arith.extui %lt3A_1045 : i1 to i32
      %cond3A_1047 = arith.constant 0 : i32
      %cond3A_1048 = arith.cmpi ne, %convert_element_type3A_1046, %cond3A_1047 : i32
      scf.if %cond3A_1048 {
        %dma_wait3A_1437 = arith.constant 0 : i32
        %dma_wait3A_1438 = arith.constant 0 : i32
        %dma_wait3A_1439 = tpu.memref_slice %arg5[%dma_wait3A_1437, %dma_wait3A_1438] : memref<4x128xi32, #tpu.memory_space<vmem>> -> memref<1x128xi32, #tpu.memory_space<vmem>>
        %dma_wait3A_1440 = tpu.memref_squeeze %dma_wait3A_1439 : memref<1x128xi32, #tpu.memory_space<vmem>> -> memref<128xi32, #tpu.memory_space<vmem>>
        %dma_wait3A_1441 = arith.constant 0 : i32
        %dma_wait3A_1442 = tpu.memref_slice %arg2[%dma_wait3A_1441] : memref<819200xi32, #tpu.memory_space<hbm>> -> memref<128xi32, #tpu.memory_space<hbm>>
        %dma_wait3A_1443 = arith.constant 0 : i32
        %dma_wait3A_1444 = tpu.memref_slice %arg5[%dma_wait3A_1437, %dma_wait3A_1443] : memref<4x128xi32, #tpu.memory_space<vmem>> -> memref<1x128xi32, #tpu.memory_space<vmem>>
        %dma_wait3A_1445 = tpu.memref_squeeze %dma_wait3A_1444 : memref<1x128xi32, #tpu.memory_space<vmem>> -> memref<128xi32, #tpu.memory_space<vmem>>
        %dma_wait3A_1446 = arith.constant 0 : i32
        %dma_wait3A_1447 = tpu.memref_slice %arg2[%dma_wait3A_1446] : memref<819200xi32, #tpu.memory_space<hbm>> -> memref<128xi32, #tpu.memory_space<hbm>>
        tpu.wait_dma2 semaphore(%arg14 : memref<!tpu.dma_semaphore, #tpu.memory_space<semaphore_mem>>) src(%dma_wait3A_1447 : memref<128xi32, #tpu.memory_space<hbm>>) dst(%dma_wait3A_1445 : memref<128xi32, #tpu.memory_space<vmem>>)
        %dma_start3A_1448 = arith.constant 0 : i32
        %dma_start3A_1449 = arith.constant 0 : i32
        %dma_start3A_1450 = tpu.memref_slice %arg5[%dma_start3A_1448, %dma_start3A_1449] : memref<4x128xi32, #tpu.memory_space<vmem>> -> memref<1x128xi32, #tpu.memory_space<vmem>>
        %dma_start3A_1451 = tpu.memref_squeeze %dma_start3A_1450 : memref<1x128xi32, #tpu.memory_space<vmem>> -> memref<128xi32, #tpu.memory_space<vmem>>
        %dma_start3A_1452 = arith.constant 0 : i32
        %dma_start3A_1453 = arith.constant 0 : i32
        %dma_start3A_1454 = tpu.memref_slice %arg3[%dma_start3A_1452, %dma_start3A_1453] : memref<1000000x64xf32, #tpu.memory_space<hbm>> -> memref<1000000x64xf32, #tpu.memory_space<hbm>>
        tpu.enqueue_indirect_dma source(%dma_start3A_1454 : memref<1000000x64xf32, #tpu.memory_space<hbm>>) target(%arg6 : memref<128x64xf32, #tpu.memory_space<vmem>>) offsets(%dma_start3A_1451 : memref<128xi32, #tpu.memory_space<vmem>>) semaphore(%arg18 : memref<!tpu.dma_semaphore, #tpu.memory_space<semaphore_mem>>)
      } else {
      }
      %add3A_1049 = arith.constant 2 : i32
      %add3A_1050 = arith.addi %add3A_674, %add3A_1049 : i32
      %dma_wait3A_1051 = arith.constant 2 : i32
      %dma_wait3A_1052 = arith.constant 0 : i32
      %dma_wait3A_1053 = tpu.memref_slice %arg5[%dma_wait3A_1051, %dma_wait3A_1052] : memref<4x128xi32, #tpu.memory_space<vmem>> -> memref<1x128xi32, #tpu.memory_space<vmem>>
      %dma_wait3A_1054 = tpu.memref_squeeze %dma_wait3A_1053 : memref<1x128xi32, #tpu.memory_space<vmem>> -> memref<128xi32, #tpu.memory_space<vmem>>
      %dma_wait3A_1055 = arith.constant 0 : i32
      %dma_wait3A_1056 = arith.constant 0 : i32
      %dma_wait3A_1057 = tpu.memref_slice %arg3[%dma_wait3A_1055, %dma_wait3A_1056] : memref<1000000x64xf32, #tpu.memory_space<hbm>> -> memref<1000000x64xf32, #tpu.memory_space<hbm>>
      tpu.wait_indirect_dma semaphore(%arg20 : memref<!tpu.dma_semaphore, #tpu.memory_space<semaphore_mem>>) src(%dma_wait3A_1057 : memref<1000000x64xf32, #tpu.memory_space<hbm>>) dst(%arg8 : memref<128x64xf32, #tpu.memory_space<vmem>>)
      %add3A_1058 = arith.constant 4 : i32
      %add3A_1059 = arith.addi %add3A_1050, %add3A_1058 : i32
      %lt3A_1060 = arith.constant 200 : i32
      %lt3A_1061 = arith.cmpi slt, %add3A_1059, %lt3A_1060 : i32
      %convert_element_type3A_1062 = arith.extui %lt3A_1061 : i1 to i32
      %cond3A_1063 = arith.constant 0 : i32
      %cond3A_1064 = arith.cmpi ne, %convert_element_type3A_1062, %cond3A_1063 : i32
      scf.if %cond3A_1064 {
        %add3A_1437 = arith.addi %mul3A_2, %add3A_1050 : i32
        %add3A_1438 = arith.constant 4 : i32
        %add3A_1439 = arith.addi %add3A_1437, %add3A_1438 : i32
        %mul3A_1440 = arith.constant 128 : i32
        %mul3A_1441 = arith.muli %add3A_1439, %mul3A_1440 : i32
        %dma_start3A_1442 = arith.constant 2 : i32
        %dma_start3A_1443 = arith.constant 0 : i32
        %dma_start3A_1444 = tpu.memref_slice %arg5[%dma_start3A_1442, %dma_start3A_1443] : memref<4x128xi32, #tpu.memory_space<vmem>> -> memref<1x128xi32, #tpu.memory_space<vmem>>
        %dma_start3A_1445 = tpu.memref_squeeze %dma_start3A_1444 : memref<1x128xi32, #tpu.memory_space<vmem>> -> memref<128xi32, #tpu.memory_space<vmem>>
        %dma_start3A_1446 = tpu.memref_slice %arg2[%mul3A_1441] : memref<819200xi32, #tpu.memory_space<hbm>> -> memref<128xi32, #tpu.memory_space<hbm>>
        %dma_start3A_1447 = arith.constant 0 : i32
        %dma_start3A_1448 = tpu.memref_slice %arg5[%dma_start3A_1442, %dma_start3A_1447] : memref<4x128xi32, #tpu.memory_space<vmem>> -> memref<1x128xi32, #tpu.memory_space<vmem>>
        %dma_start3A_1449 = tpu.memref_squeeze %dma_start3A_1448 : memref<1x128xi32, #tpu.memory_space<vmem>> -> memref<128xi32, #tpu.memory_space<vmem>>
        %dma_start3A_1450 = tpu.memref_slice %arg2[%mul3A_1441] : memref<819200xi32, #tpu.memory_space<hbm>> -> memref<128xi32, #tpu.memory_space<hbm>>
        tpu.enqueue_dma source(%dma_start3A_1450 : memref<128xi32, #tpu.memory_space<hbm>>) target(%dma_start3A_1449 : memref<128xi32, #tpu.memory_space<vmem>>) target_semaphore(%arg16 : memref<!tpu.dma_semaphore, #tpu.memory_space<semaphore_mem>>)
      } else {
      }
      %ge3A_1065 = arith.constant 4 : i32
      %ge3A_1066 = arith.cmpi sge, %add3A_1050, %ge3A_1065 : i32
      %convert_element_type3A_1067 = arith.extui %ge3A_1066 : i1 to i32
      %cond3A_1068 = arith.constant 0 : i32
      %cond3A_1069 = arith.cmpi ne, %convert_element_type3A_1067, %cond3A_1068 : i32
      scf.if %cond3A_1069 {
        %dma_wait3A_1437 = arith.constant 0 : i32
        %dma_wait3A_1438 = arith.constant 0 : i32
        %dma_wait3A_1439 = arith.constant 0 : i32
        %dma_wait3A_1440 = arith.constant 0 : i32
        %dma_wait3A_1441 = arith.constant 0 : i32
        %dma_wait3A_1442 = tpu.memref_slice %arg12[%dma_wait3A_1440, %dma_wait3A_1441] : memref<64x129xf32, #tpu.memory_space<vmem>> -> memref<8x128xf32, #tpu.memory_space<vmem>>
        %dma_wait3A_1443 = arith.constant 0 : i32
        %dma_wait3A_1444 = arith.constant 0 : i32
        %dma_wait3A_1445 = tpu.memref_slice %arg4[%dma_wait3A_1437, %dma_wait3A_1438, %dma_wait3A_1439, %dma_wait3A_1443, %dma_wait3A_1444] : memref<200x8x32x8x128xf32, #tpu.memory_space<hbm>> -> memref<1x1x1x8x128xf32, #tpu.memory_space<hbm>>
        %dma_wait3A_1446 = tpu.memref_squeeze %dma_wait3A_1445 : memref<1x1x1x8x128xf32, #tpu.memory_space<hbm>> -> memref<8x128xf32, #tpu.memory_space<hbm>>
        %dma_wait3A_1447 = arith.constant 0 : i32
        %dma_wait3A_1448 = arith.constant 0 : i32
        %dma_wait3A_1449 = tpu.memref_slice %arg4[%dma_wait3A_1437, %dma_wait3A_1438, %dma_wait3A_1439, %dma_wait3A_1447, %dma_wait3A_1448] : memref<200x8x32x8x128xf32, #tpu.memory_space<hbm>> -> memref<1x1x1x8x128xf32, #tpu.memory_space<hbm>>
        %dma_wait3A_1450 = tpu.memref_squeeze %dma_wait3A_1449 : memref<1x1x1x8x128xf32, #tpu.memory_space<hbm>> -> memref<8x128xf32, #tpu.memory_space<hbm>>
        %dma_wait3A_1451 = arith.constant 0 : i32
        %dma_wait3A_1452 = arith.constant 0 : i32
        %dma_wait3A_1453 = tpu.memref_slice %arg12[%dma_wait3A_1451, %dma_wait3A_1452] : memref<64x129xf32, #tpu.memory_space<vmem>> -> memref<8x128xf32, #tpu.memory_space<vmem>>
        tpu.wait_dma2 semaphore(%arg24 : memref<!tpu.dma_semaphore, #tpu.memory_space<semaphore_mem>>) src(%dma_wait3A_1453 : memref<8x128xf32, #tpu.memory_space<vmem>>) dst(%dma_wait3A_1450 : memref<8x128xf32, #tpu.memory_space<hbm>>)
        %dma_wait3A_1454 = arith.constant 0 : i32
        %dma_wait3A_1455 = arith.constant 1 : i32
        %dma_wait3A_1456 = arith.constant 0 : i32
        %dma_wait3A_1457 = arith.constant 8 : i32
        %dma_wait3A_1458 = arith.constant 0 : i32
        %dma_wait3A_1459 = tpu.memref_slice %arg12[%dma_wait3A_1457, %dma_wait3A_1458] : memref<64x129xf32, #tpu.memory_space<vmem>> -> memref<8x128xf32, #tpu.memory_space<vmem>>
        %dma_wait3A_1460 = arith.constant 0 : i32
        %dma_wait3A_1461 = arith.constant 0 : i32
        %dma_wait3A_1462 = tpu.memref_slice %arg4[%dma_wait3A_1454, %dma_wait3A_1455, %dma_wait3A_1456, %dma_wait3A_1460, %dma_wait3A_1461] : memref<200x8x32x8x128xf32, #tpu.memory_space<hbm>> -> memref<1x1x1x8x128xf32, #tpu.memory_space<hbm>>
        %dma_wait3A_1463 = tpu.memref_squeeze %dma_wait3A_1462 : memref<1x1x1x8x128xf32, #tpu.memory_space<hbm>> -> memref<8x128xf32, #tpu.memory_space<hbm>>
        %dma_wait3A_1464 = arith.constant 0 : i32
        %dma_wait3A_1465 = arith.constant 0 : i32
        %dma_wait3A_1466 = tpu.memref_slice %arg4[%dma_wait3A_1454, %dma_wait3A_1455, %dma_wait3A_1456, %dma_wait3A_1464, %dma_wait3A_1465] : memref<200x8x32x8x128xf32, #tpu.memory_space<hbm>> -> memref<1x1x1x8x128xf32, #tpu.memory_space<hbm>>
        %dma_wait3A_1467 = tpu.memref_squeeze %dma_wait3A_1466 : memref<1x1x1x8x128xf32, #tpu.memory_space<hbm>> -> memref<8x128xf32, #tpu.memory_space<hbm>>
        %dma_wait3A_1468 = arith.constant 8 : i32
        %dma_wait3A_1469 = arith.constant 0 : i32
        %dma_wait3A_1470 = tpu.memref_slice %arg12[%dma_wait3A_1468, %dma_wait3A_1469] : memref<64x129xf32, #tpu.memory_space<vmem>> -> memref<8x128xf32, #tpu.memory_space<vmem>>
        tpu.wait_dma2 semaphore(%arg24 : memref<!tpu.dma_semaphore, #tpu.memory_space<semaphore_mem>>) src(%dma_wait3A_1470 : memref<8x128xf32, #tpu.memory_space<vmem>>) dst(%dma_wait3A_1467 : memref<8x128xf32, #tpu.memory_space<hbm>>)
        %dma_wait3A_1471 = arith.constant 0 : i32
        %dma_wait3A_1472 = arith.constant 2 : i32
        %dma_wait3A_1473 = arith.constant 0 : i32
        %dma_wait3A_1474 = arith.constant 16 : i32
        %dma_wait3A_1475 = arith.constant 0 : i32
        %dma_wait3A_1476 = tpu.memref_slice %arg12[%dma_wait3A_1474, %dma_wait3A_1475] : memref<64x129xf32, #tpu.memory_space<vmem>> -> memref<8x128xf32, #tpu.memory_space<vmem>>
        %dma_wait3A_1477 = arith.constant 0 : i32
        %dma_wait3A_1478 = arith.constant 0 : i32
        %dma_wait3A_1479 = tpu.memref_slice %arg4[%dma_wait3A_1471, %dma_wait3A_1472, %dma_wait3A_1473, %dma_wait3A_1477, %dma_wait3A_1478] : memref<200x8x32x8x128xf32, #tpu.memory_space<hbm>> -> memref<1x1x1x8x128xf32, #tpu.memory_space<hbm>>
        %dma_wait3A_1480 = tpu.memref_squeeze %dma_wait3A_1479 : memref<1x1x1x8x128xf32, #tpu.memory_space<hbm>> -> memref<8x128xf32, #tpu.memory_space<hbm>>
        %dma_wait3A_1481 = arith.constant 0 : i32
        %dma_wait3A_1482 = arith.constant 0 : i32
        %dma_wait3A_1483 = tpu.memref_slice %arg4[%dma_wait3A_1471, %dma_wait3A_1472, %dma_wait3A_1473, %dma_wait3A_1481, %dma_wait3A_1482] : memref<200x8x32x8x128xf32, #tpu.memory_space<hbm>> -> memref<1x1x1x8x128xf32, #tpu.memory_space<hbm>>
        %dma_wait3A_1484 = tpu.memref_squeeze %dma_wait3A_1483 : memref<1x1x1x8x128xf32, #tpu.memory_space<hbm>> -> memref<8x128xf32, #tpu.memory_space<hbm>>
        %dma_wait3A_1485 = arith.constant 16 : i32
        %dma_wait3A_1486 = arith.constant 0 : i32
        %dma_wait3A_1487 = tpu.memref_slice %arg12[%dma_wait3A_1485, %dma_wait3A_1486] : memref<64x129xf32, #tpu.memory_space<vmem>> -> memref<8x128xf32, #tpu.memory_space<vmem>>
        tpu.wait_dma2 semaphore(%arg24 : memref<!tpu.dma_semaphore, #tpu.memory_space<semaphore_mem>>) src(%dma_wait3A_1487 : memref<8x128xf32, #tpu.memory_space<vmem>>) dst(%dma_wait3A_1484 : memref<8x128xf32, #tpu.memory_space<hbm>>)
        %dma_wait3A_1488 = arith.constant 0 : i32
        %dma_wait3A_1489 = arith.constant 3 : i32
        %dma_wait3A_1490 = arith.constant 0 : i32
        %dma_wait3A_1491 = arith.constant 24 : i32
        %dma_wait3A_1492 = arith.constant 0 : i32
        %dma_wait3A_1493 = tpu.memref_slice %arg12[%dma_wait3A_1491, %dma_wait3A_1492] : memref<64x129xf32, #tpu.memory_space<vmem>> -> memref<8x128xf32, #tpu.memory_space<vmem>>
        %dma_wait3A_1494 = arith.constant 0 : i32
        %dma_wait3A_1495 = arith.constant 0 : i32
        %dma_wait3A_1496 = tpu.memref_slice %arg4[%dma_wait3A_1488, %dma_wait3A_1489, %dma_wait3A_1490, %dma_wait3A_1494, %dma_wait3A_1495] : memref<200x8x32x8x128xf32, #tpu.memory_space<hbm>> -> memref<1x1x1x8x128xf32, #tpu.memory_space<hbm>>
        %dma_wait3A_1497 = tpu.memref_squeeze %dma_wait3A_1496 : memref<1x1x1x8x128xf32, #tpu.memory_space<hbm>> -> memref<8x128xf32, #tpu.memory_space<hbm>>
        %dma_wait3A_1498 = arith.constant 0 : i32
        %dma_wait3A_1499 = arith.constant 0 : i32
        %dma_wait3A_1500 = tpu.memref_slice %arg4[%dma_wait3A_1488, %dma_wait3A_1489, %dma_wait3A_1490, %dma_wait3A_1498, %dma_wait3A_1499] : memref<200x8x32x8x128xf32, #tpu.memory_space<hbm>> -> memref<1x1x1x8x128xf32, #tpu.memory_space<hbm>>
        %dma_wait3A_1501 = tpu.memref_squeeze %dma_wait3A_1500 : memref<1x1x1x8x128xf32, #tpu.memory_space<hbm>> -> memref<8x128xf32, #tpu.memory_space<hbm>>
        %dma_wait3A_1502 = arith.constant 24 : i32
        %dma_wait3A_1503 = arith.constant 0 : i32
        %dma_wait3A_1504 = tpu.memref_slice %arg12[%dma_wait3A_1502, %dma_wait3A_1503] : memref<64x129xf32, #tpu.memory_space<vmem>> -> memref<8x128xf32, #tpu.memory_space<vmem>>
        tpu.wait_dma2 semaphore(%arg24 : memref<!tpu.dma_semaphore, #tpu.memory_space<semaphore_mem>>) src(%dma_wait3A_1504 : memref<8x128xf32, #tpu.memory_space<vmem>>) dst(%dma_wait3A_1501 : memref<8x128xf32, #tpu.memory_space<hbm>>)
        %dma_wait3A_1505 = arith.constant 0 : i32
        %dma_wait3A_1506 = arith.constant 4 : i32
        %dma_wait3A_1507 = arith.constant 0 : i32
        %dma_wait3A_1508 = arith.constant 32 : i32
        %dma_wait3A_1509 = arith.constant 0 : i32
        %dma_wait3A_1510 = tpu.memref_slice %arg12[%dma_wait3A_1508, %dma_wait3A_1509] : memref<64x129xf32, #tpu.memory_space<vmem>> -> memref<8x128xf32, #tpu.memory_space<vmem>>
        %dma_wait3A_1511 = arith.constant 0 : i32
        %dma_wait3A_1512 = arith.constant 0 : i32
        %dma_wait3A_1513 = tpu.memref_slice %arg4[%dma_wait3A_1505, %dma_wait3A_1506, %dma_wait3A_1507, %dma_wait3A_1511, %dma_wait3A_1512] : memref<200x8x32x8x128xf32, #tpu.memory_space<hbm>> -> memref<1x1x1x8x128xf32, #tpu.memory_space<hbm>>
        %dma_wait3A_1514 = tpu.memref_squeeze %dma_wait3A_1513 : memref<1x1x1x8x128xf32, #tpu.memory_space<hbm>> -> memref<8x128xf32, #tpu.memory_space<hbm>>
        %dma_wait3A_1515 = arith.constant 0 : i32
        %dma_wait3A_1516 = arith.constant 0 : i32
        %dma_wait3A_1517 = tpu.memref_slice %arg4[%dma_wait3A_1505, %dma_wait3A_1506, %dma_wait3A_1507, %dma_wait3A_1515, %dma_wait3A_1516] : memref<200x8x32x8x128xf32, #tpu.memory_space<hbm>> -> memref<1x1x1x8x128xf32, #tpu.memory_space<hbm>>
        %dma_wait3A_1518 = tpu.memref_squeeze %dma_wait3A_1517 : memref<1x1x1x8x128xf32, #tpu.memory_space<hbm>> -> memref<8x128xf32, #tpu.memory_space<hbm>>
        %dma_wait3A_1519 = arith.constant 32 : i32
        %dma_wait3A_1520 = arith.constant 0 : i32
        %dma_wait3A_1521 = tpu.memref_slice %arg12[%dma_wait3A_1519, %dma_wait3A_1520] : memref<64x129xf32, #tpu.memory_space<vmem>> -> memref<8x128xf32, #tpu.memory_space<vmem>>
        tpu.wait_dma2 semaphore(%arg24 : memref<!tpu.dma_semaphore, #tpu.memory_space<semaphore_mem>>) src(%dma_wait3A_1521 : memref<8x128xf32, #tpu.memory_space<vmem>>) dst(%dma_wait3A_1518 : memref<8x128xf32, #tpu.memory_space<hbm>>)
        %dma_wait3A_1522 = arith.constant 0 : i32
        %dma_wait3A_1523 = arith.constant 5 : i32
        %dma_wait3A_1524 = arith.constant 0 : i32
        %dma_wait3A_1525 = arith.constant 40 : i32
        %dma_wait3A_1526 = arith.constant 0 : i32
        %dma_wait3A_1527 = tpu.memref_slice %arg12[%dma_wait3A_1525, %dma_wait3A_1526] : memref<64x129xf32, #tpu.memory_space<vmem>> -> memref<8x128xf32, #tpu.memory_space<vmem>>
        %dma_wait3A_1528 = arith.constant 0 : i32
        %dma_wait3A_1529 = arith.constant 0 : i32
        %dma_wait3A_1530 = tpu.memref_slice %arg4[%dma_wait3A_1522, %dma_wait3A_1523, %dma_wait3A_1524, %dma_wait3A_1528, %dma_wait3A_1529] : memref<200x8x32x8x128xf32, #tpu.memory_space<hbm>> -> memref<1x1x1x8x128xf32, #tpu.memory_space<hbm>>
        %dma_wait3A_1531 = tpu.memref_squeeze %dma_wait3A_1530 : memref<1x1x1x8x128xf32, #tpu.memory_space<hbm>> -> memref<8x128xf32, #tpu.memory_space<hbm>>
        %dma_wait3A_1532 = arith.constant 0 : i32
        %dma_wait3A_1533 = arith.constant 0 : i32
        %dma_wait3A_1534 = tpu.memref_slice %arg4[%dma_wait3A_1522, %dma_wait3A_1523, %dma_wait3A_1524, %dma_wait3A_1532, %dma_wait3A_1533] : memref<200x8x32x8x128xf32, #tpu.memory_space<hbm>> -> memref<1x1x1x8x128xf32, #tpu.memory_space<hbm>>
        %dma_wait3A_1535 = tpu.memref_squeeze %dma_wait3A_1534 : memref<1x1x1x8x128xf32, #tpu.memory_space<hbm>> -> memref<8x128xf32, #tpu.memory_space<hbm>>
        %dma_wait3A_1536 = arith.constant 40 : i32
        %dma_wait3A_1537 = arith.constant 0 : i32
        %dma_wait3A_1538 = tpu.memref_slice %arg12[%dma_wait3A_1536, %dma_wait3A_1537] : memref<64x129xf32, #tpu.memory_space<vmem>> -> memref<8x128xf32, #tpu.memory_space<vmem>>
        tpu.wait_dma2 semaphore(%arg24 : memref<!tpu.dma_semaphore, #tpu.memory_space<semaphore_mem>>) src(%dma_wait3A_1538 : memref<8x128xf32, #tpu.memory_space<vmem>>) dst(%dma_wait3A_1535 : memref<8x128xf32, #tpu.memory_space<hbm>>)
        %dma_wait3A_1539 = arith.constant 0 : i32
        %dma_wait3A_1540 = arith.constant 6 : i32
        %dma_wait3A_1541 = arith.constant 0 : i32
        %dma_wait3A_1542 = arith.constant 48 : i32
        %dma_wait3A_1543 = arith.constant 0 : i32
        %dma_wait3A_1544 = tpu.memref_slice %arg12[%dma_wait3A_1542, %dma_wait3A_1543] : memref<64x129xf32, #tpu.memory_space<vmem>> -> memref<8x128xf32, #tpu.memory_space<vmem>>
        %dma_wait3A_1545 = arith.constant 0 : i32
        %dma_wait3A_1546 = arith.constant 0 : i32
        %dma_wait3A_1547 = tpu.memref_slice %arg4[%dma_wait3A_1539, %dma_wait3A_1540, %dma_wait3A_1541, %dma_wait3A_1545, %dma_wait3A_1546] : memref<200x8x32x8x128xf32, #tpu.memory_space<hbm>> -> memref<1x1x1x8x128xf32, #tpu.memory_space<hbm>>
        %dma_wait3A_1548 = tpu.memref_squeeze %dma_wait3A_1547 : memref<1x1x1x8x128xf32, #tpu.memory_space<hbm>> -> memref<8x128xf32, #tpu.memory_space<hbm>>
        %dma_wait3A_1549 = arith.constant 0 : i32
        %dma_wait3A_1550 = arith.constant 0 : i32
        %dma_wait3A_1551 = tpu.memref_slice %arg4[%dma_wait3A_1539, %dma_wait3A_1540, %dma_wait3A_1541, %dma_wait3A_1549, %dma_wait3A_1550] : memref<200x8x32x8x128xf32, #tpu.memory_space<hbm>> -> memref<1x1x1x8x128xf32, #tpu.memory_space<hbm>>
        %dma_wait3A_1552 = tpu.memref_squeeze %dma_wait3A_1551 : memref<1x1x1x8x128xf32, #tpu.memory_space<hbm>> -> memref<8x128xf32, #tpu.memory_space<hbm>>
        %dma_wait3A_1553 = arith.constant 48 : i32
        %dma_wait3A_1554 = arith.constant 0 : i32
        %dma_wait3A_1555 = tpu.memref_slice %arg12[%dma_wait3A_1553, %dma_wait3A_1554] : memref<64x129xf32, #tpu.memory_space<vmem>> -> memref<8x128xf32, #tpu.memory_space<vmem>>
        tpu.wait_dma2 semaphore(%arg24 : memref<!tpu.dma_semaphore, #tpu.memory_space<semaphore_mem>>) src(%dma_wait3A_1555 : memref<8x128xf32, #tpu.memory_space<vmem>>) dst(%dma_wait3A_1552 : memref<8x128xf32, #tpu.memory_space<hbm>>)
        %dma_wait3A_1556 = arith.constant 0 : i32
        %dma_wait3A_1557 = arith.constant 7 : i32
        %dma_wait3A_1558 = arith.constant 0 : i32
        %dma_wait3A_1559 = arith.constant 56 : i32
        %dma_wait3A_1560 = arith.constant 0 : i32
        %dma_wait3A_1561 = tpu.memref_slice %arg12[%dma_wait3A_1559, %dma_wait3A_1560] : memref<64x129xf32, #tpu.memory_space<vmem>> -> memref<8x128xf32, #tpu.memory_space<vmem>>
        %dma_wait3A_1562 = arith.constant 0 : i32
        %dma_wait3A_1563 = arith.constant 0 : i32
        %dma_wait3A_1564 = tpu.memref_slice %arg4[%dma_wait3A_1556, %dma_wait3A_1557, %dma_wait3A_1558, %dma_wait3A_1562, %dma_wait3A_1563] : memref<200x8x32x8x128xf32, #tpu.memory_space<hbm>> -> memref<1x1x1x8x128xf32, #tpu.memory_space<hbm>>
        %dma_wait3A_1565 = tpu.memref_squeeze %dma_wait3A_1564 : memref<1x1x1x8x128xf32, #tpu.memory_space<hbm>> -> memref<8x128xf32, #tpu.memory_space<hbm>>
        %dma_wait3A_1566 = arith.constant 0 : i32
        %dma_wait3A_1567 = arith.constant 0 : i32
        %dma_wait3A_1568 = tpu.memref_slice %arg4[%dma_wait3A_1556, %dma_wait3A_1557, %dma_wait3A_1558, %dma_wait3A_1566, %dma_wait3A_1567] : memref<200x8x32x8x128xf32, #tpu.memory_space<hbm>> -> memref<1x1x1x8x128xf32, #tpu.memory_space<hbm>>
        %dma_wait3A_1569 = tpu.memref_squeeze %dma_wait3A_1568 : memref<1x1x1x8x128xf32, #tpu.memory_space<hbm>> -> memref<8x128xf32, #tpu.memory_space<hbm>>
        %dma_wait3A_1570 = arith.constant 56 : i32
        %dma_wait3A_1571 = arith.constant 0 : i32
        %dma_wait3A_1572 = tpu.memref_slice %arg12[%dma_wait3A_1570, %dma_wait3A_1571] : memref<64x129xf32, #tpu.memory_space<vmem>> -> memref<8x128xf32, #tpu.memory_space<vmem>>
        tpu.wait_dma2 semaphore(%arg24 : memref<!tpu.dma_semaphore, #tpu.memory_space<semaphore_mem>>) src(%dma_wait3A_1572 : memref<8x128xf32, #tpu.memory_space<vmem>>) dst(%dma_wait3A_1569 : memref<8x128xf32, #tpu.memory_space<hbm>>)
      } else {
      }
      %parallel_loop3A_1070 = arith.constant 0 : i32
      %parallel_loop3A_1071 = arith.constant 128 : i32
      %parallel_loop3A_1072 = arith.constant 1 : i32
      scf.for %parallel_loop3A_1437 = %parallel_loop3A_1070 to %parallel_loop3A_1071 step %parallel_loop3A_1072  : i32 {
        %parallel_loop3A_1438 = vector.broadcast %parallel_loop3A_1437 : i32 to vector<16xi32>
        %parallel_loop3A_1439 = arith.index_cast %parallel_loop3A_1437 : i32 to index
        %parallel_loop3A_1440 = arith.constant 0 : index
        %parallel_loop3A_1441 = tpu.vector_load %arg8[%parallel_loop3A_1439, %parallel_loop3A_1440] {strides = array<i32>} : memref<128x64xf32, #tpu.memory_space<vmem>>, vector<16xf32>,
        %parallel_loop3A_1442 = arith.constant 8.000000e+00 : f32
        %parallel_loop3A_1443 = vector.broadcast %parallel_loop3A_1442 : f32 to vector<16xf32>
        %parallel_loop3A_1444 = arith.mulf %parallel_loop3A_1441, %parallel_loop3A_1443 : vector<16xf32>
        tpu.vector_store_idx %arg12[%add3A_5, %parallel_loop3A_1438], %parallel_loop3A_1444 : memref<64x129xf32, #tpu.memory_space<vmem>>[vector<16xi32>, vector<16xi32>], vector<16xf32>,
        %parallel_loop3A_1445 = arith.index_cast %parallel_loop3A_1437 : i32 to index
        %parallel_loop3A_1446 = arith.constant 16 : index
        %parallel_loop3A_1447 = tpu.vector_load %arg8[%parallel_loop3A_1445, %parallel_loop3A_1446] {strides = array<i32>} : memref<128x64xf32, #tpu.memory_space<vmem>>, vector<16xf32>,
        %parallel_loop3A_1448 = arith.constant 8.000000e+00 : f32
        %parallel_loop3A_1449 = vector.broadcast %parallel_loop3A_1448 : f32 to vector<16xf32>
        %parallel_loop3A_1450 = arith.mulf %parallel_loop3A_1447, %parallel_loop3A_1449 : vector<16xf32>
        tpu.vector_store_idx %arg12[%add3A_9, %parallel_loop3A_1438], %parallel_loop3A_1450 : memref<64x129xf32, #tpu.memory_space<vmem>>[vector<16xi32>, vector<16xi32>], vector<16xf32>,
        %parallel_loop3A_1451 = arith.index_cast %parallel_loop3A_1437 : i32 to index
        %parallel_loop3A_1452 = arith.constant 32 : index
        %parallel_loop3A_1453 = tpu.vector_load %arg8[%parallel_loop3A_1451, %parallel_loop3A_1452] {strides = array<i32>} : memref<128x64xf32, #tpu.memory_space<vmem>>, vector<16xf32>,
        %parallel_loop3A_1454 = arith.constant 8.000000e+00 : f32
        %parallel_loop3A_1455 = vector.broadcast %parallel_loop3A_1454 : f32 to vector<16xf32>
        %parallel_loop3A_1456 = arith.mulf %parallel_loop3A_1453, %parallel_loop3A_1455 : vector<16xf32>
        tpu.vector_store_idx %arg12[%add3A_13, %parallel_loop3A_1438], %parallel_loop3A_1456 : memref<64x129xf32, #tpu.memory_space<vmem>>[vector<16xi32>, vector<16xi32>], vector<16xf32>,
        %parallel_loop3A_1457 = arith.index_cast %parallel_loop3A_1437 : i32 to index
        %parallel_loop3A_1458 = arith.constant 48 : index
        %parallel_loop3A_1459 = tpu.vector_load %arg8[%parallel_loop3A_1457, %parallel_loop3A_1458] {strides = array<i32>} : memref<128x64xf32, #tpu.memory_space<vmem>>, vector<16xf32>,
        %parallel_loop3A_1460 = arith.constant 8.000000e+00 : f32
        %parallel_loop3A_1461 = vector.broadcast %parallel_loop3A_1460 : f32 to vector<16xf32>
        %parallel_loop3A_1462 = arith.mulf %parallel_loop3A_1459, %parallel_loop3A_1461 : vector<16xf32>
        tpu.vector_store_idx %arg12[%add3A_17, %parallel_loop3A_1438], %parallel_loop3A_1462 : memref<64x129xf32, #tpu.memory_space<vmem>>[vector<16xi32>, vector<16xi32>], vector<16xf32>,
      } {sc.loop_unroll_factor = 4 : i64, sc.parallel_access}
      %add3A_1073 = arith.addi %mul3A_2, %add3A_1050 : i32
      %jit3A_1074 = arith.constant 32 : i32
      %div3A_1075 = arith.divsi %add3A_1073, %jit3A_1074 : i32
      %sign3A_1076 = arith.constant 0 : i32
      %sign3A_1077 = arith.cmpi sgt, %add3A_1073, %sign3A_1076 : i32
      %sign3A_1078 = arith.extui %sign3A_1077 : i1 to i32
      %sign3A_1079 = arith.constant 0 : i32
      %sign3A_1080 = arith.cmpi slt, %add3A_1073, %sign3A_1079 : i32
      %sign3A_1081 = arith.extui %sign3A_1080 : i1 to i32
      %sign3A_1082 = arith.subi %sign3A_1078, %sign3A_1081 : i32
      %sign3A_1083 = arith.constant 0 : i32
      %sign3A_1084 = arith.cmpi sgt, %jit3A_1074, %sign3A_1083 : i32
      %sign3A_1085 = arith.extui %sign3A_1084 : i1 to i32
      %sign3A_1086 = arith.constant 0 : i32
      %sign3A_1087 = arith.cmpi slt, %jit3A_1074, %sign3A_1086 : i32
      %sign3A_1088 = arith.extui %sign3A_1087 : i1 to i32
      %sign3A_1089 = arith.subi %sign3A_1085, %sign3A_1088 : i32
      %ne3A_1090 = arith.cmpi ne, %sign3A_1082, %sign3A_1089 : i32
      %rem3A_1091 = arith.remsi %add3A_1073, %jit3A_1074 : i32
      %ne3A_1092 = arith.constant 0 : i32
      %ne3A_1093 = arith.cmpi ne, %rem3A_1091, %ne3A_1092 : i32
      %and3A_1094 = arith.andi %ne3A_1090, %ne3A_1093 : i1
      %sub3A_1095 = arith.constant 1 : i32
      %sub3A_1096 = arith.subi %div3A_1075, %sub3A_1095 : i32
      %select_n3A_1097 = arith.select %and3A_1094, %sub3A_1096, %div3A_1075 : i32
      %jit3A_1098 = arith.constant 32 : i32
      %eq3A_1099 = arith.constant 0 : i32
      %eq3A_1100 = arith.cmpi eq, %jit3A_1098, %eq3A_1099 : i32
      %jit3A_1101 = arith.constant 1 : i32
      %select_n3A_1102 = arith.select %eq3A_1100, %jit3A_1101, %jit3A_1098 : i32
      %rem3A_1103 = arith.remsi %add3A_1073, %select_n3A_1102 : i32
      %ne3A_1104 = arith.constant 0 : i32
      %ne3A_1105 = arith.cmpi ne, %rem3A_1103, %ne3A_1104 : i32
      %lt3A_1106 = arith.constant 0 : i32
      %lt3A_1107 = arith.cmpi slt, %rem3A_1103, %lt3A_1106 : i32
      %lt3A_1108 = arith.constant 0 : i32
      %lt3A_1109 = arith.cmpi slt, %select_n3A_1102, %lt3A_1108 : i32
      %ne3A_1110 = arith.xori %lt3A_1107, %lt3A_1109 : i1
      %and3A_1111 = arith.andi %ne3A_1110, %ne3A_1105 : i1
      %add3A_1112 = arith.addi %rem3A_1103, %select_n3A_1102 : i32
      %select_n3A_1113 = arith.select %and3A_1111, %add3A_1112, %rem3A_1103 : i32
      %dma_start3A_1114 = arith.constant 0 : i32
      %dma_start3A_1115 = arith.constant 0 : i32
      %dma_start3A_1116 = arith.constant 0 : i32
      %dma_start3A_1117 = tpu.memref_slice %arg12[%dma_start3A_1115, %dma_start3A_1116] : memref<64x129xf32, #tpu.memory_space<vmem>> -> memref<8x128xf32, #tpu.memory_space<vmem>>
      %dma_start3A_1118 = arith.constant 0 : i32
      %dma_start3A_1119 = arith.constant 0 : i32
      %dma_start3A_1120 = tpu.memref_slice %arg4[%select_n3A_1097, %dma_start3A_1114, %select_n3A_1113, %dma_start3A_1118, %dma_start3A_1119] : memref<200x8x32x8x128xf32, #tpu.memory_space<hbm>> -> memref<1x1x1x8x128xf32, #tpu.memory_space<hbm>>
      %dma_start3A_1121 = tpu.memref_squeeze %dma_start3A_1120 : memref<1x1x1x8x128xf32, #tpu.memory_space<hbm>> -> memref<8x128xf32, #tpu.memory_space<hbm>>
      %dma_start3A_1122 = arith.constant 0 : i32
      %dma_start3A_1123 = arith.constant 0 : i32
      %dma_start3A_1124 = tpu.memref_slice %arg4[%select_n3A_1097, %dma_start3A_1114, %select_n3A_1113, %dma_start3A_1122, %dma_start3A_1123] : memref<200x8x32x8x128xf32, #tpu.memory_space<hbm>> -> memref<1x1x1x8x128xf32, #tpu.memory_space<hbm>>
      %dma_start3A_1125 = tpu.memref_squeeze %dma_start3A_1124 : memref<1x1x1x8x128xf32, #tpu.memory_space<hbm>> -> memref<8x128xf32, #tpu.memory_space<hbm>>
      %dma_start3A_1126 = arith.constant 0 : i32
      %dma_start3A_1127 = arith.constant 0 : i32
      %dma_start3A_1128 = tpu.memref_slice %arg12[%dma_start3A_1126, %dma_start3A_1127] : memref<64x129xf32, #tpu.memory_space<vmem>> -> memref<8x128xf32, #tpu.memory_space<vmem>>
      tpu.enqueue_dma source(%dma_start3A_1128 : memref<8x128xf32, #tpu.memory_space<vmem>>) target(%dma_start3A_1125 : memref<8x128xf32, #tpu.memory_space<hbm>>) target_semaphore(%arg24 : memref<!tpu.dma_semaphore, #tpu.memory_space<semaphore_mem>>)
      %dma_start3A_1129 = arith.constant 1 : i32
      %dma_start3A_1130 = arith.constant 8 : i32
      %dma_start3A_1131 = arith.constant 0 : i32
      %dma_start3A_1132 = tpu.memref_slice %arg12[%dma_start3A_1130, %dma_start3A_1131] : memref<64x129xf32, #tpu.memory_space<vmem>> -> memref<8x128xf32, #tpu.memory_space<vmem>>
      %dma_start3A_1133 = arith.constant 0 : i32
      %dma_start3A_1134 = arith.constant 0 : i32
      %dma_start3A_1135 = tpu.memref_slice %arg4[%select_n3A_1097, %dma_start3A_1129, %select_n3A_1113, %dma_start3A_1133, %dma_start3A_1134] : memref<200x8x32x8x128xf32, #tpu.memory_space<hbm>> -> memref<1x1x1x8x128xf32, #tpu.memory_space<hbm>>
      %dma_start3A_1136 = tpu.memref_squeeze %dma_start3A_1135 : memref<1x1x1x8x128xf32, #tpu.memory_space<hbm>> -> memref<8x128xf32, #tpu.memory_space<hbm>>
      %dma_start3A_1137 = arith.constant 0 : i32
      %dma_start3A_1138 = arith.constant 0 : i32
      %dma_start3A_1139 = tpu.memref_slice %arg4[%select_n3A_1097, %dma_start3A_1129, %select_n3A_1113, %dma_start3A_1137, %dma_start3A_1138] : memref<200x8x32x8x128xf32, #tpu.memory_space<hbm>> -> memref<1x1x1x8x128xf32, #tpu.memory_space<hbm>>
      %dma_start3A_1140 = tpu.memref_squeeze %dma_start3A_1139 : memref<1x1x1x8x128xf32, #tpu.memory_space<hbm>> -> memref<8x128xf32, #tpu.memory_space<hbm>>
      %dma_start3A_1141 = arith.constant 8 : i32
      %dma_start3A_1142 = arith.constant 0 : i32
      %dma_start3A_1143 = tpu.memref_slice %arg12[%dma_start3A_1141, %dma_start3A_1142] : memref<64x129xf32, #tpu.memory_space<vmem>> -> memref<8x128xf32, #tpu.memory_space<vmem>>
      tpu.enqueue_dma source(%dma_start3A_1143 : memref<8x128xf32, #tpu.memory_space<vmem>>) target(%dma_start3A_1140 : memref<8x128xf32, #tpu.memory_space<hbm>>) target_semaphore(%arg24 : memref<!tpu.dma_semaphore, #tpu.memory_space<semaphore_mem>>)
      %dma_start3A_1144 = arith.constant 2 : i32
      %dma_start3A_1145 = arith.constant 16 : i32
      %dma_start3A_1146 = arith.constant 0 : i32
      %dma_start3A_1147 = tpu.memref_slice %arg12[%dma_start3A_1145, %dma_start3A_1146] : memref<64x129xf32, #tpu.memory_space<vmem>> -> memref<8x128xf32, #tpu.memory_space<vmem>>
      %dma_start3A_1148 = arith.constant 0 : i32
      %dma_start3A_1149 = arith.constant 0 : i32
      %dma_start3A_1150 = tpu.memref_slice %arg4[%select_n3A_1097, %dma_start3A_1144, %select_n3A_1113, %dma_start3A_1148, %dma_start3A_1149] : memref<200x8x32x8x128xf32, #tpu.memory_space<hbm>> -> memref<1x1x1x8x128xf32, #tpu.memory_space<hbm>>
      %dma_start3A_1151 = tpu.memref_squeeze %dma_start3A_1150 : memref<1x1x1x8x128xf32, #tpu.memory_space<hbm>> -> memref<8x128xf32, #tpu.memory_space<hbm>>
      %dma_start3A_1152 = arith.constant 0 : i32
      %dma_start3A_1153 = arith.constant 0 : i32
      %dma_start3A_1154 = tpu.memref_slice %arg4[%select_n3A_1097, %dma_start3A_1144, %select_n3A_1113, %dma_start3A_1152, %dma_start3A_1153] : memref<200x8x32x8x128xf32, #tpu.memory_space<hbm>> -> memref<1x1x1x8x128xf32, #tpu.memory_space<hbm>>
      %dma_start3A_1155 = tpu.memref_squeeze %dma_start3A_1154 : memref<1x1x1x8x128xf32, #tpu.memory_space<hbm>> -> memref<8x128xf32, #tpu.memory_space<hbm>>
      %dma_start3A_1156 = arith.constant 16 : i32
      %dma_start3A_1157 = arith.constant 0 : i32
      %dma_start3A_1158 = tpu.memref_slice %arg12[%dma_start3A_1156, %dma_start3A_1157] : memref<64x129xf32, #tpu.memory_space<vmem>> -> memref<8x128xf32, #tpu.memory_space<vmem>>
      tpu.enqueue_dma source(%dma_start3A_1158 : memref<8x128xf32, #tpu.memory_space<vmem>>) target(%dma_start3A_1155 : memref<8x128xf32, #tpu.memory_space<hbm>>) target_semaphore(%arg24 : memref<!tpu.dma_semaphore, #tpu.memory_space<semaphore_mem>>)
      %dma_start3A_1159 = arith.constant 3 : i32
      %dma_start3A_1160 = arith.constant 24 : i32
      %dma_start3A_1161 = arith.constant 0 : i32
      %dma_start3A_1162 = tpu.memref_slice %arg12[%dma_start3A_1160, %dma_start3A_1161] : memref<64x129xf32, #tpu.memory_space<vmem>> -> memref<8x128xf32, #tpu.memory_space<vmem>>
      %dma_start3A_1163 = arith.constant 0 : i32
      %dma_start3A_1164 = arith.constant 0 : i32
      %dma_start3A_1165 = tpu.memref_slice %arg4[%select_n3A_1097, %dma_start3A_1159, %select_n3A_1113, %dma_start3A_1163, %dma_start3A_1164] : memref<200x8x32x8x128xf32, #tpu.memory_space<hbm>> -> memref<1x1x1x8x128xf32, #tpu.memory_space<hbm>>
      %dma_start3A_1166 = tpu.memref_squeeze %dma_start3A_1165 : memref<1x1x1x8x128xf32, #tpu.memory_space<hbm>> -> memref<8x128xf32, #tpu.memory_space<hbm>>
      %dma_start3A_1167 = arith.constant 0 : i32
      %dma_start3A_1168 = arith.constant 0 : i32
      %dma_start3A_1169 = tpu.memref_slice %arg4[%select_n3A_1097, %dma_start3A_1159, %select_n3A_1113, %dma_start3A_1167, %dma_start3A_1168] : memref<200x8x32x8x128xf32, #tpu.memory_space<hbm>> -> memref<1x1x1x8x128xf32, #tpu.memory_space<hbm>>
      %dma_start3A_1170 = tpu.memref_squeeze %dma_start3A_1169 : memref<1x1x1x8x128xf32, #tpu.memory_space<hbm>> -> memref<8x128xf32, #tpu.memory_space<hbm>>
      %dma_start3A_1171 = arith.constant 24 : i32
      %dma_start3A_1172 = arith.constant 0 : i32
      %dma_start3A_1173 = tpu.memref_slice %arg12[%dma_start3A_1171, %dma_start3A_1172] : memref<64x129xf32, #tpu.memory_space<vmem>> -> memref<8x128xf32, #tpu.memory_space<vmem>>
      tpu.enqueue_dma source(%dma_start3A_1173 : memref<8x128xf32, #tpu.memory_space<vmem>>) target(%dma_start3A_1170 : memref<8x128xf32, #tpu.memory_space<hbm>>) target_semaphore(%arg24 : memref<!tpu.dma_semaphore, #tpu.memory_space<semaphore_mem>>)
      %dma_start3A_1174 = arith.constant 4 : i32
      %dma_start3A_1175 = arith.constant 32 : i32
      %dma_start3A_1176 = arith.constant 0 : i32
      %dma_start3A_1177 = tpu.memref_slice %arg12[%dma_start3A_1175, %dma_start3A_1176] : memref<64x129xf32, #tpu.memory_space<vmem>> -> memref<8x128xf32, #tpu.memory_space<vmem>>
      %dma_start3A_1178 = arith.constant 0 : i32
      %dma_start3A_1179 = arith.constant 0 : i32
      %dma_start3A_1180 = tpu.memref_slice %arg4[%select_n3A_1097, %dma_start3A_1174, %select_n3A_1113, %dma_start3A_1178, %dma_start3A_1179] : memref<200x8x32x8x128xf32, #tpu.memory_space<hbm>> -> memref<1x1x1x8x128xf32, #tpu.memory_space<hbm>>
      %dma_start3A_1181 = tpu.memref_squeeze %dma_start3A_1180 : memref<1x1x1x8x128xf32, #tpu.memory_space<hbm>> -> memref<8x128xf32, #tpu.memory_space<hbm>>
      %dma_start3A_1182 = arith.constant 0 : i32
      %dma_start3A_1183 = arith.constant 0 : i32
      %dma_start3A_1184 = tpu.memref_slice %arg4[%select_n3A_1097, %dma_start3A_1174, %select_n3A_1113, %dma_start3A_1182, %dma_start3A_1183] : memref<200x8x32x8x128xf32, #tpu.memory_space<hbm>> -> memref<1x1x1x8x128xf32, #tpu.memory_space<hbm>>
      %dma_start3A_1185 = tpu.memref_squeeze %dma_start3A_1184 : memref<1x1x1x8x128xf32, #tpu.memory_space<hbm>> -> memref<8x128xf32, #tpu.memory_space<hbm>>
      %dma_start3A_1186 = arith.constant 32 : i32
      %dma_start3A_1187 = arith.constant 0 : i32
      %dma_start3A_1188 = tpu.memref_slice %arg12[%dma_start3A_1186, %dma_start3A_1187] : memref<64x129xf32, #tpu.memory_space<vmem>> -> memref<8x128xf32, #tpu.memory_space<vmem>>
      tpu.enqueue_dma source(%dma_start3A_1188 : memref<8x128xf32, #tpu.memory_space<vmem>>) target(%dma_start3A_1185 : memref<8x128xf32, #tpu.memory_space<hbm>>) target_semaphore(%arg24 : memref<!tpu.dma_semaphore, #tpu.memory_space<semaphore_mem>>)
      %dma_start3A_1189 = arith.constant 5 : i32
      %dma_start3A_1190 = arith.constant 40 : i32
      %dma_start3A_1191 = arith.constant 0 : i32
      %dma_start3A_1192 = tpu.memref_slice %arg12[%dma_start3A_1190, %dma_start3A_1191] : memref<64x129xf32, #tpu.memory_space<vmem>> -> memref<8x128xf32, #tpu.memory_space<vmem>>
      %dma_start3A_1193 = arith.constant 0 : i32
      %dma_start3A_1194 = arith.constant 0 : i32
      %dma_start3A_1195 = tpu.memref_slice %arg4[%select_n3A_1097, %dma_start3A_1189, %select_n3A_1113, %dma_start3A_1193, %dma_start3A_1194] : memref<200x8x32x8x128xf32, #tpu.memory_space<hbm>> -> memref<1x1x1x8x128xf32, #tpu.memory_space<hbm>>
      %dma_start3A_1196 = tpu.memref_squeeze %dma_start3A_1195 : memref<1x1x1x8x128xf32, #tpu.memory_space<hbm>> -> memref<8x128xf32, #tpu.memory_space<hbm>>
      %dma_start3A_1197 = arith.constant 0 : i32
      %dma_start3A_1198 = arith.constant 0 : i32
      %dma_start3A_1199 = tpu.memref_slice %arg4[%select_n3A_1097, %dma_start3A_1189, %select_n3A_1113, %dma_start3A_1197, %dma_start3A_1198] : memref<200x8x32x8x128xf32, #tpu.memory_space<hbm>> -> memref<1x1x1x8x128xf32, #tpu.memory_space<hbm>>
      %dma_start3A_1200 = tpu.memref_squeeze %dma_start3A_1199 : memref<1x1x1x8x128xf32, #tpu.memory_space<hbm>> -> memref<8x128xf32, #tpu.memory_space<hbm>>
      %dma_start3A_1201 = arith.constant 40 : i32
      %dma_start3A_1202 = arith.constant 0 : i32
      %dma_start3A_1203 = tpu.memref_slice %arg12[%dma_start3A_1201, %dma_start3A_1202] : memref<64x129xf32, #tpu.memory_space<vmem>> -> memref<8x128xf32, #tpu.memory_space<vmem>>
      tpu.enqueue_dma source(%dma_start3A_1203 : memref<8x128xf32, #tpu.memory_space<vmem>>) target(%dma_start3A_1200 : memref<8x128xf32, #tpu.memory_space<hbm>>) target_semaphore(%arg24 : memref<!tpu.dma_semaphore, #tpu.memory_space<semaphore_mem>>)
      %dma_start3A_1204 = arith.constant 6 : i32
      %dma_start3A_1205 = arith.constant 48 : i32
      %dma_start3A_1206 = arith.constant 0 : i32
      %dma_start3A_1207 = tpu.memref_slice %arg12[%dma_start3A_1205, %dma_start3A_1206] : memref<64x129xf32, #tpu.memory_space<vmem>> -> memref<8x128xf32, #tpu.memory_space<vmem>>
      %dma_start3A_1208 = arith.constant 0 : i32
      %dma_start3A_1209 = arith.constant 0 : i32
      %dma_start3A_1210 = tpu.memref_slice %arg4[%select_n3A_1097, %dma_start3A_1204, %select_n3A_1113, %dma_start3A_1208, %dma_start3A_1209] : memref<200x8x32x8x128xf32, #tpu.memory_space<hbm>> -> memref<1x1x1x8x128xf32, #tpu.memory_space<hbm>>
      %dma_start3A_1211 = tpu.memref_squeeze %dma_start3A_1210 : memref<1x1x1x8x128xf32, #tpu.memory_space<hbm>> -> memref<8x128xf32, #tpu.memory_space<hbm>>
      %dma_start3A_1212 = arith.constant 0 : i32
      %dma_start3A_1213 = arith.constant 0 : i32
      %dma_start3A_1214 = tpu.memref_slice %arg4[%select_n3A_1097, %dma_start3A_1204, %select_n3A_1113, %dma_start3A_1212, %dma_start3A_1213] : memref<200x8x32x8x128xf32, #tpu.memory_space<hbm>> -> memref<1x1x1x8x128xf32, #tpu.memory_space<hbm>>
      %dma_start3A_1215 = tpu.memref_squeeze %dma_start3A_1214 : memref<1x1x1x8x128xf32, #tpu.memory_space<hbm>> -> memref<8x128xf32, #tpu.memory_space<hbm>>
      %dma_start3A_1216 = arith.constant 48 : i32
      %dma_start3A_1217 = arith.constant 0 : i32
      %dma_start3A_1218 = tpu.memref_slice %arg12[%dma_start3A_1216, %dma_start3A_1217] : memref<64x129xf32, #tpu.memory_space<vmem>> -> memref<8x128xf32, #tpu.memory_space<vmem>>
      tpu.enqueue_dma source(%dma_start3A_1218 : memref<8x128xf32, #tpu.memory_space<vmem>>) target(%dma_start3A_1215 : memref<8x128xf32, #tpu.memory_space<hbm>>) target_semaphore(%arg24 : memref<!tpu.dma_semaphore, #tpu.memory_space<semaphore_mem>>)
      %dma_start3A_1219 = arith.constant 7 : i32
      %dma_start3A_1220 = arith.constant 56 : i32
      %dma_start3A_1221 = arith.constant 0 : i32
      %dma_start3A_1222 = tpu.memref_slice %arg12[%dma_start3A_1220, %dma_start3A_1221] : memref<64x129xf32, #tpu.memory_space<vmem>> -> memref<8x128xf32, #tpu.memory_space<vmem>>
      %dma_start3A_1223 = arith.constant 0 : i32
      %dma_start3A_1224 = arith.constant 0 : i32
      %dma_start3A_1225 = tpu.memref_slice %arg4[%select_n3A_1097, %dma_start3A_1219, %select_n3A_1113, %dma_start3A_1223, %dma_start3A_1224] : memref<200x8x32x8x128xf32, #tpu.memory_space<hbm>> -> memref<1x1x1x8x128xf32, #tpu.memory_space<hbm>>
      %dma_start3A_1226 = tpu.memref_squeeze %dma_start3A_1225 : memref<1x1x1x8x128xf32, #tpu.memory_space<hbm>> -> memref<8x128xf32, #tpu.memory_space<hbm>>
      %dma_start3A_1227 = arith.constant 0 : i32
      %dma_start3A_1228 = arith.constant 0 : i32
      %dma_start3A_1229 = tpu.memref_slice %arg4[%select_n3A_1097, %dma_start3A_1219, %select_n3A_1113, %dma_start3A_1227, %dma_start3A_1228] : memref<200x8x32x8x128xf32, #tpu.memory_space<hbm>> -> memref<1x1x1x8x128xf32, #tpu.memory_space<hbm>>
      %dma_start3A_1230 = tpu.memref_squeeze %dma_start3A_1229 : memref<1x1x1x8x128xf32, #tpu.memory_space<hbm>> -> memref<8x128xf32, #tpu.memory_space<hbm>>
      %dma_start3A_1231 = arith.constant 56 : i32
      %dma_start3A_1232 = arith.constant 0 : i32
      %dma_start3A_1233 = tpu.memref_slice %arg12[%dma_start3A_1231, %dma_start3A_1232] : memref<64x129xf32, #tpu.memory_space<vmem>> -> memref<8x128xf32, #tpu.memory_space<vmem>>
      tpu.enqueue_dma source(%dma_start3A_1233 : memref<8x128xf32, #tpu.memory_space<vmem>>) target(%dma_start3A_1230 : memref<8x128xf32, #tpu.memory_space<hbm>>) target_semaphore(%arg24 : memref<!tpu.dma_semaphore, #tpu.memory_space<semaphore_mem>>)
      %add3A_1234 = arith.constant 4 : i32
      %add3A_1235 = arith.addi %add3A_1050, %add3A_1234 : i32
      %sub3A_1236 = arith.constant 1 : i32
      %sub3A_1237 = arith.subi %add3A_1235, %sub3A_1236 : i32
      %lt3A_1238 = arith.constant 200 : i32
      %lt3A_1239 = arith.cmpi slt, %sub3A_1237, %lt3A_1238 : i32
      %convert_element_type3A_1240 = arith.extui %lt3A_1239 : i1 to i32
      %cond3A_1241 = arith.constant 0 : i32
      %cond3A_1242 = arith.cmpi ne, %convert_element_type3A_1240, %cond3A_1241 : i32
      scf.if %cond3A_1242 {
        %dma_wait3A_1437 = arith.constant 1 : i32
        %dma_wait3A_1438 = arith.constant 0 : i32
        %dma_wait3A_1439 = tpu.memref_slice %arg5[%dma_wait3A_1437, %dma_wait3A_1438] : memref<4x128xi32, #tpu.memory_space<vmem>> -> memref<1x128xi32, #tpu.memory_space<vmem>>
        %dma_wait3A_1440 = tpu.memref_squeeze %dma_wait3A_1439 : memref<1x128xi32, #tpu.memory_space<vmem>> -> memref<128xi32, #tpu.memory_space<vmem>>
        %dma_wait3A_1441 = arith.constant 0 : i32
        %dma_wait3A_1442 = tpu.memref_slice %arg2[%dma_wait3A_1441] : memref<819200xi32, #tpu.memory_space<hbm>> -> memref<128xi32, #tpu.memory_space<hbm>>
        %dma_wait3A_1443 = arith.constant 0 : i32
        %dma_wait3A_1444 = tpu.memref_slice %arg5[%dma_wait3A_1437, %dma_wait3A_1443] : memref<4x128xi32, #tpu.memory_space<vmem>> -> memref<1x128xi32, #tpu.memory_space<vmem>>
        %dma_wait3A_1445 = tpu.memref_squeeze %dma_wait3A_1444 : memref<1x128xi32, #tpu.memory_space<vmem>> -> memref<128xi32, #tpu.memory_space<vmem>>
        %dma_wait3A_1446 = arith.constant 0 : i32
        %dma_wait3A_1447 = tpu.memref_slice %arg2[%dma_wait3A_1446] : memref<819200xi32, #tpu.memory_space<hbm>> -> memref<128xi32, #tpu.memory_space<hbm>>
        tpu.wait_dma2 semaphore(%arg15 : memref<!tpu.dma_semaphore, #tpu.memory_space<semaphore_mem>>) src(%dma_wait3A_1447 : memref<128xi32, #tpu.memory_space<hbm>>) dst(%dma_wait3A_1445 : memref<128xi32, #tpu.memory_space<vmem>>)
        %dma_start3A_1448 = arith.constant 1 : i32
        %dma_start3A_1449 = arith.constant 0 : i32
        %dma_start3A_1450 = tpu.memref_slice %arg5[%dma_start3A_1448, %dma_start3A_1449] : memref<4x128xi32, #tpu.memory_space<vmem>> -> memref<1x128xi32, #tpu.memory_space<vmem>>
        %dma_start3A_1451 = tpu.memref_squeeze %dma_start3A_1450 : memref<1x128xi32, #tpu.memory_space<vmem>> -> memref<128xi32, #tpu.memory_space<vmem>>
        %dma_start3A_1452 = arith.constant 0 : i32
        %dma_start3A_1453 = arith.constant 0 : i32
        %dma_start3A_1454 = tpu.memref_slice %arg3[%dma_start3A_1452, %dma_start3A_1453] : memref<1000000x64xf32, #tpu.memory_space<hbm>> -> memref<1000000x64xf32, #tpu.memory_space<hbm>>
        tpu.enqueue_indirect_dma source(%dma_start3A_1454 : memref<1000000x64xf32, #tpu.memory_space<hbm>>) target(%arg7 : memref<128x64xf32, #tpu.memory_space<vmem>>) offsets(%dma_start3A_1451 : memref<128xi32, #tpu.memory_space<vmem>>) semaphore(%arg19 : memref<!tpu.dma_semaphore, #tpu.memory_space<semaphore_mem>>)
      } else {
      }
      %add3A_1243 = arith.constant 3 : i32
      %add3A_1244 = arith.addi %add3A_674, %add3A_1243 : i32
      %dma_wait3A_1245 = arith.constant 3 : i32
      %dma_wait3A_1246 = arith.constant 0 : i32
      %dma_wait3A_1247 = tpu.memref_slice %arg5[%dma_wait3A_1245, %dma_wait3A_1246] : memref<4x128xi32, #tpu.memory_space<vmem>> -> memref<1x128xi32, #tpu.memory_space<vmem>>
      %dma_wait3A_1248 = tpu.memref_squeeze %dma_wait3A_1247 : memref<1x128xi32, #tpu.memory_space<vmem>> -> memref<128xi32, #tpu.memory_space<vmem>>
      %dma_wait3A_1249 = arith.constant 0 : i32
      %dma_wait3A_1250 = arith.constant 0 : i32
      %dma_wait3A_1251 = tpu.memref_slice %arg3[%dma_wait3A_1249, %dma_wait3A_1250] : memref<1000000x64xf32, #tpu.memory_space<hbm>> -> memref<1000000x64xf32, #tpu.memory_space<hbm>>
      tpu.wait_indirect_dma semaphore(%arg21 : memref<!tpu.dma_semaphore, #tpu.memory_space<semaphore_mem>>) src(%dma_wait3A_1251 : memref<1000000x64xf32, #tpu.memory_space<hbm>>) dst(%arg9 : memref<128x64xf32, #tpu.memory_space<vmem>>)
      %add3A_1252 = arith.constant 4 : i32
      %add3A_1253 = arith.addi %add3A_1244, %add3A_1252 : i32
      %lt3A_1254 = arith.constant 200 : i32
      %lt3A_1255 = arith.cmpi slt, %add3A_1253, %lt3A_1254 : i32
      %convert_element_type3A_1256 = arith.extui %lt3A_1255 : i1 to i32
      %cond3A_1257 = arith.constant 0 : i32
      %cond3A_1258 = arith.cmpi ne, %convert_element_type3A_1256, %cond3A_1257 : i32
      scf.if %cond3A_1258 {
        %add3A_1437 = arith.addi %mul3A_2, %add3A_1244 : i32
        %add3A_1438 = arith.constant 4 : i32
        %add3A_1439 = arith.addi %add3A_1437, %add3A_1438 : i32
        %mul3A_1440 = arith.constant 128 : i32
        %mul3A_1441 = arith.muli %add3A_1439, %mul3A_1440 : i32
        %dma_start3A_1442 = arith.constant 3 : i32
        %dma_start3A_1443 = arith.constant 0 : i32
        %dma_start3A_1444 = tpu.memref_slice %arg5[%dma_start3A_1442, %dma_start3A_1443] : memref<4x128xi32, #tpu.memory_space<vmem>> -> memref<1x128xi32, #tpu.memory_space<vmem>>
        %dma_start3A_1445 = tpu.memref_squeeze %dma_start3A_1444 : memref<1x128xi32, #tpu.memory_space<vmem>> -> memref<128xi32, #tpu.memory_space<vmem>>
        %dma_start3A_1446 = tpu.memref_slice %arg2[%mul3A_1441] : memref<819200xi32, #tpu.memory_space<hbm>> -> memref<128xi32, #tpu.memory_space<hbm>>
        %dma_start3A_1447 = arith.constant 0 : i32
        %dma_start3A_1448 = tpu.memref_slice %arg5[%dma_start3A_1442, %dma_start3A_1447] : memref<4x128xi32, #tpu.memory_space<vmem>> -> memref<1x128xi32, #tpu.memory_space<vmem>>
        %dma_start3A_1449 = tpu.memref_squeeze %dma_start3A_1448 : memref<1x128xi32, #tpu.memory_space<vmem>> -> memref<128xi32, #tpu.memory_space<vmem>>
        %dma_start3A_1450 = tpu.memref_slice %arg2[%mul3A_1441] : memref<819200xi32, #tpu.memory_space<hbm>> -> memref<128xi32, #tpu.memory_space<hbm>>
        tpu.enqueue_dma source(%dma_start3A_1450 : memref<128xi32, #tpu.memory_space<hbm>>) target(%dma_start3A_1449 : memref<128xi32, #tpu.memory_space<vmem>>) target_semaphore(%arg17 : memref<!tpu.dma_semaphore, #tpu.memory_space<semaphore_mem>>)
      } else {
      }
      %ge3A_1259 = arith.constant 4 : i32
      %ge3A_1260 = arith.cmpi sge, %add3A_1244, %ge3A_1259 : i32
      %convert_element_type3A_1261 = arith.extui %ge3A_1260 : i1 to i32
      %cond3A_1262 = arith.constant 0 : i32
      %cond3A_1263 = arith.cmpi ne, %convert_element_type3A_1261, %cond3A_1262 : i32
      scf.if %cond3A_1263 {
        %dma_wait3A_1437 = arith.constant 0 : i32
        %dma_wait3A_1438 = arith.constant 0 : i32
        %dma_wait3A_1439 = arith.constant 0 : i32
        %dma_wait3A_1440 = arith.constant 0 : i32
        %dma_wait3A_1441 = arith.constant 0 : i32
        %dma_wait3A_1442 = tpu.memref_slice %arg13[%dma_wait3A_1440, %dma_wait3A_1441] : memref<64x129xf32, #tpu.memory_space<vmem>> -> memref<8x128xf32, #tpu.memory_space<vmem>>
        %dma_wait3A_1443 = arith.constant 0 : i32
        %dma_wait3A_1444 = arith.constant 0 : i32
        %dma_wait3A_1445 = tpu.memref_slice %arg4[%dma_wait3A_1437, %dma_wait3A_1438, %dma_wait3A_1439, %dma_wait3A_1443, %dma_wait3A_1444] : memref<200x8x32x8x128xf32, #tpu.memory_space<hbm>> -> memref<1x1x1x8x128xf32, #tpu.memory_space<hbm>>
        %dma_wait3A_1446 = tpu.memref_squeeze %dma_wait3A_1445 : memref<1x1x1x8x128xf32, #tpu.memory_space<hbm>> -> memref<8x128xf32, #tpu.memory_space<hbm>>
        %dma_wait3A_1447 = arith.constant 0 : i32
        %dma_wait3A_1448 = arith.constant 0 : i32
        %dma_wait3A_1449 = tpu.memref_slice %arg4[%dma_wait3A_1437, %dma_wait3A_1438, %dma_wait3A_1439, %dma_wait3A_1447, %dma_wait3A_1448] : memref<200x8x32x8x128xf32, #tpu.memory_space<hbm>> -> memref<1x1x1x8x128xf32, #tpu.memory_space<hbm>>
        %dma_wait3A_1450 = tpu.memref_squeeze %dma_wait3A_1449 : memref<1x1x1x8x128xf32, #tpu.memory_space<hbm>> -> memref<8x128xf32, #tpu.memory_space<hbm>>
        %dma_wait3A_1451 = arith.constant 0 : i32
        %dma_wait3A_1452 = arith.constant 0 : i32
        %dma_wait3A_1453 = tpu.memref_slice %arg13[%dma_wait3A_1451, %dma_wait3A_1452] : memref<64x129xf32, #tpu.memory_space<vmem>> -> memref<8x128xf32, #tpu.memory_space<vmem>>
        tpu.wait_dma2 semaphore(%arg25 : memref<!tpu.dma_semaphore, #tpu.memory_space<semaphore_mem>>) src(%dma_wait3A_1453 : memref<8x128xf32, #tpu.memory_space<vmem>>) dst(%dma_wait3A_1450 : memref<8x128xf32, #tpu.memory_space<hbm>>)
        %dma_wait3A_1454 = arith.constant 0 : i32
        %dma_wait3A_1455 = arith.constant 1 : i32
        %dma_wait3A_1456 = arith.constant 0 : i32
        %dma_wait3A_1457 = arith.constant 8 : i32
        %dma_wait3A_1458 = arith.constant 0 : i32
        %dma_wait3A_1459 = tpu.memref_slice %arg13[%dma_wait3A_1457, %dma_wait3A_1458] : memref<64x129xf32, #tpu.memory_space<vmem>> -> memref<8x128xf32, #tpu.memory_space<vmem>>
        %dma_wait3A_1460 = arith.constant 0 : i32
        %dma_wait3A_1461 = arith.constant 0 : i32
        %dma_wait3A_1462 = tpu.memref_slice %arg4[%dma_wait3A_1454, %dma_wait3A_1455, %dma_wait3A_1456, %dma_wait3A_1460, %dma_wait3A_1461] : memref<200x8x32x8x128xf32, #tpu.memory_space<hbm>> -> memref<1x1x1x8x128xf32, #tpu.memory_space<hbm>>
        %dma_wait3A_1463 = tpu.memref_squeeze %dma_wait3A_1462 : memref<1x1x1x8x128xf32, #tpu.memory_space<hbm>> -> memref<8x128xf32, #tpu.memory_space<hbm>>
        %dma_wait3A_1464 = arith.constant 0 : i32
        %dma_wait3A_1465 = arith.constant 0 : i32
        %dma_wait3A_1466 = tpu.memref_slice %arg4[%dma_wait3A_1454, %dma_wait3A_1455, %dma_wait3A_1456, %dma_wait3A_1464, %dma_wait3A_1465] : memref<200x8x32x8x128xf32, #tpu.memory_space<hbm>> -> memref<1x1x1x8x128xf32, #tpu.memory_space<hbm>>
        %dma_wait3A_1467 = tpu.memref_squeeze %dma_wait3A_1466 : memref<1x1x1x8x128xf32, #tpu.memory_space<hbm>> -> memref<8x128xf32, #tpu.memory_space<hbm>>
        %dma_wait3A_1468 = arith.constant 8 : i32
        %dma_wait3A_1469 = arith.constant 0 : i32
        %dma_wait3A_1470 = tpu.memref_slice %arg13[%dma_wait3A_1468, %dma_wait3A_1469] : memref<64x129xf32, #tpu.memory_space<vmem>> -> memref<8x128xf32, #tpu.memory_space<vmem>>
        tpu.wait_dma2 semaphore(%arg25 : memref<!tpu.dma_semaphore, #tpu.memory_space<semaphore_mem>>) src(%dma_wait3A_1470 : memref<8x128xf32, #tpu.memory_space<vmem>>) dst(%dma_wait3A_1467 : memref<8x128xf32, #tpu.memory_space<hbm>>)
        %dma_wait3A_1471 = arith.constant 0 : i32
        %dma_wait3A_1472 = arith.constant 2 : i32
        %dma_wait3A_1473 = arith.constant 0 : i32
        %dma_wait3A_1474 = arith.constant 16 : i32
        %dma_wait3A_1475 = arith.constant 0 : i32
        %dma_wait3A_1476 = tpu.memref_slice %arg13[%dma_wait3A_1474, %dma_wait3A_1475] : memref<64x129xf32, #tpu.memory_space<vmem>> -> memref<8x128xf32, #tpu.memory_space<vmem>>
        %dma_wait3A_1477 = arith.constant 0 : i32
        %dma_wait3A_1478 = arith.constant 0 : i32
        %dma_wait3A_1479 = tpu.memref_slice %arg4[%dma_wait3A_1471, %dma_wait3A_1472, %dma_wait3A_1473, %dma_wait3A_1477, %dma_wait3A_1478] : memref<200x8x32x8x128xf32, #tpu.memory_space<hbm>> -> memref<1x1x1x8x128xf32, #tpu.memory_space<hbm>>
        %dma_wait3A_1480 = tpu.memref_squeeze %dma_wait3A_1479 : memref<1x1x1x8x128xf32, #tpu.memory_space<hbm>> -> memref<8x128xf32, #tpu.memory_space<hbm>>
        %dma_wait3A_1481 = arith.constant 0 : i32
        %dma_wait3A_1482 = arith.constant 0 : i32
        %dma_wait3A_1483 = tpu.memref_slice %arg4[%dma_wait3A_1471, %dma_wait3A_1472, %dma_wait3A_1473, %dma_wait3A_1481, %dma_wait3A_1482] : memref<200x8x32x8x128xf32, #tpu.memory_space<hbm>> -> memref<1x1x1x8x128xf32, #tpu.memory_space<hbm>>
        %dma_wait3A_1484 = tpu.memref_squeeze %dma_wait3A_1483 : memref<1x1x1x8x128xf32, #tpu.memory_space<hbm>> -> memref<8x128xf32, #tpu.memory_space<hbm>>
        %dma_wait3A_1485 = arith.constant 16 : i32
        %dma_wait3A_1486 = arith.constant 0 : i32
        %dma_wait3A_1487 = tpu.memref_slice %arg13[%dma_wait3A_1485, %dma_wait3A_1486] : memref<64x129xf32, #tpu.memory_space<vmem>> -> memref<8x128xf32, #tpu.memory_space<vmem>>
        tpu.wait_dma2 semaphore(%arg25 : memref<!tpu.dma_semaphore, #tpu.memory_space<semaphore_mem>>) src(%dma_wait3A_1487 : memref<8x128xf32, #tpu.memory_space<vmem>>) dst(%dma_wait3A_1484 : memref<8x128xf32, #tpu.memory_space<hbm>>)
        %dma_wait3A_1488 = arith.constant 0 : i32
        %dma_wait3A_1489 = arith.constant 3 : i32
        %dma_wait3A_1490 = arith.constant 0 : i32
        %dma_wait3A_1491 = arith.constant 24 : i32
        %dma_wait3A_1492 = arith.constant 0 : i32
        %dma_wait3A_1493 = tpu.memref_slice %arg13[%dma_wait3A_1491, %dma_wait3A_1492] : memref<64x129xf32, #tpu.memory_space<vmem>> -> memref<8x128xf32, #tpu.memory_space<vmem>>
        %dma_wait3A_1494 = arith.constant 0 : i32
        %dma_wait3A_1495 = arith.constant 0 : i32
        %dma_wait3A_1496 = tpu.memref_slice %arg4[%dma_wait3A_1488, %dma_wait3A_1489, %dma_wait3A_1490, %dma_wait3A_1494, %dma_wait3A_1495] : memref<200x8x32x8x128xf32, #tpu.memory_space<hbm>> -> memref<1x1x1x8x128xf32, #tpu.memory_space<hbm>>
        %dma_wait3A_1497 = tpu.memref_squeeze %dma_wait3A_1496 : memref<1x1x1x8x128xf32, #tpu.memory_space<hbm>> -> memref<8x128xf32, #tpu.memory_space<hbm>>
        %dma_wait3A_1498 = arith.constant 0 : i32
        %dma_wait3A_1499 = arith.constant 0 : i32
        %dma_wait3A_1500 = tpu.memref_slice %arg4[%dma_wait3A_1488, %dma_wait3A_1489, %dma_wait3A_1490, %dma_wait3A_1498, %dma_wait3A_1499] : memref<200x8x32x8x128xf32, #tpu.memory_space<hbm>> -> memref<1x1x1x8x128xf32, #tpu.memory_space<hbm>>
        %dma_wait3A_1501 = tpu.memref_squeeze %dma_wait3A_1500 : memref<1x1x1x8x128xf32, #tpu.memory_space<hbm>> -> memref<8x128xf32, #tpu.memory_space<hbm>>
        %dma_wait3A_1502 = arith.constant 24 : i32
        %dma_wait3A_1503 = arith.constant 0 : i32
        %dma_wait3A_1504 = tpu.memref_slice %arg13[%dma_wait3A_1502, %dma_wait3A_1503] : memref<64x129xf32, #tpu.memory_space<vmem>> -> memref<8x128xf32, #tpu.memory_space<vmem>>
        tpu.wait_dma2 semaphore(%arg25 : memref<!tpu.dma_semaphore, #tpu.memory_space<semaphore_mem>>) src(%dma_wait3A_1504 : memref<8x128xf32, #tpu.memory_space<vmem>>) dst(%dma_wait3A_1501 : memref<8x128xf32, #tpu.memory_space<hbm>>)
        %dma_wait3A_1505 = arith.constant 0 : i32
        %dma_wait3A_1506 = arith.constant 4 : i32
        %dma_wait3A_1507 = arith.constant 0 : i32
        %dma_wait3A_1508 = arith.constant 32 : i32
        %dma_wait3A_1509 = arith.constant 0 : i32
        %dma_wait3A_1510 = tpu.memref_slice %arg13[%dma_wait3A_1508, %dma_wait3A_1509] : memref<64x129xf32, #tpu.memory_space<vmem>> -> memref<8x128xf32, #tpu.memory_space<vmem>>
        %dma_wait3A_1511 = arith.constant 0 : i32
        %dma_wait3A_1512 = arith.constant 0 : i32
        %dma_wait3A_1513 = tpu.memref_slice %arg4[%dma_wait3A_1505, %dma_wait3A_1506, %dma_wait3A_1507, %dma_wait3A_1511, %dma_wait3A_1512] : memref<200x8x32x8x128xf32, #tpu.memory_space<hbm>> -> memref<1x1x1x8x128xf32, #tpu.memory_space<hbm>>
        %dma_wait3A_1514 = tpu.memref_squeeze %dma_wait3A_1513 : memref<1x1x1x8x128xf32, #tpu.memory_space<hbm>> -> memref<8x128xf32, #tpu.memory_space<hbm>>
        %dma_wait3A_1515 = arith.constant 0 : i32
        %dma_wait3A_1516 = arith.constant 0 : i32
        %dma_wait3A_1517 = tpu.memref_slice %arg4[%dma_wait3A_1505, %dma_wait3A_1506, %dma_wait3A_1507, %dma_wait3A_1515, %dma_wait3A_1516] : memref<200x8x32x8x128xf32, #tpu.memory_space<hbm>> -> memref<1x1x1x8x128xf32, #tpu.memory_space<hbm>>
        %dma_wait3A_1518 = tpu.memref_squeeze %dma_wait3A_1517 : memref<1x1x1x8x128xf32, #tpu.memory_space<hbm>> -> memref<8x128xf32, #tpu.memory_space<hbm>>
        %dma_wait3A_1519 = arith.constant 32 : i32
        %dma_wait3A_1520 = arith.constant 0 : i32
        %dma_wait3A_1521 = tpu.memref_slice %arg13[%dma_wait3A_1519, %dma_wait3A_1520] : memref<64x129xf32, #tpu.memory_space<vmem>> -> memref<8x128xf32, #tpu.memory_space<vmem>>
        tpu.wait_dma2 semaphore(%arg25 : memref<!tpu.dma_semaphore, #tpu.memory_space<semaphore_mem>>) src(%dma_wait3A_1521 : memref<8x128xf32, #tpu.memory_space<vmem>>) dst(%dma_wait3A_1518 : memref<8x128xf32, #tpu.memory_space<hbm>>)
        %dma_wait3A_1522 = arith.constant 0 : i32
        %dma_wait3A_1523 = arith.constant 5 : i32
        %dma_wait3A_1524 = arith.constant 0 : i32
        %dma_wait3A_1525 = arith.constant 40 : i32
        %dma_wait3A_1526 = arith.constant 0 : i32
        %dma_wait3A_1527 = tpu.memref_slice %arg13[%dma_wait3A_1525, %dma_wait3A_1526] : memref<64x129xf32, #tpu.memory_space<vmem>> -> memref<8x128xf32, #tpu.memory_space<vmem>>
        %dma_wait3A_1528 = arith.constant 0 : i32
        %dma_wait3A_1529 = arith.constant 0 : i32
        %dma_wait3A_1530 = tpu.memref_slice %arg4[%dma_wait3A_1522, %dma_wait3A_1523, %dma_wait3A_1524, %dma_wait3A_1528, %dma_wait3A_1529] : memref<200x8x32x8x128xf32, #tpu.memory_space<hbm>> -> memref<1x1x1x8x128xf32, #tpu.memory_space<hbm>>
        %dma_wait3A_1531 = tpu.memref_squeeze %dma_wait3A_1530 : memref<1x1x1x8x128xf32, #tpu.memory_space<hbm>> -> memref<8x128xf32, #tpu.memory_space<hbm>>
        %dma_wait3A_1532 = arith.constant 0 : i32
        %dma_wait3A_1533 = arith.constant 0 : i32
        %dma_wait3A_1534 = tpu.memref_slice %arg4[%dma_wait3A_1522, %dma_wait3A_1523, %dma_wait3A_1524, %dma_wait3A_1532, %dma_wait3A_1533] : memref<200x8x32x8x128xf32, #tpu.memory_space<hbm>> -> memref<1x1x1x8x128xf32, #tpu.memory_space<hbm>>
        %dma_wait3A_1535 = tpu.memref_squeeze %dma_wait3A_1534 : memref<1x1x1x8x128xf32, #tpu.memory_space<hbm>> -> memref<8x128xf32, #tpu.memory_space<hbm>>
        %dma_wait3A_1536 = arith.constant 40 : i32
        %dma_wait3A_1537 = arith.constant 0 : i32
        %dma_wait3A_1538 = tpu.memref_slice %arg13[%dma_wait3A_1536, %dma_wait3A_1537] : memref<64x129xf32, #tpu.memory_space<vmem>> -> memref<8x128xf32, #tpu.memory_space<vmem>>
        tpu.wait_dma2 semaphore(%arg25 : memref<!tpu.dma_semaphore, #tpu.memory_space<semaphore_mem>>) src(%dma_wait3A_1538 : memref<8x128xf32, #tpu.memory_space<vmem>>) dst(%dma_wait3A_1535 : memref<8x128xf32, #tpu.memory_space<hbm>>)
        %dma_wait3A_1539 = arith.constant 0 : i32
        %dma_wait3A_1540 = arith.constant 6 : i32
        %dma_wait3A_1541 = arith.constant 0 : i32
        %dma_wait3A_1542 = arith.constant 48 : i32
        %dma_wait3A_1543 = arith.constant 0 : i32
        %dma_wait3A_1544 = tpu.memref_slice %arg13[%dma_wait3A_1542, %dma_wait3A_1543] : memref<64x129xf32, #tpu.memory_space<vmem>> -> memref<8x128xf32, #tpu.memory_space<vmem>>
        %dma_wait3A_1545 = arith.constant 0 : i32
        %dma_wait3A_1546 = arith.constant 0 : i32
        %dma_wait3A_1547 = tpu.memref_slice %arg4[%dma_wait3A_1539, %dma_wait3A_1540, %dma_wait3A_1541, %dma_wait3A_1545, %dma_wait3A_1546] : memref<200x8x32x8x128xf32, #tpu.memory_space<hbm>> -> memref<1x1x1x8x128xf32, #tpu.memory_space<hbm>>
        %dma_wait3A_1548 = tpu.memref_squeeze %dma_wait3A_1547 : memref<1x1x1x8x128xf32, #tpu.memory_space<hbm>> -> memref<8x128xf32, #tpu.memory_space<hbm>>
        %dma_wait3A_1549 = arith.constant 0 : i32
        %dma_wait3A_1550 = arith.constant 0 : i32
        %dma_wait3A_1551 = tpu.memref_slice %arg4[%dma_wait3A_1539, %dma_wait3A_1540, %dma_wait3A_1541, %dma_wait3A_1549, %dma_wait3A_1550] : memref<200x8x32x8x128xf32, #tpu.memory_space<hbm>> -> memref<1x1x1x8x128xf32, #tpu.memory_space<hbm>>
        %dma_wait3A_1552 = tpu.memref_squeeze %dma_wait3A_1551 : memref<1x1x1x8x128xf32, #tpu.memory_space<hbm>> -> memref<8x128xf32, #tpu.memory_space<hbm>>
        %dma_wait3A_1553 = arith.constant 48 : i32
        %dma_wait3A_1554 = arith.constant 0 : i32
        %dma_wait3A_1555 = tpu.memref_slice %arg13[%dma_wait3A_1553, %dma_wait3A_1554] : memref<64x129xf32, #tpu.memory_space<vmem>> -> memref<8x128xf32, #tpu.memory_space<vmem>>
        tpu.wait_dma2 semaphore(%arg25 : memref<!tpu.dma_semaphore, #tpu.memory_space<semaphore_mem>>) src(%dma_wait3A_1555 : memref<8x128xf32, #tpu.memory_space<vmem>>) dst(%dma_wait3A_1552 : memref<8x128xf32, #tpu.memory_space<hbm>>)
        %dma_wait3A_1556 = arith.constant 0 : i32
        %dma_wait3A_1557 = arith.constant 7 : i32
        %dma_wait3A_1558 = arith.constant 0 : i32
        %dma_wait3A_1559 = arith.constant 56 : i32
        %dma_wait3A_1560 = arith.constant 0 : i32
        %dma_wait3A_1561 = tpu.memref_slice %arg13[%dma_wait3A_1559, %dma_wait3A_1560] : memref<64x129xf32, #tpu.memory_space<vmem>> -> memref<8x128xf32, #tpu.memory_space<vmem>>
        %dma_wait3A_1562 = arith.constant 0 : i32
        %dma_wait3A_1563 = arith.constant 0 : i32
        %dma_wait3A_1564 = tpu.memref_slice %arg4[%dma_wait3A_1556, %dma_wait3A_1557, %dma_wait3A_1558, %dma_wait3A_1562, %dma_wait3A_1563] : memref<200x8x32x8x128xf32, #tpu.memory_space<hbm>> -> memref<1x1x1x8x128xf32, #tpu.memory_space<hbm>>
        %dma_wait3A_1565 = tpu.memref_squeeze %dma_wait3A_1564 : memref<1x1x1x8x128xf32, #tpu.memory_space<hbm>> -> memref<8x128xf32, #tpu.memory_space<hbm>>
        %dma_wait3A_1566 = arith.constant 0 : i32
        %dma_wait3A_1567 = arith.constant 0 : i32
        %dma_wait3A_1568 = tpu.memref_slice %arg4[%dma_wait3A_1556, %dma_wait3A_1557, %dma_wait3A_1558, %dma_wait3A_1566, %dma_wait3A_1567] : memref<200x8x32x8x128xf32, #tpu.memory_space<hbm>> -> memref<1x1x1x8x128xf32, #tpu.memory_space<hbm>>
        %dma_wait3A_1569 = tpu.memref_squeeze %dma_wait3A_1568 : memref<1x1x1x8x128xf32, #tpu.memory_space<hbm>> -> memref<8x128xf32, #tpu.memory_space<hbm>>
        %dma_wait3A_1570 = arith.constant 56 : i32
        %dma_wait3A_1571 = arith.constant 0 : i32
        %dma_wait3A_1572 = tpu.memref_slice %arg13[%dma_wait3A_1570, %dma_wait3A_1571] : memref<64x129xf32, #tpu.memory_space<vmem>> -> memref<8x128xf32, #tpu.memory_space<vmem>>
        tpu.wait_dma2 semaphore(%arg25 : memref<!tpu.dma_semaphore, #tpu.memory_space<semaphore_mem>>) src(%dma_wait3A_1572 : memref<8x128xf32, #tpu.memory_space<vmem>>) dst(%dma_wait3A_1569 : memref<8x128xf32, #tpu.memory_space<hbm>>)
      } else {
      }
      %parallel_loop3A_1264 = arith.constant 0 : i32
      %parallel_loop3A_1265 = arith.constant 128 : i32
      %parallel_loop3A_1266 = arith.constant 1 : i32
      scf.for %parallel_loop3A_1437 = %parallel_loop3A_1264 to %parallel_loop3A_1265 step %parallel_loop3A_1266  : i32 {
        %parallel_loop3A_1438 = vector.broadcast %parallel_loop3A_1437 : i32 to vector<16xi32>
        %parallel_loop3A_1439 = arith.index_cast %parallel_loop3A_1437 : i32 to index
        %parallel_loop3A_1440 = arith.constant 0 : index
        %parallel_loop3A_1441 = tpu.vector_load %arg9[%parallel_loop3A_1439, %parallel_loop3A_1440] {strides = array<i32>} : memref<128x64xf32, #tpu.memory_space<vmem>>, vector<16xf32>,
        %parallel_loop3A_1442 = arith.constant 8.000000e+00 : f32
        %parallel_loop3A_1443 = vector.broadcast %parallel_loop3A_1442 : f32 to vector<16xf32>
        %parallel_loop3A_1444 = arith.mulf %parallel_loop3A_1441, %parallel_loop3A_1443 : vector<16xf32>
        tpu.vector_store_idx %arg13[%add3A_5, %parallel_loop3A_1438], %parallel_loop3A_1444 : memref<64x129xf32, #tpu.memory_space<vmem>>[vector<16xi32>, vector<16xi32>], vector<16xf32>,
        %parallel_loop3A_1445 = arith.index_cast %parallel_loop3A_1437 : i32 to index
        %parallel_loop3A_1446 = arith.constant 16 : index
        %parallel_loop3A_1447 = tpu.vector_load %arg9[%parallel_loop3A_1445, %parallel_loop3A_1446] {strides = array<i32>} : memref<128x64xf32, #tpu.memory_space<vmem>>, vector<16xf32>,
        %parallel_loop3A_1448 = arith.constant 8.000000e+00 : f32
        %parallel_loop3A_1449 = vector.broadcast %parallel_loop3A_1448 : f32 to vector<16xf32>
        %parallel_loop3A_1450 = arith.mulf %parallel_loop3A_1447, %parallel_loop3A_1449 : vector<16xf32>
        tpu.vector_store_idx %arg13[%add3A_9, %parallel_loop3A_1438], %parallel_loop3A_1450 : memref<64x129xf32, #tpu.memory_space<vmem>>[vector<16xi32>, vector<16xi32>], vector<16xf32>,
        %parallel_loop3A_1451 = arith.index_cast %parallel_loop3A_1437 : i32 to index
        %parallel_loop3A_1452 = arith.constant 32 : index
        %parallel_loop3A_1453 = tpu.vector_load %arg9[%parallel_loop3A_1451, %parallel_loop3A_1452] {strides = array<i32>} : memref<128x64xf32, #tpu.memory_space<vmem>>, vector<16xf32>,
        %parallel_loop3A_1454 = arith.constant 8.000000e+00 : f32
        %parallel_loop3A_1455 = vector.broadcast %parallel_loop3A_1454 : f32 to vector<16xf32>
        %parallel_loop3A_1456 = arith.mulf %parallel_loop3A_1453, %parallel_loop3A_1455 : vector<16xf32>
        tpu.vector_store_idx %arg13[%add3A_13, %parallel_loop3A_1438], %parallel_loop3A_1456 : memref<64x129xf32, #tpu.memory_space<vmem>>[vector<16xi32>, vector<16xi32>], vector<16xf32>,
        %parallel_loop3A_1457 = arith.index_cast %parallel_loop3A_1437 : i32 to index
        %parallel_loop3A_1458 = arith.constant 48 : index
        %parallel_loop3A_1459 = tpu.vector_load %arg9[%parallel_loop3A_1457, %parallel_loop3A_1458] {strides = array<i32>} : memref<128x64xf32, #tpu.memory_space<vmem>>, vector<16xf32>,
        %parallel_loop3A_1460 = arith.constant 8.000000e+00 : f32
        %parallel_loop3A_1461 = vector.broadcast %parallel_loop3A_1460 : f32 to vector<16xf32>
        %parallel_loop3A_1462 = arith.mulf %parallel_loop3A_1459, %parallel_loop3A_1461 : vector<16xf32>
        tpu.vector_store_idx %arg13[%add3A_17, %parallel_loop3A_1438], %parallel_loop3A_1462 : memref<64x129xf32, #tpu.memory_space<vmem>>[vector<16xi32>, vector<16xi32>], vector<16xf32>,
      } {sc.loop_unroll_factor = 4 : i64, sc.parallel_access}
      %add3A_1267 = arith.addi %mul3A_2, %add3A_1244 : i32
      %jit3A_1268 = arith.constant 32 : i32
      %div3A_1269 = arith.divsi %add3A_1267, %jit3A_1268 : i32
      %sign3A_1270 = arith.constant 0 : i32
      %sign3A_1271 = arith.cmpi sgt, %add3A_1267, %sign3A_1270 : i32
      %sign3A_1272 = arith.extui %sign3A_1271 : i1 to i32
      %sign3A_1273 = arith.constant 0 : i32
      %sign3A_1274 = arith.cmpi slt, %add3A_1267, %sign3A_1273 : i32
      %sign3A_1275 = arith.extui %sign3A_1274 : i1 to i32
      %sign3A_1276 = arith.subi %sign3A_1272, %sign3A_1275 : i32
      %sign3A_1277 = arith.constant 0 : i32
      %sign3A_1278 = arith.cmpi sgt, %jit3A_1268, %sign3A_1277 : i32
      %sign3A_1279 = arith.extui %sign3A_1278 : i1 to i32
      %sign3A_1280 = arith.constant 0 : i32
      %sign3A_1281 = arith.cmpi slt, %jit3A_1268, %sign3A_1280 : i32
      %sign3A_1282 = arith.extui %sign3A_1281 : i1 to i32
      %sign3A_1283 = arith.subi %sign3A_1279, %sign3A_1282 : i32
      %ne3A_1284 = arith.cmpi ne, %sign3A_1276, %sign3A_1283 : i32
      %rem3A_1285 = arith.remsi %add3A_1267, %jit3A_1268 : i32
      %ne3A_1286 = arith.constant 0 : i32
      %ne3A_1287 = arith.cmpi ne, %rem3A_1285, %ne3A_1286 : i32
      %and3A_1288 = arith.andi %ne3A_1284, %ne3A_1287 : i1
      %sub3A_1289 = arith.constant 1 : i32
      %sub3A_1290 = arith.subi %div3A_1269, %sub3A_1289 : i32
      %select_n3A_1291 = arith.select %and3A_1288, %sub3A_1290, %div3A_1269 : i32
      %jit3A_1292 = arith.constant 32 : i32
      %eq3A_1293 = arith.constant 0 : i32
      %eq3A_1294 = arith.cmpi eq, %jit3A_1292, %eq3A_1293 : i32
      %jit3A_1295 = arith.constant 1 : i32
      %select_n3A_1296 = arith.select %eq3A_1294, %jit3A_1295, %jit3A_1292 : i32
      %rem3A_1297 = arith.remsi %add3A_1267, %select_n3A_1296 : i32
      %ne3A_1298 = arith.constant 0 : i32
      %ne3A_1299 = arith.cmpi ne, %rem3A_1297, %ne3A_1298 : i32
      %lt3A_1300 = arith.constant 0 : i32
      %lt3A_1301 = arith.cmpi slt, %rem3A_1297, %lt3A_1300 : i32
      %lt3A_1302 = arith.constant 0 : i32
      %lt3A_1303 = arith.cmpi slt, %select_n3A_1296, %lt3A_1302 : i32
      %ne3A_1304 = arith.xori %lt3A_1301, %lt3A_1303 : i1
      %and3A_1305 = arith.andi %ne3A_1304, %ne3A_1299 : i1
      %add3A_1306 = arith.addi %rem3A_1297, %select_n3A_1296 : i32
      %select_n3A_1307 = arith.select %and3A_1305, %add3A_1306, %rem3A_1297 : i32
      %dma_start3A_1308 = arith.constant 0 : i32
      %dma_start3A_1309 = arith.constant 0 : i32
      %dma_start3A_1310 = arith.constant 0 : i32
      %dma_start3A_1311 = tpu.memref_slice %arg13[%dma_start3A_1309, %dma_start3A_1310] : memref<64x129xf32, #tpu.memory_space<vmem>> -> memref<8x128xf32, #tpu.memory_space<vmem>>
      %dma_start3A_1312 = arith.constant 0 : i32
      %dma_start3A_1313 = arith.constant 0 : i32
      %dma_start3A_1314 = tpu.memref_slice %arg4[%select_n3A_1291, %dma_start3A_1308, %select_n3A_1307, %dma_start3A_1312, %dma_start3A_1313] : memref<200x8x32x8x128xf32, #tpu.memory_space<hbm>> -> memref<1x1x1x8x128xf32, #tpu.memory_space<hbm>>
      %dma_start3A_1315 = tpu.memref_squeeze %dma_start3A_1314 : memref<1x1x1x8x128xf32, #tpu.memory_space<hbm>> -> memref<8x128xf32, #tpu.memory_space<hbm>>
      %dma_start3A_1316 = arith.constant 0 : i32
      %dma_start3A_1317 = arith.constant 0 : i32
      %dma_start3A_1318 = tpu.memref_slice %arg4[%select_n3A_1291, %dma_start3A_1308, %select_n3A_1307, %dma_start3A_1316, %dma_start3A_1317] : memref<200x8x32x8x128xf32, #tpu.memory_space<hbm>> -> memref<1x1x1x8x128xf32, #tpu.memory_space<hbm>>
      %dma_start3A_1319 = tpu.memref_squeeze %dma_start3A_1318 : memref<1x1x1x8x128xf32, #tpu.memory_space<hbm>> -> memref<8x128xf32, #tpu.memory_space<hbm>>
      %dma_start3A_1320 = arith.constant 0 : i32
      %dma_start3A_1321 = arith.constant 0 : i32
      %dma_start3A_1322 = tpu.memref_slice %arg13[%dma_start3A_1320, %dma_start3A_1321] : memref<64x129xf32, #tpu.memory_space<vmem>> -> memref<8x128xf32, #tpu.memory_space<vmem>>
      tpu.enqueue_dma source(%dma_start3A_1322 : memref<8x128xf32, #tpu.memory_space<vmem>>) target(%dma_start3A_1319 : memref<8x128xf32, #tpu.memory_space<hbm>>) target_semaphore(%arg25 : memref<!tpu.dma_semaphore, #tpu.memory_space<semaphore_mem>>)
      %dma_start3A_1323 = arith.constant 1 : i32
      %dma_start3A_1324 = arith.constant 8 : i32
      %dma_start3A_1325 = arith.constant 0 : i32
      %dma_start3A_1326 = tpu.memref_slice %arg13[%dma_start3A_1324, %dma_start3A_1325] : memref<64x129xf32, #tpu.memory_space<vmem>> -> memref<8x128xf32, #tpu.memory_space<vmem>>
      %dma_start3A_1327 = arith.constant 0 : i32
      %dma_start3A_1328 = arith.constant 0 : i32
      %dma_start3A_1329 = tpu.memref_slice %arg4[%select_n3A_1291, %dma_start3A_1323, %select_n3A_1307, %dma_start3A_1327, %dma_start3A_1328] : memref<200x8x32x8x128xf32, #tpu.memory_space<hbm>> -> memref<1x1x1x8x128xf32, #tpu.memory_space<hbm>>
      %dma_start3A_1330 = tpu.memref_squeeze %dma_start3A_1329 : memref<1x1x1x8x128xf32, #tpu.memory_space<hbm>> -> memref<8x128xf32, #tpu.memory_space<hbm>>
      %dma_start3A_1331 = arith.constant 0 : i32
      %dma_start3A_1332 = arith.constant 0 : i32
      %dma_start3A_1333 = tpu.memref_slice %arg4[%select_n3A_1291, %dma_start3A_1323, %select_n3A_1307, %dma_start3A_1331, %dma_start3A_1332] : memref<200x8x32x8x128xf32, #tpu.memory_space<hbm>> -> memref<1x1x1x8x128xf32, #tpu.memory_space<hbm>>
      %dma_start3A_1334 = tpu.memref_squeeze %dma_start3A_1333 : memref<1x1x1x8x128xf32, #tpu.memory_space<hbm>> -> memref<8x128xf32, #tpu.memory_space<hbm>>
      %dma_start3A_1335 = arith.constant 8 : i32
      %dma_start3A_1336 = arith.constant 0 : i32
      %dma_start3A_1337 = tpu.memref_slice %arg13[%dma_start3A_1335, %dma_start3A_1336] : memref<64x129xf32, #tpu.memory_space<vmem>> -> memref<8x128xf32, #tpu.memory_space<vmem>>
      tpu.enqueue_dma source(%dma_start3A_1337 : memref<8x128xf32, #tpu.memory_space<vmem>>) target(%dma_start3A_1334 : memref<8x128xf32, #tpu.memory_space<hbm>>) target_semaphore(%arg25 : memref<!tpu.dma_semaphore, #tpu.memory_space<semaphore_mem>>)
      %dma_start3A_1338 = arith.constant 2 : i32
      %dma_start3A_1339 = arith.constant 16 : i32
      %dma_start3A_1340 = arith.constant 0 : i32
      %dma_start3A_1341 = tpu.memref_slice %arg13[%dma_start3A_1339, %dma_start3A_1340] : memref<64x129xf32, #tpu.memory_space<vmem>> -> memref<8x128xf32, #tpu.memory_space<vmem>>
      %dma_start3A_1342 = arith.constant 0 : i32
      %dma_start3A_1343 = arith.constant 0 : i32
      %dma_start3A_1344 = tpu.memref_slice %arg4[%select_n3A_1291, %dma_start3A_1338, %select_n3A_1307, %dma_start3A_1342, %dma_start3A_1343] : memref<200x8x32x8x128xf32, #tpu.memory_space<hbm>> -> memref<1x1x1x8x128xf32, #tpu.memory_space<hbm>>
      %dma_start3A_1345 = tpu.memref_squeeze %dma_start3A_1344 : memref<1x1x1x8x128xf32, #tpu.memory_space<hbm>> -> memref<8x128xf32, #tpu.memory_space<hbm>>
      %dma_start3A_1346 = arith.constant 0 : i32
      %dma_start3A_1347 = arith.constant 0 : i32
      %dma_start3A_1348 = tpu.memref_slice %arg4[%select_n3A_1291, %dma_start3A_1338, %select_n3A_1307, %dma_start3A_1346, %dma_start3A_1347] : memref<200x8x32x8x128xf32, #tpu.memory_space<hbm>> -> memref<1x1x1x8x128xf32, #tpu.memory_space<hbm>>
      %dma_start3A_1349 = tpu.memref_squeeze %dma_start3A_1348 : memref<1x1x1x8x128xf32, #tpu.memory_space<hbm>> -> memref<8x128xf32, #tpu.memory_space<hbm>>
      %dma_start3A_1350 = arith.constant 16 : i32
      %dma_start3A_1351 = arith.constant 0 : i32
      %dma_start3A_1352 = tpu.memref_slice %arg13[%dma_start3A_1350, %dma_start3A_1351] : memref<64x129xf32, #tpu.memory_space<vmem>> -> memref<8x128xf32, #tpu.memory_space<vmem>>
      tpu.enqueue_dma source(%dma_start3A_1352 : memref<8x128xf32, #tpu.memory_space<vmem>>) target(%dma_start3A_1349 : memref<8x128xf32, #tpu.memory_space<hbm>>) target_semaphore(%arg25 : memref<!tpu.dma_semaphore, #tpu.memory_space<semaphore_mem>>)
      %dma_start3A_1353 = arith.constant 3 : i32
      %dma_start3A_1354 = arith.constant 24 : i32
      %dma_start3A_1355 = arith.constant 0 : i32
      %dma_start3A_1356 = tpu.memref_slice %arg13[%dma_start3A_1354, %dma_start3A_1355] : memref<64x129xf32, #tpu.memory_space<vmem>> -> memref<8x128xf32, #tpu.memory_space<vmem>>
      %dma_start3A_1357 = arith.constant 0 : i32
      %dma_start3A_1358 = arith.constant 0 : i32
      %dma_start3A_1359 = tpu.memref_slice %arg4[%select_n3A_1291, %dma_start3A_1353, %select_n3A_1307, %dma_start3A_1357, %dma_start3A_1358] : memref<200x8x32x8x128xf32, #tpu.memory_space<hbm>> -> memref<1x1x1x8x128xf32, #tpu.memory_space<hbm>>
      %dma_start3A_1360 = tpu.memref_squeeze %dma_start3A_1359 : memref<1x1x1x8x128xf32, #tpu.memory_space<hbm>> -> memref<8x128xf32, #tpu.memory_space<hbm>>
      %dma_start3A_1361 = arith.constant 0 : i32
      %dma_start3A_1362 = arith.constant 0 : i32
      %dma_start3A_1363 = tpu.memref_slice %arg4[%select_n3A_1291, %dma_start3A_1353, %select_n3A_1307, %dma_start3A_1361, %dma_start3A_1362] : memref<200x8x32x8x128xf32, #tpu.memory_space<hbm>> -> memref<1x1x1x8x128xf32, #tpu.memory_space<hbm>>
      %dma_start3A_1364 = tpu.memref_squeeze %dma_start3A_1363 : memref<1x1x1x8x128xf32, #tpu.memory_space<hbm>> -> memref<8x128xf32, #tpu.memory_space<hbm>>
      %dma_start3A_1365 = arith.constant 24 : i32
      %dma_start3A_1366 = arith.constant 0 : i32
      %dma_start3A_1367 = tpu.memref_slice %arg13[%dma_start3A_1365, %dma_start3A_1366] : memref<64x129xf32, #tpu.memory_space<vmem>> -> memref<8x128xf32, #tpu.memory_space<vmem>>
      tpu.enqueue_dma source(%dma_start3A_1367 : memref<8x128xf32, #tpu.memory_space<vmem>>) target(%dma_start3A_1364 : memref<8x128xf32, #tpu.memory_space<hbm>>) target_semaphore(%arg25 : memref<!tpu.dma_semaphore, #tpu.memory_space<semaphore_mem>>)
      %dma_start3A_1368 = arith.constant 4 : i32
      %dma_start3A_1369 = arith.constant 32 : i32
      %dma_start3A_1370 = arith.constant 0 : i32
      %dma_start3A_1371 = tpu.memref_slice %arg13[%dma_start3A_1369, %dma_start3A_1370] : memref<64x129xf32, #tpu.memory_space<vmem>> -> memref<8x128xf32, #tpu.memory_space<vmem>>
      %dma_start3A_1372 = arith.constant 0 : i32
      %dma_start3A_1373 = arith.constant 0 : i32
      %dma_start3A_1374 = tpu.memref_slice %arg4[%select_n3A_1291, %dma_start3A_1368, %select_n3A_1307, %dma_start3A_1372, %dma_start3A_1373] : memref<200x8x32x8x128xf32, #tpu.memory_space<hbm>> -> memref<1x1x1x8x128xf32, #tpu.memory_space<hbm>>
      %dma_start3A_1375 = tpu.memref_squeeze %dma_start3A_1374 : memref<1x1x1x8x128xf32, #tpu.memory_space<hbm>> -> memref<8x128xf32, #tpu.memory_space<hbm>>
      %dma_start3A_1376 = arith.constant 0 : i32
      %dma_start3A_1377 = arith.constant 0 : i32
      %dma_start3A_1378 = tpu.memref_slice %arg4[%select_n3A_1291, %dma_start3A_1368, %select_n3A_1307, %dma_start3A_1376, %dma_start3A_1377] : memref<200x8x32x8x128xf32, #tpu.memory_space<hbm>> -> memref<1x1x1x8x128xf32, #tpu.memory_space<hbm>>
      %dma_start3A_1379 = tpu.memref_squeeze %dma_start3A_1378 : memref<1x1x1x8x128xf32, #tpu.memory_space<hbm>> -> memref<8x128xf32, #tpu.memory_space<hbm>>
      %dma_start3A_1380 = arith.constant 32 : i32
      %dma_start3A_1381 = arith.constant 0 : i32
      %dma_start3A_1382 = tpu.memref_slice %arg13[%dma_start3A_1380, %dma_start3A_1381] : memref<64x129xf32, #tpu.memory_space<vmem>> -> memref<8x128xf32, #tpu.memory_space<vmem>>
      tpu.enqueue_dma source(%dma_start3A_1382 : memref<8x128xf32, #tpu.memory_space<vmem>>) target(%dma_start3A_1379 : memref<8x128xf32, #tpu.memory_space<hbm>>) target_semaphore(%arg25 : memref<!tpu.dma_semaphore, #tpu.memory_space<semaphore_mem>>)
      %dma_start3A_1383 = arith.constant 5 : i32
      %dma_start3A_1384 = arith.constant 40 : i32
      %dma_start3A_1385 = arith.constant 0 : i32
      %dma_start3A_1386 = tpu.memref_slice %arg13[%dma_start3A_1384, %dma_start3A_1385] : memref<64x129xf32, #tpu.memory_space<vmem>> -> memref<8x128xf32, #tpu.memory_space<vmem>>
      %dma_start3A_1387 = arith.constant 0 : i32
      %dma_start3A_1388 = arith.constant 0 : i32
      %dma_start3A_1389 = tpu.memref_slice %arg4[%select_n3A_1291, %dma_start3A_1383, %select_n3A_1307, %dma_start3A_1387, %dma_start3A_1388] : memref<200x8x32x8x128xf32, #tpu.memory_space<hbm>> -> memref<1x1x1x8x128xf32, #tpu.memory_space<hbm>>
      %dma_start3A_1390 = tpu.memref_squeeze %dma_start3A_1389 : memref<1x1x1x8x128xf32, #tpu.memory_space<hbm>> -> memref<8x128xf32, #tpu.memory_space<hbm>>
      %dma_start3A_1391 = arith.constant 0 : i32
      %dma_start3A_1392 = arith.constant 0 : i32
      %dma_start3A_1393 = tpu.memref_slice %arg4[%select_n3A_1291, %dma_start3A_1383, %select_n3A_1307, %dma_start3A_1391, %dma_start3A_1392] : memref<200x8x32x8x128xf32, #tpu.memory_space<hbm>> -> memref<1x1x1x8x128xf32, #tpu.memory_space<hbm>>
      %dma_start3A_1394 = tpu.memref_squeeze %dma_start3A_1393 : memref<1x1x1x8x128xf32, #tpu.memory_space<hbm>> -> memref<8x128xf32, #tpu.memory_space<hbm>>
      %dma_start3A_1395 = arith.constant 40 : i32
      %dma_start3A_1396 = arith.constant 0 : i32
      %dma_start3A_1397 = tpu.memref_slice %arg13[%dma_start3A_1395, %dma_start3A_1396] : memref<64x129xf32, #tpu.memory_space<vmem>> -> memref<8x128xf32, #tpu.memory_space<vmem>>
      tpu.enqueue_dma source(%dma_start3A_1397 : memref<8x128xf32, #tpu.memory_space<vmem>>) target(%dma_start3A_1394 : memref<8x128xf32, #tpu.memory_space<hbm>>) target_semaphore(%arg25 : memref<!tpu.dma_semaphore, #tpu.memory_space<semaphore_mem>>)
      %dma_start3A_1398 = arith.constant 6 : i32
      %dma_start3A_1399 = arith.constant 48 : i32
      %dma_start3A_1400 = arith.constant 0 : i32
      %dma_start3A_1401 = tpu.memref_slice %arg13[%dma_start3A_1399, %dma_start3A_1400] : memref<64x129xf32, #tpu.memory_space<vmem>> -> memref<8x128xf32, #tpu.memory_space<vmem>>
      %dma_start3A_1402 = arith.constant 0 : i32
      %dma_start3A_1403 = arith.constant 0 : i32
      %dma_start3A_1404 = tpu.memref_slice %arg4[%select_n3A_1291, %dma_start3A_1398, %select_n3A_1307, %dma_start3A_1402, %dma_start3A_1403] : memref<200x8x32x8x128xf32, #tpu.memory_space<hbm>> -> memref<1x1x1x8x128xf32, #tpu.memory_space<hbm>>
      %dma_start3A_1405 = tpu.memref_squeeze %dma_start3A_1404 : memref<1x1x1x8x128xf32, #tpu.memory_space<hbm>> -> memref<8x128xf32, #tpu.memory_space<hbm>>
      %dma_start3A_1406 = arith.constant 0 : i32
      %dma_start3A_1407 = arith.constant 0 : i32
      %dma_start3A_1408 = tpu.memref_slice %arg4[%select_n3A_1291, %dma_start3A_1398, %select_n3A_1307, %dma_start3A_1406, %dma_start3A_1407] : memref<200x8x32x8x128xf32, #tpu.memory_space<hbm>> -> memref<1x1x1x8x128xf32, #tpu.memory_space<hbm>>
      %dma_start3A_1409 = tpu.memref_squeeze %dma_start3A_1408 : memref<1x1x1x8x128xf32, #tpu.memory_space<hbm>> -> memref<8x128xf32, #tpu.memory_space<hbm>>
      %dma_start3A_1410 = arith.constant 48 : i32
      %dma_start3A_1411 = arith.constant 0 : i32
      %dma_start3A_1412 = tpu.memref_slice %arg13[%dma_start3A_1410, %dma_start3A_1411] : memref<64x129xf32, #tpu.memory_space<vmem>> -> memref<8x128xf32, #tpu.memory_space<vmem>>
      tpu.enqueue_dma source(%dma_start3A_1412 : memref<8x128xf32, #tpu.memory_space<vmem>>) target(%dma_start3A_1409 : memref<8x128xf32, #tpu.memory_space<hbm>>) target_semaphore(%arg25 : memref<!tpu.dma_semaphore, #tpu.memory_space<semaphore_mem>>)
      %dma_start3A_1413 = arith.constant 7 : i32
      %dma_start3A_1414 = arith.constant 56 : i32
      %dma_start3A_1415 = arith.constant 0 : i32
      %dma_start3A_1416 = tpu.memref_slice %arg13[%dma_start3A_1414, %dma_start3A_1415] : memref<64x129xf32, #tpu.memory_space<vmem>> -> memref<8x128xf32, #tpu.memory_space<vmem>>
      %dma_start3A_1417 = arith.constant 0 : i32
      %dma_start3A_1418 = arith.constant 0 : i32
      %dma_start3A_1419 = tpu.memref_slice %arg4[%select_n3A_1291, %dma_start3A_1413, %select_n3A_1307, %dma_start3A_1417, %dma_start3A_1418] : memref<200x8x32x8x128xf32, #tpu.memory_space<hbm>> -> memref<1x1x1x8x128xf32, #tpu.memory_space<hbm>>
      %dma_start3A_1420 = tpu.memref_squeeze %dma_start3A_1419 : memref<1x1x1x8x128xf32, #tpu.memory_space<hbm>> -> memref<8x128xf32, #tpu.memory_space<hbm>>
      %dma_start3A_1421 = arith.constant 0 : i32
      %dma_start3A_1422 = arith.constant 0 : i32
      %dma_start3A_1423 = tpu.memref_slice %arg4[%select_n3A_1291, %dma_start3A_1413, %select_n3A_1307, %dma_start3A_1421, %dma_start3A_1422] : memref<200x8x32x8x128xf32, #tpu.memory_space<hbm>> -> memref<1x1x1x8x128xf32, #tpu.memory_space<hbm>>
      %dma_start3A_1424 = tpu.memref_squeeze %dma_start3A_1423 : memref<1x1x1x8x128xf32, #tpu.memory_space<hbm>> -> memref<8x128xf32, #tpu.memory_space<hbm>>
      %dma_start3A_1425 = arith.constant 56 : i32
      %dma_start3A_1426 = arith.constant 0 : i32
      %dma_start3A_1427 = tpu.memref_slice %arg13[%dma_start3A_1425, %dma_start3A_1426] : memref<64x129xf32, #tpu.memory_space<vmem>> -> memref<8x128xf32, #tpu.memory_space<vmem>>
      tpu.enqueue_dma source(%dma_start3A_1427 : memref<8x128xf32, #tpu.memory_space<vmem>>) target(%dma_start3A_1424 : memref<8x128xf32, #tpu.memory_space<hbm>>) target_semaphore(%arg25 : memref<!tpu.dma_semaphore, #tpu.memory_space<semaphore_mem>>)
      %add3A_1428 = arith.constant 4 : i32
      %add3A_1429 = arith.addi %add3A_1244, %add3A_1428 : i32
      %sub3A_1430 = arith.constant 1 : i32
      %sub3A_1431 = arith.subi %add3A_1429, %sub3A_1430 : i32
      %lt3A_1432 = arith.constant 200 : i32
      %lt3A_1433 = arith.cmpi slt, %sub3A_1431, %lt3A_1432 : i32
      %convert_element_type3A_1434 = arith.extui %lt3A_1433 : i1 to i32
      %cond3A_1435 = arith.constant 0 : i32
      %cond3A_1436 = arith.cmpi ne, %convert_element_type3A_1434, %cond3A_1435 : i32
      scf.if %cond3A_1436 {
        %dma_wait3A_1437 = arith.constant 2 : i32
        %dma_wait3A_1438 = arith.constant 0 : i32
        %dma_wait3A_1439 = tpu.memref_slice %arg5[%dma_wait3A_1437, %dma_wait3A_1438] : memref<4x128xi32, #tpu.memory_space<vmem>> -> memref<1x128xi32, #tpu.memory_space<vmem>>
        %dma_wait3A_1440 = tpu.memref_squeeze %dma_wait3A_1439 : memref<1x128xi32, #tpu.memory_space<vmem>> -> memref<128xi32, #tpu.memory_space<vmem>>
        %dma_wait3A_1441 = arith.constant 0 : i32
        %dma_wait3A_1442 = tpu.memref_slice %arg2[%dma_wait3A_1441] : memref<819200xi32, #tpu.memory_space<hbm>> -> memref<128xi32, #tpu.memory_space<hbm>>
        %dma_wait3A_1443 = arith.constant 0 : i32
        %dma_wait3A_1444 = tpu.memref_slice %arg5[%dma_wait3A_1437, %dma_wait3A_1443] : memref<4x128xi32, #tpu.memory_space<vmem>> -> memref<1x128xi32, #tpu.memory_space<vmem>>
        %dma_wait3A_1445 = tpu.memref_squeeze %dma_wait3A_1444 : memref<1x128xi32, #tpu.memory_space<vmem>> -> memref<128xi32, #tpu.memory_space<vmem>>
        %dma_wait3A_1446 = arith.constant 0 : i32
        %dma_wait3A_1447 = tpu.memref_slice %arg2[%dma_wait3A_1446] : memref<819200xi32, #tpu.memory_space<hbm>> -> memref<128xi32, #tpu.memory_space<hbm>>
        tpu.wait_dma2 semaphore(%arg16 : memref<!tpu.dma_semaphore, #tpu.memory_space<semaphore_mem>>) src(%dma_wait3A_1447 : memref<128xi32, #tpu.memory_space<hbm>>) dst(%dma_wait3A_1445 : memref<128xi32, #tpu.memory_space<vmem>>)
        %dma_start3A_1448 = arith.constant 2 : i32
        %dma_start3A_1449 = arith.constant 0 : i32
        %dma_start3A_1450 = tpu.memref_slice %arg5[%dma_start3A_1448, %dma_start3A_1449] : memref<4x128xi32, #tpu.memory_space<vmem>> -> memref<1x128xi32, #tpu.memory_space<vmem>>
        %dma_start3A_1451 = tpu.memref_squeeze %dma_start3A_1450 : memref<1x128xi32, #tpu.memory_space<vmem>> -> memref<128xi32, #tpu.memory_space<vmem>>
        %dma_start3A_1452 = arith.constant 0 : i32
        %dma_start3A_1453 = arith.constant 0 : i32
        %dma_start3A_1454 = tpu.memref_slice %arg3[%dma_start3A_1452, %dma_start3A_1453] : memref<1000000x64xf32, #tpu.memory_space<hbm>> -> memref<1000000x64xf32, #tpu.memory_space<hbm>>
        tpu.enqueue_indirect_dma source(%dma_start3A_1454 : memref<1000000x64xf32, #tpu.memory_space<hbm>>) target(%arg8 : memref<128x64xf32, #tpu.memory_space<vmem>>) offsets(%dma_start3A_1451 : memref<128xi32, #tpu.memory_space<vmem>>) semaphore(%arg20 : memref<!tpu.dma_semaphore, #tpu.memory_space<semaphore_mem>>)
      } else {
      }
    }
    %scan3A_125 = arith.constant 50 : i32
    %dma_wait3A_126 = arith.constant 0 : i32
    %dma_wait3A_127 = arith.constant 0 : i32
    %dma_wait3A_128 = arith.constant 0 : i32
    %dma_wait3A_129 = arith.constant 0 : i32
    %dma_wait3A_130 = arith.constant 0 : i32
    %dma_wait3A_131 = tpu.memref_slice %arg10[%dma_wait3A_129, %dma_wait3A_130] : memref<64x129xf32, #tpu.memory_space<vmem>> -> memref<8x128xf32, #tpu.memory_space<vmem>>
    %dma_wait3A_132 = arith.constant 0 : i32
    %dma_wait3A_133 = arith.constant 0 : i32
    %dma_wait3A_134 = tpu.memref_slice %arg4[%dma_wait3A_126, %dma_wait3A_127, %dma_wait3A_128, %dma_wait3A_132, %dma_wait3A_133] : memref<200x8x32x8x128xf32, #tpu.memory_space<hbm>> -> memref<1x1x1x8x128xf32, #tpu.memory_space<hbm>>
    %dma_wait3A_135 = tpu.memref_squeeze %dma_wait3A_134 : memref<1x1x1x8x128xf32, #tpu.memory_space<hbm>> -> memref<8x128xf32, #tpu.memory_space<hbm>>
    %dma_wait3A_136 = arith.constant 0 : i32
    %dma_wait3A_137 = arith.constant 0 : i32
    %dma_wait3A_138 = tpu.memref_slice %arg4[%dma_wait3A_126, %dma_wait3A_127, %dma_wait3A_128, %dma_wait3A_136, %dma_wait3A_137] : memref<200x8x32x8x128xf32, #tpu.memory_space<hbm>> -> memref<1x1x1x8x128xf32, #tpu.memory_space<hbm>>
    %dma_wait3A_139 = tpu.memref_squeeze %dma_wait3A_138 : memref<1x1x1x8x128xf32, #tpu.memory_space<hbm>> -> memref<8x128xf32, #tpu.memory_space<hbm>>
    %dma_wait3A_140 = arith.constant 0 : i32
    %dma_wait3A_141 = arith.constant 0 : i32
    %dma_wait3A_142 = tpu.memref_slice %arg10[%dma_wait3A_140, %dma_wait3A_141] : memref<64x129xf32, #tpu.memory_space<vmem>> -> memref<8x128xf32, #tpu.memory_space<vmem>>
    tpu.wait_dma2 semaphore(%arg22 : memref<!tpu.dma_semaphore, #tpu.memory_space<semaphore_mem>>) src(%dma_wait3A_142 : memref<8x128xf32, #tpu.memory_space<vmem>>) dst(%dma_wait3A_139 : memref<8x128xf32, #tpu.memory_space<hbm>>)
    %dma_wait3A_143 = arith.constant 0 : i32
    %dma_wait3A_144 = arith.constant 1 : i32
    %dma_wait3A_145 = arith.constant 0 : i32
    %dma_wait3A_146 = arith.constant 8 : i32
    %dma_wait3A_147 = arith.constant 0 : i32
    %dma_wait3A_148 = tpu.memref_slice %arg10[%dma_wait3A_146, %dma_wait3A_147] : memref<64x129xf32, #tpu.memory_space<vmem>> -> memref<8x128xf32, #tpu.memory_space<vmem>>
    %dma_wait3A_149 = arith.constant 0 : i32
    %dma_wait3A_150 = arith.constant 0 : i32
    %dma_wait3A_151 = tpu.memref_slice %arg4[%dma_wait3A_143, %dma_wait3A_144, %dma_wait3A_145, %dma_wait3A_149, %dma_wait3A_150] : memref<200x8x32x8x128xf32, #tpu.memory_space<hbm>> -> memref<1x1x1x8x128xf32, #tpu.memory_space<hbm>>
    %dma_wait3A_152 = tpu.memref_squeeze %dma_wait3A_151 : memref<1x1x1x8x128xf32, #tpu.memory_space<hbm>> -> memref<8x128xf32, #tpu.memory_space<hbm>>
    %dma_wait3A_153 = arith.constant 0 : i32
    %dma_wait3A_154 = arith.constant 0 : i32
    %dma_wait3A_155 = tpu.memref_slice %arg4[%dma_wait3A_143, %dma_wait3A_144, %dma_wait3A_145, %dma_wait3A_153, %dma_wait3A_154] : memref<200x8x32x8x128xf32, #tpu.memory_space<hbm>> -> memref<1x1x1x8x128xf32, #tpu.memory_space<hbm>>
    %dma_wait3A_156 = tpu.memref_squeeze %dma_wait3A_155 : memref<1x1x1x8x128xf32, #tpu.memory_space<hbm>> -> memref<8x128xf32, #tpu.memory_space<hbm>>
    %dma_wait3A_157 = arith.constant 8 : i32
    %dma_wait3A_158 = arith.constant 0 : i32
    %dma_wait3A_159 = tpu.memref_slice %arg10[%dma_wait3A_157, %dma_wait3A_158] : memref<64x129xf32, #tpu.memory_space<vmem>> -> memref<8x128xf32, #tpu.memory_space<vmem>>
    tpu.wait_dma2 semaphore(%arg22 : memref<!tpu.dma_semaphore, #tpu.memory_space<semaphore_mem>>) src(%dma_wait3A_159 : memref<8x128xf32, #tpu.memory_space<vmem>>) dst(%dma_wait3A_156 : memref<8x128xf32, #tpu.memory_space<hbm>>)
    %dma_wait3A_160 = arith.constant 0 : i32
    %dma_wait3A_161 = arith.constant 2 : i32
    %dma_wait3A_162 = arith.constant 0 : i32
    %dma_wait3A_163 = arith.constant 16 : i32
    %dma_wait3A_164 = arith.constant 0 : i32
    %dma_wait3A_165 = tpu.memref_slice %arg10[%dma_wait3A_163, %dma_wait3A_164] : memref<64x129xf32, #tpu.memory_space<vmem>> -> memref<8x128xf32, #tpu.memory_space<vmem>>
    %dma_wait3A_166 = arith.constant 0 : i32
    %dma_wait3A_167 = arith.constant 0 : i32
    %dma_wait3A_168 = tpu.memref_slice %arg4[%dma_wait3A_160, %dma_wait3A_161, %dma_wait3A_162, %dma_wait3A_166, %dma_wait3A_167] : memref<200x8x32x8x128xf32, #tpu.memory_space<hbm>> -> memref<1x1x1x8x128xf32, #tpu.memory_space<hbm>>
    %dma_wait3A_169 = tpu.memref_squeeze %dma_wait3A_168 : memref<1x1x1x8x128xf32, #tpu.memory_space<hbm>> -> memref<8x128xf32, #tpu.memory_space<hbm>>
    %dma_wait3A_170 = arith.constant 0 : i32
    %dma_wait3A_171 = arith.constant 0 : i32
    %dma_wait3A_172 = tpu.memref_slice %arg4[%dma_wait3A_160, %dma_wait3A_161, %dma_wait3A_162, %dma_wait3A_170, %dma_wait3A_171] : memref<200x8x32x8x128xf32, #tpu.memory_space<hbm>> -> memref<1x1x1x8x128xf32, #tpu.memory_space<hbm>>
    %dma_wait3A_173 = tpu.memref_squeeze %dma_wait3A_172 : memref<1x1x1x8x128xf32, #tpu.memory_space<hbm>> -> memref<8x128xf32, #tpu.memory_space<hbm>>
    %dma_wait3A_174 = arith.constant 16 : i32
    %dma_wait3A_175 = arith.constant 0 : i32
    %dma_wait3A_176 = tpu.memref_slice %arg10[%dma_wait3A_174, %dma_wait3A_175] : memref<64x129xf32, #tpu.memory_space<vmem>> -> memref<8x128xf32, #tpu.memory_space<vmem>>
    tpu.wait_dma2 semaphore(%arg22 : memref<!tpu.dma_semaphore, #tpu.memory_space<semaphore_mem>>) src(%dma_wait3A_176 : memref<8x128xf32, #tpu.memory_space<vmem>>) dst(%dma_wait3A_173 : memref<8x128xf32, #tpu.memory_space<hbm>>)
    %dma_wait3A_177 = arith.constant 0 : i32
    %dma_wait3A_178 = arith.constant 3 : i32
    %dma_wait3A_179 = arith.constant 0 : i32
    %dma_wait3A_180 = arith.constant 24 : i32
    %dma_wait3A_181 = arith.constant 0 : i32
    %dma_wait3A_182 = tpu.memref_slice %arg10[%dma_wait3A_180, %dma_wait3A_181] : memref<64x129xf32, #tpu.memory_space<vmem>> -> memref<8x128xf32, #tpu.memory_space<vmem>>
    %dma_wait3A_183 = arith.constant 0 : i32
    %dma_wait3A_184 = arith.constant 0 : i32
    %dma_wait3A_185 = tpu.memref_slice %arg4[%dma_wait3A_177, %dma_wait3A_178, %dma_wait3A_179, %dma_wait3A_183, %dma_wait3A_184] : memref<200x8x32x8x128xf32, #tpu.memory_space<hbm>> -> memref<1x1x1x8x128xf32, #tpu.memory_space<hbm>>
    %dma_wait3A_186 = tpu.memref_squeeze %dma_wait3A_185 : memref<1x1x1x8x128xf32, #tpu.memory_space<hbm>> -> memref<8x128xf32, #tpu.memory_space<hbm>>
    %dma_wait3A_187 = arith.constant 0 : i32
    %dma_wait3A_188 = arith.constant 0 : i32
    %dma_wait3A_189 = tpu.memref_slice %arg4[%dma_wait3A_177, %dma_wait3A_178, %dma_wait3A_179, %dma_wait3A_187, %dma_wait3A_188] : memref<200x8x32x8x128xf32, #tpu.memory_space<hbm>> -> memref<1x1x1x8x128xf32, #tpu.memory_space<hbm>>
    %dma_wait3A_190 = tpu.memref_squeeze %dma_wait3A_189 : memref<1x1x1x8x128xf32, #tpu.memory_space<hbm>> -> memref<8x128xf32, #tpu.memory_space<hbm>>
    %dma_wait3A_191 = arith.constant 24 : i32
    %dma_wait3A_192 = arith.constant 0 : i32
    %dma_wait3A_193 = tpu.memref_slice %arg10[%dma_wait3A_191, %dma_wait3A_192] : memref<64x129xf32, #tpu.memory_space<vmem>> -> memref<8x128xf32, #tpu.memory_space<vmem>>
    tpu.wait_dma2 semaphore(%arg22 : memref<!tpu.dma_semaphore, #tpu.memory_space<semaphore_mem>>) src(%dma_wait3A_193 : memref<8x128xf32, #tpu.memory_space<vmem>>) dst(%dma_wait3A_190 : memref<8x128xf32, #tpu.memory_space<hbm>>)
    %dma_wait3A_194 = arith.constant 0 : i32
    %dma_wait3A_195 = arith.constant 4 : i32
    %dma_wait3A_196 = arith.constant 0 : i32
    %dma_wait3A_197 = arith.constant 32 : i32
    %dma_wait3A_198 = arith.constant 0 : i32
    %dma_wait3A_199 = tpu.memref_slice %arg10[%dma_wait3A_197, %dma_wait3A_198] : memref<64x129xf32, #tpu.memory_space<vmem>> -> memref<8x128xf32, #tpu.memory_space<vmem>>
    %dma_wait3A_200 = arith.constant 0 : i32
    %dma_wait3A_201 = arith.constant 0 : i32
    %dma_wait3A_202 = tpu.memref_slice %arg4[%dma_wait3A_194, %dma_wait3A_195, %dma_wait3A_196, %dma_wait3A_200, %dma_wait3A_201] : memref<200x8x32x8x128xf32, #tpu.memory_space<hbm>> -> memref<1x1x1x8x128xf32, #tpu.memory_space<hbm>>
    %dma_wait3A_203 = tpu.memref_squeeze %dma_wait3A_202 : memref<1x1x1x8x128xf32, #tpu.memory_space<hbm>> -> memref<8x128xf32, #tpu.memory_space<hbm>>
    %dma_wait3A_204 = arith.constant 0 : i32
    %dma_wait3A_205 = arith.constant 0 : i32
    %dma_wait3A_206 = tpu.memref_slice %arg4[%dma_wait3A_194, %dma_wait3A_195, %dma_wait3A_196, %dma_wait3A_204, %dma_wait3A_205] : memref<200x8x32x8x128xf32, #tpu.memory_space<hbm>> -> memref<1x1x1x8x128xf32, #tpu.memory_space<hbm>>
    %dma_wait3A_207 = tpu.memref_squeeze %dma_wait3A_206 : memref<1x1x1x8x128xf32, #tpu.memory_space<hbm>> -> memref<8x128xf32, #tpu.memory_space<hbm>>
    %dma_wait3A_208 = arith.constant 32 : i32
    %dma_wait3A_209 = arith.constant 0 : i32
    %dma_wait3A_210 = tpu.memref_slice %arg10[%dma_wait3A_208, %dma_wait3A_209] : memref<64x129xf32, #tpu.memory_space<vmem>> -> memref<8x128xf32, #tpu.memory_space<vmem>>
    tpu.wait_dma2 semaphore(%arg22 : memref<!tpu.dma_semaphore, #tpu.memory_space<semaphore_mem>>) src(%dma_wait3A_210 : memref<8x128xf32, #tpu.memory_space<vmem>>) dst(%dma_wait3A_207 : memref<8x128xf32, #tpu.memory_space<hbm>>)
    %dma_wait3A_211 = arith.constant 0 : i32
    %dma_wait3A_212 = arith.constant 5 : i32
    %dma_wait3A_213 = arith.constant 0 : i32
    %dma_wait3A_214 = arith.constant 40 : i32
    %dma_wait3A_215 = arith.constant 0 : i32
    %dma_wait3A_216 = tpu.memref_slice %arg10[%dma_wait3A_214, %dma_wait3A_215] : memref<64x129xf32, #tpu.memory_space<vmem>> -> memref<8x128xf32, #tpu.memory_space<vmem>>
    %dma_wait3A_217 = arith.constant 0 : i32
    %dma_wait3A_218 = arith.constant 0 : i32
    %dma_wait3A_219 = tpu.memref_slice %arg4[%dma_wait3A_211, %dma_wait3A_212, %dma_wait3A_213, %dma_wait3A_217, %dma_wait3A_218] : memref<200x8x32x8x128xf32, #tpu.memory_space<hbm>> -> memref<1x1x1x8x128xf32, #tpu.memory_space<hbm>>
    %dma_wait3A_220 = tpu.memref_squeeze %dma_wait3A_219 : memref<1x1x1x8x128xf32, #tpu.memory_space<hbm>> -> memref<8x128xf32, #tpu.memory_space<hbm>>
    %dma_wait3A_221 = arith.constant 0 : i32
    %dma_wait3A_222 = arith.constant 0 : i32
    %dma_wait3A_223 = tpu.memref_slice %arg4[%dma_wait3A_211, %dma_wait3A_212, %dma_wait3A_213, %dma_wait3A_221, %dma_wait3A_222] : memref<200x8x32x8x128xf32, #tpu.memory_space<hbm>> -> memref<1x1x1x8x128xf32, #tpu.memory_space<hbm>>
    %dma_wait3A_224 = tpu.memref_squeeze %dma_wait3A_223 : memref<1x1x1x8x128xf32, #tpu.memory_space<hbm>> -> memref<8x128xf32, #tpu.memory_space<hbm>>
    %dma_wait3A_225 = arith.constant 40 : i32
    %dma_wait3A_226 = arith.constant 0 : i32
    %dma_wait3A_227 = tpu.memref_slice %arg10[%dma_wait3A_225, %dma_wait3A_226] : memref<64x129xf32, #tpu.memory_space<vmem>> -> memref<8x128xf32, #tpu.memory_space<vmem>>
    tpu.wait_dma2 semaphore(%arg22 : memref<!tpu.dma_semaphore, #tpu.memory_space<semaphore_mem>>) src(%dma_wait3A_227 : memref<8x128xf32, #tpu.memory_space<vmem>>) dst(%dma_wait3A_224 : memref<8x128xf32, #tpu.memory_space<hbm>>)
    %dma_wait3A_228 = arith.constant 0 : i32
    %dma_wait3A_229 = arith.constant 6 : i32
    %dma_wait3A_230 = arith.constant 0 : i32
    %dma_wait3A_231 = arith.constant 48 : i32
    %dma_wait3A_232 = arith.constant 0 : i32
    %dma_wait3A_233 = tpu.memref_slice %arg10[%dma_wait3A_231, %dma_wait3A_232] : memref<64x129xf32, #tpu.memory_space<vmem>> -> memref<8x128xf32, #tpu.memory_space<vmem>>
    %dma_wait3A_234 = arith.constant 0 : i32
    %dma_wait3A_235 = arith.constant 0 : i32
    %dma_wait3A_236 = tpu.memref_slice %arg4[%dma_wait3A_228, %dma_wait3A_229, %dma_wait3A_230, %dma_wait3A_234, %dma_wait3A_235] : memref<200x8x32x8x128xf32, #tpu.memory_space<hbm>> -> memref<1x1x1x8x128xf32, #tpu.memory_space<hbm>>
    %dma_wait3A_237 = tpu.memref_squeeze %dma_wait3A_236 : memref<1x1x1x8x128xf32, #tpu.memory_space<hbm>> -> memref<8x128xf32, #tpu.memory_space<hbm>>
    %dma_wait3A_238 = arith.constant 0 : i32
    %dma_wait3A_239 = arith.constant 0 : i32
    %dma_wait3A_240 = tpu.memref_slice %arg4[%dma_wait3A_228, %dma_wait3A_229, %dma_wait3A_230, %dma_wait3A_238, %dma_wait3A_239] : memref<200x8x32x8x128xf32, #tpu.memory_space<hbm>> -> memref<1x1x1x8x128xf32, #tpu.memory_space<hbm>>
    %dma_wait3A_241 = tpu.memref_squeeze %dma_wait3A_240 : memref<1x1x1x8x128xf32, #tpu.memory_space<hbm>> -> memref<8x128xf32, #tpu.memory_space<hbm>>
    %dma_wait3A_242 = arith.constant 48 : i32
    %dma_wait3A_243 = arith.constant 0 : i32
    %dma_wait3A_244 = tpu.memref_slice %arg10[%dma_wait3A_242, %dma_wait3A_243] : memref<64x129xf32, #tpu.memory_space<vmem>> -> memref<8x128xf32, #tpu.memory_space<vmem>>
    tpu.wait_dma2 semaphore(%arg22 : memref<!tpu.dma_semaphore, #tpu.memory_space<semaphore_mem>>) src(%dma_wait3A_244 : memref<8x128xf32, #tpu.memory_space<vmem>>) dst(%dma_wait3A_241 : memref<8x128xf32, #tpu.memory_space<hbm>>)
    %dma_wait3A_245 = arith.constant 0 : i32
    %dma_wait3A_246 = arith.constant 7 : i32
    %dma_wait3A_247 = arith.constant 0 : i32
    %dma_wait3A_248 = arith.constant 56 : i32
    %dma_wait3A_249 = arith.constant 0 : i32
    %dma_wait3A_250 = tpu.memref_slice %arg10[%dma_wait3A_248, %dma_wait3A_249] : memref<64x129xf32, #tpu.memory_space<vmem>> -> memref<8x128xf32, #tpu.memory_space<vmem>>
    %dma_wait3A_251 = arith.constant 0 : i32
    %dma_wait3A_252 = arith.constant 0 : i32
    %dma_wait3A_253 = tpu.memref_slice %arg4[%dma_wait3A_245, %dma_wait3A_246, %dma_wait3A_247, %dma_wait3A_251, %dma_wait3A_252] : memref<200x8x32x8x128xf32, #tpu.memory_space<hbm>> -> memref<1x1x1x8x128xf32, #tpu.memory_space<hbm>>
    %dma_wait3A_254 = tpu.memref_squeeze %dma_wait3A_253 : memref<1x1x1x8x128xf32, #tpu.memory_space<hbm>> -> memref<8x128xf32, #tpu.memory_space<hbm>>
    %dma_wait3A_255 = arith.constant 0 : i32
    %dma_wait3A_256 = arith.constant 0 : i32
    %dma_wait3A_257 = tpu.memref_slice %arg4[%dma_wait3A_245, %dma_wait3A_246, %dma_wait3A_247, %dma_wait3A_255, %dma_wait3A_256] : memref<200x8x32x8x128xf32, #tpu.memory_space<hbm>> -> memref<1x1x1x8x128xf32, #tpu.memory_space<hbm>>
    %dma_wait3A_258 = tpu.memref_squeeze %dma_wait3A_257 : memref<1x1x1x8x128xf32, #tpu.memory_space<hbm>> -> memref<8x128xf32, #tpu.memory_space<hbm>>
    %dma_wait3A_259 = arith.constant 56 : i32
    %dma_wait3A_260 = arith.constant 0 : i32
    %dma_wait3A_261 = tpu.memref_slice %arg10[%dma_wait3A_259, %dma_wait3A_260] : memref<64x129xf32, #tpu.memory_space<vmem>> -> memref<8x128xf32, #tpu.memory_space<vmem>>
    tpu.wait_dma2 semaphore(%arg22 : memref<!tpu.dma_semaphore, #tpu.memory_space<semaphore_mem>>) src(%dma_wait3A_261 : memref<8x128xf32, #tpu.memory_space<vmem>>) dst(%dma_wait3A_258 : memref<8x128xf32, #tpu.memory_space<hbm>>)
    %dma_wait3A_262 = arith.constant 0 : i32
    %dma_wait3A_263 = arith.constant 0 : i32
    %dma_wait3A_264 = arith.constant 0 : i32
    %dma_wait3A_265 = arith.constant 0 : i32
    %dma_wait3A_266 = arith.constant 0 : i32
    %dma_wait3A_267 = tpu.memref_slice %arg11[%dma_wait3A_265, %dma_wait3A_266] : memref<64x129xf32, #tpu.memory_space<vmem>> -> memref<8x128xf32, #tpu.memory_space<vmem>>
    %dma_wait3A_268 = arith.constant 0 : i32
    %dma_wait3A_269 = arith.constant 0 : i32
    %dma_wait3A_270 = tpu.memref_slice %arg4[%dma_wait3A_262, %dma_wait3A_263, %dma_wait3A_264, %dma_wait3A_268, %dma_wait3A_269] : memref<200x8x32x8x128xf32, #tpu.memory_space<hbm>> -> memref<1x1x1x8x128xf32, #tpu.memory_space<hbm>>
    %dma_wait3A_271 = tpu.memref_squeeze %dma_wait3A_270 : memref<1x1x1x8x128xf32, #tpu.memory_space<hbm>> -> memref<8x128xf32, #tpu.memory_space<hbm>>
    %dma_wait3A_272 = arith.constant 0 : i32
    %dma_wait3A_273 = arith.constant 0 : i32
    %dma_wait3A_274 = tpu.memref_slice %arg4[%dma_wait3A_262, %dma_wait3A_263, %dma_wait3A_264, %dma_wait3A_272, %dma_wait3A_273] : memref<200x8x32x8x128xf32, #tpu.memory_space<hbm>> -> memref<1x1x1x8x128xf32, #tpu.memory_space<hbm>>
    %dma_wait3A_275 = tpu.memref_squeeze %dma_wait3A_274 : memref<1x1x1x8x128xf32, #tpu.memory_space<hbm>> -> memref<8x128xf32, #tpu.memory_space<hbm>>
    %dma_wait3A_276 = arith.constant 0 : i32
    %dma_wait3A_277 = arith.constant 0 : i32
    %dma_wait3A_278 = tpu.memref_slice %arg11[%dma_wait3A_276, %dma_wait3A_277] : memref<64x129xf32, #tpu.memory_space<vmem>> -> memref<8x128xf32, #tpu.memory_space<vmem>>
    tpu.wait_dma2 semaphore(%arg23 : memref<!tpu.dma_semaphore, #tpu.memory_space<semaphore_mem>>) src(%dma_wait3A_278 : memref<8x128xf32, #tpu.memory_space<vmem>>) dst(%dma_wait3A_275 : memref<8x128xf32, #tpu.memory_space<hbm>>)
    %dma_wait3A_279 = arith.constant 0 : i32
    %dma_wait3A_280 = arith.constant 1 : i32
    %dma_wait3A_281 = arith.constant 0 : i32
    %dma_wait3A_282 = arith.constant 8 : i32
    %dma_wait3A_283 = arith.constant 0 : i32
    %dma_wait3A_284 = tpu.memref_slice %arg11[%dma_wait3A_282, %dma_wait3A_283] : memref<64x129xf32, #tpu.memory_space<vmem>> -> memref<8x128xf32, #tpu.memory_space<vmem>>
    %dma_wait3A_285 = arith.constant 0 : i32
    %dma_wait3A_286 = arith.constant 0 : i32
    %dma_wait3A_287 = tpu.memref_slice %arg4[%dma_wait3A_279, %dma_wait3A_280, %dma_wait3A_281, %dma_wait3A_285, %dma_wait3A_286] : memref<200x8x32x8x128xf32, #tpu.memory_space<hbm>> -> memref<1x1x1x8x128xf32, #tpu.memory_space<hbm>>
    %dma_wait3A_288 = tpu.memref_squeeze %dma_wait3A_287 : memref<1x1x1x8x128xf32, #tpu.memory_space<hbm>> -> memref<8x128xf32, #tpu.memory_space<hbm>>
    %dma_wait3A_289 = arith.constant 0 : i32
    %dma_wait3A_290 = arith.constant 0 : i32
    %dma_wait3A_291 = tpu.memref_slice %arg4[%dma_wait3A_279, %dma_wait3A_280, %dma_wait3A_281, %dma_wait3A_289, %dma_wait3A_290] : memref<200x8x32x8x128xf32, #tpu.memory_space<hbm>> -> memref<1x1x1x8x128xf32, #tpu.memory_space<hbm>>
    %dma_wait3A_292 = tpu.memref_squeeze %dma_wait3A_291 : memref<1x1x1x8x128xf32, #tpu.memory_space<hbm>> -> memref<8x128xf32, #tpu.memory_space<hbm>>
    %dma_wait3A_293 = arith.constant 8 : i32
    %dma_wait3A_294 = arith.constant 0 : i32
    %dma_wait3A_295 = tpu.memref_slice %arg11[%dma_wait3A_293, %dma_wait3A_294] : memref<64x129xf32, #tpu.memory_space<vmem>> -> memref<8x128xf32, #tpu.memory_space<vmem>>
    tpu.wait_dma2 semaphore(%arg23 : memref<!tpu.dma_semaphore, #tpu.memory_space<semaphore_mem>>) src(%dma_wait3A_295 : memref<8x128xf32, #tpu.memory_space<vmem>>) dst(%dma_wait3A_292 : memref<8x128xf32, #tpu.memory_space<hbm>>)
    %dma_wait3A_296 = arith.constant 0 : i32
    %dma_wait3A_297 = arith.constant 2 : i32
    %dma_wait3A_298 = arith.constant 0 : i32
    %dma_wait3A_299 = arith.constant 16 : i32
    %dma_wait3A_300 = arith.constant 0 : i32
    %dma_wait3A_301 = tpu.memref_slice %arg11[%dma_wait3A_299, %dma_wait3A_300] : memref<64x129xf32, #tpu.memory_space<vmem>> -> memref<8x128xf32, #tpu.memory_space<vmem>>
    %dma_wait3A_302 = arith.constant 0 : i32
    %dma_wait3A_303 = arith.constant 0 : i32
    %dma_wait3A_304 = tpu.memref_slice %arg4[%dma_wait3A_296, %dma_wait3A_297, %dma_wait3A_298, %dma_wait3A_302, %dma_wait3A_303] : memref<200x8x32x8x128xf32, #tpu.memory_space<hbm>> -> memref<1x1x1x8x128xf32, #tpu.memory_space<hbm>>
    %dma_wait3A_305 = tpu.memref_squeeze %dma_wait3A_304 : memref<1x1x1x8x128xf32, #tpu.memory_space<hbm>> -> memref<8x128xf32, #tpu.memory_space<hbm>>
    %dma_wait3A_306 = arith.constant 0 : i32
    %dma_wait3A_307 = arith.constant 0 : i32
    %dma_wait3A_308 = tpu.memref_slice %arg4[%dma_wait3A_296, %dma_wait3A_297, %dma_wait3A_298, %dma_wait3A_306, %dma_wait3A_307] : memref<200x8x32x8x128xf32, #tpu.memory_space<hbm>> -> memref<1x1x1x8x128xf32, #tpu.memory_space<hbm>>
    %dma_wait3A_309 = tpu.memref_squeeze %dma_wait3A_308 : memref<1x1x1x8x128xf32, #tpu.memory_space<hbm>> -> memref<8x128xf32, #tpu.memory_space<hbm>>
    %dma_wait3A_310 = arith.constant 16 : i32
    %dma_wait3A_311 = arith.constant 0 : i32
    %dma_wait3A_312 = tpu.memref_slice %arg11[%dma_wait3A_310, %dma_wait3A_311] : memref<64x129xf32, #tpu.memory_space<vmem>> -> memref<8x128xf32, #tpu.memory_space<vmem>>
    tpu.wait_dma2 semaphore(%arg23 : memref<!tpu.dma_semaphore, #tpu.memory_space<semaphore_mem>>) src(%dma_wait3A_312 : memref<8x128xf32, #tpu.memory_space<vmem>>) dst(%dma_wait3A_309 : memref<8x128xf32, #tpu.memory_space<hbm>>)
    %dma_wait3A_313 = arith.constant 0 : i32
    %dma_wait3A_314 = arith.constant 3 : i32
    %dma_wait3A_315 = arith.constant 0 : i32
    %dma_wait3A_316 = arith.constant 24 : i32
    %dma_wait3A_317 = arith.constant 0 : i32
    %dma_wait3A_318 = tpu.memref_slice %arg11[%dma_wait3A_316, %dma_wait3A_317] : memref<64x129xf32, #tpu.memory_space<vmem>> -> memref<8x128xf32, #tpu.memory_space<vmem>>
    %dma_wait3A_319 = arith.constant 0 : i32
    %dma_wait3A_320 = arith.constant 0 : i32
    %dma_wait3A_321 = tpu.memref_slice %arg4[%dma_wait3A_313, %dma_wait3A_314, %dma_wait3A_315, %dma_wait3A_319, %dma_wait3A_320] : memref<200x8x32x8x128xf32, #tpu.memory_space<hbm>> -> memref<1x1x1x8x128xf32, #tpu.memory_space<hbm>>
    %dma_wait3A_322 = tpu.memref_squeeze %dma_wait3A_321 : memref<1x1x1x8x128xf32, #tpu.memory_space<hbm>> -> memref<8x128xf32, #tpu.memory_space<hbm>>
    %dma_wait3A_323 = arith.constant 0 : i32
    %dma_wait3A_324 = arith.constant 0 : i32
    %dma_wait3A_325 = tpu.memref_slice %arg4[%dma_wait3A_313, %dma_wait3A_314, %dma_wait3A_315, %dma_wait3A_323, %dma_wait3A_324] : memref<200x8x32x8x128xf32, #tpu.memory_space<hbm>> -> memref<1x1x1x8x128xf32, #tpu.memory_space<hbm>>
    %dma_wait3A_326 = tpu.memref_squeeze %dma_wait3A_325 : memref<1x1x1x8x128xf32, #tpu.memory_space<hbm>> -> memref<8x128xf32, #tpu.memory_space<hbm>>
    %dma_wait3A_327 = arith.constant 24 : i32
    %dma_wait3A_328 = arith.constant 0 : i32
    %dma_wait3A_329 = tpu.memref_slice %arg11[%dma_wait3A_327, %dma_wait3A_328] : memref<64x129xf32, #tpu.memory_space<vmem>> -> memref<8x128xf32, #tpu.memory_space<vmem>>
    tpu.wait_dma2 semaphore(%arg23 : memref<!tpu.dma_semaphore, #tpu.memory_space<semaphore_mem>>) src(%dma_wait3A_329 : memref<8x128xf32, #tpu.memory_space<vmem>>) dst(%dma_wait3A_326 : memref<8x128xf32, #tpu.memory_space<hbm>>)
    %dma_wait3A_330 = arith.constant 0 : i32
    %dma_wait3A_331 = arith.constant 4 : i32
    %dma_wait3A_332 = arith.constant 0 : i32
    %dma_wait3A_333 = arith.constant 32 : i32
    %dma_wait3A_334 = arith.constant 0 : i32
    %dma_wait3A_335 = tpu.memref_slice %arg11[%dma_wait3A_333, %dma_wait3A_334] : memref<64x129xf32, #tpu.memory_space<vmem>> -> memref<8x128xf32, #tpu.memory_space<vmem>>
    %dma_wait3A_336 = arith.constant 0 : i32
    %dma_wait3A_337 = arith.constant 0 : i32
    %dma_wait3A_338 = tpu.memref_slice %arg4[%dma_wait3A_330, %dma_wait3A_331, %dma_wait3A_332, %dma_wait3A_336, %dma_wait3A_337] : memref<200x8x32x8x128xf32, #tpu.memory_space<hbm>> -> memref<1x1x1x8x128xf32, #tpu.memory_space<hbm>>
    %dma_wait3A_339 = tpu.memref_squeeze %dma_wait3A_338 : memref<1x1x1x8x128xf32, #tpu.memory_space<hbm>> -> memref<8x128xf32, #tpu.memory_space<hbm>>
    %dma_wait3A_340 = arith.constant 0 : i32
    %dma_wait3A_341 = arith.constant 0 : i32
    %dma_wait3A_342 = tpu.memref_slice %arg4[%dma_wait3A_330, %dma_wait3A_331, %dma_wait3A_332, %dma_wait3A_340, %dma_wait3A_341] : memref<200x8x32x8x128xf32, #tpu.memory_space<hbm>> -> memref<1x1x1x8x128xf32, #tpu.memory_space<hbm>>
    %dma_wait3A_343 = tpu.memref_squeeze %dma_wait3A_342 : memref<1x1x1x8x128xf32, #tpu.memory_space<hbm>> -> memref<8x128xf32, #tpu.memory_space<hbm>>
    %dma_wait3A_344 = arith.constant 32 : i32
    %dma_wait3A_345 = arith.constant 0 : i32
    %dma_wait3A_346 = tpu.memref_slice %arg11[%dma_wait3A_344, %dma_wait3A_345] : memref<64x129xf32, #tpu.memory_space<vmem>> -> memref<8x128xf32, #tpu.memory_space<vmem>>
    tpu.wait_dma2 semaphore(%arg23 : memref<!tpu.dma_semaphore, #tpu.memory_space<semaphore_mem>>) src(%dma_wait3A_346 : memref<8x128xf32, #tpu.memory_space<vmem>>) dst(%dma_wait3A_343 : memref<8x128xf32, #tpu.memory_space<hbm>>)
    %dma_wait3A_347 = arith.constant 0 : i32
    %dma_wait3A_348 = arith.constant 5 : i32
    %dma_wait3A_349 = arith.constant 0 : i32
    %dma_wait3A_350 = arith.constant 40 : i32
    %dma_wait3A_351 = arith.constant 0 : i32
    %dma_wait3A_352 = tpu.memref_slice %arg11[%dma_wait3A_350, %dma_wait3A_351] : memref<64x129xf32, #tpu.memory_space<vmem>> -> memref<8x128xf32, #tpu.memory_space<vmem>>
    %dma_wait3A_353 = arith.constant 0 : i32
    %dma_wait3A_354 = arith.constant 0 : i32
    %dma_wait3A_355 = tpu.memref_slice %arg4[%dma_wait3A_347, %dma_wait3A_348, %dma_wait3A_349, %dma_wait3A_353, %dma_wait3A_354] : memref<200x8x32x8x128xf32, #tpu.memory_space<hbm>> -> memref<1x1x1x8x128xf32, #tpu.memory_space<hbm>>
    %dma_wait3A_356 = tpu.memref_squeeze %dma_wait3A_355 : memref<1x1x1x8x128xf32, #tpu.memory_space<hbm>> -> memref<8x128xf32, #tpu.memory_space<hbm>>
    %dma_wait3A_357 = arith.constant 0 : i32
    %dma_wait3A_358 = arith.constant 0 : i32
    %dma_wait3A_359 = tpu.memref_slice %arg4[%dma_wait3A_347, %dma_wait3A_348, %dma_wait3A_349, %dma_wait3A_357, %dma_wait3A_358] : memref<200x8x32x8x128xf32, #tpu.memory_space<hbm>> -> memref<1x1x1x8x128xf32, #tpu.memory_space<hbm>>
    %dma_wait3A_360 = tpu.memref_squeeze %dma_wait3A_359 : memref<1x1x1x8x128xf32, #tpu.memory_space<hbm>> -> memref<8x128xf32, #tpu.memory_space<hbm>>
    %dma_wait3A_361 = arith.constant 40 : i32
    %dma_wait3A_362 = arith.constant 0 : i32
    %dma_wait3A_363 = tpu.memref_slice %arg11[%dma_wait3A_361, %dma_wait3A_362] : memref<64x129xf32, #tpu.memory_space<vmem>> -> memref<8x128xf32, #tpu.memory_space<vmem>>
    tpu.wait_dma2 semaphore(%arg23 : memref<!tpu.dma_semaphore, #tpu.memory_space<semaphore_mem>>) src(%dma_wait3A_363 : memref<8x128xf32, #tpu.memory_space<vmem>>) dst(%dma_wait3A_360 : memref<8x128xf32, #tpu.memory_space<hbm>>)
    %dma_wait3A_364 = arith.constant 0 : i32
    %dma_wait3A_365 = arith.constant 6 : i32
    %dma_wait3A_366 = arith.constant 0 : i32
    %dma_wait3A_367 = arith.constant 48 : i32
    %dma_wait3A_368 = arith.constant 0 : i32
    %dma_wait3A_369 = tpu.memref_slice %arg11[%dma_wait3A_367, %dma_wait3A_368] : memref<64x129xf32, #tpu.memory_space<vmem>> -> memref<8x128xf32, #tpu.memory_space<vmem>>
    %dma_wait3A_370 = arith.constant 0 : i32
    %dma_wait3A_371 = arith.constant 0 : i32
    %dma_wait3A_372 = tpu.memref_slice %arg4[%dma_wait3A_364, %dma_wait3A_365, %dma_wait3A_366, %dma_wait3A_370, %dma_wait3A_371] : memref<200x8x32x8x128xf32, #tpu.memory_space<hbm>> -> memref<1x1x1x8x128xf32, #tpu.memory_space<hbm>>
    %dma_wait3A_373 = tpu.memref_squeeze %dma_wait3A_372 : memref<1x1x1x8x128xf32, #tpu.memory_space<hbm>> -> memref<8x128xf32, #tpu.memory_space<hbm>>
    %dma_wait3A_374 = arith.constant 0 : i32
    %dma_wait3A_375 = arith.constant 0 : i32
    %dma_wait3A_376 = tpu.memref_slice %arg4[%dma_wait3A_364, %dma_wait3A_365, %dma_wait3A_366, %dma_wait3A_374, %dma_wait3A_375] : memref<200x8x32x8x128xf32, #tpu.memory_space<hbm>> -> memref<1x1x1x8x128xf32, #tpu.memory_space<hbm>>
    %dma_wait3A_377 = tpu.memref_squeeze %dma_wait3A_376 : memref<1x1x1x8x128xf32, #tpu.memory_space<hbm>> -> memref<8x128xf32, #tpu.memory_space<hbm>>
    %dma_wait3A_378 = arith.constant 48 : i32
    %dma_wait3A_379 = arith.constant 0 : i32
    %dma_wait3A_380 = tpu.memref_slice %arg11[%dma_wait3A_378, %dma_wait3A_379] : memref<64x129xf32, #tpu.memory_space<vmem>> -> memref<8x128xf32, #tpu.memory_space<vmem>>
    tpu.wait_dma2 semaphore(%arg23 : memref<!tpu.dma_semaphore, #tpu.memory_space<semaphore_mem>>) src(%dma_wait3A_380 : memref<8x128xf32, #tpu.memory_space<vmem>>) dst(%dma_wait3A_377 : memref<8x128xf32, #tpu.memory_space<hbm>>)
    %dma_wait3A_381 = arith.constant 0 : i32
    %dma_wait3A_382 = arith.constant 7 : i32
    %dma_wait3A_383 = arith.constant 0 : i32
    %dma_wait3A_384 = arith.constant 56 : i32
    %dma_wait3A_385 = arith.constant 0 : i32
    %dma_wait3A_386 = tpu.memref_slice %arg11[%dma_wait3A_384, %dma_wait3A_385] : memref<64x129xf32, #tpu.memory_space<vmem>> -> memref<8x128xf32, #tpu.memory_space<vmem>>
    %dma_wait3A_387 = arith.constant 0 : i32
    %dma_wait3A_388 = arith.constant 0 : i32
    %dma_wait3A_389 = tpu.memref_slice %arg4[%dma_wait3A_381, %dma_wait3A_382, %dma_wait3A_383, %dma_wait3A_387, %dma_wait3A_388] : memref<200x8x32x8x128xf32, #tpu.memory_space<hbm>> -> memref<1x1x1x8x128xf32, #tpu.memory_space<hbm>>
    %dma_wait3A_390 = tpu.memref_squeeze %dma_wait3A_389 : memref<1x1x1x8x128xf32, #tpu.memory_space<hbm>> -> memref<8x128xf32, #tpu.memory_space<hbm>>
    %dma_wait3A_391 = arith.constant 0 : i32
    %dma_wait3A_392 = arith.constant 0 : i32
    %dma_wait3A_393 = tpu.memref_slice %arg4[%dma_wait3A_381, %dma_wait3A_382, %dma_wait3A_383, %dma_wait3A_391, %dma_wait3A_392] : memref<200x8x32x8x128xf32, #tpu.memory_space<hbm>> -> memref<1x1x1x8x128xf32, #tpu.memory_space<hbm>>
    %dma_wait3A_394 = tpu.memref_squeeze %dma_wait3A_393 : memref<1x1x1x8x128xf32, #tpu.memory_space<hbm>> -> memref<8x128xf32, #tpu.memory_space<hbm>>
    %dma_wait3A_395 = arith.constant 56 : i32
    %dma_wait3A_396 = arith.constant 0 : i32
    %dma_wait3A_397 = tpu.memref_slice %arg11[%dma_wait3A_395, %dma_wait3A_396] : memref<64x129xf32, #tpu.memory_space<vmem>> -> memref<8x128xf32, #tpu.memory_space<vmem>>
    tpu.wait_dma2 semaphore(%arg23 : memref<!tpu.dma_semaphore, #tpu.memory_space<semaphore_mem>>) src(%dma_wait3A_397 : memref<8x128xf32, #tpu.memory_space<vmem>>) dst(%dma_wait3A_394 : memref<8x128xf32, #tpu.memory_space<hbm>>)
    %dma_wait3A_398 = arith.constant 0 : i32
    %dma_wait3A_399 = arith.constant 0 : i32
    %dma_wait3A_400 = arith.constant 0 : i32
    %dma_wait3A_401 = arith.constant 0 : i32
    %dma_wait3A_402 = arith.constant 0 : i32
    %dma_wait3A_403 = tpu.memref_slice %arg12[%dma_wait3A_401, %dma_wait3A_402] : memref<64x129xf32, #tpu.memory_space<vmem>> -> memref<8x128xf32, #tpu.memory_space<vmem>>
    %dma_wait3A_404 = arith.constant 0 : i32
    %dma_wait3A_405 = arith.constant 0 : i32
    %dma_wait3A_406 = tpu.memref_slice %arg4[%dma_wait3A_398, %dma_wait3A_399, %dma_wait3A_400, %dma_wait3A_404, %dma_wait3A_405] : memref<200x8x32x8x128xf32, #tpu.memory_space<hbm>> -> memref<1x1x1x8x128xf32, #tpu.memory_space<hbm>>
    %dma_wait3A_407 = tpu.memref_squeeze %dma_wait3A_406 : memref<1x1x1x8x128xf32, #tpu.memory_space<hbm>> -> memref<8x128xf32, #tpu.memory_space<hbm>>
    %dma_wait3A_408 = arith.constant 0 : i32
    %dma_wait3A_409 = arith.constant 0 : i32
    %dma_wait3A_410 = tpu.memref_slice %arg4[%dma_wait3A_398, %dma_wait3A_399, %dma_wait3A_400, %dma_wait3A_408, %dma_wait3A_409] : memref<200x8x32x8x128xf32, #tpu.memory_space<hbm>> -> memref<1x1x1x8x128xf32, #tpu.memory_space<hbm>>
    %dma_wait3A_411 = tpu.memref_squeeze %dma_wait3A_410 : memref<1x1x1x8x128xf32, #tpu.memory_space<hbm>> -> memref<8x128xf32, #tpu.memory_space<hbm>>
    %dma_wait3A_412 = arith.constant 0 : i32
    %dma_wait3A_413 = arith.constant 0 : i32
    %dma_wait3A_414 = tpu.memref_slice %arg12[%dma_wait3A_412, %dma_wait3A_413] : memref<64x129xf32, #tpu.memory_space<vmem>> -> memref<8x128xf32, #tpu.memory_space<vmem>>
    tpu.wait_dma2 semaphore(%arg24 : memref<!tpu.dma_semaphore, #tpu.memory_space<semaphore_mem>>) src(%dma_wait3A_414 : memref<8x128xf32, #tpu.memory_space<vmem>>) dst(%dma_wait3A_411 : memref<8x128xf32, #tpu.memory_space<hbm>>)
    %dma_wait3A_415 = arith.constant 0 : i32
    %dma_wait3A_416 = arith.constant 1 : i32
    %dma_wait3A_417 = arith.constant 0 : i32
    %dma_wait3A_418 = arith.constant 8 : i32
    %dma_wait3A_419 = arith.constant 0 : i32
    %dma_wait3A_420 = tpu.memref_slice %arg12[%dma_wait3A_418, %dma_wait3A_419] : memref<64x129xf32, #tpu.memory_space<vmem>> -> memref<8x128xf32, #tpu.memory_space<vmem>>
    %dma_wait3A_421 = arith.constant 0 : i32
    %dma_wait3A_422 = arith.constant 0 : i32
    %dma_wait3A_423 = tpu.memref_slice %arg4[%dma_wait3A_415, %dma_wait3A_416, %dma_wait3A_417, %dma_wait3A_421, %dma_wait3A_422] : memref<200x8x32x8x128xf32, #tpu.memory_space<hbm>> -> memref<1x1x1x8x128xf32, #tpu.memory_space<hbm>>
    %dma_wait3A_424 = tpu.memref_squeeze %dma_wait3A_423 : memref<1x1x1x8x128xf32, #tpu.memory_space<hbm>> -> memref<8x128xf32, #tpu.memory_space<hbm>>
    %dma_wait3A_425 = arith.constant 0 : i32
    %dma_wait3A_426 = arith.constant 0 : i32
    %dma_wait3A_427 = tpu.memref_slice %arg4[%dma_wait3A_415, %dma_wait3A_416, %dma_wait3A_417, %dma_wait3A_425, %dma_wait3A_426] : memref<200x8x32x8x128xf32, #tpu.memory_space<hbm>> -> memref<1x1x1x8x128xf32, #tpu.memory_space<hbm>>
    %dma_wait3A_428 = tpu.memref_squeeze %dma_wait3A_427 : memref<1x1x1x8x128xf32, #tpu.memory_space<hbm>> -> memref<8x128xf32, #tpu.memory_space<hbm>>
    %dma_wait3A_429 = arith.constant 8 : i32
    %dma_wait3A_430 = arith.constant 0 : i32
    %dma_wait3A_431 = tpu.memref_slice %arg12[%dma_wait3A_429, %dma_wait3A_430] : memref<64x129xf32, #tpu.memory_space<vmem>> -> memref<8x128xf32, #tpu.memory_space<vmem>>
    tpu.wait_dma2 semaphore(%arg24 : memref<!tpu.dma_semaphore, #tpu.memory_space<semaphore_mem>>) src(%dma_wait3A_431 : memref<8x128xf32, #tpu.memory_space<vmem>>) dst(%dma_wait3A_428 : memref<8x128xf32, #tpu.memory_space<hbm>>)
    %dma_wait3A_432 = arith.constant 0 : i32
    %dma_wait3A_433 = arith.constant 2 : i32
    %dma_wait3A_434 = arith.constant 0 : i32
    %dma_wait3A_435 = arith.constant 16 : i32
    %dma_wait3A_436 = arith.constant 0 : i32
    %dma_wait3A_437 = tpu.memref_slice %arg12[%dma_wait3A_435, %dma_wait3A_436] : memref<64x129xf32, #tpu.memory_space<vmem>> -> memref<8x128xf32, #tpu.memory_space<vmem>>
    %dma_wait3A_438 = arith.constant 0 : i32
    %dma_wait3A_439 = arith.constant 0 : i32
    %dma_wait3A_440 = tpu.memref_slice %arg4[%dma_wait3A_432, %dma_wait3A_433, %dma_wait3A_434, %dma_wait3A_438, %dma_wait3A_439] : memref<200x8x32x8x128xf32, #tpu.memory_space<hbm>> -> memref<1x1x1x8x128xf32, #tpu.memory_space<hbm>>
    %dma_wait3A_441 = tpu.memref_squeeze %dma_wait3A_440 : memref<1x1x1x8x128xf32, #tpu.memory_space<hbm>> -> memref<8x128xf32, #tpu.memory_space<hbm>>
    %dma_wait3A_442 = arith.constant 0 : i32
    %dma_wait3A_443 = arith.constant 0 : i32
    %dma_wait3A_444 = tpu.memref_slice %arg4[%dma_wait3A_432, %dma_wait3A_433, %dma_wait3A_434, %dma_wait3A_442, %dma_wait3A_443] : memref<200x8x32x8x128xf32, #tpu.memory_space<hbm>> -> memref<1x1x1x8x128xf32, #tpu.memory_space<hbm>>
    %dma_wait3A_445 = tpu.memref_squeeze %dma_wait3A_444 : memref<1x1x1x8x128xf32, #tpu.memory_space<hbm>> -> memref<8x128xf32, #tpu.memory_space<hbm>>
    %dma_wait3A_446 = arith.constant 16 : i32
    %dma_wait3A_447 = arith.constant 0 : i32
    %dma_wait3A_448 = tpu.memref_slice %arg12[%dma_wait3A_446, %dma_wait3A_447] : memref<64x129xf32, #tpu.memory_space<vmem>> -> memref<8x128xf32, #tpu.memory_space<vmem>>
    tpu.wait_dma2 semaphore(%arg24 : memref<!tpu.dma_semaphore, #tpu.memory_space<semaphore_mem>>) src(%dma_wait3A_448 : memref<8x128xf32, #tpu.memory_space<vmem>>) dst(%dma_wait3A_445 : memref<8x128xf32, #tpu.memory_space<hbm>>)
    %dma_wait3A_449 = arith.constant 0 : i32
    %dma_wait3A_450 = arith.constant 3 : i32
    %dma_wait3A_451 = arith.constant 0 : i32
    %dma_wait3A_452 = arith.constant 24 : i32
    %dma_wait3A_453 = arith.constant 0 : i32
    %dma_wait3A_454 = tpu.memref_slice %arg12[%dma_wait3A_452, %dma_wait3A_453] : memref<64x129xf32, #tpu.memory_space<vmem>> -> memref<8x128xf32, #tpu.memory_space<vmem>>
    %dma_wait3A_455 = arith.constant 0 : i32
    %dma_wait3A_456 = arith.constant 0 : i32
    %dma_wait3A_457 = tpu.memref_slice %arg4[%dma_wait3A_449, %dma_wait3A_450, %dma_wait3A_451, %dma_wait3A_455, %dma_wait3A_456] : memref<200x8x32x8x128xf32, #tpu.memory_space<hbm>> -> memref<1x1x1x8x128xf32, #tpu.memory_space<hbm>>
    %dma_wait3A_458 = tpu.memref_squeeze %dma_wait3A_457 : memref<1x1x1x8x128xf32, #tpu.memory_space<hbm>> -> memref<8x128xf32, #tpu.memory_space<hbm>>
    %dma_wait3A_459 = arith.constant 0 : i32
    %dma_wait3A_460 = arith.constant 0 : i32
    %dma_wait3A_461 = tpu.memref_slice %arg4[%dma_wait3A_449, %dma_wait3A_450, %dma_wait3A_451, %dma_wait3A_459, %dma_wait3A_460] : memref<200x8x32x8x128xf32, #tpu.memory_space<hbm>> -> memref<1x1x1x8x128xf32, #tpu.memory_space<hbm>>
    %dma_wait3A_462 = tpu.memref_squeeze %dma_wait3A_461 : memref<1x1x1x8x128xf32, #tpu.memory_space<hbm>> -> memref<8x128xf32, #tpu.memory_space<hbm>>
    %dma_wait3A_463 = arith.constant 24 : i32
    %dma_wait3A_464 = arith.constant 0 : i32
    %dma_wait3A_465 = tpu.memref_slice %arg12[%dma_wait3A_463, %dma_wait3A_464] : memref<64x129xf32, #tpu.memory_space<vmem>> -> memref<8x128xf32, #tpu.memory_space<vmem>>
    tpu.wait_dma2 semaphore(%arg24 : memref<!tpu.dma_semaphore, #tpu.memory_space<semaphore_mem>>) src(%dma_wait3A_465 : memref<8x128xf32, #tpu.memory_space<vmem>>) dst(%dma_wait3A_462 : memref<8x128xf32, #tpu.memory_space<hbm>>)
    %dma_wait3A_466 = arith.constant 0 : i32
    %dma_wait3A_467 = arith.constant 4 : i32
    %dma_wait3A_468 = arith.constant 0 : i32
    %dma_wait3A_469 = arith.constant 32 : i32
    %dma_wait3A_470 = arith.constant 0 : i32
    %dma_wait3A_471 = tpu.memref_slice %arg12[%dma_wait3A_469, %dma_wait3A_470] : memref<64x129xf32, #tpu.memory_space<vmem>> -> memref<8x128xf32, #tpu.memory_space<vmem>>
    %dma_wait3A_472 = arith.constant 0 : i32
    %dma_wait3A_473 = arith.constant 0 : i32
    %dma_wait3A_474 = tpu.memref_slice %arg4[%dma_wait3A_466, %dma_wait3A_467, %dma_wait3A_468, %dma_wait3A_472, %dma_wait3A_473] : memref<200x8x32x8x128xf32, #tpu.memory_space<hbm>> -> memref<1x1x1x8x128xf32, #tpu.memory_space<hbm>>
    %dma_wait3A_475 = tpu.memref_squeeze %dma_wait3A_474 : memref<1x1x1x8x128xf32, #tpu.memory_space<hbm>> -> memref<8x128xf32, #tpu.memory_space<hbm>>
    %dma_wait3A_476 = arith.constant 0 : i32
    %dma_wait3A_477 = arith.constant 0 : i32
    %dma_wait3A_478 = tpu.memref_slice %arg4[%dma_wait3A_466, %dma_wait3A_467, %dma_wait3A_468, %dma_wait3A_476, %dma_wait3A_477] : memref<200x8x32x8x128xf32, #tpu.memory_space<hbm>> -> memref<1x1x1x8x128xf32, #tpu.memory_space<hbm>>
    %dma_wait3A_479 = tpu.memref_squeeze %dma_wait3A_478 : memref<1x1x1x8x128xf32, #tpu.memory_space<hbm>> -> memref<8x128xf32, #tpu.memory_space<hbm>>
    %dma_wait3A_480 = arith.constant 32 : i32
    %dma_wait3A_481 = arith.constant 0 : i32
    %dma_wait3A_482 = tpu.memref_slice %arg12[%dma_wait3A_480, %dma_wait3A_481] : memref<64x129xf32, #tpu.memory_space<vmem>> -> memref<8x128xf32, #tpu.memory_space<vmem>>
    tpu.wait_dma2 semaphore(%arg24 : memref<!tpu.dma_semaphore, #tpu.memory_space<semaphore_mem>>) src(%dma_wait3A_482 : memref<8x128xf32, #tpu.memory_space<vmem>>) dst(%dma_wait3A_479 : memref<8x128xf32, #tpu.memory_space<hbm>>)
    %dma_wait3A_483 = arith.constant 0 : i32
    %dma_wait3A_484 = arith.constant 5 : i32
    %dma_wait3A_485 = arith.constant 0 : i32
    %dma_wait3A_486 = arith.constant 40 : i32
    %dma_wait3A_487 = arith.constant 0 : i32
    %dma_wait3A_488 = tpu.memref_slice %arg12[%dma_wait3A_486, %dma_wait3A_487] : memref<64x129xf32, #tpu.memory_space<vmem>> -> memref<8x128xf32, #tpu.memory_space<vmem>>
    %dma_wait3A_489 = arith.constant 0 : i32
    %dma_wait3A_490 = arith.constant 0 : i32
    %dma_wait3A_491 = tpu.memref_slice %arg4[%dma_wait3A_483, %dma_wait3A_484, %dma_wait3A_485, %dma_wait3A_489, %dma_wait3A_490] : memref<200x8x32x8x128xf32, #tpu.memory_space<hbm>> -> memref<1x1x1x8x128xf32, #tpu.memory_space<hbm>>
    %dma_wait3A_492 = tpu.memref_squeeze %dma_wait3A_491 : memref<1x1x1x8x128xf32, #tpu.memory_space<hbm>> -> memref<8x128xf32, #tpu.memory_space<hbm>>
    %dma_wait3A_493 = arith.constant 0 : i32
    %dma_wait3A_494 = arith.constant 0 : i32
    %dma_wait3A_495 = tpu.memref_slice %arg4[%dma_wait3A_483, %dma_wait3A_484, %dma_wait3A_485, %dma_wait3A_493, %dma_wait3A_494] : memref<200x8x32x8x128xf32, #tpu.memory_space<hbm>> -> memref<1x1x1x8x128xf32, #tpu.memory_space<hbm>>
    %dma_wait3A_496 = tpu.memref_squeeze %dma_wait3A_495 : memref<1x1x1x8x128xf32, #tpu.memory_space<hbm>> -> memref<8x128xf32, #tpu.memory_space<hbm>>
    %dma_wait3A_497 = arith.constant 40 : i32
    %dma_wait3A_498 = arith.constant 0 : i32
    %dma_wait3A_499 = tpu.memref_slice %arg12[%dma_wait3A_497, %dma_wait3A_498] : memref<64x129xf32, #tpu.memory_space<vmem>> -> memref<8x128xf32, #tpu.memory_space<vmem>>
    tpu.wait_dma2 semaphore(%arg24 : memref<!tpu.dma_semaphore, #tpu.memory_space<semaphore_mem>>) src(%dma_wait3A_499 : memref<8x128xf32, #tpu.memory_space<vmem>>) dst(%dma_wait3A_496 : memref<8x128xf32, #tpu.memory_space<hbm>>)
    %dma_wait3A_500 = arith.constant 0 : i32
    %dma_wait3A_501 = arith.constant 6 : i32
    %dma_wait3A_502 = arith.constant 0 : i32
    %dma_wait3A_503 = arith.constant 48 : i32
    %dma_wait3A_504 = arith.constant 0 : i32
    %dma_wait3A_505 = tpu.memref_slice %arg12[%dma_wait3A_503, %dma_wait3A_504] : memref<64x129xf32, #tpu.memory_space<vmem>> -> memref<8x128xf32, #tpu.memory_space<vmem>>
    %dma_wait3A_506 = arith.constant 0 : i32
    %dma_wait3A_507 = arith.constant 0 : i32
    %dma_wait3A_508 = tpu.memref_slice %arg4[%dma_wait3A_500, %dma_wait3A_501, %dma_wait3A_502, %dma_wait3A_506, %dma_wait3A_507] : memref<200x8x32x8x128xf32, #tpu.memory_space<hbm>> -> memref<1x1x1x8x128xf32, #tpu.memory_space<hbm>>
    %dma_wait3A_509 = tpu.memref_squeeze %dma_wait3A_508 : memref<1x1x1x8x128xf32, #tpu.memory_space<hbm>> -> memref<8x128xf32, #tpu.memory_space<hbm>>
    %dma_wait3A_510 = arith.constant 0 : i32
    %dma_wait3A_511 = arith.constant 0 : i32
    %dma_wait3A_512 = tpu.memref_slice %arg4[%dma_wait3A_500, %dma_wait3A_501, %dma_wait3A_502, %dma_wait3A_510, %dma_wait3A_511] : memref<200x8x32x8x128xf32, #tpu.memory_space<hbm>> -> memref<1x1x1x8x128xf32, #tpu.memory_space<hbm>>
    %dma_wait3A_513 = tpu.memref_squeeze %dma_wait3A_512 : memref<1x1x1x8x128xf32, #tpu.memory_space<hbm>> -> memref<8x128xf32, #tpu.memory_space<hbm>>
    %dma_wait3A_514 = arith.constant 48 : i32
    %dma_wait3A_515 = arith.constant 0 : i32
    %dma_wait3A_516 = tpu.memref_slice %arg12[%dma_wait3A_514, %dma_wait3A_515] : memref<64x129xf32, #tpu.memory_space<vmem>> -> memref<8x128xf32, #tpu.memory_space<vmem>>
    tpu.wait_dma2 semaphore(%arg24 : memref<!tpu.dma_semaphore, #tpu.memory_space<semaphore_mem>>) src(%dma_wait3A_516 : memref<8x128xf32, #tpu.memory_space<vmem>>) dst(%dma_wait3A_513 : memref<8x128xf32, #tpu.memory_space<hbm>>)
    %dma_wait3A_517 = arith.constant 0 : i32
    %dma_wait3A_518 = arith.constant 7 : i32
    %dma_wait3A_519 = arith.constant 0 : i32
    %dma_wait3A_520 = arith.constant 56 : i32
    %dma_wait3A_521 = arith.constant 0 : i32
    %dma_wait3A_522 = tpu.memref_slice %arg12[%dma_wait3A_520, %dma_wait3A_521] : memref<64x129xf32, #tpu.memory_space<vmem>> -> memref<8x128xf32, #tpu.memory_space<vmem>>
    %dma_wait3A_523 = arith.constant 0 : i32
    %dma_wait3A_524 = arith.constant 0 : i32
    %dma_wait3A_525 = tpu.memref_slice %arg4[%dma_wait3A_517, %dma_wait3A_518, %dma_wait3A_519, %dma_wait3A_523, %dma_wait3A_524] : memref<200x8x32x8x128xf32, #tpu.memory_space<hbm>> -> memref<1x1x1x8x128xf32, #tpu.memory_space<hbm>>
    %dma_wait3A_526 = tpu.memref_squeeze %dma_wait3A_525 : memref<1x1x1x8x128xf32, #tpu.memory_space<hbm>> -> memref<8x128xf32, #tpu.memory_space<hbm>>
    %dma_wait3A_527 = arith.constant 0 : i32
    %dma_wait3A_528 = arith.constant 0 : i32
    %dma_wait3A_529 = tpu.memref_slice %arg4[%dma_wait3A_517, %dma_wait3A_518, %dma_wait3A_519, %dma_wait3A_527, %dma_wait3A_528] : memref<200x8x32x8x128xf32, #tpu.memory_space<hbm>> -> memref<1x1x1x8x128xf32, #tpu.memory_space<hbm>>
    %dma_wait3A_530 = tpu.memref_squeeze %dma_wait3A_529 : memref<1x1x1x8x128xf32, #tpu.memory_space<hbm>> -> memref<8x128xf32, #tpu.memory_space<hbm>>
    %dma_wait3A_531 = arith.constant 56 : i32
    %dma_wait3A_532 = arith.constant 0 : i32
    %dma_wait3A_533 = tpu.memref_slice %arg12[%dma_wait3A_531, %dma_wait3A_532] : memref<64x129xf32, #tpu.memory_space<vmem>> -> memref<8x128xf32, #tpu.memory_space<vmem>>
    tpu.wait_dma2 semaphore(%arg24 : memref<!tpu.dma_semaphore, #tpu.memory_space<semaphore_mem>>) src(%dma_wait3A_533 : memref<8x128xf32, #tpu.memory_space<vmem>>) dst(%dma_wait3A_530 : memref<8x128xf32, #tpu.memory_space<hbm>>)
    %dma_wait3A_534 = arith.constant 0 : i32
    %dma_wait3A_535 = arith.constant 0 : i32
    %dma_wait3A_536 = arith.constant 0 : i32
    %dma_wait3A_537 = arith.constant 0 : i32
    %dma_wait3A_538 = arith.constant 0 : i32
    %dma_wait3A_539 = tpu.memref_slice %arg13[%dma_wait3A_537, %dma_wait3A_538] : memref<64x129xf32, #tpu.memory_space<vmem>> -> memref<8x128xf32, #tpu.memory_space<vmem>>
    %dma_wait3A_540 = arith.constant 0 : i32
    %dma_wait3A_541 = arith.constant 0 : i32
    %dma_wait3A_542 = tpu.memref_slice %arg4[%dma_wait3A_534, %dma_wait3A_535, %dma_wait3A_536, %dma_wait3A_540, %dma_wait3A_541] : memref<200x8x32x8x128xf32, #tpu.memory_space<hbm>> -> memref<1x1x1x8x128xf32, #tpu.memory_space<hbm>>
    %dma_wait3A_543 = tpu.memref_squeeze %dma_wait3A_542 : memref<1x1x1x8x128xf32, #tpu.memory_space<hbm>> -> memref<8x128xf32, #tpu.memory_space<hbm>>
    %dma_wait3A_544 = arith.constant 0 : i32
    %dma_wait3A_545 = arith.constant 0 : i32
    %dma_wait3A_546 = tpu.memref_slice %arg4[%dma_wait3A_534, %dma_wait3A_535, %dma_wait3A_536, %dma_wait3A_544, %dma_wait3A_545] : memref<200x8x32x8x128xf32, #tpu.memory_space<hbm>> -> memref<1x1x1x8x128xf32, #tpu.memory_space<hbm>>
    %dma_wait3A_547 = tpu.memref_squeeze %dma_wait3A_546 : memref<1x1x1x8x128xf32, #tpu.memory_space<hbm>> -> memref<8x128xf32, #tpu.memory_space<hbm>>
    %dma_wait3A_548 = arith.constant 0 : i32
    %dma_wait3A_549 = arith.constant 0 : i32
    %dma_wait3A_550 = tpu.memref_slice %arg13[%dma_wait3A_548, %dma_wait3A_549] : memref<64x129xf32, #tpu.memory_space<vmem>> -> memref<8x128xf32, #tpu.memory_space<vmem>>
    tpu.wait_dma2 semaphore(%arg25 : memref<!tpu.dma_semaphore, #tpu.memory_space<semaphore_mem>>) src(%dma_wait3A_550 : memref<8x128xf32, #tpu.memory_space<vmem>>) dst(%dma_wait3A_547 : memref<8x128xf32, #tpu.memory_space<hbm>>)
    %dma_wait3A_551 = arith.constant 0 : i32
    %dma_wait3A_552 = arith.constant 1 : i32
    %dma_wait3A_553 = arith.constant 0 : i32
    %dma_wait3A_554 = arith.constant 8 : i32
    %dma_wait3A_555 = arith.constant 0 : i32
    %dma_wait3A_556 = tpu.memref_slice %arg13[%dma_wait3A_554, %dma_wait3A_555] : memref<64x129xf32, #tpu.memory_space<vmem>> -> memref<8x128xf32, #tpu.memory_space<vmem>>
    %dma_wait3A_557 = arith.constant 0 : i32
    %dma_wait3A_558 = arith.constant 0 : i32
    %dma_wait3A_559 = tpu.memref_slice %arg4[%dma_wait3A_551, %dma_wait3A_552, %dma_wait3A_553, %dma_wait3A_557, %dma_wait3A_558] : memref<200x8x32x8x128xf32, #tpu.memory_space<hbm>> -> memref<1x1x1x8x128xf32, #tpu.memory_space<hbm>>
    %dma_wait3A_560 = tpu.memref_squeeze %dma_wait3A_559 : memref<1x1x1x8x128xf32, #tpu.memory_space<hbm>> -> memref<8x128xf32, #tpu.memory_space<hbm>>
    %dma_wait3A_561 = arith.constant 0 : i32
    %dma_wait3A_562 = arith.constant 0 : i32
    %dma_wait3A_563 = tpu.memref_slice %arg4[%dma_wait3A_551, %dma_wait3A_552, %dma_wait3A_553, %dma_wait3A_561, %dma_wait3A_562] : memref<200x8x32x8x128xf32, #tpu.memory_space<hbm>> -> memref<1x1x1x8x128xf32, #tpu.memory_space<hbm>>
    %dma_wait3A_564 = tpu.memref_squeeze %dma_wait3A_563 : memref<1x1x1x8x128xf32, #tpu.memory_space<hbm>> -> memref<8x128xf32, #tpu.memory_space<hbm>>
    %dma_wait3A_565 = arith.constant 8 : i32
    %dma_wait3A_566 = arith.constant 0 : i32
    %dma_wait3A_567 = tpu.memref_slice %arg13[%dma_wait3A_565, %dma_wait3A_566] : memref<64x129xf32, #tpu.memory_space<vmem>> -> memref<8x128xf32, #tpu.memory_space<vmem>>
    tpu.wait_dma2 semaphore(%arg25 : memref<!tpu.dma_semaphore, #tpu.memory_space<semaphore_mem>>) src(%dma_wait3A_567 : memref<8x128xf32, #tpu.memory_space<vmem>>) dst(%dma_wait3A_564 : memref<8x128xf32, #tpu.memory_space<hbm>>)
    %dma_wait3A_568 = arith.constant 0 : i32
    %dma_wait3A_569 = arith.constant 2 : i32
    %dma_wait3A_570 = arith.constant 0 : i32
    %dma_wait3A_571 = arith.constant 16 : i32
    %dma_wait3A_572 = arith.constant 0 : i32
    %dma_wait3A_573 = tpu.memref_slice %arg13[%dma_wait3A_571, %dma_wait3A_572] : memref<64x129xf32, #tpu.memory_space<vmem>> -> memref<8x128xf32, #tpu.memory_space<vmem>>
    %dma_wait3A_574 = arith.constant 0 : i32
    %dma_wait3A_575 = arith.constant 0 : i32
    %dma_wait3A_576 = tpu.memref_slice %arg4[%dma_wait3A_568, %dma_wait3A_569, %dma_wait3A_570, %dma_wait3A_574, %dma_wait3A_575] : memref<200x8x32x8x128xf32, #tpu.memory_space<hbm>> -> memref<1x1x1x8x128xf32, #tpu.memory_space<hbm>>
    %dma_wait3A_577 = tpu.memref_squeeze %dma_wait3A_576 : memref<1x1x1x8x128xf32, #tpu.memory_space<hbm>> -> memref<8x128xf32, #tpu.memory_space<hbm>>
    %dma_wait3A_578 = arith.constant 0 : i32
    %dma_wait3A_579 = arith.constant 0 : i32
    %dma_wait3A_580 = tpu.memref_slice %arg4[%dma_wait3A_568, %dma_wait3A_569, %dma_wait3A_570, %dma_wait3A_578, %dma_wait3A_579] : memref<200x8x32x8x128xf32, #tpu.memory_space<hbm>> -> memref<1x1x1x8x128xf32, #tpu.memory_space<hbm>>
    %dma_wait3A_581 = tpu.memref_squeeze %dma_wait3A_580 : memref<1x1x1x8x128xf32, #tpu.memory_space<hbm>> -> memref<8x128xf32, #tpu.memory_space<hbm>>
    %dma_wait3A_582 = arith.constant 16 : i32
    %dma_wait3A_583 = arith.constant 0 : i32
    %dma_wait3A_584 = tpu.memref_slice %arg13[%dma_wait3A_582, %dma_wait3A_583] : memref<64x129xf32, #tpu.memory_space<vmem>> -> memref<8x128xf32, #tpu.memory_space<vmem>>
    tpu.wait_dma2 semaphore(%arg25 : memref<!tpu.dma_semaphore, #tpu.memory_space<semaphore_mem>>) src(%dma_wait3A_584 : memref<8x128xf32, #tpu.memory_space<vmem>>) dst(%dma_wait3A_581 : memref<8x128xf32, #tpu.memory_space<hbm>>)
    %dma_wait3A_585 = arith.constant 0 : i32
    %dma_wait3A_586 = arith.constant 3 : i32
    %dma_wait3A_587 = arith.constant 0 : i32
    %dma_wait3A_588 = arith.constant 24 : i32
    %dma_wait3A_589 = arith.constant 0 : i32
    %dma_wait3A_590 = tpu.memref_slice %arg13[%dma_wait3A_588, %dma_wait3A_589] : memref<64x129xf32, #tpu.memory_space<vmem>> -> memref<8x128xf32, #tpu.memory_space<vmem>>
    %dma_wait3A_591 = arith.constant 0 : i32
    %dma_wait3A_592 = arith.constant 0 : i32
    %dma_wait3A_593 = tpu.memref_slice %arg4[%dma_wait3A_585, %dma_wait3A_586, %dma_wait3A_587, %dma_wait3A_591, %dma_wait3A_592] : memref<200x8x32x8x128xf32, #tpu.memory_space<hbm>> -> memref<1x1x1x8x128xf32, #tpu.memory_space<hbm>>
    %dma_wait3A_594 = tpu.memref_squeeze %dma_wait3A_593 : memref<1x1x1x8x128xf32, #tpu.memory_space<hbm>> -> memref<8x128xf32, #tpu.memory_space<hbm>>
    %dma_wait3A_595 = arith.constant 0 : i32
    %dma_wait3A_596 = arith.constant 0 : i32
    %dma_wait3A_597 = tpu.memref_slice %arg4[%dma_wait3A_585, %dma_wait3A_586, %dma_wait3A_587, %dma_wait3A_595, %dma_wait3A_596] : memref<200x8x32x8x128xf32, #tpu.memory_space<hbm>> -> memref<1x1x1x8x128xf32, #tpu.memory_space<hbm>>
    %dma_wait3A_598 = tpu.memref_squeeze %dma_wait3A_597 : memref<1x1x1x8x128xf32, #tpu.memory_space<hbm>> -> memref<8x128xf32, #tpu.memory_space<hbm>>
    %dma_wait3A_599 = arith.constant 24 : i32
    %dma_wait3A_600 = arith.constant 0 : i32
    %dma_wait3A_601 = tpu.memref_slice %arg13[%dma_wait3A_599, %dma_wait3A_600] : memref<64x129xf32, #tpu.memory_space<vmem>> -> memref<8x128xf32, #tpu.memory_space<vmem>>
    tpu.wait_dma2 semaphore(%arg25 : memref<!tpu.dma_semaphore, #tpu.memory_space<semaphore_mem>>) src(%dma_wait3A_601 : memref<8x128xf32, #tpu.memory_space<vmem>>) dst(%dma_wait3A_598 : memref<8x128xf32, #tpu.memory_space<hbm>>)
    %dma_wait3A_602 = arith.constant 0 : i32
    %dma_wait3A_603 = arith.constant 4 : i32
    %dma_wait3A_604 = arith.constant 0 : i32
    %dma_wait3A_605 = arith.constant 32 : i32
    %dma_wait3A_606 = arith.constant 0 : i32
    %dma_wait3A_607 = tpu.memref_slice %arg13[%dma_wait3A_605, %dma_wait3A_606] : memref<64x129xf32, #tpu.memory_space<vmem>> -> memref<8x128xf32, #tpu.memory_space<vmem>>
    %dma_wait3A_608 = arith.constant 0 : i32
    %dma_wait3A_609 = arith.constant 0 : i32
    %dma_wait3A_610 = tpu.memref_slice %arg4[%dma_wait3A_602, %dma_wait3A_603, %dma_wait3A_604, %dma_wait3A_608, %dma_wait3A_609] : memref<200x8x32x8x128xf32, #tpu.memory_space<hbm>> -> memref<1x1x1x8x128xf32, #tpu.memory_space<hbm>>
    %dma_wait3A_611 = tpu.memref_squeeze %dma_wait3A_610 : memref<1x1x1x8x128xf32, #tpu.memory_space<hbm>> -> memref<8x128xf32, #tpu.memory_space<hbm>>
    %dma_wait3A_612 = arith.constant 0 : i32
    %dma_wait3A_613 = arith.constant 0 : i32
    %dma_wait3A_614 = tpu.memref_slice %arg4[%dma_wait3A_602, %dma_wait3A_603, %dma_wait3A_604, %dma_wait3A_612, %dma_wait3A_613] : memref<200x8x32x8x128xf32, #tpu.memory_space<hbm>> -> memref<1x1x1x8x128xf32, #tpu.memory_space<hbm>>
    %dma_wait3A_615 = tpu.memref_squeeze %dma_wait3A_614 : memref<1x1x1x8x128xf32, #tpu.memory_space<hbm>> -> memref<8x128xf32, #tpu.memory_space<hbm>>
    %dma_wait3A_616 = arith.constant 32 : i32
    %dma_wait3A_617 = arith.constant 0 : i32
    %dma_wait3A_618 = tpu.memref_slice %arg13[%dma_wait3A_616, %dma_wait3A_617] : memref<64x129xf32, #tpu.memory_space<vmem>> -> memref<8x128xf32, #tpu.memory_space<vmem>>
    tpu.wait_dma2 semaphore(%arg25 : memref<!tpu.dma_semaphore, #tpu.memory_space<semaphore_mem>>) src(%dma_wait3A_618 : memref<8x128xf32, #tpu.memory_space<vmem>>) dst(%dma_wait3A_615 : memref<8x128xf32, #tpu.memory_space<hbm>>)
    %dma_wait3A_619 = arith.constant 0 : i32
    %dma_wait3A_620 = arith.constant 5 : i32
    %dma_wait3A_621 = arith.constant 0 : i32
    %dma_wait3A_622 = arith.constant 40 : i32
    %dma_wait3A_623 = arith.constant 0 : i32
    %dma_wait3A_624 = tpu.memref_slice %arg13[%dma_wait3A_622, %dma_wait3A_623] : memref<64x129xf32, #tpu.memory_space<vmem>> -> memref<8x128xf32, #tpu.memory_space<vmem>>
    %dma_wait3A_625 = arith.constant 0 : i32
    %dma_wait3A_626 = arith.constant 0 : i32
    %dma_wait3A_627 = tpu.memref_slice %arg4[%dma_wait3A_619, %dma_wait3A_620, %dma_wait3A_621, %dma_wait3A_625, %dma_wait3A_626] : memref<200x8x32x8x128xf32, #tpu.memory_space<hbm>> -> memref<1x1x1x8x128xf32, #tpu.memory_space<hbm>>
    %dma_wait3A_628 = tpu.memref_squeeze %dma_wait3A_627 : memref<1x1x1x8x128xf32, #tpu.memory_space<hbm>> -> memref<8x128xf32, #tpu.memory_space<hbm>>
    %dma_wait3A_629 = arith.constant 0 : i32
    %dma_wait3A_630 = arith.constant 0 : i32
    %dma_wait3A_631 = tpu.memref_slice %arg4[%dma_wait3A_619, %dma_wait3A_620, %dma_wait3A_621, %dma_wait3A_629, %dma_wait3A_630] : memref<200x8x32x8x128xf32, #tpu.memory_space<hbm>> -> memref<1x1x1x8x128xf32, #tpu.memory_space<hbm>>
    %dma_wait3A_632 = tpu.memref_squeeze %dma_wait3A_631 : memref<1x1x1x8x128xf32, #tpu.memory_space<hbm>> -> memref<8x128xf32, #tpu.memory_space<hbm>>
    %dma_wait3A_633 = arith.constant 40 : i32
    %dma_wait3A_634 = arith.constant 0 : i32
    %dma_wait3A_635 = tpu.memref_slice %arg13[%dma_wait3A_633, %dma_wait3A_634] : memref<64x129xf32, #tpu.memory_space<vmem>> -> memref<8x128xf32, #tpu.memory_space<vmem>>
    tpu.wait_dma2 semaphore(%arg25 : memref<!tpu.dma_semaphore, #tpu.memory_space<semaphore_mem>>) src(%dma_wait3A_635 : memref<8x128xf32, #tpu.memory_space<vmem>>) dst(%dma_wait3A_632 : memref<8x128xf32, #tpu.memory_space<hbm>>)
    %dma_wait3A_636 = arith.constant 0 : i32
    %dma_wait3A_637 = arith.constant 6 : i32
    %dma_wait3A_638 = arith.constant 0 : i32
    %dma_wait3A_639 = arith.constant 48 : i32
    %dma_wait3A_640 = arith.constant 0 : i32
    %dma_wait3A_641 = tpu.memref_slice %arg13[%dma_wait3A_639, %dma_wait3A_640] : memref<64x129xf32, #tpu.memory_space<vmem>> -> memref<8x128xf32, #tpu.memory_space<vmem>>
    %dma_wait3A_642 = arith.constant 0 : i32
    %dma_wait3A_643 = arith.constant 0 : i32
    %dma_wait3A_644 = tpu.memref_slice %arg4[%dma_wait3A_636, %dma_wait3A_637, %dma_wait3A_638, %dma_wait3A_642, %dma_wait3A_643] : memref<200x8x32x8x128xf32, #tpu.memory_space<hbm>> -> memref<1x1x1x8x128xf32, #tpu.memory_space<hbm>>
    %dma_wait3A_645 = tpu.memref_squeeze %dma_wait3A_644 : memref<1x1x1x8x128xf32, #tpu.memory_space<hbm>> -> memref<8x128xf32, #tpu.memory_space<hbm>>
    %dma_wait3A_646 = arith.constant 0 : i32
    %dma_wait3A_647 = arith.constant 0 : i32
    %dma_wait3A_648 = tpu.memref_slice %arg4[%dma_wait3A_636, %dma_wait3A_637, %dma_wait3A_638, %dma_wait3A_646, %dma_wait3A_647] : memref<200x8x32x8x128xf32, #tpu.memory_space<hbm>> -> memref<1x1x1x8x128xf32, #tpu.memory_space<hbm>>
    %dma_wait3A_649 = tpu.memref_squeeze %dma_wait3A_648 : memref<1x1x1x8x128xf32, #tpu.memory_space<hbm>> -> memref<8x128xf32, #tpu.memory_space<hbm>>
    %dma_wait3A_650 = arith.constant 48 : i32
    %dma_wait3A_651 = arith.constant 0 : i32
    %dma_wait3A_652 = tpu.memref_slice %arg13[%dma_wait3A_650, %dma_wait3A_651] : memref<64x129xf32, #tpu.memory_space<vmem>> -> memref<8x128xf32, #tpu.memory_space<vmem>>
    tpu.wait_dma2 semaphore(%arg25 : memref<!tpu.dma_semaphore, #tpu.memory_space<semaphore_mem>>) src(%dma_wait3A_652 : memref<8x128xf32, #tpu.memory_space<vmem>>) dst(%dma_wait3A_649 : memref<8x128xf32, #tpu.memory_space<hbm>>)
    %dma_wait3A_653 = arith.constant 0 : i32
    %dma_wait3A_654 = arith.constant 7 : i32
    %dma_wait3A_655 = arith.constant 0 : i32
    %dma_wait3A_656 = arith.constant 56 : i32
    %dma_wait3A_657 = arith.constant 0 : i32
    %dma_wait3A_658 = tpu.memref_slice %arg13[%dma_wait3A_656, %dma_wait3A_657] : memref<64x129xf32, #tpu.memory_space<vmem>> -> memref<8x128xf32, #tpu.memory_space<vmem>>
    %dma_wait3A_659 = arith.constant 0 : i32
    %dma_wait3A_660 = arith.constant 0 : i32
    %dma_wait3A_661 = tpu.memref_slice %arg4[%dma_wait3A_653, %dma_wait3A_654, %dma_wait3A_655, %dma_wait3A_659, %dma_wait3A_660] : memref<200x8x32x8x128xf32, #tpu.memory_space<hbm>> -> memref<1x1x1x8x128xf32, #tpu.memory_space<hbm>>
    %dma_wait3A_662 = tpu.memref_squeeze %dma_wait3A_661 : memref<1x1x1x8x128xf32, #tpu.memory_space<hbm>> -> memref<8x128xf32, #tpu.memory_space<hbm>>
    %dma_wait3A_663 = arith.constant 0 : i32
    %dma_wait3A_664 = arith.constant 0 : i32
    %dma_wait3A_665 = tpu.memref_slice %arg4[%dma_wait3A_653, %dma_wait3A_654, %dma_wait3A_655, %dma_wait3A_663, %dma_wait3A_664] : memref<200x8x32x8x128xf32, #tpu.memory_space<hbm>> -> memref<1x1x1x8x128xf32, #tpu.memory_space<hbm>>
    %dma_wait3A_666 = tpu.memref_squeeze %dma_wait3A_665 : memref<1x1x1x8x128xf32, #tpu.memory_space<hbm>> -> memref<8x128xf32, #tpu.memory_space<hbm>>
    %dma_wait3A_667 = arith.constant 56 : i32
    %dma_wait3A_668 = arith.constant 0 : i32
    %dma_wait3A_669 = tpu.memref_slice %arg13[%dma_wait3A_667, %dma_wait3A_668] : memref<64x129xf32, #tpu.memory_space<vmem>> -> memref<8x128xf32, #tpu.memory_space<vmem>>
    tpu.wait_dma2 semaphore(%arg25 : memref<!tpu.dma_semaphore, #tpu.memory_space<semaphore_mem>>) src(%dma_wait3A_669 : memref<8x128xf32, #tpu.memory_space<vmem>>) dst(%dma_wait3A_666 : memref<8x128xf32, #tpu.memory_space<hbm>>)
    return
  }
}

</mosaic_0001>

<sc_bundles>
// kernel: kernel.3.cloned.1.call-start
scs
__scs_entry_jumppad:
0x0: {  	(pc) =	sbr.rel $0x88, $3  }
0x1: {  	(tag) =	ssettag $0x0;
	lr =	simm.s32 $0x1  }
0x2: {  	[smem:$0x3F9F] =	sst lr;
	_ =	strace $0xD0000000  }
0x3: {  	_ = 	snop  }
0x4: {  	_ = 	snop  }
0x5: {  	_ = 	snop  }
0x6: {  	_ = 	snop  }
0x7: {  	_ = 	snop  }
__scs_overlays_trampoline_lowered:
0x8: {  	[smem:$0x3FAE] =	sst s0  }
0x9: {  	[smem:$0x3FAF] =	sst s1  }
0xa: {  	[smem:$0x3FB0] =	sst s2  }
0xb: {  	[smem:$0x3FB1] =	sst s3  }
0xc: {  	[smem:$0x3FB2] =	sst s4  }
0xd: {  	[smem:$0x3FB3] =	sst s5  }
0xe: {  	[smem:$0x3FB4] =	sst s6  }
0xf: {  	[smem:$0x3FB5] =	sst s7  }
0x10: {  	[smem:$0x3FB6] =	sst s8  }
0x11: {  	[smem:$0x3FB7] =	sst s9;
	s0 =	simm.s32 @!p0 $0x0  }
0x12: {  	s1 =	sld [smem:$0x3F9D];
	s0 =	simm.s32 @p0 $0x1  }
0x13: {  	[smem:$0x3FB8] =	sst s0;
	s0 =	simm.s32 @!p1 $0x0  }
0x14: {  	s2 =	sld [smem:$0x3F9C];
	s0 =	simm.s32 @p1 $0x1  }
0x15: {  	[smem:$0x3FB9] =	sst s0;
	s0 =	simm.s32 @!p2 $0x0  }
0x16: {  	s3 =	sld [smem:$0x3FDB];
	s0 =	simm.s32 @p2 $0x1  }
0x17: {  	s4 =	simm.s32 $0x1BF5;
	[smem:$0x3FBB] =	sst s0  }
0x18: {  	s0 =	sld [smem:$0x3F9E];
	_ =	swait.ge [sflag:s4], $0x0  }
0x19: {  	s7 =	sld [smem:$0x3F9F]  }
0x1a: {  	s8 =	sadd.s32 $0xFFFFE003, lr  }
0x1b: {  	s9 =	sadd.s32 $0xFFFFFEF7, lr;
	s5 =	simm.s32 $0xFFFFFFFF;
	p2 =	slt.u32 s8, $0xFFFFF086  }
0x1c: {  	p1 =	slt.u32 s9, $0xF7A;
	s5 =	simm.s32 @!p2 $0x0  }
0x1d: {  	s5 =	simm.s32 @p1 $0x1;
	p0 =	seq.s32 s7, s2  }
0x1e: {  	s7 =	smul.u32 @!p0 $0xF7A, s2;
	p2 =	seq.s32 @!p0 s5, $0x0  }
0x1f: {  	s9 =	smul.u32 $0xF7A, s1;
	s8 =	simm.s32 @!p0 $0x1BF5;
	p2 =	por !p2, p0  }
0x20: {  	[sflag:s8] =	ssyncset.s32 @!p0 $0xFFFFF086;
	s6 =	sadd.s32 @!p0 s3, s7;
	s7 =	simm.s32 @!p0 $0x108  }
0x21: {  	s3 =	sadd.s32 s3, s9;
	s6 =	sadd.s32 @!p0 $0x88, s6;
	s7 =	simm.s32 @p2 $0x1082  }
0x22: {  	[simem:s7], [sflag:s8] =	dma.local @!p0 [hbm:s6], $0xF7A  }
0x23: {  	s9 =	sor.u32 $0xD0000000, s2;
	s6 =	simm.s32 $0x108;
	_ =	swait.ge @!p0 [sflag:s8], $0x0  }
0x24: {  	s3 =	sadd.s32 $0x88, s3;
	s6 =	simm.s32 @!p1 $0x1082;
	[sflag:s4] =	ssyncset.s32 $0xFFFFF086  }
0x25: {  	[simem:s6], [sflag:s4] =	dma.local [hbm:s3], $0xF7A  }
0x26: {  	[smem:$0x3F9F] =	sst s1;
	(tag) =	ssettag s2;
	_ =	strace s9  }
0x27: {  	s1 =	sld [smem:$0x3FAF]  }
0x28: {  	s2 =	sld [smem:$0x3FB0]  }
0x29: {  	s4 =	sld [smem:$0x3FB2]  }
0x2a: {  	p0 =	seq.s32 s5, $0x0;
	s5 =	sld [smem:$0x3FB3]  }
0x2b: {  	s6 =	sld [smem:$0x3FB4]  }
0x2c: {  	s7 =	sld [smem:$0x3FB5]  }
0x2d: {  	s3 =	simm.s32 $0x108;
	s8 =	sld [smem:$0x3FB6]  }
0x2e: {  	s3 =	simm.s32 @!p0 $0x1082;
	s9 =	sld [smem:$0x3FB7]  }
0x2f: {  	lr =	sadd.s32 s0, s3;
	s0 =	sld [smem:$0x3FAE]  }
0x30: {  	s3 =	sld [smem:$0x3FB1]  }
0x31: {  	[smem:$0x3FBA] =	sst s10  }
0x32: {  	s10 =	sld [smem:$0x3FB8];
	_ =	sdelay $0x3  }
0x33: {  	p0 =	seq.s32 s10, $0x1;
	s10 =	sld [smem:$0x3FBA];
	_ =	sdelay $0x3  }
0x34: {  	[smem:$0x3FBA] =	sst s10  }
0x35: {  	s10 =	sld [smem:$0x3FB9];
	_ =	sdelay $0x3  }
0x36: {  	p1 =	seq.s32 s10, $0x1;
	s10 =	sld [smem:$0x3FBA];
	_ =	sdelay $0x3  }
0x37: {  	[smem:$0x3FBA] =	sst s10  }
0x38: {  	s10 =	sld [smem:$0x3FBB]  }
0x39: {  	_ = 	snop;
	(pc) =	sbr.ind lr, $3  }
0x3a: {  	_ = 	snop  }
0x3b: {  	_ = 	snop  }
0x3c: {  	p2 =	seq.s32 s10, $0x1;
	s10 =	sld [smem:$0x3FBA]  }
0x3d: {  	_ =	shalt  }
0x3e: {  	_ =	shalt  }
0x3f: {  	_ =	shalt  }
0x40: {  	_ =	shalt  }
0x41: {  	_ =	shalt  }
0x42: {  	_ =	shalt  }
0x43: {  	_ =	shalt  }
0x44: {  	_ =	shalt  }
0x45: {  	_ =	shalt  }
0x46: {  	_ =	shalt  }
0x47: {  	_ =	shalt  }
0x48: {  	_ =	shalt  }
0x49: {  	_ =	shalt  }
0x4a: {  	_ =	shalt  }
0x4b: {  	_ =	shalt  }
0x4c: {  	_ =	shalt  }
0x4d: {  	_ =	shalt  }
0x4e: {  	_ =	shalt  }
0x4f: {  	_ =	shalt  }
0x50: {  	_ =	shalt  }
0x51: {  	_ =	shalt  }
0x52: {  	_ =	shalt  }
0x53: {  	_ =	shalt  }
0x54: {  	_ =	shalt  }
0x55: {  	_ =	shalt  }
0x56: {  	_ =	shalt  }
0x57: {  	_ =	shalt  }
0x58: {  	_ =	shalt  }
0x59: {  	_ =	shalt  }
0x5a: {  	_ =	shalt  }
0x5b: {  	_ =	shalt  }
0x5c: {  	_ =	shalt  }
0x5d: {  	_ =	shalt  }
0x5e: {  	_ =	shalt  }
0x5f: {  	_ =	shalt  }
0x60: {  	_ =	shalt  }
0x61: {  	_ =	shalt  }
0x62: {  	_ =	shalt  }
0x63: {  	_ =	shalt  }
0x64: {  	_ =	shalt  }
0x65: {  	_ =	shalt  }
0x66: {  	_ =	shalt  }
0x67: {  	_ =	shalt  }
0x68: {  	_ =	shalt  }
0x69: {  	_ =	shalt  }
0x6a: {  	_ =	shalt  }
0x6b: {  	_ =	shalt  }
0x6c: {  	_ =	shalt  }
0x6d: {  	_ =	shalt  }
0x6e: {  	_ =	shalt  }
0x6f: {  	_ =	shalt  }
0x70: {  	_ =	shalt  }
0x71: {  	_ =	shalt  }
0x72: {  	_ =	shalt  }
0x73: {  	_ =	shalt  }
0x74: {  	_ =	shalt  }
0x75: {  	_ =	shalt  }
0x76: {  	_ =	shalt  }
0x77: {  	_ =	shalt  }
0x78: {  	_ =	shalt  }
0x79: {  	_ =	shalt  }
0x7a: {  	_ =	shalt  }
0x7b: {  	_ =	shalt  }
0x7c: {  	_ =	shalt  }
0x7d: {  	_ =	shalt  }
0x7e: {  	_ =	shalt  }
0x7f: {  	_ =	shalt  }
0x80: {  	_ =	shalt  }
0x81: {  	_ =	shalt  }
0x82: {  	_ =	shalt  }
0x83: {  	_ =	shalt  }
0x84: {  	_ =	shalt  }
0x85: {  	_ =	shalt  }
0x86: {  	_ =	shalt  }
0x87: {  	_ =	shalt  }
.Lfunc_end0:
.L_simem_size_0:
called_computation_lowered:
.L_overlay_start_0:
0x88: {  	s2 =	sld [smem:$0x3FD9]  }
0x89: {  	s3 =	sld [smem:$0x3FFE];
	_ =	sdelay $0x1  }
0x8a: {  	s1 =	srdreg.scid  }
0x8b: {  	s0 =	sand.u32 $0x1, s1  }
0x8c: {  	s17 =	sshll.u32 s0, $0xA;
	s2 =	sadd.s32 s3, s2  }
0x8d: {  	s2 =	sadd.s32 s2, s17  }
0x8e: {  	[smem:$0x3FC6] =	sst s2  }
0x8f: {  	_ = 	snop  }
0x90: {  	s2 =	sld [smem:$0x3FD0];
	(tm) =	ssettm $0x1  }
0x91: {  	s18 =	sld [smem:$0x3FFB];
	_ =	sdelay $0x3  }
0x92: {  	_ =	strace s18  }
0x93: {  	s3 =	sld [smem:$0x3FFC];
	_ =	sdelay $0x3  }
0x94: {  	_ =	strace s3  }
0x95: {  	s3 =	sld [smem:$0x3FFD];
	_ =	sdelay $0x3  }
0x96: {  	_ =	strace s3  }
0x97: {  	_ =	strace $0x8FFFFFFF  }
0x98: {  	s19 =	sld [smem:$0x3FDB];
	_ =	sdelay $0x1  }
0x99: {  	s4 =	simm.s32 $_scs_section_size  }
0x9a: {  	s5 =	simm.s32 $_size__tile_overlayer_lowered;
	s6 =	simm.s32 $_tile_overlayer_lowered  }
0x9b: {  	s22 =	simm.s32 $0x1BFF;
	s21 =	sshll.u32 s6, $0x1;
	s3 =	sadd.s32 s4, s19  }
0x9c: {  	s7 =	simm.s32 $0x0;
	s20 =	sshll.u32 s5, $0x1;
	s5 =	sadd.s32 s21, s3  }
0x9d: {  	[timem:s7], [sflag:s22] =	dma.local [hbm:s5], s20  }
0x9e: {  	_ =	swait.ge [sflag:s22], s20  }
0x9f: {  	s4 =	ssub.s32 $0x0, s20;
	[sflag:s22] =	ssyncset.done $0x0  }
0xa0: {  	[sflag:s22] =	ssyncadd.s32 s4;
	_ =	sdelay $0x1  }
0xa1: {  	s23 =	simm.s32 $0x1B8B  }
0xa2: {  	_ =	swait.ge [sflag:s23], $0x1  }
0xa3: {  	[sflag:s23] =	ssyncset.done $0x0  }
0xa4: {  	s25 =	simm.s32 $0x1B8E;
	s24 =	sld [smem:$0x3FFE];
	[sflag:s23] =	ssyncadd.s32 $0xFFFFFFFF  }
0xa5: {  	s26 =	simm.s32 $execute0_lowered;
	[smem:$0x3FD2] =	sst s25  }
0xa6: {  	s5 =	sshll.u32 s26, $0x1;
	_ =	strace $0x80000046;
	[dreg:$0x1] =	wrdreg $0xFFFFFFFF  }
0xa7: {  	s28 =	simm.s32 $_size_execute0_lowered;
	s3 =	sadd.s32 s3, s5;
	[dreg:$0x0] =	wrdreg $0x0  }
0xa8: {  	s5 =	sshll.u32 s28, $0x1;
	[dreg:$0x2] =	wrdreg s3  }
0xa9: {  	[dreg:$0x3] =	wrdreg s5  }
0xaa: {  	[dreg:$0x4] =	wrdreg $0xC0  }
0xab: {  	_ =	task [dreg:s7], $0x5FFFF  }
0xac: {  	[dreg:$0x1] =	wrdreg $0xFFFFFFFF  }
0xad: {  	[dreg:$0x0] =	wrdreg $0x60  }
0xae: {  	[dreg:$0x2] =	wrdreg s24  }
0xaf: {  	[dreg:$0x3] =	wrdreg s2  }
0xb0: {  	[dreg:$0x4] =	wrdreg $0x9  }
0xb1: {  	_ =	task.clear_ibuf [dreg:s7], $0x5FFFF;
	_ =	strace $0x90000046  }
0xb2: {  	s29 =	simm.s32 $0x9;
	_ =	strace $0x80000048  }
0xb3: {  	_ =	swait.ge [sflag:s29], $0x1  }
0xb4: {  	[sflag:s29] =	ssyncadd.s32 $0xFFFFFFFF  }
0xb5: {  	_ =	strace $0x90000048  }
0xb6: {  	_ =	sfence  }
0xb7: {  	s30 =	sld [smem:$0x0];
	_ =	sdelay $0x2  }
0xb8: {  	s31 =	sshll.u32 s1, $0xD;
	s1 =	sshrl.u32 s1, $0x2  }
0xb9: {  	s3 =	sand.u32 $0x4000, s31;
	s1 =	sadd.s32 s1, s30  }
0xba: {  	s0 =	sor.u32 s3, s0;
	s1 =	sshll.u32 s1, $0x11  }
0xbb: {  	s0 =	sor.u32 s1, s0  }
0xbc: {  	s0 =	sadd.s32 $0x8F2B, s0  }
0xbd: {  	[sflag:s0] =	ssyncadd.remote.s32 $0x1  }
0xbe: {  	_ =	sfence.sel $0xFFFF  }
0xbf: {  	[dreg:$0x0] =	wrdreg $0xFFFFFFFF;
	(pc) =	sbr.abs _section_cstart, $3  }
0xc0: {  	[dreg:$0x1] =	wrdreg $0xFFFFFFFF  }
0xc1: {  	_ =	task.clear_ibuf [dreg:s7], $0x2FFFF;
	_ =	strace $0x9FFFFFFF  }
0xc2: {  	(tm) =	ssettm $0x7FFFFFFF  }
0xc3: {  	_ =	shalt  }
tec
execute0_lowered:
.L_overlay_start_1:
0x0: {  	(tag) =	ssettag $0x1  }
0x1: {  	s0 =	rddreg [dreg:$0x0]  }
0x2: {  	s1 =	srdreg.scid;
	s3 =	stileid.u32  }
0x3: {  	s2 =	rddreg [dreg:$0x1];
	s30 =	simm.s32 $0x8200;
	s23 =	simm.s32 $0x4  }
0x4: {  	s8 =	simm.s32 $0xA400;
	s28 =	simm.s32 $0xC600;
	s22 =	simm.s32 $0x8  }
0x5: {  	s31 =	simm.s32 $0xC;
	s9 =	simm.s32 $0x0;
	s1 =	sand.u32 $0x1, s1  }
0x6: {  	s4 =	sshll.u32 s3, $0x1;
	s3 =	simm.s32 $0x0;
	s10 =	sadd.s32 $0x640, s0  }
0x7: {  	s11 =	sadd.s32 $0x1000, s2;
	s12 =	sadd.s32 $0x2000, s2;
	s13 =	sadd.s32 $0x3000, s2  }
0x8: {  	s14 =	sadd.s32 $0x4000, s2;
	s15 =	sadd.s32 $0x5000, s2;
	s16 =	sadd.s32 $0x6000, s2  }
0x9: {  	s17 =	sadd.s32 $0x7000, s2;
	s5 =	sor.u32 s1, s4;
	s1 =	ssub.s32 $0x2, s1  }
0xa: {  	[smem:$0x7FF] =	sst s3;
	s4 =	smul.u32 $0xC80, s5;
	s7 =	sshrl.u32 s1, $0x1  }
0xb: {  	_ =	strace $0x80000047;
	s5 =	smul.u32 $0xC8, s5;
	s1 =	ssub.s32 s1, s7  }
0xc: {  	s7 =	simm.s32 $0x6;
	s6 =	sadd.s32 s4, s0;
	s29 =	smax.u32 s1, $0x1  }
.Ltmp0:
0xd: {  	s24 =	sadd.s32 $0x600, s6;
	[dreg:$0x7] =	wrdreg s29;
	(pc) =	sbr.rel .LBB2_1-.Ltmp0, $4  }
0xe: {  	v0 =	vlaneseq.u32;
	s4 =	sadd.s32 $0xF42A00, s0;
	s25 =	sadd.s32 $0x610, s6;
	[dreg:$0x3] =	wrdreg s24  }
0xf: {  	v0 =	vmul.u32 $0x88, v0;
	s1 =	simm.s32 $0xE800;
	s26 =	sadd.s32 $0x620, s6;
	[dreg:$0x4] =	wrdreg s25  }
0x10: {  	s0 =	simm.s32 $0x9;
	s6 =	sadd.s32 $0x630, s6;
	[dreg:$0x5] =	wrdreg s26  }
0x11: {  	v1 =	vadd.s32 $0x880, v0;
	v2 =	vadd.s32 $0x1100, v0;
	v3 =	vadd.s32 $0x1980, v0;
	[dreg:$0x6] =	wrdreg s6;
	s26 =	simm.s32 $0x80;
	s25 =	simm.s32 $0x7  }
.LBB2_19:
0x12: {  	_ =	swait.ge [sflag:s0], $0x400  }
0x13: {  	[sflag:s0] =	ssyncset.done $0x0  }
0x14: {  	[sflag:s0] =	ssyncadd.s32 $0xFFFFFC00  }
0x15: {  	_ =	swait.ge [sflag:s0], $0x400  }
0x16: {  	[sflag:s0] =	ssyncset.done $0x0  }
0x17: {  	[sflag:s0] =	ssyncadd.s32 $0xFFFFFC00  }
0x18: {  	_ =	swait.ge [sflag:s0], $0x400  }
0x19: {  	[sflag:s0] =	ssyncset.done $0x0  }
0x1a: {  	[sflag:s0] =	ssyncadd.s32 $0xFFFFFC00  }
0x1b: {  	_ =	swait.ge [sflag:s0], $0x400  }
0x1c: {  	[sflag:s0] =	ssyncset.done $0x0  }
0x1d: {  	[sflag:s0] =	ssyncadd.s32 $0xFFFFFC00  }
0x1e: {  	_ =	swait.ge [sflag:s0], $0x400  }
0x1f: {  	[sflag:s0] =	ssyncset.done $0x0  }
0x20: {  	[sflag:s0] =	ssyncadd.s32 $0xFFFFFC00  }
0x21: {  	_ =	swait.ge [sflag:s0], $0x400  }
0x22: {  	[sflag:s0] =	ssyncset.done $0x0  }
0x23: {  	[sflag:s0] =	ssyncadd.s32 $0xFFFFFC00  }
0x24: {  	_ =	swait.ge [sflag:s0], $0x400  }
0x25: {  	[sflag:s0] =	ssyncset.done $0x0  }
0x26: {  	[sflag:s0] =	ssyncadd.s32 $0xFFFFFC00  }
0x27: {  	_ =	swait.ge [sflag:s0], $0x400  }
0x28: {  	[sflag:s0] =	ssyncset.done $0x0  }
0x29: {  	s6 =	simm.s32 $0xA;
	[sflag:s0] =	ssyncadd.s32 $0xFFFFFC00  }
0x2a: {  	_ =	swait.ge [sflag:s6], $0x400  }
0x2b: {  	[sflag:s6] =	ssyncset.done $0x0  }
0x2c: {  	[sflag:s6] =	ssyncadd.s32 $0xFFFFFC00  }
0x2d: {  	_ =	swait.ge [sflag:s6], $0x400  }
0x2e: {  	[sflag:s6] =	ssyncset.done $0x0  }
0x2f: {  	[sflag:s6] =	ssyncadd.s32 $0xFFFFFC00  }
0x30: {  	_ =	swait.ge [sflag:s6], $0x400  }
0x31: {  	[sflag:s6] =	ssyncset.done $0x0  }
0x32: {  	[sflag:s6] =	ssyncadd.s32 $0xFFFFFC00  }
0x33: {  	_ =	swait.ge [sflag:s6], $0x400  }
0x34: {  	[sflag:s6] =	ssyncset.done $0x0  }
0x35: {  	[sflag:s6] =	ssyncadd.s32 $0xFFFFFC00  }
0x36: {  	_ =	swait.ge [sflag:s6], $0x400  }
0x37: {  	[sflag:s6] =	ssyncset.done $0x0  }
0x38: {  	[sflag:s6] =	ssyncadd.s32 $0xFFFFFC00  }
0x39: {  	_ =	swait.ge [sflag:s6], $0x400  }
0x3a: {  	[sflag:s6] =	ssyncset.done $0x0  }
0x3b: {  	[sflag:s6] =	ssyncadd.s32 $0xFFFFFC00  }
0x3c: {  	_ =	swait.ge [sflag:s6], $0x400  }
0x3d: {  	[sflag:s6] =	ssyncset.done $0x0  }
0x3e: {  	[sflag:s6] =	ssyncadd.s32 $0xFFFFFC00  }
0x3f: {  	_ =	swait.ge [sflag:s6], $0x400  }
0x40: {  	[sflag:s6] =	ssyncset.done $0x0  }
0x41: {  	s24 =	simm.s32 $0xB;
	[sflag:s6] =	ssyncadd.s32 $0xFFFFFC00  }
0x42: {  	_ =	swait.ge [sflag:s24], $0x400  }
0x43: {  	[sflag:s24] =	ssyncset.done $0x0  }
0x44: {  	[sflag:s24] =	ssyncadd.s32 $0xFFFFFC00  }
0x45: {  	_ =	swait.ge [sflag:s24], $0x400  }
0x46: {  	[sflag:s24] =	ssyncset.done $0x0  }
0x47: {  	[sflag:s24] =	ssyncadd.s32 $0xFFFFFC00  }
0x48: {  	_ =	swait.ge [sflag:s24], $0x400  }
0x49: {  	[sflag:s24] =	ssyncset.done $0x0  }
0x4a: {  	[sflag:s24] =	ssyncadd.s32 $0xFFFFFC00  }
0x4b: {  	_ =	swait.ge [sflag:s24], $0x400  }
0x4c: {  	[sflag:s24] =	ssyncset.done $0x0  }
0x4d: {  	[sflag:s24] =	ssyncadd.s32 $0xFFFFFC00  }
0x4e: {  	_ =	swait.ge [sflag:s24], $0x400  }
0x4f: {  	[sflag:s24] =	ssyncset.done $0x0  }
0x50: {  	[sflag:s24] =	ssyncadd.s32 $0xFFFFFC00  }
0x51: {  	_ =	swait.ge [sflag:s24], $0x400  }
0x52: {  	[sflag:s24] =	ssyncset.done $0x0  }
0x53: {  	[sflag:s24] =	ssyncadd.s32 $0xFFFFFC00  }
0x54: {  	_ =	swait.ge [sflag:s24], $0x400  }
0x55: {  	[sflag:s24] =	ssyncset.done $0x0  }
0x56: {  	[sflag:s24] =	ssyncadd.s32 $0xFFFFFC00  }
0x57: {  	_ =	swait.ge [sflag:s24], $0x400  }
0x58: {  	[sflag:s24] =	ssyncset.done $0x0  }
0x59: {  	[sflag:s24] =	ssyncadd.s32 $0xFFFFFC00  }
0x5a: {  	_ =	swait.ge [sflag:s31], $0x400  }
0x5b: {  	[sflag:s31] =	ssyncset.done $0x0  }
0x5c: {  	[sflag:s31] =	ssyncadd.s32 $0xFFFFFC00  }
0x5d: {  	_ =	swait.ge [sflag:s31], $0x400  }
0x5e: {  	[sflag:s31] =	ssyncset.done $0x0  }
0x5f: {  	[sflag:s31] =	ssyncadd.s32 $0xFFFFFC00  }
0x60: {  	_ =	swait.ge [sflag:s31], $0x400  }
0x61: {  	[sflag:s31] =	ssyncset.done $0x0  }
0x62: {  	[sflag:s31] =	ssyncadd.s32 $0xFFFFFC00  }
0x63: {  	_ =	swait.ge [sflag:s31], $0x400  }
0x64: {  	[sflag:s31] =	ssyncset.done $0x0  }
0x65: {  	[sflag:s31] =	ssyncadd.s32 $0xFFFFFC00  }
0x66: {  	_ =	swait.ge [sflag:s31], $0x400  }
0x67: {  	[sflag:s31] =	ssyncset.done $0x0  }
0x68: {  	[sflag:s31] =	ssyncadd.s32 $0xFFFFFC00  }
0x69: {  	_ =	swait.ge [sflag:s31], $0x400  }
0x6a: {  	[sflag:s31] =	ssyncset.done $0x0  }
0x6b: {  	[sflag:s31] =	ssyncadd.s32 $0xFFFFFC00  }
0x6c: {  	_ =	swait.ge [sflag:s31], $0x400  }
0x6d: {  	[sflag:s31] =	ssyncset.done $0x0  }
0x6e: {  	[sflag:s31] =	ssyncadd.s32 $0xFFFFFC00  }
0x6f: {  	_ =	swait.ge [sflag:s31], $0x400  }
0x70: {  	s9 =	rddreg [dreg:$0x8]  }
0x71: {  	s29 =	rddreg [dreg:$0x7];
	s9 =	sadd.s32 $0x1, s9  }
0x72: {  	p0 =	sne.s32 s9, s29  }
.Ltmp1:
0x73: {  	_ = 	snop;
	(pc) =	sbr.rel @!p0 .LBB2_20-.Ltmp1, $3  }
0x74: {  	_ =	sdelay $0x1  }
0x75: {  	[sflag:s31] =	ssyncset.done $0x0  }
0x76: {  	[sflag:s31] =	ssyncadd.s32 $0xFFFFFC00  }
.LBB2_1:
0x77: {  	[dreg:$0x8] =	wrdreg s9  }
0x78: {  	s6 =	rddreg [dreg:$0x3]  }
0x79: {  	[tilespmem:s3], [sflag:$0x1] =	stream.linear.gather [hbm4b:s6+s3], $0x80, $0x38;
	[tilespmem:$0x10A00] =	vst v63  }
0x7a: {  	s21 =	rddreg [dreg:$0x4]  }
0x7b: {  	[tilespmem:s26], [sflag:$0x2] =	stream.linear.gather [hbm4b:s21+s3], $0x80, $0x38;
	[tilespmem:$0x10A00] =	vst v63  }
0x7c: {  	s24 =	rddreg [dreg:$0x5];
	s9 =	simm.s32 $0x100  }
0x7d: {  	[tilespmem:s9], [sflag:$0x3] =	stream.linear.gather [hbm4b:s24+s3], $0x80, $0x38;
	[tilespmem:$0x10A00] =	vst v63  }
0x7e: {  	s29 =	rddreg [dreg:$0x6];
	s18 =	simm.s32 $0x180  }
0x7f: {  	[tilespmem:s18], [sflag:$0x4] =	stream.linear.gather [hbm4b:s29+s3], $0x80, $0x38;
	[tilespmem:$0x10A00] =	vst v63  }
0x80: {  	s18 =	simm.s32 $0x1  }
0x81: {  	_ =	swait.ge [sflag:s18], $0x80  }
0x82: {  	[sflag:s18] =	ssyncset.done $0x0  }
0x83: {  	s19 =	simm.s32 $0x200;
	s20 =	simm.s32 $0x2;
	[sflag:s18] =	ssyncadd.s32 $0xFFFFFF80  }
0x84: {  	[tilespmem:s19], [sflag:$0x5] =	stream.indirect.gather [hbm4b:s4+s26], $0x40, s3, s26, $0xb8;
	[tilespmem:$0x10A00] =	vst v63  }
0x85: {  	_ =	swait.ge [sflag:s20], $0x80  }
0x86: {  	[sflag:s20] =	ssyncset.done $0x0  }
0x87: {  	s21 =	simm.s32 $0x2200;
	s24 =	simm.s32 $0x3;
	[sflag:s20] =	ssyncadd.s32 $0xFFFFFF80  }
0x88: {  	[tilespmem:s21], [sflag:$0x6] =	stream.indirect.gather [hbm4b:s4+s26], $0x40, s26, s26, $0xb8;
	[tilespmem:$0x10A00] =	vst v63  }
0x89: {  	_ =	swait.ge [sflag:s24], $0x80  }
0x8a: {  	[sflag:s24] =	ssyncset.done $0x0  }
0x8b: {  	s29 =	simm.s32 $0x4200;
	s18 =	simm.s32 $0x0;
	[sflag:s24] =	ssyncadd.s32 $0xFFFFFF80  }
0x8c: {  	[tilespmem:s29], [sflag:$0x7] =	stream.indirect.gather [hbm4b:s4+s26], $0x40, s9, s26, $0xb8;
	[tilespmem:$0x10A00] =	vst v63  }
.LBB2_2:
0x8d: {  	p0 =	seq.s32 s18, $0x31  }
0x8e: {  	p1 =	seq.s32 @!p0 s18, $0x0  }
0x8f: {  	p1 =	por p0, !p1  }
.Ltmp2:
0x90: {  	s20 =	sshll.u32 s18, $0x2;
	s9 =	simm.s32 $0x5;
	(pc) =	sbr.rel @!p1 .LBB2_3-.Ltmp2, $4  }
0x91: {  	_ =	swait.ge [sflag:s9], $0x2000;
	s6 =	sadd.s32 @!p0 s5, s20  }
0x92: {  	[sflag:s9] =	ssyncset.done $0x0;
	s6 =	sshll.u32 @!p0 s6, $0x4  }
0x93: {  	[sflag:s9] =	ssyncadd.s32 $0xFFFFE000;
	s6 =	sadd.s32 @!p0 s6, s10;
	s9 =	simm.s32 @!p0 $0x0  }
0x94: {  	[tilespmem:s9], [sflag:$0x1] =	stream.linear.gather @!p0 [hbm4b:s6+s9], $0x80, $0x38;
	[tilespmem:$0x10A00] =	vst v63  }
0x95: {  	_ =	swait.ge [sflag:s0], $0x400  }
0x96: {  	[sflag:s0] =	ssyncset.done $0x0  }
0x97: {  	[sflag:s0] =	ssyncadd.s32 $0xFFFFFC00  }
0x98: {  	_ =	swait.ge [sflag:s0], $0x400  }
0x99: {  	[sflag:s0] =	ssyncset.done $0x0  }
0x9a: {  	[sflag:s0] =	ssyncadd.s32 $0xFFFFFC00  }
0x9b: {  	_ =	swait.ge [sflag:s0], $0x400  }
0x9c: {  	[sflag:s0] =	ssyncset.done $0x0  }
0x9d: {  	[sflag:s0] =	ssyncadd.s32 $0xFFFFFC00  }
0x9e: {  	_ =	swait.ge [sflag:s0], $0x400  }
0x9f: {  	[sflag:s0] =	ssyncset.done $0x0  }
0xa0: {  	[sflag:s0] =	ssyncadd.s32 $0xFFFFFC00  }
0xa1: {  	_ =	swait.ge [sflag:s0], $0x400  }
0xa2: {  	[sflag:s0] =	ssyncset.done $0x0  }
0xa3: {  	[sflag:s0] =	ssyncadd.s32 $0xFFFFFC00  }
0xa4: {  	_ =	swait.ge [sflag:s0], $0x400  }
0xa5: {  	[sflag:s0] =	ssyncset.done $0x0  }
0xa6: {  	[sflag:s0] =	ssyncadd.s32 $0xFFFFFC00  }
0xa7: {  	_ =	swait.ge [sflag:s0], $0x400  }
.Ltmp3:
0xa8: {  	[sflag:s0] =	ssyncset.done $0x0;
	(pc) =	sbr.rel .LBB2_5-.Ltmp3, $4  }
0xa9: {  	[sflag:s0] =	ssyncadd.s32 $0xFFFFFC00  }
0xaa: {  	_ =	swait.ge [sflag:s0], $0x400  }
0xab: {  	[sflag:s0] =	ssyncset.done $0x0  }
0xac: {  	p1 =	por $0x0, $0x0;
	[sflag:s0] =	ssyncadd.s32 $0xFFFFFC00  }
.LBB2_3:
0xad: {  	p1 =	por @!p0 $0x1, $0x1  }
.LBB2_5:
0xae: {  	s21 =	simm.s32 $0x280;
	s6 =	simm.s32 $0x3  }
0xaf: {  	v4 =	vmov s6;
	v5 =	vld [tilespmem:s21+$0x40]  }
0xb0: {  	v9 =	vand.u32 $0x7F, v4  }
0xb1: {  	s19 =	simm.s32 $0x0;
	v4 =	vadd.s32 v0, v9  }
0xb2: {  	s24 =	simm.s32 $0x1;
	s9 =	simm.s32 $0x2;
	v6 =	vmov s19;
	v7 =	vld [tilespmem:s21+$0xFFFFFF80]  }
0xb3: {  	v10 =	vld [tilespmem:s21+$0xFFFFFFC0];
	v11 =	vmov s9;
	v8 =	vand.u32 $0x7C, v6;
	v6 =	vmov s24  }
0xb4: {  	v12 =	vadd.s32 v0, v8;
	v15 =	vand.u32 $0x7D, v6;
	v6 =	vld [tilespmem:s21+$0x0];
	v5 =	vmul.f32 $8.000000000e+00, v5  }
0xb5: {  	v17 =	vand.u32 $0x7E, v11;
	v13 =	vadd.s32 v0, v15  }
0xb6: {  	v11 =	vadd.s32 v0, v17;
	[tilespmem:v4+s30+$0x0] =	vst.idx.msk $0xffff, v5  }
0xb7: {  	v4 =	vmul.f32 $8.000000000e+00, v7;
	v5 =	vld [tilespmem:s21+$0x50]  }
0xb8: {  	v7 =	vmul.f32 $8.000000000e+00, v10  }
0xb9: {  	[tilespmem:v12+s30+$0x0] =	vst.idx.msk $0xffff, v4;
	v4 =	vmul.f32 $8.000000000e+00, v6;
	v6 =	vadd.s32 v1, v9  }
0xba: {  	[tilespmem:v13+s30+$0x0] =	vst.idx.msk $0xffff, v7;
	v10 =	vld [tilespmem:s21+$0xFFFFFF90]  }
0xbb: {  	v7 =	vld [tilespmem:s21+$0xFFFFFFD0];
	[tilespmem:v11+s30+$0x0] =	vst.idx.msk $0xffff, v4  }
0xbc: {  	v11 =	vld [tilespmem:s21+$0x10];
	v4 =	vmul.f32 $8.000000000e+00, v5  }
0xbd: {  	s29 =	simm.s32 $0x4;
	s19 =	simm.s32 $0x7;
	s6 =	simm.s32 $0x380;
	v12 =	vadd.s32 v1, v15  }
0xbe: {  	v14 =	vld [tilespmem:s6+$0x40];
	v13 =	vadd.s32 v1, v17;
	v5 =	vmov s29;
	[tilespmem:v6+s30+$0x0] =	vst.idx.msk $0xffff, v4;
	v6 =	vmov s19  }
0xbf: {  	v16 =	vadd.s32 v1, v8;
	v4 =	vand.u32 $0x7C, v5;
	v5 =	vand.u32 $0x7F, v6;
	v18 =	vld [tilespmem:s21+$0x60]  }
0xc0: {  	s24 =	simm.s32 $0x5;
	v19 =	vld [tilespmem:s6+$0xFFFFFF80];
	v22 =	vadd.s32 v2, v9;
	v6 =	vmul.f32 $8.000000000e+00, v7;
	v20 =	vadd.s32 v0, v5  }
0xc1: {  	v21 =	vld [tilespmem:s6+$0xFFFFFFC0];
	s29 =	simm.s32 $0x6;
	v10 =	vmul.f32 $8.000000000e+00, v10;
	v7 =	vmul.f32 $8.000000000e+00, v11;
	v11 =	vmov s24  }
0xc2: {  	v23 =	vadd.s32 v0, v4;
	[tilespmem:v12+s30+$0x0] =	vst.idx.msk $0xffff, v6;
	v12 =	vmov s29;
	v6 =	vand.u32 $0x7D, v11;
	v11 =	vld [tilespmem:s6+$0x0]  }
0xc3: {  	[tilespmem:v13+s30+$0x0] =	vst.idx.msk $0xffff, v7;
	v13 =	vadd.s32 v0, v6;
	v7 =	vand.u32 $0x7E, v12;
	v12 =	vmul.f32 $8.000000000e+00, v14;
	v14 =	vld [tilespmem:s21+$0xFFFFFFE0]  }
0xc4: {  	[tilespmem:v16+s30+$0x0] =	vst.idx.msk $0xffff, v10;
	v10 =	vadd.s32 v0, v7;
	v16 =	vld [tilespmem:s21+$0x20];
	v18 =	vmul.f32 $8.000000000e+00, v18  }
0xc5: {  	v19 =	vmul.f32 $8.000000000e+00, v19;
	[tilespmem:v20+s30+$0x0] =	vst.idx.msk $0xffff, v12;
	v12 =	vld [tilespmem:s21+$0xFFFFFFA0];
	v20 =	vadd.s32 v2, v15  }
0xc6: {  	v25 =	vadd.s32 v2, v17;
	v21 =	vmul.f32 $8.000000000e+00, v21;
	v24 =	vld [tilespmem:s6+$0x50];
	[tilespmem:v22+s30+$0x0] =	vst.idx.msk $0xffff, v18  }
0xc7: {  	[tilespmem:v23+s30+$0x0] =	vst.idx.msk $0xffff, v19;
	v19 =	vadd.s32 v2, v8;
	v11 =	vmul.f32 $8.000000000e+00, v11;
	v22 =	vld [tilespmem:s21+$0x70]  }
0xc8: {  	v23 =	vld [tilespmem:s6+$0xFFFFFF90];
	[tilespmem:v13+s30+$0x0] =	vst.idx.msk $0xffff, v21;
	v21 =	vadd.s32 v1, v5;
	v14 =	vmul.f32 $8.000000000e+00, v14  }
0xc9: {  	v27 =	vadd.s32 v3, v9;
	v26 =	vld [tilespmem:s6+$0xFFFFFFD0];
	[tilespmem:v10+s30+$0x0] =	vst.idx.msk $0xffff, v11;
	v10 =	vmul.f32 $8.000000000e+00, v16  }
0xca: {  	v18 =	vadd.s32 v1, v4;
	v13 =	vld [tilespmem:s6+$0x10];
	v9 =	vmul.f32 $8.000000000e+00, v12;
	[tilespmem:v20+s30+$0x0] =	vst.idx.msk $0xffff, v14  }
0xcb: {  	s19 =	simm.s32 $0x8;
	v16 =	vadd.s32 v1, v6;
	[tilespmem:v25+s30+$0x0] =	vst.idx.msk $0xffff, v10;
	v14 =	vmul.f32 $8.000000000e+00, v24;
	v12 =	vld [tilespmem:s21+$0xFFFFFFF0]  }
0xcc: {  	v20 =	vmov s19;
	v10 =	vadd.s32 v1, v7;
	v11 =	vld [tilespmem:s21+$0x30];
	[tilespmem:v19+s30+$0x0] =	vst.idx.msk $0xffff, v9;
	v63 =	vmul.f32 $8.000000000e+00, v22  }
0xcd: {  	s9 =	simm.s32 $0x480;
	s24 =	simm.s32 $0xB;
	v15 =	vadd.s32 v3, v15;
	v9 =	vand.u32 $0x7C, v20;
	v20 =	vmul.f32 $8.000000000e+00, v23;
	[tilespmem:v21+s30+$0x0] =	vst.idx.msk $0xffff, v14;
	v14 =	vld [tilespmem:s21+$0xFFFFFFB0]  }
0xce: {  	v17 =	vadd.s32 v3, v17;
	v22 =	vmov s24;
	v19 =	vld [tilespmem:s9+$0x40];
	s21 =	simm.s32 $0xC;
	v21 =	vmul.f32 $8.000000000e+00, v26;
	[tilespmem:v27+s30+$0x0] =	vst.idx.msk $0xffff, v63  }
.LBB2_6:
0xcf: {  	p2 =	slt.u32 s21, $0x7C;
	s24 =	sadd.s32 $0x1, s19;
	v22 =	vand.u32 $0x7F, v22;
	[tilespmem:v18+s30+$0x0] =	vst.idx.msk $0xffff, v20;
	v13 =	vmul.f32 $8.000000000e+00, v13;
	v18 =	vld [tilespmem:s6+$0x60];
	v20 =	vadd.s32 v3, v8;
	v8 =	vmovc v4  }
0xd0: {  	v4 =	vmovc v9;
	v23 =	vld [tilespmem:s9+$0xFFFFFF80];
	v24 =	vmov s24;
	s24 =	sadd.s32 $0x2, s19;
	v25 =	vadd.s32 v0, v22;
	[tilespmem:v16+s30+$0x0] =	vst.idx.msk $0xffff, v21;
	v12 =	vmul.f32 $8.000000000e+00, v12;
	s19 =	smov.u32 s21  }
0xd1: {  	v9 =	vld [tilespmem:s9+$0xFFFFFFC0];
	v16 =	vmov s24;
	[tilespmem:v10+s30+$0x0] =	vst.idx.msk $0xffff, v13;
	v10 =	vadd.s32 v2, v5;
	v11 =	vmul.f32 $8.000000000e+00, v11  }
0xd2: {  	v13 =	vadd.s32 v0, v4;
	v21 =	vand.u32 $0x7D, v24;
	v24 =	vld [tilespmem:s9+$0x0];
	v14 =	vmul.f32 $8.000000000e+00, v14;
	[tilespmem:v15+s30+$0x0] =	vst.idx.msk $0xffff, v12  }
0xd3: {  	v12 =	vadd.s32 v0, v21;
	v26 =	vand.u32 $0x7E, v16;
	v15 =	vmul.f32 $8.000000000e+00, v19;
	v16 =	vld [tilespmem:s6+$0xFFFFFFE0];
	[tilespmem:v17+s30+$0x0] =	vst.idx.msk $0xffff, v11  }
0xd4: {  	v11 =	vadd.s32 v0, v26;
	v17 =	vld [tilespmem:s6+$0x20];
	v18 =	vmul.f32 $8.000000000e+00, v18;
	[tilespmem:v20+s30+$0x0] =	vst.idx.msk $0xffff, v14  }
0xd5: {  	v19 =	vadd.s32 v2, v6;
	v14 =	vmul.f32 $8.000000000e+00, v23;
	[tilespmem:v25+s30+$0x0] =	vst.idx.msk $0xffff, v15;
	v15 =	vld [tilespmem:s6+$0xFFFFFFA0]  }
0xd6: {  	v23 =	vadd.s32 v2, v7;
	v9 =	vmul.f32 $8.000000000e+00, v9;
	v20 =	vld [tilespmem:s9+$0x50];
	[tilespmem:v10+s30+$0x0] =	vst.idx.msk $0xffff, v18  }
0xd7: {  	[tilespmem:v13+s30+$0x0] =	vst.idx.msk $0xffff, v14;
	v10 =	vmul.f32 $8.000000000e+00, v24;
	v14 =	vadd.s32 v2, v8;
	v24 =	vld [tilespmem:s6+$0x70]  }
0xd8: {  	v27 =	vadd.s32 v1, v22;
	v25 =	vld [tilespmem:s9+$0xFFFFFF90];
	[tilespmem:v12+s30+$0x0] =	vst.idx.msk $0xffff, v9;
	v9 =	vmul.f32 $8.000000000e+00, v16  }
0xd9: {  	v29 =	vadd.s32 v3, v5;
	v5 =	vmov v22;
	v28 =	vld [tilespmem:s9+$0xFFFFFFD0];
	[tilespmem:v11+s30+$0x0] =	vst.idx.msk $0xffff, v10;
	v10 =	vmul.f32 $8.000000000e+00, v17  }
.Ltmp4:
0xda: {  	v18 =	vadd.s32 v1, v4;
	v13 =	vld [tilespmem:s9+$0x10];
	v11 =	vmul.f32 $8.000000000e+00, v15;
	[tilespmem:v19+s30+$0x0] =	vst.idx.msk $0xffff, v9;
	(pc) =	sbr.rel @p2 .LBB2_6-.Ltmp4, $4  }
0xdb: {  	v16 =	vadd.s32 v1, v21;
	v15 =	vmul.f32 $8.000000000e+00, v20;
	v12 =	vld [tilespmem:s6+$0xFFFFFFF0];
	[tilespmem:v23+s30+$0x0] =	vst.idx.msk $0xffff, v10  }
0xdc: {  	v9 =	vmov s21;
	v10 =	vadd.s32 v1, v26;
	[tilespmem:v14+s30+$0x0] =	vst.idx.msk $0xffff, v11;
	v11 =	vld [tilespmem:s6+$0x30];
	v23 =	vmul.f32 $8.000000000e+00, v24  }
0xdd: {  	s24 =	sadd.s32 $0x3, s21;
	v9 =	vand.u32 $0x7C, v9;
	v20 =	vmul.f32 $8.000000000e+00, v25;
	[tilespmem:v27+s30+$0x0] =	vst.idx.msk $0xffff, v15;
	v14 =	vld [tilespmem:s6+$0xFFFFFFB0];
	v15 =	vadd.s32 v3, v6;
	v6 =	vmovc v21;
	s6 =	smov.u32 s9;
	s9 =	sadd.s32 $0x100, s9  }
0xde: {  	v22 =	vmov s24;
	v17 =	vadd.s32 v3, v7;
	v7 =	vmovc v26;
	s21 =	sadd.s32 $0x4, s21;
	v19 =	vld [tilespmem:s9+$0x40];
	v21 =	vmul.f32 $8.000000000e+00, v28;
	[tilespmem:v29+s30+$0x0] =	vst.idx.msk $0xffff, v23  }
0xdf: {  	s21 =	sadd.s32 $0x1, s19  }
0xe0: {  	v22 =	vand.u32 $0x7F, v22;
	s29 =	sadd.s32 $0x2, s19;
	v24 =	vld [tilespmem:s9+$0xFFFFFFC0];
	v23 =	vmov s21  }
0xe1: {  	v27 =	vld [tilespmem:s9+$0x0];
	v25 =	vadd.s32 v0, v22;
	v26 =	vmov s29;
	v23 =	vand.u32 $0x7D, v23  }
0xe2: {  	v28 =	vld [tilespmem:s9+$0xFFFFFF80];
	v26 =	vand.u32 $0x7E, v26;
	v29 =	vadd.s32 v0, v23  }
0xe3: {  	v30 =	vadd.s32 v0, v26  }
0xe4: {  	[tilespmem:v18+s30+$0x0] =	vst.idx.msk $0xffff, v20;
	v18 =	vadd.s32 v0, v9;
	v19 =	vmul.f32 $8.000000000e+00, v19  }
0xe5: {  	[tilespmem:v16+s30+$0x0] =	vst.idx.msk $0xffff, v21;
	v16 =	vmul.f32 $8.000000000e+00, v24  }
0xe6: {  	[tilespmem:v25+s30+$0x0] =	vst.idx.msk $0xffff, v19;
	v19 =	vmul.f32 $8.000000000e+00, v27  }
0xe7: {  	v20 =	vmul.f32 $8.000000000e+00, v28;
	[tilespmem:v29+s30+$0x0] =	vst.idx.msk $0xffff, v16;
	v16 =	vld [tilespmem:s9+$0x50]  }
0xe8: {  	v13 =	vmul.f32 $8.000000000e+00, v13;
	v8 =	vadd.s32 v3, v8;
	[tilespmem:v30+s30+$0x0] =	vst.idx.msk $0xffff, v19;
	v21 =	vld [tilespmem:s9+$0xFFFFFFD0]  }
0xe9: {  	v12 =	vmul.f32 $8.000000000e+00, v12;
	[tilespmem:v18+s30+$0x0] =	vst.idx.msk $0xffff, v20;
	v18 =	vadd.s32 v1, v22;
	v19 =	vld [tilespmem:s9+$0x10]  }
0xea: {  	[tilespmem:v10+s30+$0x0] =	vst.idx.msk $0xffff, v13;
	v10 =	vmul.f32 $8.000000000e+00, v11;
	v13 =	vadd.s32 v1, v23;
	v11 =	vld [tilespmem:s9+$0xFFFFFF90]  }
0xeb: {  	v14 =	vmul.f32 $8.000000000e+00, v14;
	[tilespmem:v15+s30+$0x0] =	vst.idx.msk $0xffff, v12;
	v12 =	vadd.s32 v1, v26;
	v20 =	vld [tilespmem:s6+$0x60]  }
0xec: {  	v15 =	vld [tilespmem:s6+$0xFFFFFFE0];
	[tilespmem:v17+s30+$0x0] =	vst.idx.msk $0xffff, v10;
	v10 =	vadd.s32 v1, v9;
	v16 =	vmul.f32 $8.000000000e+00, v16  }
0xed: {  	v58 =	vld [tilespmem:s6+$0x20];
	v17 =	vadd.s32 v2, v5;
	[tilespmem:v8+s30+$0x0] =	vst.idx.msk $0xffff, v14;
	v8 =	vmul.f32 $8.000000000e+00, v21  }
0xee: {  	v14 =	vld [tilespmem:s6+$0xFFFFFFA0];
	v21 =	vadd.s32 v2, v6;
	[tilespmem:v18+s30+$0x0] =	vst.idx.msk $0xffff, v16;
	v16 =	vmul.f32 $8.000000000e+00, v19  }
0xef: {  	v11 =	vmul.f32 $8.000000000e+00, v11;
	v18 =	vadd.s32 v2, v7;
	v19 =	vld [tilespmem:s9+$0x60];
	[tilespmem:v13+s30+$0x0] =	vst.idx.msk $0xffff, v8  }
0xf0: {  	v8 =	vmul.f32 $8.000000000e+00, v20;
	v13 =	vadd.s32 v2, v4;
	[tilespmem:v12+s30+$0x0] =	vst.idx.msk $0xffff, v16;
	v12 =	vld [tilespmem:s9+$0xFFFFFFE0]  }
0xf1: {  	v15 =	vmul.f32 $8.000000000e+00, v15;
	[tilespmem:v10+s30+$0x0] =	vst.idx.msk $0xffff, v11;
	v10 =	vadd.s32 v2, v22;
	v11 =	vld [tilespmem:s9+$0x20]  }
0xf2: {  	v16 =	vld [tilespmem:s9+$0xFFFFFFA0];
	[tilespmem:v17+s30+$0x0] =	vst.idx.msk $0xffff, v8;
	v8 =	vmul.f32 $8.000000000e+00, v58;
	v17 =	vadd.s32 v2, v23  }
0xf3: {  	v14 =	vmul.f32 $8.000000000e+00, v14;
	v20 =	vld [tilespmem:s6+$0x70];
	[tilespmem:v21+s30+$0x0] =	vst.idx.msk $0xffff, v15;
	v15 =	vadd.s32 v2, v26  }
0xf4: {  	v21 =	vld [tilespmem:s6+$0xFFFFFFF0];
	[tilespmem:v18+s30+$0x0] =	vst.idx.msk $0xffff, v8;
	v18 =	vadd.s32 v2, v9;
	v8 =	vmul.f32 $8.000000000e+00, v19  }
0xf5: {  	v5 =	vadd.s32 v3, v5;
	[tilespmem:v13+s30+$0x0] =	vst.idx.msk $0xffff, v14;
	v13 =	vld [tilespmem:s6+$0x30];
	v12 =	vmul.f32 $8.000000000e+00, v12  }
0xf6: {  	v6 =	vadd.s32 v3, v6;
	v14 =	vld [tilespmem:s6+$0xFFFFFFB0];
	[tilespmem:v10+s30+$0x0] =	vst.idx.msk $0xffff, v8;
	v8 =	vmul.f32 $8.000000000e+00, v11  }
0xf7: {  	v7 =	vadd.s32 v3, v7;
	v11 =	vmul.f32 $8.000000000e+00, v16;
	v10 =	vld [tilespmem:s9+$0x70];
	[tilespmem:v17+s30+$0x0] =	vst.idx.msk $0xffff, v12  }
0xf8: {  	v4 =	vadd.s32 v3, v4;
	v12 =	vmul.f32 $8.000000000e+00, v20;
	v16 =	vld [tilespmem:s9+$0xFFFFFFF0];
	[tilespmem:v15+s30+$0x0] =	vst.idx.msk $0xffff, v8  }
0xf9: {  	v8 =	vmul.f32 $8.000000000e+00, v21;
	v15 =	vadd.s32 v3, v22;
	[tilespmem:v18+s30+$0x0] =	vst.idx.msk $0xffff, v11;
	v11 =	vld [tilespmem:s9+$0x30]  }
0xfa: {  	[tilespmem:v5+s30+$0x0] =	vst.idx.msk $0xffff, v12;
	v5 =	vmul.f32 $8.000000000e+00, v13;
	v12 =	vld [tilespmem:s9+$0xFFFFFFB0];
	v13 =	vadd.s32 v3, v23  }
0xfb: {  	v14 =	vmul.f32 $8.000000000e+00, v14;
	[tilespmem:v6+s30+$0x0] =	vst.idx.msk $0xffff, v8;
	v6 =	vadd.s32 v3, v26  }
0xfc: {  	[tilespmem:v7+s30+$0x0] =	vst.idx.msk $0xffff, v5;
	v7 =	vadd.s32 v3, v9;
	v5 =	vmul.f32 $8.000000000e+00, v10  }
0xfd: {  	s19 =	sadd.s32 s5, s20;
	[tilespmem:v4+s30+$0x0] =	vst.idx.msk $0xffff, v14;
	v4 =	vmul.f32 $8.000000000e+00, v16  }
0xfe: {  	s21 =	sshll.u32 s19, $0xA;
	s6 =	sshll.u32 s19, $0x7;
	[tilespmem:v15+s30+$0x0] =	vst.idx.msk $0xffff, v5;
	v5 =	vmul.f32 $8.000000000e+00, v11  }
0xff: {  	s6 =	sand.u32 $0xE00, s6;
	s9 =	sand.u32 $0xFFF8000, s21;
	v8 =	vmul.f32 $8.000000000e+00, v12;
	[tilespmem:v13+s30+$0x0] =	vst.idx.msk $0xffff, v4  }
0x100: {  	s6 =	sor.u32 s6, s9;
	[tilespmem:v6+s30+$0x0] =	vst.idx.msk $0xffff, v5  }
0x101: {  	s9 =	sadd.s32 s2, s6;
	[tilespmem:v7+s30+$0x0] =	vst.idx.msk $0xffff, v8  }
0x102: {  	[hbm4b:s9+s3] =	stream.linear.scatter [tilespmem:s30], [sflag:$0x9], $0x80, $0x38;
	[tilespmem:$0x10A00] =	vst v63  }
0x103: {  	s29 =	simm.s32 $0x8288;
	s24 =	sadd.s32 $0x10, s9  }
0x104: {  	[hbm4b:s24+s3] =	stream.linear.scatter [tilespmem:s29], [sflag:$0x9], $0x80, $0x38;
	[tilespmem:$0x10A00] =	vst v63  }
0x105: {  	s24 =	sadd.s32 $0x20, s9;
	s29 =	simm.s32 $0x8310  }
0x106: {  	[hbm4b:s24+s3] =	stream.linear.scatter [tilespmem:s29], [sflag:$0x9], $0x80, $0x38;
	[tilespmem:$0x10A00] =	vst v63  }
0x107: {  	s24 =	sadd.s32 $0x30, s9;
	s29 =	simm.s32 $0x8398  }
0x108: {  	[hbm4b:s24+s3] =	stream.linear.scatter [tilespmem:s29], [sflag:$0x9], $0x80, $0x38;
	[tilespmem:$0x10A00] =	vst v63  }
0x109: {  	s24 =	sadd.s32 $0x40, s9;
	s29 =	simm.s32 $0x8420  }
0x10a: {  	[hbm4b:s24+s3] =	stream.linear.scatter [tilespmem:s29], [sflag:$0x9], $0x80, $0x38;
	[tilespmem:$0x10A00] =	vst v63  }
0x10b: {  	s24 =	sadd.s32 $0x50, s9;
	s29 =	simm.s32 $0x84A8  }
0x10c: {  	[hbm4b:s24+s3] =	stream.linear.scatter [tilespmem:s29], [sflag:$0x9], $0x80, $0x38;
	[tilespmem:$0x10A00] =	vst v63  }
0x10d: {  	s21 =	sadd.s32 $0x60, s9;
	s24 =	simm.s32 $0x8530  }
0x10e: {  	[hbm4b:s21+s3] =	stream.linear.scatter [tilespmem:s24], [sflag:$0x9], $0x80, $0x38;
	[tilespmem:$0x10A00] =	vst v63  }
0x10f: {  	s9 =	sadd.s32 $0x70, s9;
	s29 =	simm.s32 $0x85B8  }
0x110: {  	[hbm4b:s9+s3] =	stream.linear.scatter [tilespmem:s29], [sflag:$0x9], $0x80, $0x38;
	[tilespmem:$0x10A00] =	vst v63  }
0x111: {  	s21 =	simm.s32 $0x8640;
	s9 =	sadd.s32 s6, s11  }
0x112: {  	[hbm4b:s9+s3] =	stream.linear.scatter [tilespmem:s21], [sflag:$0x9], $0x80, $0x38;
	[tilespmem:$0x10A00] =	vst v63  }
0x113: {  	s29 =	simm.s32 $0x86C8;
	s24 =	sadd.s32 $0x10, s9  }
0x114: {  	[hbm4b:s24+s3] =	stream.linear.scatter [tilespmem:s29], [sflag:$0x9], $0x80, $0x38;
	[tilespmem:$0x10A00] =	vst v63  }
0x115: {  	s24 =	sadd.s32 $0x20, s9;
	s29 =	simm.s32 $0x8750  }
0x116: {  	[hbm4b:s24+s3] =	stream.linear.scatter [tilespmem:s29], [sflag:$0x9], $0x80, $0x38;
	[tilespmem:$0x10A00] =	vst v63  }
0x117: {  	s24 =	sadd.s32 $0x30, s9;
	s29 =	simm.s32 $0x87D8  }
0x118: {  	[hbm4b:s24+s3] =	stream.linear.scatter [tilespmem:s29], [sflag:$0x9], $0x80, $0x38;
	[tilespmem:$0x10A00] =	vst v63  }
0x119: {  	s24 =	sadd.s32 $0x40, s9;
	s29 =	simm.s32 $0x8860  }
0x11a: {  	[hbm4b:s24+s3] =	stream.linear.scatter [tilespmem:s29], [sflag:$0x9], $0x80, $0x38;
	[tilespmem:$0x10A00] =	vst v63  }
0x11b: {  	s24 =	sadd.s32 $0x50, s9;
	s29 =	simm.s32 $0x88E8  }
0x11c: {  	[hbm4b:s24+s3] =	stream.linear.scatter [tilespmem:s29], [sflag:$0x9], $0x80, $0x38;
	[tilespmem:$0x10A00] =	vst v63  }
0x11d: {  	s21 =	sadd.s32 $0x60, s9;
	s24 =	simm.s32 $0x8970  }
0x11e: {  	[hbm4b:s21+s3] =	stream.linear.scatter [tilespmem:s24], [sflag:$0x9], $0x80, $0x38;
	[tilespmem:$0x10A00] =	vst v63  }
0x11f: {  	s9 =	sadd.s32 $0x70, s9;
	s29 =	simm.s32 $0x89F8  }
0x120: {  	[hbm4b:s9+s3] =	stream.linear.scatter [tilespmem:s29], [sflag:$0x9], $0x80, $0x38;
	[tilespmem:$0x10A00] =	vst v63  }
0x121: {  	s21 =	simm.s32 $0x8A80;
	s9 =	sadd.s32 s6, s12  }
0x122: {  	[hbm4b:s9+s3] =	stream.linear.scatter [tilespmem:s21], [sflag:$0x9], $0x80, $0x38;
	[tilespmem:$0x10A00] =	vst v63  }
0x123: {  	s29 =	simm.s32 $0x8B08;
	s24 =	sadd.s32 $0x10, s9  }
0x124: {  	[hbm4b:s24+s3] =	stream.linear.scatter [tilespmem:s29], [sflag:$0x9], $0x80, $0x38;
	[tilespmem:$0x10A00] =	vst v63  }
0x125: {  	s24 =	sadd.s32 $0x20, s9;
	s29 =	simm.s32 $0x8B90  }
0x126: {  	[hbm4b:s24+s3] =	stream.linear.scatter [tilespmem:s29], [sflag:$0x9], $0x80, $0x38;
	[tilespmem:$0x10A00] =	vst v63  }
0x127: {  	s24 =	sadd.s32 $0x30, s9;
	s29 =	simm.s32 $0x8C18  }
0x128: {  	[hbm4b:s24+s3] =	stream.linear.scatter [tilespmem:s29], [sflag:$0x9], $0x80, $0x38;
	[tilespmem:$0x10A00] =	vst v63  }
0x129: {  	s24 =	sadd.s32 $0x40, s9;
	s29 =	simm.s32 $0x8CA0  }
0x12a: {  	[hbm4b:s24+s3] =	stream.linear.scatter [tilespmem:s29], [sflag:$0x9], $0x80, $0x38;
	[tilespmem:$0x10A00] =	vst v63  }
0x12b: {  	s24 =	sadd.s32 $0x50, s9;
	s29 =	simm.s32 $0x8D28  }
0x12c: {  	[hbm4b:s24+s3] =	stream.linear.scatter [tilespmem:s29], [sflag:$0x9], $0x80, $0x38;
	[tilespmem:$0x10A00] =	vst v63  }
0x12d: {  	s21 =	sadd.s32 $0x60, s9;
	s24 =	simm.s32 $0x8DB0  }
0x12e: {  	[hbm4b:s21+s3] =	stream.linear.scatter [tilespmem:s24], [sflag:$0x9], $0x80, $0x38;
	[tilespmem:$0x10A00] =	vst v63  }
0x12f: {  	s9 =	sadd.s32 $0x70, s9;
	s29 =	simm.s32 $0x8E38  }
0x130: {  	[hbm4b:s9+s3] =	stream.linear.scatter [tilespmem:s29], [sflag:$0x9], $0x80, $0x38;
	[tilespmem:$0x10A00] =	vst v63  }
0x131: {  	s21 =	simm.s32 $0x8EC0;
	s9 =	sadd.s32 s6, s13  }
0x132: {  	[hbm4b:s9+s3] =	stream.linear.scatter [tilespmem:s21], [sflag:$0x9], $0x80, $0x38;
	[tilespmem:$0x10A00] =	vst v63  }
0x133: {  	s29 =	simm.s32 $0x8F48;
	s24 =	sadd.s32 $0x10, s9  }
0x134: {  	[hbm4b:s24+s3] =	stream.linear.scatter [tilespmem:s29], [sflag:$0x9], $0x80, $0x38;
	[tilespmem:$0x10A00] =	vst v63  }
0x135: {  	s24 =	sadd.s32 $0x20, s9;
	s29 =	simm.s32 $0x8FD0  }
0x136: {  	[hbm4b:s24+s3] =	stream.linear.scatter [tilespmem:s29], [sflag:$0x9], $0x80, $0x38;
	[tilespmem:$0x10A00] =	vst v63  }
0x137: {  	s24 =	sadd.s32 $0x30, s9;
	s29 =	simm.s32 $0x9058  }
0x138: {  	[hbm4b:s24+s3] =	stream.linear.scatter [tilespmem:s29], [sflag:$0x9], $0x80, $0x38;
	[tilespmem:$0x10A00] =	vst v63  }
0x139: {  	s24 =	sadd.s32 $0x40, s9;
	s29 =	simm.s32 $0x90E0  }
0x13a: {  	[hbm4b:s24+s3] =	stream.linear.scatter [tilespmem:s29], [sflag:$0x9], $0x80, $0x38;
	[tilespmem:$0x10A00] =	vst v63  }
0x13b: {  	s24 =	sadd.s32 $0x50, s9;
	s29 =	simm.s32 $0x9168  }
0x13c: {  	[hbm4b:s24+s3] =	stream.linear.scatter [tilespmem:s29], [sflag:$0x9], $0x80, $0x38;
	[tilespmem:$0x10A00] =	vst v63  }
0x13d: {  	s21 =	sadd.s32 $0x60, s9;
	s24 =	simm.s32 $0x91F0  }
0x13e: {  	[hbm4b:s21+s3] =	stream.linear.scatter [tilespmem:s24], [sflag:$0x9], $0x80, $0x38;
	[tilespmem:$0x10A00] =	vst v63  }
0x13f: {  	s9 =	sadd.s32 $0x70, s9;
	s29 =	simm.s32 $0x9278  }
0x140: {  	[hbm4b:s9+s3] =	stream.linear.scatter [tilespmem:s29], [sflag:$0x9], $0x80, $0x38;
	[tilespmem:$0x10A00] =	vst v63  }
0x141: {  	s21 =	simm.s32 $0x9300;
	s9 =	sadd.s32 s6, s14  }
0x142: {  	[hbm4b:s9+s3] =	stream.linear.scatter [tilespmem:s21], [sflag:$0x9], $0x80, $0x38;
	[tilespmem:$0x10A00] =	vst v63  }
0x143: {  	s29 =	simm.s32 $0x9388;
	s24 =	sadd.s32 $0x10, s9  }
0x144: {  	[hbm4b:s24+s3] =	stream.linear.scatter [tilespmem:s29], [sflag:$0x9], $0x80, $0x38;
	[tilespmem:$0x10A00] =	vst v63  }
0x145: {  	s24 =	sadd.s32 $0x20, s9;
	s29 =	simm.s32 $0x9410  }
0x146: {  	[hbm4b:s24+s3] =	stream.linear.scatter [tilespmem:s29], [sflag:$0x9], $0x80, $0x38;
	[tilespmem:$0x10A00] =	vst v63  }
0x147: {  	s24 =	sadd.s32 $0x30, s9;
	s29 =	simm.s32 $0x9498  }
0x148: {  	[hbm4b:s24+s3] =	stream.linear.scatter [tilespmem:s29], [sflag:$0x9], $0x80, $0x38;
	[tilespmem:$0x10A00] =	vst v63  }
0x149: {  	s24 =	sadd.s32 $0x40, s9;
	s29 =	simm.s32 $0x9520  }
0x14a: {  	[hbm4b:s24+s3] =	stream.linear.scatter [tilespmem:s29], [sflag:$0x9], $0x80, $0x38;
	[tilespmem:$0x10A00] =	vst v63  }
0x14b: {  	s24 =	sadd.s32 $0x50, s9;
	s29 =	simm.s32 $0x95A8  }
0x14c: {  	[hbm4b:s24+s3] =	stream.linear.scatter [tilespmem:s29], [sflag:$0x9], $0x80, $0x38;
	[tilespmem:$0x10A00] =	vst v63  }
0x14d: {  	s21 =	sadd.s32 $0x60, s9;
	s24 =	simm.s32 $0x9630  }
0x14e: {  	[hbm4b:s21+s3] =	stream.linear.scatter [tilespmem:s24], [sflag:$0x9], $0x80, $0x38;
	[tilespmem:$0x10A00] =	vst v63  }
0x14f: {  	s9 =	sadd.s32 $0x70, s9;
	s29 =	simm.s32 $0x96B8  }
0x150: {  	[hbm4b:s9+s3] =	stream.linear.scatter [tilespmem:s29], [sflag:$0x9], $0x80, $0x38;
	[tilespmem:$0x10A00] =	vst v63  }
0x151: {  	s21 =	simm.s32 $0x9740;
	s9 =	sadd.s32 s6, s15  }
0x152: {  	[hbm4b:s9+s3] =	stream.linear.scatter [tilespmem:s21], [sflag:$0x9], $0x80, $0x38;
	[tilespmem:$0x10A00] =	vst v63  }
0x153: {  	s29 =	simm.s32 $0x97C8;
	s24 =	sadd.s32 $0x10, s9  }
0x154: {  	[hbm4b:s24+s3] =	stream.linear.scatter [tilespmem:s29], [sflag:$0x9], $0x80, $0x38;
	[tilespmem:$0x10A00] =	vst v63  }
0x155: {  	s24 =	sadd.s32 $0x20, s9;
	s29 =	simm.s32 $0x9850  }
0x156: {  	[hbm4b:s24+s3] =	stream.linear.scatter [tilespmem:s29], [sflag:$0x9], $0x80, $0x38;
	[tilespmem:$0x10A00] =	vst v63  }
0x157: {  	s24 =	sadd.s32 $0x30, s9;
	s29 =	simm.s32 $0x98D8  }
0x158: {  	[hbm4b:s24+s3] =	stream.linear.scatter [tilespmem:s29], [sflag:$0x9], $0x80, $0x38;
	[tilespmem:$0x10A00] =	vst v63  }
0x159: {  	s24 =	sadd.s32 $0x40, s9;
	s29 =	simm.s32 $0x9960  }
0x15a: {  	[hbm4b:s24+s3] =	stream.linear.scatter [tilespmem:s29], [sflag:$0x9], $0x80, $0x38;
	[tilespmem:$0x10A00] =	vst v63  }
0x15b: {  	s24 =	sadd.s32 $0x50, s9;
	s29 =	simm.s32 $0x99E8  }
0x15c: {  	[hbm4b:s24+s3] =	stream.linear.scatter [tilespmem:s29], [sflag:$0x9], $0x80, $0x38;
	[tilespmem:$0x10A00] =	vst v63  }
0x15d: {  	s21 =	sadd.s32 $0x60, s9;
	s24 =	simm.s32 $0x9A70  }
0x15e: {  	[hbm4b:s21+s3] =	stream.linear.scatter [tilespmem:s24], [sflag:$0x9], $0x80, $0x38;
	[tilespmem:$0x10A00] =	vst v63  }
0x15f: {  	s9 =	sadd.s32 $0x70, s9;
	s29 =	simm.s32 $0x9AF8  }
0x160: {  	[hbm4b:s9+s3] =	stream.linear.scatter [tilespmem:s29], [sflag:$0x9], $0x80, $0x38;
	[tilespmem:$0x10A00] =	vst v63  }
0x161: {  	s21 =	simm.s32 $0x9B80;
	s9 =	sadd.s32 s6, s16  }
0x162: {  	[hbm4b:s9+s3] =	stream.linear.scatter [tilespmem:s21], [sflag:$0x9], $0x80, $0x38;
	[tilespmem:$0x10A00] =	vst v63  }
0x163: {  	s29 =	simm.s32 $0x9C08;
	s24 =	sadd.s32 $0x10, s9  }
0x164: {  	[hbm4b:s24+s3] =	stream.linear.scatter [tilespmem:s29], [sflag:$0x9], $0x80, $0x38;
	[tilespmem:$0x10A00] =	vst v63  }
0x165: {  	s24 =	sadd.s32 $0x20, s9;
	s29 =	simm.s32 $0x9C90  }
0x166: {  	[hbm4b:s24+s3] =	stream.linear.scatter [tilespmem:s29], [sflag:$0x9], $0x80, $0x38;
	[tilespmem:$0x10A00] =	vst v63  }
0x167: {  	s24 =	sadd.s32 $0x30, s9;
	s29 =	simm.s32 $0x9D18  }
0x168: {  	[hbm4b:s24+s3] =	stream.linear.scatter [tilespmem:s29], [sflag:$0x9], $0x80, $0x38;
	[tilespmem:$0x10A00] =	vst v63  }
0x169: {  	s24 =	sadd.s32 $0x40, s9;
	s29 =	simm.s32 $0x9DA0  }
0x16a: {  	[hbm4b:s24+s3] =	stream.linear.scatter [tilespmem:s29], [sflag:$0x9], $0x80, $0x38;
	[tilespmem:$0x10A00] =	vst v63  }
0x16b: {  	s24 =	sadd.s32 $0x50, s9;
	s29 =	simm.s32 $0x9E28  }
0x16c: {  	[hbm4b:s24+s3] =	stream.linear.scatter [tilespmem:s29], [sflag:$0x9], $0x80, $0x38;
	[tilespmem:$0x10A00] =	vst v63  }
0x16d: {  	s24 =	sadd.s32 $0x60, s9;
	s29 =	simm.s32 $0x9EB0  }
0x16e: {  	[hbm4b:s24+s3] =	stream.linear.scatter [tilespmem:s29], [sflag:$0x9], $0x80, $0x38;
	[tilespmem:$0x10A00] =	vst v63  }
0x16f: {  	s9 =	sadd.s32 $0x70, s9;
	s24 =	simm.s32 $0x9F38  }
0x170: {  	[hbm4b:s9+s3] =	stream.linear.scatter [tilespmem:s24], [sflag:$0x9], $0x80, $0x38;
	[tilespmem:$0x10A00] =	vst v63  }
0x171: {  	s6 =	sadd.s32 s6, s17;
	s29 =	simm.s32 $0x9FC0  }
0x172: {  	[hbm4b:s6+s3] =	stream.linear.scatter [tilespmem:s29], [sflag:$0x9], $0x80, $0x38;
	[tilespmem:$0x10A00] =	vst v63  }
0x173: {  	s19 =	sadd.s32 $0x10, s6;
	s21 =	simm.s32 $0xA048  }
0x174: {  	[hbm4b:s19+s3] =	stream.linear.scatter [tilespmem:s21], [sflag:$0x9], $0x80, $0x38;
	[tilespmem:$0x10A00] =	vst v63  }
0x175: {  	s24 =	sadd.s32 $0x20, s6;
	s29 =	simm.s32 $0xA0D0  }
0x176: {  	[hbm4b:s24+s3] =	stream.linear.scatter [tilespmem:s29], [sflag:$0x9], $0x80, $0x38;
	[tilespmem:$0x10A00] =	vst v63  }
0x177: {  	s19 =	sadd.s32 $0x30, s6;
	s21 =	simm.s32 $0xA158  }
0x178: {  	[hbm4b:s19+s3] =	stream.linear.scatter [tilespmem:s21], [sflag:$0x9], $0x80, $0x38;
	[tilespmem:$0x10A00] =	vst v63  }
0x179: {  	s24 =	sadd.s32 $0x40, s6;
	s29 =	simm.s32 $0xA1E0  }
0x17a: {  	[hbm4b:s24+s3] =	stream.linear.scatter [tilespmem:s29], [sflag:$0x9], $0x80, $0x38;
	[tilespmem:$0x10A00] =	vst v63  }
0x17b: {  	s19 =	sadd.s32 $0x50, s6;
	s21 =	simm.s32 $0xA268  }
0x17c: {  	[hbm4b:s19+s3] =	stream.linear.scatter [tilespmem:s21], [sflag:$0x9], $0x80, $0x38;
	[tilespmem:$0x10A00] =	vst v63  }
0x17d: {  	s24 =	sadd.s32 $0x60, s6;
	s29 =	simm.s32 $0xA2F0  }
0x17e: {  	[hbm4b:s24+s3] =	stream.linear.scatter [tilespmem:s29], [sflag:$0x9], $0x80, $0x38;
	[tilespmem:$0x10A00] =	vst v63  }
0x17f: {  	s6 =	sadd.s32 $0x70, s6;
	s19 =	simm.s32 $0xA378  }
0x180: {  	[hbm4b:s6+s3] =	stream.linear.scatter [tilespmem:s19], [sflag:$0x9], $0x80, $0x38;
	[tilespmem:$0x10A00] =	vst v63  }
0x181: {  	_ =	swait.ge [sflag:s23], $0x80  }
0x182: {  	s9 =	sor.u32 $0x1, s20;
	[sflag:s23] =	ssyncset.done $0x0  }
0x183: {  	s21 =	simm.s32 $0x180;
	s24 =	simm.s32 $0x6200;
	[sflag:s23] =	ssyncadd.s32 $0xFFFFFF80  }
0x184: {  	[tilespmem:s24], [sflag:$0x8] =	stream.indirect.gather [hbm4b:s4+s26], $0x40, s21, s26, $0xb8;
	[tilespmem:$0x10A00] =	vst v63  }
0x185: {  	s6 =	sadd.s32 @!p0 s5, s9;
	_ =	swait.ge [sflag:s7], $0x2000  }
0x186: {  	s19 =	simm.s32 @!p0 $0x0;
	s6 =	sshll.u32 @!p0 s6, $0x4;
	[sflag:s7] =	ssyncset.done $0x0  }
0x187: {  	s6 =	sadd.s32 @!p0 s6, s10;
	s21 =	simm.s32 @!p0 $0x80;
	[sflag:s7] =	ssyncadd.s32 $0xFFFFE000  }
0x188: {  	[tilespmem:s21], [sflag:$0x2] =	stream.linear.gather @!p0 [hbm4b:s6+s19], $0x80, $0x38;
	[tilespmem:$0x10A00] =	vst v63  }
0x189: {  	s6 =	simm.s32 @!p1 $0xA  }
0x18a: {  	_ =	swait.ge @!p1 [sflag:s6], $0x400  }
0x18b: {  	[sflag:s6] =	ssyncset.done @!p1 $0x0  }
0x18c: {  	[sflag:s6] =	ssyncadd.s32 @!p1 $0xFFFFFC00  }
0x18d: {  	_ =	swait.ge @!p1 [sflag:s6], $0x400  }
0x18e: {  	[sflag:s6] =	ssyncset.done @!p1 $0x0  }
0x18f: {  	[sflag:s6] =	ssyncadd.s32 @!p1 $0xFFFFFC00  }
0x190: {  	_ =	swait.ge @!p1 [sflag:s6], $0x400  }
0x191: {  	[sflag:s6] =	ssyncset.done @!p1 $0x0  }
0x192: {  	[sflag:s6] =	ssyncadd.s32 @!p1 $0xFFFFFC00  }
0x193: {  	_ =	swait.ge @!p1 [sflag:s6], $0x400  }
0x194: {  	[sflag:s6] =	ssyncset.done @!p1 $0x0  }
0x195: {  	[sflag:s6] =	ssyncadd.s32 @!p1 $0xFFFFFC00  }
0x196: {  	_ =	swait.ge @!p1 [sflag:s6], $0x400  }
0x197: {  	[sflag:s6] =	ssyncset.done @!p1 $0x0  }
0x198: {  	[sflag:s6] =	ssyncadd.s32 @!p1 $0xFFFFFC00  }
0x199: {  	_ =	swait.ge @!p1 [sflag:s6], $0x400  }
0x19a: {  	[sflag:s6] =	ssyncset.done @!p1 $0x0  }
0x19b: {  	[sflag:s6] =	ssyncadd.s32 @!p1 $0xFFFFFC00  }
0x19c: {  	_ =	swait.ge @!p1 [sflag:s6], $0x400  }
0x19d: {  	[sflag:s6] =	ssyncset.done @!p1 $0x0  }
0x19e: {  	[sflag:s6] =	ssyncadd.s32 @!p1 $0xFFFFFC00  }
0x19f: {  	_ =	swait.ge @!p1 [sflag:s6], $0x400  }
0x1a0: {  	[sflag:s6] =	ssyncset.done @!p1 $0x0  }
0x1a1: {  	s29 =	simm.s32 $0x3;
	[sflag:s6] =	ssyncadd.s32 @!p1 $0xFFFFFC00;
	s6 =	simm.s32 $0x2280  }
0x1a2: {  	v4 =	vmov s29;
	v5 =	vld [tilespmem:s6+$0x40]  }
0x1a3: {  	v9 =	vand.u32 $0x7F, v4  }
0x1a4: {  	v4 =	vadd.s32 v0, v9;
	s21 =	simm.s32 $0x0  }
0x1a5: {  	s24 =	simm.s32 $0x1;
	s26 =	simm.s32 $0x2;
	v6 =	vmov s21;
	v7 =	vld [tilespmem:s6+$0xFFFFFF80]  }
0x1a6: {  	v11 =	vmov s26;
	v8 =	vand.u32 $0x7C, v6;
	v6 =	vmov s24;
	v10 =	vld [tilespmem:s6+$0xFFFFFFC0]  }
0x1a7: {  	v12 =	vadd.s32 v0, v8;
	v15 =	vand.u32 $0x7D, v6;
	v6 =	vld [tilespmem:s6+$0x0];
	v5 =	vmul.f32 $8.000000000e+00, v5  }
0x1a8: {  	v17 =	vand.u32 $0x7E, v11;
	v13 =	vadd.s32 v0, v15  }
0x1a9: {  	v11 =	vadd.s32 v0, v17;
	[tilespmem:v4+s8+$0x0] =	vst.idx.msk $0xffff, v5  }
0x1aa: {  	v4 =	vmul.f32 $8.000000000e+00, v7;
	v5 =	vld [tilespmem:s6+$0x50]  }
0x1ab: {  	v7 =	vmul.f32 $8.000000000e+00, v10  }
0x1ac: {  	[tilespmem:v12+s8+$0x0] =	vst.idx.msk $0xffff, v4;
	v4 =	vmul.f32 $8.000000000e+00, v6;
	v6 =	vadd.s32 v1, v9  }
0x1ad: {  	[tilespmem:v13+s8+$0x0] =	vst.idx.msk $0xffff, v7;
	v10 =	vld [tilespmem:s6+$0xFFFFFF90]  }
0x1ae: {  	v7 =	vld [tilespmem:s6+$0xFFFFFFD0];
	[tilespmem:v11+s8+$0x0] =	vst.idx.msk $0xffff, v4  }
0x1af: {  	v11 =	vld [tilespmem:s6+$0x10];
	v4 =	vmul.f32 $8.000000000e+00, v5  }
0x1b0: {  	s29 =	simm.s32 $0x4;
	s21 =	simm.s32 $0x2380;
	s24 =	simm.s32 $0x7;
	v12 =	vadd.s32 v1, v15  }
0x1b1: {  	v14 =	vld [tilespmem:s21+$0x40];
	v13 =	vadd.s32 v1, v17;
	v5 =	vmov s29;
	[tilespmem:v6+s8+$0x0] =	vst.idx.msk $0xffff, v4;
	v6 =	vmov s24  }
0x1b2: {  	v16 =	vadd.s32 v1, v8;
	v4 =	vand.u32 $0x7C, v5;
	v5 =	vand.u32 $0x7F, v6;
	v18 =	vld [tilespmem:s6+$0x60]  }
0x1b3: {  	v22 =	vadd.s32 v2, v9;
	v19 =	vld [tilespmem:s21+$0xFFFFFF80];
	s24 =	simm.s32 $0x5;
	v6 =	vmul.f32 $8.000000000e+00, v7;
	v20 =	vadd.s32 v0, v5  }
0x1b4: {  	s26 =	simm.s32 $0x6;
	v21 =	vld [tilespmem:s21+$0xFFFFFFC0];
	v10 =	vmul.f32 $8.000000000e+00, v10;
	v7 =	vmul.f32 $8.000000000e+00, v11;
	v11 =	vmov s24  }
0x1b5: {  	v23 =	vadd.s32 v0, v4;
	[tilespmem:v12+s8+$0x0] =	vst.idx.msk $0xffff, v6;
	v12 =	vmov s26;
	v6 =	vand.u32 $0x7D, v11;
	v11 =	vld [tilespmem:s21+$0x0]  }
0x1b6: {  	[tilespmem:v13+s8+$0x0] =	vst.idx.msk $0xffff, v7;
	v13 =	vadd.s32 v0, v6;
	v7 =	vand.u32 $0x7E, v12;
	v12 =	vmul.f32 $8.000000000e+00, v14;
	v14 =	vld [tilespmem:s6+$0xFFFFFFE0]  }
0x1b7: {  	[tilespmem:v16+s8+$0x0] =	vst.idx.msk $0xffff, v10;
	v10 =	vadd.s32 v0, v7;
	v16 =	vld [tilespmem:s6+$0x20];
	v18 =	vmul.f32 $8.000000000e+00, v18  }
0x1b8: {  	v19 =	vmul.f32 $8.000000000e+00, v19;
	[tilespmem:v20+s8+$0x0] =	vst.idx.msk $0xffff, v12;
	v12 =	vld [tilespmem:s6+$0xFFFFFFA0];
	v20 =	vadd.s32 v2, v15  }
0x1b9: {  	v60 =	vadd.s32 v2, v17;
	v21 =	vmul.f32 $8.000000000e+00, v21;
	v59 =	vld [tilespmem:s21+$0x50];
	[tilespmem:v22+s8+$0x0] =	vst.idx.msk $0xffff, v18  }
0x1ba: {  	[tilespmem:v23+s8+$0x0] =	vst.idx.msk $0xffff, v19;
	v19 =	vadd.s32 v2, v8;
	v11 =	vmul.f32 $8.000000000e+00, v11;
	v22 =	vld [tilespmem:s6+$0x70]  }
0x1bb: {  	v23 =	vld [tilespmem:s21+$0xFFFFFF90];
	[tilespmem:v13+s8+$0x0] =	vst.idx.msk $0xffff, v21;
	v21 =	vadd.s32 v1, v5;
	v14 =	vmul.f32 $8.000000000e+00, v14  }
0x1bc: {  	v62 =	vadd.s32 v3, v9;
	v61 =	vld [tilespmem:s21+$0xFFFFFFD0];
	[tilespmem:v10+s8+$0x0] =	vst.idx.msk $0xffff, v11;
	v10 =	vmul.f32 $8.000000000e+00, v16  }
0x1bd: {  	v18 =	vadd.s32 v1, v4;
	v13 =	vld [tilespmem:s21+$0x10];
	v9 =	vmul.f32 $8.000000000e+00, v12;
	[tilespmem:v20+s8+$0x0] =	vst.idx.msk $0xffff, v14  }
0x1be: {  	s19 =	simm.s32 $0x8;
	v16 =	vadd.s32 v1, v6;
	[tilespmem:v60+s8+$0x0] =	vst.idx.msk $0xffff, v10;
	v14 =	vmul.f32 $8.000000000e+00, v59;
	v12 =	vld [tilespmem:s6+$0xFFFFFFF0]  }
0x1bf: {  	v20 =	vmov s19;
	v10 =	vadd.s32 v1, v7;
	v11 =	vld [tilespmem:s6+$0x30];
	[tilespmem:v19+s8+$0x0] =	vst.idx.msk $0xffff, v9;
	v63 =	vmul.f32 $8.000000000e+00, v22  }
0x1c0: {  	s29 =	simm.s32 $0xB;
	s24 =	simm.s32 $0x2480;
	v15 =	vadd.s32 v3, v15;
	v9 =	vand.u32 $0x7C, v20;
	v20 =	vmul.f32 $8.000000000e+00, v23;
	[tilespmem:v21+s8+$0x0] =	vst.idx.msk $0xffff, v14;
	v14 =	vld [tilespmem:s6+$0xFFFFFFB0]  }
0x1c1: {  	v17 =	vadd.s32 v3, v17;
	s26 =	simm.s32 $0xC;
	v22 =	vmov s29;
	v19 =	vld [tilespmem:s24+$0x40];
	s6 =	sor.u32 $0x3, s20;
	v21 =	vmul.f32 $8.000000000e+00, v61;
	[tilespmem:v62+s8+$0x0] =	vst.idx.msk $0xffff, v63  }
.LBB2_8:
0x1c2: {  	p2 =	slt.u32 s26, $0x7C;
	s29 =	sadd.s32 $0x1, s19;
	v22 =	vand.u32 $0x7F, v22;
	[tilespmem:v18+s8+$0x0] =	vst.idx.msk $0xffff, v20;
	v13 =	vmul.f32 $8.000000000e+00, v13;
	v18 =	vld [tilespmem:s21+$0x60];
	v20 =	vadd.s32 v3, v8;
	v8 =	vmovc v4  }
0x1c3: {  	v4 =	vmovc v9;
	v23 =	vld [tilespmem:s24+$0xFFFFFF80];
	v24 =	vmov s29;
	s29 =	sadd.s32 $0x2, s19;
	v25 =	vadd.s32 v0, v22;
	[tilespmem:v16+s8+$0x0] =	vst.idx.msk $0xffff, v21;
	v12 =	vmul.f32 $8.000000000e+00, v12;
	s19 =	smov.u32 s26  }
0x1c4: {  	v9 =	vld [tilespmem:s24+$0xFFFFFFC0];
	v16 =	vmov s29;
	[tilespmem:v10+s8+$0x0] =	vst.idx.msk $0xffff, v13;
	v10 =	vadd.s32 v2, v5;
	v11 =	vmul.f32 $8.000000000e+00, v11  }
0x1c5: {  	v13 =	vadd.s32 v0, v4;
	v21 =	vand.u32 $0x7D, v24;
	v24 =	vld [tilespmem:s24+$0x0];
	v14 =	vmul.f32 $8.000000000e+00, v14;
	[tilespmem:v15+s8+$0x0] =	vst.idx.msk $0xffff, v12  }
0x1c6: {  	v12 =	vadd.s32 v0, v21;
	v26 =	vand.u32 $0x7E, v16;
	v15 =	vmul.f32 $8.000000000e+00, v19;
	v16 =	vld [tilespmem:s21+$0xFFFFFFE0];
	[tilespmem:v17+s8+$0x0] =	vst.idx.msk $0xffff, v11  }
0x1c7: {  	v11 =	vadd.s32 v0, v26;
	v17 =	vld [tilespmem:s21+$0x20];
	v18 =	vmul.f32 $8.000000000e+00, v18;
	[tilespmem:v20+s8+$0x0] =	vst.idx.msk $0xffff, v14  }
0x1c8: {  	v19 =	vadd.s32 v2, v6;
	v14 =	vmul.f32 $8.000000000e+00, v23;
	[tilespmem:v25+s8+$0x0] =	vst.idx.msk $0xffff, v15;
	v15 =	vld [tilespmem:s21+$0xFFFFFFA0]  }
0x1c9: {  	v23 =	vadd.s32 v2, v7;
	v9 =	vmul.f32 $8.000000000e+00, v9;
	v20 =	vld [tilespmem:s24+$0x50];
	[tilespmem:v10+s8+$0x0] =	vst.idx.msk $0xffff, v18  }
0x1ca: {  	[tilespmem:v13+s8+$0x0] =	vst.idx.msk $0xffff, v14;
	v10 =	vmul.f32 $8.000000000e+00, v24;
	v14 =	vadd.s32 v2, v8;
	v24 =	vld [tilespmem:s21+$0x70]  }
0x1cb: {  	v27 =	vadd.s32 v1, v22;
	v25 =	vld [tilespmem:s24+$0xFFFFFF90];
	[tilespmem:v12+s8+$0x0] =	vst.idx.msk $0xffff, v9;
	v9 =	vmul.f32 $8.000000000e+00, v16  }
0x1cc: {  	v29 =	vadd.s32 v3, v5;
	v5 =	vmov v22;
	v28 =	vld [tilespmem:s24+$0xFFFFFFD0];
	[tilespmem:v11+s8+$0x0] =	vst.idx.msk $0xffff, v10;
	v10 =	vmul.f32 $8.000000000e+00, v17  }
.Ltmp5:
0x1cd: {  	v18 =	vadd.s32 v1, v4;
	v13 =	vld [tilespmem:s24+$0x10];
	v11 =	vmul.f32 $8.000000000e+00, v15;
	[tilespmem:v19+s8+$0x0] =	vst.idx.msk $0xffff, v9;
	(pc) =	sbr.rel @p2 .LBB2_8-.Ltmp5, $4  }
0x1ce: {  	v16 =	vadd.s32 v1, v21;
	v15 =	vmul.f32 $8.000000000e+00, v20;
	v12 =	vld [tilespmem:s21+$0xFFFFFFF0];
	[tilespmem:v23+s8+$0x0] =	vst.idx.msk $0xffff, v10  }
0x1cf: {  	v9 =	vmov s26;
	v10 =	vadd.s32 v1, v26;
	[tilespmem:v14+s8+$0x0] =	vst.idx.msk $0xffff, v11;
	v11 =	vld [tilespmem:s21+$0x30];
	v23 =	vmul.f32 $8.000000000e+00, v24  }
0x1d0: {  	s29 =	sadd.s32 $0x3, s26;
	v9 =	vand.u32 $0x7C, v9;
	v20 =	vmul.f32 $8.000000000e+00, v25;
	[tilespmem:v27+s8+$0x0] =	vst.idx.msk $0xffff, v15;
	v14 =	vld [tilespmem:s21+$0xFFFFFFB0];
	v15 =	vadd.s32 v3, v6;
	v6 =	vmovc v21;
	s21 =	smov.u32 s24;
	s24 =	sadd.s32 $0x100, s24  }
0x1d1: {  	v22 =	vmov s29;
	v17 =	vadd.s32 v3, v7;
	v7 =	vmovc v26;
	s26 =	sadd.s32 $0x4, s26;
	v19 =	vld [tilespmem:s24+$0x40];
	v21 =	vmul.f32 $8.000000000e+00, v28;
	[tilespmem:v29+s8+$0x0] =	vst.idx.msk $0xffff, v23  }
0x1d2: {  	s26 =	sadd.s32 $0x1, s19  }
0x1d3: {  	v22 =	vand.u32 $0x7F, v22;
	s29 =	sadd.s32 $0x2, s19;
	v24 =	vld [tilespmem:s24+$0xFFFFFFC0];
	v23 =	vmov s26  }
0x1d4: {  	v27 =	vld [tilespmem:s24+$0x0];
	v25 =	vadd.s32 v0, v22;
	v26 =	vmov s29;
	v23 =	vand.u32 $0x7D, v23  }
0x1d5: {  	v28 =	vld [tilespmem:s24+$0xFFFFFF80];
	v26 =	vand.u32 $0x7E, v26;
	v29 =	vadd.s32 v0, v23  }
0x1d6: {  	v30 =	vadd.s32 v0, v26  }
0x1d7: {  	[tilespmem:v18+s8+$0x0] =	vst.idx.msk $0xffff, v20;
	v18 =	vadd.s32 v0, v9;
	v19 =	vmul.f32 $8.000000000e+00, v19  }
0x1d8: {  	[tilespmem:v16+s8+$0x0] =	vst.idx.msk $0xffff, v21;
	v16 =	vmul.f32 $8.000000000e+00, v24  }
0x1d9: {  	[tilespmem:v25+s8+$0x0] =	vst.idx.msk $0xffff, v19;
	v19 =	vmul.f32 $8.000000000e+00, v27  }
0x1da: {  	v20 =	vmul.f32 $8.000000000e+00, v28;
	[tilespmem:v29+s8+$0x0] =	vst.idx.msk $0xffff, v16;
	v16 =	vld [tilespmem:s24+$0x50]  }
0x1db: {  	v13 =	vmul.f32 $8.000000000e+00, v13;
	v8 =	vadd.s32 v3, v8;
	[tilespmem:v30+s8+$0x0] =	vst.idx.msk $0xffff, v19;
	v21 =	vld [tilespmem:s24+$0xFFFFFFD0]  }
0x1dc: {  	v12 =	vmul.f32 $8.000000000e+00, v12;
	[tilespmem:v18+s8+$0x0] =	vst.idx.msk $0xffff, v20;
	v18 =	vadd.s32 v1, v22;
	v19 =	vld [tilespmem:s24+$0x10]  }
0x1dd: {  	[tilespmem:v10+s8+$0x0] =	vst.idx.msk $0xffff, v13;
	v10 =	vmul.f32 $8.000000000e+00, v11;
	v13 =	vadd.s32 v1, v23;
	v11 =	vld [tilespmem:s24+$0xFFFFFF90]  }
0x1de: {  	v14 =	vmul.f32 $8.000000000e+00, v14;
	[tilespmem:v15+s8+$0x0] =	vst.idx.msk $0xffff, v12;
	v12 =	vadd.s32 v1, v26;
	v20 =	vld [tilespmem:s21+$0x60]  }
0x1df: {  	v15 =	vld [tilespmem:s21+$0xFFFFFFE0];
	[tilespmem:v17+s8+$0x0] =	vst.idx.msk $0xffff, v10;
	v10 =	vadd.s32 v1, v9;
	v16 =	vmul.f32 $8.000000000e+00, v16  }
0x1e0: {  	v58 =	vld [tilespmem:s21+$0x20];
	v17 =	vadd.s32 v2, v5;
	[tilespmem:v8+s8+$0x0] =	vst.idx.msk $0xffff, v14;
	v8 =	vmul.f32 $8.000000000e+00, v21  }
0x1e1: {  	v14 =	vld [tilespmem:s21+$0xFFFFFFA0];
	v21 =	vadd.s32 v2, v6;
	[tilespmem:v18+s8+$0x0] =	vst.idx.msk $0xffff, v16;
	v16 =	vmul.f32 $8.000000000e+00, v19  }
0x1e2: {  	v11 =	vmul.f32 $8.000000000e+00, v11;
	v18 =	vadd.s32 v2, v7;
	v19 =	vld [tilespmem:s24+$0x60];
	[tilespmem:v13+s8+$0x0] =	vst.idx.msk $0xffff, v8  }
0x1e3: {  	v8 =	vmul.f32 $8.000000000e+00, v20;
	v13 =	vadd.s32 v2, v4;
	[tilespmem:v12+s8+$0x0] =	vst.idx.msk $0xffff, v16;
	v12 =	vld [tilespmem:s24+$0xFFFFFFE0]  }
0x1e4: {  	v15 =	vmul.f32 $8.000000000e+00, v15;
	[tilespmem:v10+s8+$0x0] =	vst.idx.msk $0xffff, v11;
	v10 =	vadd.s32 v2, v22;
	v11 =	vld [tilespmem:s24+$0x20]  }
0x1e5: {  	v16 =	vld [tilespmem:s24+$0xFFFFFFA0];
	[tilespmem:v17+s8+$0x0] =	vst.idx.msk $0xffff, v8;
	v8 =	vmul.f32 $8.000000000e+00, v58;
	v17 =	vadd.s32 v2, v23  }
0x1e6: {  	v14 =	vmul.f32 $8.000000000e+00, v14;
	v20 =	vld [tilespmem:s21+$0x70];
	[tilespmem:v21+s8+$0x0] =	vst.idx.msk $0xffff, v15;
	v15 =	vadd.s32 v2, v26  }
0x1e7: {  	v21 =	vld [tilespmem:s21+$0xFFFFFFF0];
	[tilespmem:v18+s8+$0x0] =	vst.idx.msk $0xffff, v8;
	v18 =	vadd.s32 v2, v9;
	v8 =	vmul.f32 $8.000000000e+00, v19  }
0x1e8: {  	v5 =	vadd.s32 v3, v5;
	[tilespmem:v13+s8+$0x0] =	vst.idx.msk $0xffff, v14;
	v13 =	vld [tilespmem:s21+$0x30];
	v12 =	vmul.f32 $8.000000000e+00, v12  }
0x1e9: {  	v6 =	vadd.s32 v3, v6;
	v14 =	vld [tilespmem:s21+$0xFFFFFFB0];
	[tilespmem:v10+s8+$0x0] =	vst.idx.msk $0xffff, v8;
	v8 =	vmul.f32 $8.000000000e+00, v11  }
0x1ea: {  	v7 =	vadd.s32 v3, v7;
	v11 =	vmul.f32 $8.000000000e+00, v16;
	v10 =	vld [tilespmem:s24+$0x70];
	[tilespmem:v17+s8+$0x0] =	vst.idx.msk $0xffff, v12  }
0x1eb: {  	v4 =	vadd.s32 v3, v4;
	v12 =	vmul.f32 $8.000000000e+00, v20;
	v16 =	vld [tilespmem:s24+$0xFFFFFFF0];
	[tilespmem:v15+s8+$0x0] =	vst.idx.msk $0xffff, v8  }
0x1ec: {  	v8 =	vmul.f32 $8.000000000e+00, v21;
	v15 =	vadd.s32 v3, v22;
	[tilespmem:v18+s8+$0x0] =	vst.idx.msk $0xffff, v11;
	v11 =	vld [tilespmem:s24+$0x30]  }
0x1ed: {  	[tilespmem:v5+s8+$0x0] =	vst.idx.msk $0xffff, v12;
	v5 =	vmul.f32 $8.000000000e+00, v13;
	v12 =	vld [tilespmem:s24+$0xFFFFFFB0];
	v13 =	vadd.s32 v3, v23  }
0x1ee: {  	v14 =	vmul.f32 $8.000000000e+00, v14;
	[tilespmem:v6+s8+$0x0] =	vst.idx.msk $0xffff, v8;
	v6 =	vadd.s32 v3, v26  }
0x1ef: {  	[tilespmem:v7+s8+$0x0] =	vst.idx.msk $0xffff, v5;
	v7 =	vadd.s32 v3, v9;
	v5 =	vmul.f32 $8.000000000e+00, v10  }
0x1f0: {  	s9 =	sadd.s32 s5, s9;
	[tilespmem:v4+s8+$0x0] =	vst.idx.msk $0xffff, v14;
	v4 =	vmul.f32 $8.000000000e+00, v16  }
0x1f1: {  	s24 =	sshll.u32 s9, $0xA;
	s9 =	sshll.u32 s9, $0x7;
	[tilespmem:v15+s8+$0x0] =	vst.idx.msk $0xffff, v5;
	v5 =	vmul.f32 $8.000000000e+00, v11  }
0x1f2: {  	s19 =	sand.u32 $0xFFF8000, s24;
	s9 =	sand.u32 $0xE80, s9;
	v8 =	vmul.f32 $8.000000000e+00, v12;
	[tilespmem:v13+s8+$0x0] =	vst.idx.msk $0xffff, v4  }
0x1f3: {  	s9 =	sor.u32 s9, s19;
	[tilespmem:v6+s8+$0x0] =	vst.idx.msk $0xffff, v5  }
0x1f4: {  	s19 =	sadd.s32 s2, s9;
	[tilespmem:v7+s8+$0x0] =	vst.idx.msk $0xffff, v8  }
0x1f5: {  	[hbm4b:s19+s3] =	stream.linear.scatter [tilespmem:s8], [sflag:$0xA], $0x80, $0x38;
	[tilespmem:$0x10A00] =	vst v63  }
0x1f6: {  	s29 =	simm.s32 $0xA488;
	s26 =	sadd.s32 $0x10, s19  }
0x1f7: {  	[hbm4b:s26+s3] =	stream.linear.scatter [tilespmem:s29], [sflag:$0xA], $0x80, $0x38;
	[tilespmem:$0x10A00] =	vst v63  }
0x1f8: {  	s26 =	sadd.s32 $0x20, s19;
	s29 =	simm.s32 $0xA510  }
0x1f9: {  	[hbm4b:s26+s3] =	stream.linear.scatter [tilespmem:s29], [sflag:$0xA], $0x80, $0x38;
	[tilespmem:$0x10A00] =	vst v63  }
0x1fa: {  	s26 =	sadd.s32 $0x30, s19;
	s29 =	simm.s32 $0xA598  }
0x1fb: {  	[hbm4b:s26+s3] =	stream.linear.scatter [tilespmem:s29], [sflag:$0xA], $0x80, $0x38;
	[tilespmem:$0x10A00] =	vst v63  }
0x1fc: {  	s26 =	sadd.s32 $0x40, s19;
	s29 =	simm.s32 $0xA620  }
0x1fd: {  	[hbm4b:s26+s3] =	stream.linear.scatter [tilespmem:s29], [sflag:$0xA], $0x80, $0x38;
	[tilespmem:$0x10A00] =	vst v63  }
0x1fe: {  	s26 =	sadd.s32 $0x50, s19;
	s29 =	simm.s32 $0xA6A8  }
0x1ff: {  	[hbm4b:s26+s3] =	stream.linear.scatter [tilespmem:s29], [sflag:$0xA], $0x80, $0x38;
	[tilespmem:$0x10A00] =	vst v63  }
0x200: {  	s24 =	sadd.s32 $0x60, s19;
	s26 =	simm.s32 $0xA730  }
0x201: {  	[hbm4b:s24+s3] =	stream.linear.scatter [tilespmem:s26], [sflag:$0xA], $0x80, $0x38;
	[tilespmem:$0x10A00] =	vst v63  }
0x202: {  	s19 =	sadd.s32 $0x70, s19;
	s29 =	simm.s32 $0xA7B8  }
0x203: {  	[hbm4b:s19+s3] =	stream.linear.scatter [tilespmem:s29], [sflag:$0xA], $0x80, $0x38;
	[tilespmem:$0x10A00] =	vst v63  }
0x204: {  	s24 =	simm.s32 $0xA840;
	s19 =	sadd.s32 s9, s11  }
0x205: {  	[hbm4b:s19+s3] =	stream.linear.scatter [tilespmem:s24], [sflag:$0xA], $0x80, $0x38;
	[tilespmem:$0x10A00] =	vst v63  }
0x206: {  	s29 =	simm.s32 $0xA8C8;
	s26 =	sadd.s32 $0x10, s19  }
0x207: {  	[hbm4b:s26+s3] =	stream.linear.scatter [tilespmem:s29], [sflag:$0xA], $0x80, $0x38;
	[tilespmem:$0x10A00] =	vst v63  }
0x208: {  	s26 =	sadd.s32 $0x20, s19;
	s29 =	simm.s32 $0xA950  }
0x209: {  	[hbm4b:s26+s3] =	stream.linear.scatter [tilespmem:s29], [sflag:$0xA], $0x80, $0x38;
	[tilespmem:$0x10A00] =	vst v63  }
0x20a: {  	s26 =	sadd.s32 $0x30, s19;
	s29 =	simm.s32 $0xA9D8  }
0x20b: {  	[hbm4b:s26+s3] =	stream.linear.scatter [tilespmem:s29], [sflag:$0xA], $0x80, $0x38;
	[tilespmem:$0x10A00] =	vst v63  }
0x20c: {  	s26 =	sadd.s32 $0x40, s19;
	s29 =	simm.s32 $0xAA60  }
0x20d: {  	[hbm4b:s26+s3] =	stream.linear.scatter [tilespmem:s29], [sflag:$0xA], $0x80, $0x38;
	[tilespmem:$0x10A00] =	vst v63  }
0x20e: {  	s26 =	sadd.s32 $0x50, s19;
	s29 =	simm.s32 $0xAAE8  }
0x20f: {  	[hbm4b:s26+s3] =	stream.linear.scatter [tilespmem:s29], [sflag:$0xA], $0x80, $0x38;
	[tilespmem:$0x10A00] =	vst v63  }
0x210: {  	s24 =	sadd.s32 $0x60, s19;
	s26 =	simm.s32 $0xAB70  }
0x211: {  	[hbm4b:s24+s3] =	stream.linear.scatter [tilespmem:s26], [sflag:$0xA], $0x80, $0x38;
	[tilespmem:$0x10A00] =	vst v63  }
0x212: {  	s19 =	sadd.s32 $0x70, s19;
	s29 =	simm.s32 $0xABF8  }
0x213: {  	[hbm4b:s19+s3] =	stream.linear.scatter [tilespmem:s29], [sflag:$0xA], $0x80, $0x38;
	[tilespmem:$0x10A00] =	vst v63  }
0x214: {  	s24 =	simm.s32 $0xAC80;
	s19 =	sadd.s32 s9, s12  }
0x215: {  	[hbm4b:s19+s3] =	stream.linear.scatter [tilespmem:s24], [sflag:$0xA], $0x80, $0x38;
	[tilespmem:$0x10A00] =	vst v63  }
0x216: {  	s29 =	simm.s32 $0xAD08;
	s26 =	sadd.s32 $0x10, s19  }
0x217: {  	[hbm4b:s26+s3] =	stream.linear.scatter [tilespmem:s29], [sflag:$0xA], $0x80, $0x38;
	[tilespmem:$0x10A00] =	vst v63  }
0x218: {  	s26 =	sadd.s32 $0x20, s19;
	s29 =	simm.s32 $0xAD90  }
0x219: {  	[hbm4b:s26+s3] =	stream.linear.scatter [tilespmem:s29], [sflag:$0xA], $0x80, $0x38;
	[tilespmem:$0x10A00] =	vst v63  }
0x21a: {  	s26 =	sadd.s32 $0x30, s19;
	s29 =	simm.s32 $0xAE18  }
0x21b: {  	[hbm4b:s26+s3] =	stream.linear.scatter [tilespmem:s29], [sflag:$0xA], $0x80, $0x38;
	[tilespmem:$0x10A00] =	vst v63  }
0x21c: {  	s26 =	sadd.s32 $0x40, s19;
	s29 =	simm.s32 $0xAEA0  }
0x21d: {  	[hbm4b:s26+s3] =	stream.linear.scatter [tilespmem:s29], [sflag:$0xA], $0x80, $0x38;
	[tilespmem:$0x10A00] =	vst v63  }
0x21e: {  	s26 =	sadd.s32 $0x50, s19;
	s29 =	simm.s32 $0xAF28  }
0x21f: {  	[hbm4b:s26+s3] =	stream.linear.scatter [tilespmem:s29], [sflag:$0xA], $0x80, $0x38;
	[tilespmem:$0x10A00] =	vst v63  }
0x220: {  	s24 =	sadd.s32 $0x60, s19;
	s26 =	simm.s32 $0xAFB0  }
0x221: {  	[hbm4b:s24+s3] =	stream.linear.scatter [tilespmem:s26], [sflag:$0xA], $0x80, $0x38;
	[tilespmem:$0x10A00] =	vst v63  }
0x222: {  	s19 =	sadd.s32 $0x70, s19;
	s29 =	simm.s32 $0xB038  }
0x223: {  	[hbm4b:s19+s3] =	stream.linear.scatter [tilespmem:s29], [sflag:$0xA], $0x80, $0x38;
	[tilespmem:$0x10A00] =	vst v63  }
0x224: {  	s24 =	simm.s32 $0xB0C0;
	s19 =	sadd.s32 s9, s13  }
0x225: {  	[hbm4b:s19+s3] =	stream.linear.scatter [tilespmem:s24], [sflag:$0xA], $0x80, $0x38;
	[tilespmem:$0x10A00] =	vst v63  }
0x226: {  	s29 =	simm.s32 $0xB148;
	s26 =	sadd.s32 $0x10, s19  }
0x227: {  	[hbm4b:s26+s3] =	stream.linear.scatter [tilespmem:s29], [sflag:$0xA], $0x80, $0x38;
	[tilespmem:$0x10A00] =	vst v63  }
0x228: {  	s26 =	sadd.s32 $0x20, s19;
	s29 =	simm.s32 $0xB1D0  }
0x229: {  	[hbm4b:s26+s3] =	stream.linear.scatter [tilespmem:s29], [sflag:$0xA], $0x80, $0x38;
	[tilespmem:$0x10A00] =	vst v63  }
0x22a: {  	s26 =	sadd.s32 $0x30, s19;
	s29 =	simm.s32 $0xB258  }
0x22b: {  	[hbm4b:s26+s3] =	stream.linear.scatter [tilespmem:s29], [sflag:$0xA], $0x80, $0x38;
	[tilespmem:$0x10A00] =	vst v63  }
0x22c: {  	s26 =	sadd.s32 $0x40, s19;
	s29 =	simm.s32 $0xB2E0  }
0x22d: {  	[hbm4b:s26+s3] =	stream.linear.scatter [tilespmem:s29], [sflag:$0xA], $0x80, $0x38;
	[tilespmem:$0x10A00] =	vst v63  }
0x22e: {  	s26 =	sadd.s32 $0x50, s19;
	s29 =	simm.s32 $0xB368  }
0x22f: {  	[hbm4b:s26+s3] =	stream.linear.scatter [tilespmem:s29], [sflag:$0xA], $0x80, $0x38;
	[tilespmem:$0x10A00] =	vst v63  }
0x230: {  	s24 =	sadd.s32 $0x60, s19;
	s26 =	simm.s32 $0xB3F0  }
0x231: {  	[hbm4b:s24+s3] =	stream.linear.scatter [tilespmem:s26], [sflag:$0xA], $0x80, $0x38;
	[tilespmem:$0x10A00] =	vst v63  }
0x232: {  	s19 =	sadd.s32 $0x70, s19;
	s29 =	simm.s32 $0xB478  }
0x233: {  	[hbm4b:s19+s3] =	stream.linear.scatter [tilespmem:s29], [sflag:$0xA], $0x80, $0x38;
	[tilespmem:$0x10A00] =	vst v63  }
0x234: {  	s24 =	simm.s32 $0xB500;
	s19 =	sadd.s32 s9, s14  }
0x235: {  	[hbm4b:s19+s3] =	stream.linear.scatter [tilespmem:s24], [sflag:$0xA], $0x80, $0x38;
	[tilespmem:$0x10A00] =	vst v63  }
0x236: {  	s29 =	simm.s32 $0xB588;
	s26 =	sadd.s32 $0x10, s19  }
0x237: {  	[hbm4b:s26+s3] =	stream.linear.scatter [tilespmem:s29], [sflag:$0xA], $0x80, $0x38;
	[tilespmem:$0x10A00] =	vst v63  }
0x238: {  	s26 =	sadd.s32 $0x20, s19;
	s29 =	simm.s32 $0xB610  }
0x239: {  	[hbm4b:s26+s3] =	stream.linear.scatter [tilespmem:s29], [sflag:$0xA], $0x80, $0x38;
	[tilespmem:$0x10A00] =	vst v63  }
0x23a: {  	s26 =	sadd.s32 $0x30, s19;
	s29 =	simm.s32 $0xB698  }
0x23b: {  	[hbm4b:s26+s3] =	stream.linear.scatter [tilespmem:s29], [sflag:$0xA], $0x80, $0x38;
	[tilespmem:$0x10A00] =	vst v63  }
0x23c: {  	s26 =	sadd.s32 $0x40, s19;
	s29 =	simm.s32 $0xB720  }
0x23d: {  	[hbm4b:s26+s3] =	stream.linear.scatter [tilespmem:s29], [sflag:$0xA], $0x80, $0x38;
	[tilespmem:$0x10A00] =	vst v63  }
0x23e: {  	s26 =	sadd.s32 $0x50, s19;
	s29 =	simm.s32 $0xB7A8  }
0x23f: {  	[hbm4b:s26+s3] =	stream.linear.scatter [tilespmem:s29], [sflag:$0xA], $0x80, $0x38;
	[tilespmem:$0x10A00] =	vst v63  }
0x240: {  	s24 =	sadd.s32 $0x60, s19;
	s26 =	simm.s32 $0xB830  }
0x241: {  	[hbm4b:s24+s3] =	stream.linear.scatter [tilespmem:s26], [sflag:$0xA], $0x80, $0x38;
	[tilespmem:$0x10A00] =	vst v63  }
0x242: {  	s19 =	sadd.s32 $0x70, s19;
	s29 =	simm.s32 $0xB8B8  }
0x243: {  	[hbm4b:s19+s3] =	stream.linear.scatter [tilespmem:s29], [sflag:$0xA], $0x80, $0x38;
	[tilespmem:$0x10A00] =	vst v63  }
0x244: {  	s24 =	simm.s32 $0xB940;
	s19 =	sadd.s32 s9, s15  }
0x245: {  	[hbm4b:s19+s3] =	stream.linear.scatter [tilespmem:s24], [sflag:$0xA], $0x80, $0x38;
	[tilespmem:$0x10A00] =	vst v63  }
0x246: {  	s29 =	simm.s32 $0xB9C8;
	s26 =	sadd.s32 $0x10, s19  }
0x247: {  	[hbm4b:s26+s3] =	stream.linear.scatter [tilespmem:s29], [sflag:$0xA], $0x80, $0x38;
	[tilespmem:$0x10A00] =	vst v63  }
0x248: {  	s26 =	sadd.s32 $0x20, s19;
	s29 =	simm.s32 $0xBA50  }
0x249: {  	[hbm4b:s26+s3] =	stream.linear.scatter [tilespmem:s29], [sflag:$0xA], $0x80, $0x38;
	[tilespmem:$0x10A00] =	vst v63  }
0x24a: {  	s26 =	sadd.s32 $0x30, s19;
	s29 =	simm.s32 $0xBAD8  }
0x24b: {  	[hbm4b:s26+s3] =	stream.linear.scatter [tilespmem:s29], [sflag:$0xA], $0x80, $0x38;
	[tilespmem:$0x10A00] =	vst v63  }
0x24c: {  	s26 =	sadd.s32 $0x40, s19;
	s29 =	simm.s32 $0xBB60  }
0x24d: {  	[hbm4b:s26+s3] =	stream.linear.scatter [tilespmem:s29], [sflag:$0xA], $0x80, $0x38;
	[tilespmem:$0x10A00] =	vst v63  }
0x24e: {  	s26 =	sadd.s32 $0x50, s19;
	s29 =	simm.s32 $0xBBE8  }
0x24f: {  	[hbm4b:s26+s3] =	stream.linear.scatter [tilespmem:s29], [sflag:$0xA], $0x80, $0x38;
	[tilespmem:$0x10A00] =	vst v63  }
0x250: {  	s24 =	sadd.s32 $0x60, s19;
	s26 =	simm.s32 $0xBC70  }
0x251: {  	[hbm4b:s24+s3] =	stream.linear.scatter [tilespmem:s26], [sflag:$0xA], $0x80, $0x38;
	[tilespmem:$0x10A00] =	vst v63  }
0x252: {  	s19 =	sadd.s32 $0x70, s19;
	s29 =	simm.s32 $0xBCF8  }
0x253: {  	[hbm4b:s19+s3] =	stream.linear.scatter [tilespmem:s29], [sflag:$0xA], $0x80, $0x38;
	[tilespmem:$0x10A00] =	vst v63  }
0x254: {  	s24 =	simm.s32 $0xBD80;
	s19 =	sadd.s32 s9, s16  }
0x255: {  	[hbm4b:s19+s3] =	stream.linear.scatter [tilespmem:s24], [sflag:$0xA], $0x80, $0x38;
	[tilespmem:$0x10A00] =	vst v63  }
0x256: {  	s29 =	simm.s32 $0xBE08;
	s26 =	sadd.s32 $0x10, s19  }
0x257: {  	[hbm4b:s26+s3] =	stream.linear.scatter [tilespmem:s29], [sflag:$0xA], $0x80, $0x38;
	[tilespmem:$0x10A00] =	vst v63  }
0x258: {  	s26 =	sadd.s32 $0x20, s19;
	s29 =	simm.s32 $0xBE90  }
0x259: {  	[hbm4b:s26+s3] =	stream.linear.scatter [tilespmem:s29], [sflag:$0xA], $0x80, $0x38;
	[tilespmem:$0x10A00] =	vst v63  }
0x25a: {  	s26 =	sadd.s32 $0x30, s19;
	s29 =	simm.s32 $0xBF18  }
0x25b: {  	[hbm4b:s26+s3] =	stream.linear.scatter [tilespmem:s29], [sflag:$0xA], $0x80, $0x38;
	[tilespmem:$0x10A00] =	vst v63  }
0x25c: {  	s26 =	sadd.s32 $0x40, s19;
	s29 =	simm.s32 $0xBFA0  }
0x25d: {  	[hbm4b:s26+s3] =	stream.linear.scatter [tilespmem:s29], [sflag:$0xA], $0x80, $0x38;
	[tilespmem:$0x10A00] =	vst v63  }
0x25e: {  	s26 =	sadd.s32 $0x50, s19;
	s29 =	simm.s32 $0xC028  }
0x25f: {  	[hbm4b:s26+s3] =	stream.linear.scatter [tilespmem:s29], [sflag:$0xA], $0x80, $0x38;
	[tilespmem:$0x10A00] =	vst v63  }
0x260: {  	s26 =	sadd.s32 $0x60, s19;
	s29 =	simm.s32 $0xC0B0  }
0x261: {  	[hbm4b:s26+s3] =	stream.linear.scatter [tilespmem:s29], [sflag:$0xA], $0x80, $0x38;
	[tilespmem:$0x10A00] =	vst v63  }
0x262: {  	s19 =	sadd.s32 $0x70, s19;
	s26 =	simm.s32 $0xC138  }
0x263: {  	[hbm4b:s19+s3] =	stream.linear.scatter [tilespmem:s26], [sflag:$0xA], $0x80, $0x38;
	[tilespmem:$0x10A00] =	vst v63  }
0x264: {  	s9 =	sadd.s32 s9, s17;
	s29 =	simm.s32 $0xC1C0  }
0x265: {  	[hbm4b:s9+s3] =	stream.linear.scatter [tilespmem:s29], [sflag:$0xA], $0x80, $0x38;
	[tilespmem:$0x10A00] =	vst v63  }
0x266: {  	s21 =	sadd.s32 $0x10, s9;
	s24 =	simm.s32 $0xC248  }
0x267: {  	[hbm4b:s21+s3] =	stream.linear.scatter [tilespmem:s24], [sflag:$0xA], $0x80, $0x38;
	[tilespmem:$0x10A00] =	vst v63  }
0x268: {  	s26 =	sadd.s32 $0x20, s9;
	s29 =	simm.s32 $0xC2D0  }
0x269: {  	[hbm4b:s26+s3] =	stream.linear.scatter [tilespmem:s29], [sflag:$0xA], $0x80, $0x38;
	[tilespmem:$0x10A00] =	vst v63  }
0x26a: {  	s21 =	sadd.s32 $0x30, s9;
	s24 =	simm.s32 $0xC358  }
0x26b: {  	[hbm4b:s21+s3] =	stream.linear.scatter [tilespmem:s24], [sflag:$0xA], $0x80, $0x38;
	[tilespmem:$0x10A00] =	vst v63  }
0x26c: {  	s26 =	sadd.s32 $0x40, s9;
	s29 =	simm.s32 $0xC3E0  }
0x26d: {  	[hbm4b:s26+s3] =	stream.linear.scatter [tilespmem:s29], [sflag:$0xA], $0x80, $0x38;
	[tilespmem:$0x10A00] =	vst v63  }
0x26e: {  	s21 =	sadd.s32 $0x50, s9;
	s24 =	simm.s32 $0xC468  }
0x26f: {  	[hbm4b:s21+s3] =	stream.linear.scatter [tilespmem:s24], [sflag:$0xA], $0x80, $0x38;
	[tilespmem:$0x10A00] =	vst v63  }
0x270: {  	s26 =	sadd.s32 $0x60, s9;
	s29 =	simm.s32 $0xC4F0  }
0x271: {  	[hbm4b:s26+s3] =	stream.linear.scatter [tilespmem:s29], [sflag:$0xA], $0x80, $0x38;
	[tilespmem:$0x10A00] =	vst v63  }
0x272: {  	s9 =	sadd.s32 $0x70, s9;
	s24 =	simm.s32 $0xC578  }
0x273: {  	[hbm4b:s9+s3] =	stream.linear.scatter [tilespmem:s24], [sflag:$0xA], $0x80, $0x38;
	[tilespmem:$0x10A00] =	vst v63  }
0x274: {  	s9 =	simm.s32 @!p0 $0x1  }
0x275: {  	_ =	swait.ge @!p0 [sflag:s9], $0x80  }
0x276: {  	s19 =	simm.s32 @!p0 $0x0;
	[sflag:s9] =	ssyncset.done @!p0 $0x0  }
0x277: {  	s21 =	simm.s32 @!p0 $0x200;
	[sflag:s9] =	ssyncadd.s32 @!p0 $0xFFFFFF80;
	s9 =	simm.s32 @!p0 $0x80  }
0x278: {  	[tilespmem:s21], [sflag:$0x5] =	stream.indirect.gather @!p0 [hbm4b:s4+s9], $0x40, s19, s9, $0xb8;
	[tilespmem:$0x10A00] =	vst v63  }
0x279: {  	s9 =	sor.u32 $0x2, s20  }
0x27a: {  	_ =	swait.ge [sflag:s25], $0x2000;
	s20 =	sadd.s32 @!p0 s5, s9  }
0x27b: {  	[sflag:s25] =	ssyncset.done $0x0;
	s20 =	sshll.u32 @!p0 s20, $0x4  }
0x27c: {  	s21 =	simm.s32 @!p0 $0x100;
	[sflag:s25] =	ssyncadd.s32 $0xFFFFE000;
	s20 =	sadd.s32 @!p0 s20, s10  }
0x27d: {  	[tilespmem:s21], [sflag:$0x3] =	stream.linear.gather @!p0 [hbm4b:s20+s19], $0x80, $0x38;
	[tilespmem:$0x10A00] =	vst v63  }
0x27e: {  	s19 =	simm.s32 @!p1 $0xB  }
0x27f: {  	_ =	swait.ge @!p1 [sflag:s19], $0x400  }
0x280: {  	[sflag:s19] =	ssyncset.done @!p1 $0x0  }
0x281: {  	[sflag:s19] =	ssyncadd.s32 @!p1 $0xFFFFFC00  }
0x282: {  	_ =	swait.ge @!p1 [sflag:s19], $0x400  }
0x283: {  	[sflag:s19] =	ssyncset.done @!p1 $0x0  }
0x284: {  	[sflag:s19] =	ssyncadd.s32 @!p1 $0xFFFFFC00  }
0x285: {  	_ =	swait.ge @!p1 [sflag:s19], $0x400  }
0x286: {  	[sflag:s19] =	ssyncset.done @!p1 $0x0  }
0x287: {  	[sflag:s19] =	ssyncadd.s32 @!p1 $0xFFFFFC00  }
0x288: {  	_ =	swait.ge @!p1 [sflag:s19], $0x400  }
0x289: {  	[sflag:s19] =	ssyncset.done @!p1 $0x0  }
0x28a: {  	[sflag:s19] =	ssyncadd.s32 @!p1 $0xFFFFFC00  }
0x28b: {  	_ =	swait.ge @!p1 [sflag:s19], $0x400  }
0x28c: {  	[sflag:s19] =	ssyncset.done @!p1 $0x0  }
0x28d: {  	[sflag:s19] =	ssyncadd.s32 @!p1 $0xFFFFFC00  }
0x28e: {  	_ =	swait.ge @!p1 [sflag:s19], $0x400  }
0x28f: {  	[sflag:s19] =	ssyncset.done @!p1 $0x0  }
0x290: {  	[sflag:s19] =	ssyncadd.s32 @!p1 $0xFFFFFC00  }
0x291: {  	_ =	swait.ge @!p1 [sflag:s19], $0x400  }
0x292: {  	[sflag:s19] =	ssyncset.done @!p1 $0x0  }
0x293: {  	[sflag:s19] =	ssyncadd.s32 @!p1 $0xFFFFFC00  }
0x294: {  	_ =	swait.ge @!p1 [sflag:s19], $0x400  }
0x295: {  	[sflag:s19] =	ssyncset.done @!p1 $0x0  }
0x296: {  	s26 =	simm.s32 $0x3;
	s21 =	simm.s32 $0x4280;
	[sflag:s19] =	ssyncadd.s32 @!p1 $0xFFFFFC00  }
0x297: {  	v4 =	vmov s26;
	v5 =	vld [tilespmem:s21+$0x40]  }
0x298: {  	v9 =	vand.u32 $0x7F, v4  }
0x299: {  	s29 =	simm.s32 $0x0;
	v4 =	vadd.s32 v0, v9  }
0x29a: {  	v6 =	vmov s29;
	s24 =	simm.s32 $0x2;
	s20 =	simm.s32 $0x1;
	v7 =	vld [tilespmem:s21+$0xFFFFFF80]  }
0x29b: {  	v8 =	vand.u32 $0x7C, v6;
	v11 =	vmov s24;
	v6 =	vmov s20;
	v10 =	vld [tilespmem:s21+$0xFFFFFFC0]  }
0x29c: {  	v12 =	vadd.s32 v0, v8;
	v15 =	vand.u32 $0x7D, v6;
	v6 =	vld [tilespmem:s21+$0x0];
	v5 =	vmul.f32 $8.000000000e+00, v5  }
0x29d: {  	v17 =	vand.u32 $0x7E, v11;
	v13 =	vadd.s32 v0, v15  }
0x29e: {  	v11 =	vadd.s32 v0, v17;
	[tilespmem:v4+s28+$0x0] =	vst.idx.msk $0xffff, v5  }
0x29f: {  	v4 =	vmul.f32 $8.000000000e+00, v7;
	v5 =	vld [tilespmem:s21+$0x50]  }
0x2a0: {  	v7 =	vmul.f32 $8.000000000e+00, v10  }
0x2a1: {  	[tilespmem:v12+s28+$0x0] =	vst.idx.msk $0xffff, v4;
	v4 =	vmul.f32 $8.000000000e+00, v6;
	v6 =	vadd.s32 v1, v9  }
0x2a2: {  	[tilespmem:v13+s28+$0x0] =	vst.idx.msk $0xffff, v7;
	v10 =	vld [tilespmem:s21+$0xFFFFFF90]  }
0x2a3: {  	v7 =	vld [tilespmem:s21+$0xFFFFFFD0];
	[tilespmem:v11+s28+$0x0] =	vst.idx.msk $0xffff, v4  }
0x2a4: {  	v11 =	vld [tilespmem:s21+$0x10];
	v4 =	vmul.f32 $8.000000000e+00, v5  }
0x2a5: {  	s26 =	simm.s32 $0x4;
	s29 =	simm.s32 $0x7;
	s20 =	simm.s32 $0x4380;
	v12 =	vadd.s32 v1, v15  }
0x2a6: {  	v14 =	vld [tilespmem:s20+$0x40];
	v13 =	vadd.s32 v1, v17;
	v5 =	vmov s26;
	[tilespmem:v6+s28+$0x0] =	vst.idx.msk $0xffff, v4;
	v6 =	vmov s29  }
0x2a7: {  	v16 =	vadd.s32 v1, v8;
	v4 =	vand.u32 $0x7C, v5;
	v5 =	vand.u32 $0x7F, v6;
	v18 =	vld [tilespmem:s21+$0x60]  }
0x2a8: {  	s24 =	simm.s32 $0x5;
	v22 =	vadd.s32 v2, v9;
	v19 =	vld [tilespmem:s20+$0xFFFFFF80];
	v6 =	vmul.f32 $8.000000000e+00, v7;
	v20 =	vadd.s32 v0, v5  }
0x2a9: {  	v21 =	vld [tilespmem:s20+$0xFFFFFFC0];
	s26 =	simm.s32 $0x6;
	v10 =	vmul.f32 $8.000000000e+00, v10;
	v7 =	vmul.f32 $8.000000000e+00, v11;
	v11 =	vmov s24  }
0x2aa: {  	v23 =	vadd.s32 v0, v4;
	[tilespmem:v12+s28+$0x0] =	vst.idx.msk $0xffff, v6;
	v12 =	vmov s26;
	v6 =	vand.u32 $0x7D, v11;
	v11 =	vld [tilespmem:s20+$0x0]  }
0x2ab: {  	[tilespmem:v13+s28+$0x0] =	vst.idx.msk $0xffff, v7;
	v13 =	vadd.s32 v0, v6;
	v7 =	vand.u32 $0x7E, v12;
	v12 =	vmul.f32 $8.000000000e+00, v14;
	v14 =	vld [tilespmem:s21+$0xFFFFFFE0]  }
0x2ac: {  	[tilespmem:v16+s28+$0x0] =	vst.idx.msk $0xffff, v10;
	v10 =	vadd.s32 v0, v7;
	v16 =	vld [tilespmem:s21+$0x20];
	v18 =	vmul.f32 $8.000000000e+00, v18  }
0x2ad: {  	v19 =	vmul.f32 $8.000000000e+00, v19;
	[tilespmem:v20+s28+$0x0] =	vst.idx.msk $0xffff, v12;
	v12 =	vld [tilespmem:s21+$0xFFFFFFA0];
	v20 =	vadd.s32 v2, v15  }
0x2ae: {  	v60 =	vadd.s32 v2, v17;
	v21 =	vmul.f32 $8.000000000e+00, v21;
	v59 =	vld [tilespmem:s20+$0x50];
	[tilespmem:v22+s28+$0x0] =	vst.idx.msk $0xffff, v18  }
0x2af: {  	[tilespmem:v23+s28+$0x0] =	vst.idx.msk $0xffff, v19;
	v19 =	vadd.s32 v2, v8;
	v11 =	vmul.f32 $8.000000000e+00, v11;
	v22 =	vld [tilespmem:s21+$0x70]  }
0x2b0: {  	v23 =	vld [tilespmem:s20+$0xFFFFFF90];
	[tilespmem:v13+s28+$0x0] =	vst.idx.msk $0xffff, v21;
	v21 =	vadd.s32 v1, v5;
	v14 =	vmul.f32 $8.000000000e+00, v14  }
0x2b1: {  	v62 =	vadd.s32 v3, v9;
	v61 =	vld [tilespmem:s20+$0xFFFFFFD0];
	[tilespmem:v10+s28+$0x0] =	vst.idx.msk $0xffff, v11;
	v10 =	vmul.f32 $8.000000000e+00, v16  }
0x2b2: {  	v18 =	vadd.s32 v1, v4;
	v13 =	vld [tilespmem:s20+$0x10];
	v9 =	vmul.f32 $8.000000000e+00, v12;
	[tilespmem:v20+s28+$0x0] =	vst.idx.msk $0xffff, v14  }
0x2b3: {  	s19 =	simm.s32 $0x8;
	v16 =	vadd.s32 v1, v6;
	[tilespmem:v60+s28+$0x0] =	vst.idx.msk $0xffff, v10;
	v14 =	vmul.f32 $8.000000000e+00, v59;
	v12 =	vld [tilespmem:s21+$0xFFFFFFF0]  }
0x2b4: {  	v20 =	vmov s19;
	v10 =	vadd.s32 v1, v7;
	v11 =	vld [tilespmem:s21+$0x30];
	[tilespmem:v19+s28+$0x0] =	vst.idx.msk $0xffff, v9;
	v63 =	vmul.f32 $8.000000000e+00, v22  }
0x2b5: {  	s29 =	simm.s32 $0xB;
	v15 =	vadd.s32 v3, v15;
	v9 =	vand.u32 $0x7C, v20;
	v20 =	vmul.f32 $8.000000000e+00, v23;
	[tilespmem:v21+s28+$0x0] =	vst.idx.msk $0xffff, v14;
	v14 =	vld [tilespmem:s21+$0xFFFFFFB0];
	s21 =	simm.s32 $0x4480  }
0x2b6: {  	v17 =	vadd.s32 v3, v17;
	s24 =	simm.s32 $0xC;
	v22 =	vmov s29;
	v21 =	vmul.f32 $8.000000000e+00, v61;
	v19 =	vld [tilespmem:s21+$0x40];
	[tilespmem:v62+s28+$0x0] =	vst.idx.msk $0xffff, v63  }
.LBB2_10:
0x2b7: {  	p2 =	slt.u32 s24, $0x7C;
	s26 =	sadd.s32 $0x1, s19;
	v22 =	vand.u32 $0x7F, v22;
	[tilespmem:v18+s28+$0x0] =	vst.idx.msk $0xffff, v20;
	v13 =	vmul.f32 $8.000000000e+00, v13;
	v18 =	vld [tilespmem:s20+$0x60];
	v20 =	vadd.s32 v3, v8;
	v8 =	vmovc v4  }
0x2b8: {  	v4 =	vmovc v9;
	v23 =	vld [tilespmem:s21+$0xFFFFFF80];
	v24 =	vmov s26;
	s26 =	sadd.s32 $0x2, s19;
	v25 =	vadd.s32 v0, v22;
	[tilespmem:v16+s28+$0x0] =	vst.idx.msk $0xffff, v21;
	v12 =	vmul.f32 $8.000000000e+00, v12;
	s19 =	smov.u32 s24  }
0x2b9: {  	v9 =	vld [tilespmem:s21+$0xFFFFFFC0];
	v16 =	vmov s26;
	[tilespmem:v10+s28+$0x0] =	vst.idx.msk $0xffff, v13;
	v10 =	vadd.s32 v2, v5;
	v11 =	vmul.f32 $8.000000000e+00, v11  }
0x2ba: {  	v13 =	vadd.s32 v0, v4;
	v21 =	vand.u32 $0x7D, v24;
	v24 =	vld [tilespmem:s21+$0x0];
	v14 =	vmul.f32 $8.000000000e+00, v14;
	[tilespmem:v15+s28+$0x0] =	vst.idx.msk $0xffff, v12  }
0x2bb: {  	v12 =	vadd.s32 v0, v21;
	v26 =	vand.u32 $0x7E, v16;
	v15 =	vmul.f32 $8.000000000e+00, v19;
	v16 =	vld [tilespmem:s20+$0xFFFFFFE0];
	[tilespmem:v17+s28+$0x0] =	vst.idx.msk $0xffff, v11  }
0x2bc: {  	v11 =	vadd.s32 v0, v26;
	v17 =	vld [tilespmem:s20+$0x20];
	v18 =	vmul.f32 $8.000000000e+00, v18;
	[tilespmem:v20+s28+$0x0] =	vst.idx.msk $0xffff, v14  }
0x2bd: {  	v19 =	vadd.s32 v2, v6;
	v14 =	vmul.f32 $8.000000000e+00, v23;
	[tilespmem:v25+s28+$0x0] =	vst.idx.msk $0xffff, v15;
	v15 =	vld [tilespmem:s20+$0xFFFFFFA0]  }
0x2be: {  	v23 =	vadd.s32 v2, v7;
	v9 =	vmul.f32 $8.000000000e+00, v9;
	v20 =	vld [tilespmem:s21+$0x50];
	[tilespmem:v10+s28+$0x0] =	vst.idx.msk $0xffff, v18  }
0x2bf: {  	[tilespmem:v13+s28+$0x0] =	vst.idx.msk $0xffff, v14;
	v10 =	vmul.f32 $8.000000000e+00, v24;
	v14 =	vadd.s32 v2, v8;
	v24 =	vld [tilespmem:s20+$0x70]  }
0x2c0: {  	v27 =	vadd.s32 v1, v22;
	v25 =	vld [tilespmem:s21+$0xFFFFFF90];
	[tilespmem:v12+s28+$0x0] =	vst.idx.msk $0xffff, v9;
	v9 =	vmul.f32 $8.000000000e+00, v16  }
0x2c1: {  	v29 =	vadd.s32 v3, v5;
	v5 =	vmov v22;
	v28 =	vld [tilespmem:s21+$0xFFFFFFD0];
	[tilespmem:v11+s28+$0x0] =	vst.idx.msk $0xffff, v10;
	v10 =	vmul.f32 $8.000000000e+00, v17  }
.Ltmp6:
0x2c2: {  	v18 =	vadd.s32 v1, v4;
	v13 =	vld [tilespmem:s21+$0x10];
	v11 =	vmul.f32 $8.000000000e+00, v15;
	[tilespmem:v19+s28+$0x0] =	vst.idx.msk $0xffff, v9;
	(pc) =	sbr.rel @p2 .LBB2_10-.Ltmp6, $4  }
0x2c3: {  	v16 =	vadd.s32 v1, v21;
	v15 =	vmul.f32 $8.000000000e+00, v20;
	v12 =	vld [tilespmem:s20+$0xFFFFFFF0];
	[tilespmem:v23+s28+$0x0] =	vst.idx.msk $0xffff, v10  }
0x2c4: {  	v9 =	vmov s24;
	v10 =	vadd.s32 v1, v26;
	[tilespmem:v14+s28+$0x0] =	vst.idx.msk $0xffff, v11;
	v11 =	vld [tilespmem:s20+$0x30];
	v23 =	vmul.f32 $8.000000000e+00, v24  }
0x2c5: {  	s26 =	sadd.s32 $0x3, s24;
	v9 =	vand.u32 $0x7C, v9;
	v20 =	vmul.f32 $8.000000000e+00, v25;
	[tilespmem:v27+s28+$0x0] =	vst.idx.msk $0xffff, v15;
	v14 =	vld [tilespmem:s20+$0xFFFFFFB0];
	v15 =	vadd.s32 v3, v6;
	v6 =	vmovc v21;
	s20 =	smov.u32 s21;
	s21 =	sadd.s32 $0x100, s21  }
0x2c6: {  	v22 =	vmov s26;
	v17 =	vadd.s32 v3, v7;
	v7 =	vmovc v26;
	s24 =	sadd.s32 $0x4, s24;
	v19 =	vld [tilespmem:s21+$0x40];
	v21 =	vmul.f32 $8.000000000e+00, v28;
	[tilespmem:v29+s28+$0x0] =	vst.idx.msk $0xffff, v23  }
0x2c7: {  	s24 =	sadd.s32 $0x1, s19;
	v22 =	vand.u32 $0x7F, v22;
	v28 =	vld [tilespmem:s21+$0xFFFFFF80]  }
0x2c8: {  	s29 =	sadd.s32 $0x2, s19;
	v24 =	vld [tilespmem:s21+$0xFFFFFFC0];
	v23 =	vmov s24;
	v26 =	vadd.s32 v0, v22  }
0x2c9: {  	v27 =	vld [tilespmem:s21+$0x0];
	v51 =	vadd.s32 v0, v9;
	v25 =	vmov s29;
	v23 =	vand.u32 $0x7D, v23  }
0x2ca: {  	v25 =	vand.u32 $0x7E, v25;
	v29 =	vadd.s32 v0, v23  }
0x2cb: {  	[tilespmem:v18+s28+$0x0] =	vst.idx.msk $0xffff, v20;
	v30 =	vadd.s32 v0, v25;
	v19 =	vmul.f32 $8.000000000e+00, v19  }
0x2cc: {  	[tilespmem:v16+s28+$0x0] =	vst.idx.msk $0xffff, v21;
	v54 =	vmul.f32 $8.000000000e+00, v28  }
0x2cd: {  	v52 =	vmul.f32 $8.000000000e+00, v24;
	[tilespmem:v26+s28+$0x0] =	vst.idx.msk $0xffff, v19  }
0x2ce: {  	v53 =	vmul.f32 $8.000000000e+00, v27;
	v55 =	vld [tilespmem:s21+$0x50];
	[tilespmem:v51+s28+$0x0] =	vst.idx.msk $0xffff, v54  }
0x2cf: {  	v13 =	vmul.f32 $8.000000000e+00, v13;
	v8 =	vadd.s32 v3, v8;
	[tilespmem:v29+s28+$0x0] =	vst.idx.msk $0xffff, v52;
	v59 =	vld [tilespmem:s21+$0xFFFFFF90]  }
0x2d0: {  	v12 =	vmul.f32 $8.000000000e+00, v12;
	v57 =	vadd.s32 v1, v22;
	[tilespmem:v30+s28+$0x0] =	vst.idx.msk $0xffff, v53;
	v56 =	vld [tilespmem:s21+$0xFFFFFFD0]  }
0x2d1: {  	[tilespmem:v10+s28+$0x0] =	vst.idx.msk $0xffff, v13;
	v58 =	vmul.f32 $8.000000000e+00, v11;
	v28 =	vadd.s32 v1, v9;
	v19 =	vld [tilespmem:s21+$0x10]  }
0x2d2: {  	v61 =	vld [tilespmem:s20+$0x60];
	v60 =	vadd.s32 v1, v23;
	v14 =	vmul.f32 $8.000000000e+00, v14;
	[tilespmem:v15+s28+$0x0] =	vst.idx.msk $0xffff, v12  }
0x2d3: {  	v32 =	vld [tilespmem:s20+$0xFFFFFFA0];
	v62 =	vadd.s32 v1, v25;
	[tilespmem:v17+s28+$0x0] =	vst.idx.msk $0xffff, v58;
	v16 =	vmul.f32 $8.000000000e+00, v55  }
0x2d4: {  	[tilespmem:v8+s28+$0x0] =	vst.idx.msk $0xffff, v14;
	v29 =	vadd.s32 v2, v5;
	v30 =	vld [tilespmem:s20+$0x20];
	v11 =	vmul.f32 $8.000000000e+00, v59  }
0x2d5: {  	v38 =	vadd.s32 v2, v4;
	v63 =	vld [tilespmem:s20+$0xFFFFFFE0];
	v31 =	vmul.f32 $8.000000000e+00, v56;
	[tilespmem:v57+s28+$0x0] =	vst.idx.msk $0xffff, v16  }
0x2d6: {  	v35 =	vadd.s32 v2, v7;
	v34 =	vmul.f32 $8.000000000e+00, v19;
	v36 =	vld [tilespmem:s21+$0x60];
	[tilespmem:v28+s28+$0x0] =	vst.idx.msk $0xffff, v11  }
0x2d7: {  	v33 =	vadd.s32 v2, v6;
	v37 =	vmul.f32 $8.000000000e+00, v61;
	[tilespmem:v60+s28+$0x0] =	vst.idx.msk $0xffff, v31;
	v43 =	vld [tilespmem:s21+$0xFFFFFFA0]  }
0x2d8: {  	v40 =	vadd.s32 v2, v22;
	v14 =	vmul.f32 $8.000000000e+00, v32;
	[tilespmem:v62+s28+$0x0] =	vst.idx.msk $0xffff, v34;
	v39 =	vld [tilespmem:s21+$0xFFFFFFE0]  }
0x2d9: {  	v48 =	vadd.s32 v2, v9;
	[tilespmem:v29+s28+$0x0] =	vst.idx.msk $0xffff, v37;
	v42 =	vmul.f32 $8.000000000e+00, v30;
	v41 =	vld [tilespmem:s21+$0x20]  }
0x2da: {  	v44 =	vadd.s32 v2, v23;
	v15 =	vmul.f32 $8.000000000e+00, v63;
	[tilespmem:v38+s28+$0x0] =	vst.idx.msk $0xffff, v14;
	v45 =	vld [tilespmem:s20+$0x70]  }
0x2db: {  	v46 =	vadd.s32 v2, v25;
	v14 =	vld [tilespmem:s20+$0xFFFFFFB0];
	[tilespmem:v35+s28+$0x0] =	vst.idx.msk $0xffff, v42;
	v47 =	vmul.f32 $8.000000000e+00, v36  }
0x2dc: {  	v5 =	vadd.s32 v3, v5;
	[tilespmem:v33+s28+$0x0] =	vst.idx.msk $0xffff, v15;
	v49 =	vld [tilespmem:s20+$0x30];
	v53 =	vmul.f32 $8.000000000e+00, v43  }
0x2dd: {  	v4 =	vadd.s32 v3, v4;
	v21 =	vld [tilespmem:s20+$0xFFFFFFF0];
	v12 =	vmul.f32 $8.000000000e+00, v39;
	[tilespmem:v40+s28+$0x0] =	vst.idx.msk $0xffff, v47  }
0x2de: {  	v52 =	vadd.s32 v3, v7;
	v51 =	vmul.f32 $8.000000000e+00, v41;
	v10 =	vld [tilespmem:s21+$0x70];
	[tilespmem:v48+s28+$0x0] =	vst.idx.msk $0xffff, v53  }
0x2df: {  	v50 =	vadd.s32 v3, v6;
	v54 =	vmul.f32 $8.000000000e+00, v45;
	[tilespmem:v44+s28+$0x0] =	vst.idx.msk $0xffff, v12;
	v59 =	vld [tilespmem:s21+$0xFFFFFFB0]  }
0x2e0: {  	v57 =	vadd.s32 v3, v22;
	v14 =	vmul.f32 $8.000000000e+00, v14;
	[tilespmem:v46+s28+$0x0] =	vst.idx.msk $0xffff, v51;
	v55 =	vld [tilespmem:s21+$0xFFFFFFF0]  }
0x2e1: {  	v62 =	vadd.s32 v3, v9;
	[tilespmem:v5+s28+$0x0] =	vst.idx.msk $0xffff, v54;
	v5 =	vmul.f32 $8.000000000e+00, v49;
	v58 =	vld [tilespmem:s21+$0x30]  }
0x2e2: {  	v56 =	vmul.f32 $8.000000000e+00, v21;
	v60 =	vadd.s32 v3, v23;
	[tilespmem:v4+s28+$0x0] =	vst.idx.msk $0xffff, v14  }
0x2e3: {  	v61 =	vadd.s32 v3, v25;
	[tilespmem:v52+s28+$0x0] =	vst.idx.msk $0xffff, v5;
	v5 =	vmul.f32 $8.000000000e+00, v10  }
0x2e4: {  	s9 =	sadd.s32 s5, s9;
	[tilespmem:v50+s28+$0x0] =	vst.idx.msk $0xffff, v56;
	v63 =	vmul.f32 $8.000000000e+00, v59  }
0x2e5: {  	s24 =	sshll.u32 s9, $0xA;
	s9 =	sshll.u32 s9, $0x7;
	v4 =	vmul.f32 $8.000000000e+00, v55;
	[tilespmem:v57+s28+$0x0] =	vst.idx.msk $0xffff, v5  }
0x2e6: {  	s19 =	sand.u32 $0xFFF8000, s24;
	s9 =	sand.u32 $0xF00, s9;
	v5 =	vmul.f32 $8.000000000e+00, v58;
	[tilespmem:v62+s28+$0x0] =	vst.idx.msk $0xffff, v63  }
0x2e7: {  	s9 =	sor.u32 s9, s19;
	[tilespmem:v60+s28+$0x0] =	vst.idx.msk $0xffff, v4  }
0x2e8: {  	s19 =	sadd.s32 s2, s9;
	[tilespmem:v61+s28+$0x0] =	vst.idx.msk $0xffff, v5  }
0x2e9: {  	[hbm4b:s19+s3] =	stream.linear.scatter [tilespmem:s28], [sflag:$0xB], $0x80, $0x38;
	[tilespmem:$0x10A00] =	vst v63  }
0x2ea: {  	s29 =	simm.s32 $0xC688;
	s26 =	sadd.s32 $0x10, s19  }
0x2eb: {  	[hbm4b:s26+s3] =	stream.linear.scatter [tilespmem:s29], [sflag:$0xB], $0x80, $0x38;
	[tilespmem:$0x10A00] =	vst v63  }
0x2ec: {  	s24 =	simm.s32 $0xC710;
	s21 =	sadd.s32 $0x20, s19  }
0x2ed: {  	[hbm4b:s21+s3] =	stream.linear.scatter [tilespmem:s24], [sflag:$0xB], $0x80, $0x38;
	[tilespmem:$0x10A00] =	vst v63  }
0x2ee: {  	s26 =	sadd.s32 $0x30, s19;
	s29 =	simm.s32 $0xC798  }
0x2ef: {  	[hbm4b:s26+s3] =	stream.linear.scatter [tilespmem:s29], [sflag:$0xB], $0x80, $0x38;
	[tilespmem:$0x10A00] =	vst v63  }
0x2f0: {  	s21 =	sadd.s32 $0x40, s19;
	s24 =	simm.s32 $0xC820  }
0x2f1: {  	[hbm4b:s21+s3] =	stream.linear.scatter [tilespmem:s24], [sflag:$0xB], $0x80, $0x38;
	[tilespmem:$0x10A00] =	vst v63  }
0x2f2: {  	s26 =	sadd.s32 $0x50, s19;
	s29 =	simm.s32 $0xC8A8  }
0x2f3: {  	[hbm4b:s26+s3] =	stream.linear.scatter [tilespmem:s29], [sflag:$0xB], $0x80, $0x38;
	[tilespmem:$0x10A00] =	vst v63  }
0x2f4: {  	s21 =	sadd.s32 $0x60, s19;
	s24 =	simm.s32 $0xC930  }
0x2f5: {  	[hbm4b:s21+s3] =	stream.linear.scatter [tilespmem:s24], [sflag:$0xB], $0x80, $0x38;
	[tilespmem:$0x10A00] =	vst v63  }
0x2f6: {  	s19 =	sadd.s32 $0x70, s19;
	s26 =	simm.s32 $0xC9B8  }
0x2f7: {  	[hbm4b:s19+s3] =	stream.linear.scatter [tilespmem:s26], [sflag:$0xB], $0x80, $0x38;
	[tilespmem:$0x10A00] =	vst v63  }
0x2f8: {  	s29 =	simm.s32 $0xCA40;
	s19 =	sadd.s32 s9, s11  }
0x2f9: {  	[hbm4b:s19+s3] =	stream.linear.scatter [tilespmem:s29], [sflag:$0xB], $0x80, $0x38;
	[tilespmem:$0x10A00] =	vst v63  }
0x2fa: {  	s24 =	simm.s32 $0xCAC8;
	s21 =	sadd.s32 $0x10, s19  }
0x2fb: {  	[hbm4b:s21+s3] =	stream.linear.scatter [tilespmem:s24], [sflag:$0xB], $0x80, $0x38;
	[tilespmem:$0x10A00] =	vst v63  }
0x2fc: {  	s26 =	sadd.s32 $0x20, s19;
	s29 =	simm.s32 $0xCB50  }
0x2fd: {  	[hbm4b:s26+s3] =	stream.linear.scatter [tilespmem:s29], [sflag:$0xB], $0x80, $0x38;
	[tilespmem:$0x10A00] =	vst v63  }
0x2fe: {  	s21 =	sadd.s32 $0x30, s19;
	s24 =	simm.s32 $0xCBD8  }
0x2ff: {  	[hbm4b:s21+s3] =	stream.linear.scatter [tilespmem:s24], [sflag:$0xB], $0x80, $0x38;
	[tilespmem:$0x10A00] =	vst v63  }
0x300: {  	s26 =	sadd.s32 $0x40, s19;
	s29 =	simm.s32 $0xCC60  }
0x301: {  	[hbm4b:s26+s3] =	stream.linear.scatter [tilespmem:s29], [sflag:$0xB], $0x80, $0x38;
	[tilespmem:$0x10A00] =	vst v63  }
0x302: {  	s21 =	sadd.s32 $0x50, s19;
	s24 =	simm.s32 $0xCCE8  }
0x303: {  	[hbm4b:s21+s3] =	stream.linear.scatter [tilespmem:s24], [sflag:$0xB], $0x80, $0x38;
	[tilespmem:$0x10A00] =	vst v63  }
0x304: {  	s26 =	sadd.s32 $0x60, s19;
	s29 =	simm.s32 $0xCD70  }
0x305: {  	[hbm4b:s26+s3] =	stream.linear.scatter [tilespmem:s29], [sflag:$0xB], $0x80, $0x38;
	[tilespmem:$0x10A00] =	vst v63  }
0x306: {  	s19 =	sadd.s32 $0x70, s19;
	s21 =	simm.s32 $0xCDF8  }
0x307: {  	[hbm4b:s19+s3] =	stream.linear.scatter [tilespmem:s21], [sflag:$0xB], $0x80, $0x38;
	[tilespmem:$0x10A00] =	vst v63  }
0x308: {  	s24 =	simm.s32 $0xCE80;
	s19 =	sadd.s32 s9, s12  }
0x309: {  	[hbm4b:s19+s3] =	stream.linear.scatter [tilespmem:s24], [sflag:$0xB], $0x80, $0x38;
	[tilespmem:$0x10A00] =	vst v63  }
0x30a: {  	s29 =	simm.s32 $0xCF08;
	s26 =	sadd.s32 $0x10, s19  }
0x30b: {  	[hbm4b:s26+s3] =	stream.linear.scatter [tilespmem:s29], [sflag:$0xB], $0x80, $0x38;
	[tilespmem:$0x10A00] =	vst v63  }
0x30c: {  	s21 =	sadd.s32 $0x20, s19;
	s24 =	simm.s32 $0xCF90  }
0x30d: {  	[hbm4b:s21+s3] =	stream.linear.scatter [tilespmem:s24], [sflag:$0xB], $0x80, $0x38;
	[tilespmem:$0x10A00] =	vst v63  }
0x30e: {  	s26 =	sadd.s32 $0x30, s19;
	s29 =	simm.s32 $0xD018  }
0x30f: {  	[hbm4b:s26+s3] =	stream.linear.scatter [tilespmem:s29], [sflag:$0xB], $0x80, $0x38;
	[tilespmem:$0x10A00] =	vst v63  }
0x310: {  	s21 =	sadd.s32 $0x40, s19;
	s24 =	simm.s32 $0xD0A0  }
0x311: {  	[hbm4b:s21+s3] =	stream.linear.scatter [tilespmem:s24], [sflag:$0xB], $0x80, $0x38;
	[tilespmem:$0x10A00] =	vst v63  }
0x312: {  	s26 =	sadd.s32 $0x50, s19;
	s29 =	simm.s32 $0xD128  }
0x313: {  	[hbm4b:s26+s3] =	stream.linear.scatter [tilespmem:s29], [sflag:$0xB], $0x80, $0x38;
	[tilespmem:$0x10A00] =	vst v63  }
0x314: {  	s21 =	sadd.s32 $0x60, s19;
	s24 =	simm.s32 $0xD1B0  }
0x315: {  	[hbm4b:s21+s3] =	stream.linear.scatter [tilespmem:s24], [sflag:$0xB], $0x80, $0x38;
	[tilespmem:$0x10A00] =	vst v63  }
0x316: {  	s19 =	sadd.s32 $0x70, s19;
	s26 =	simm.s32 $0xD238  }
0x317: {  	[hbm4b:s19+s3] =	stream.linear.scatter [tilespmem:s26], [sflag:$0xB], $0x80, $0x38;
	[tilespmem:$0x10A00] =	vst v63  }
0x318: {  	s29 =	simm.s32 $0xD2C0;
	s19 =	sadd.s32 s9, s13  }
0x319: {  	[hbm4b:s19+s3] =	stream.linear.scatter [tilespmem:s29], [sflag:$0xB], $0x80, $0x38;
	[tilespmem:$0x10A00] =	vst v63  }
0x31a: {  	s24 =	simm.s32 $0xD348;
	s21 =	sadd.s32 $0x10, s19  }
0x31b: {  	[hbm4b:s21+s3] =	stream.linear.scatter [tilespmem:s24], [sflag:$0xB], $0x80, $0x38;
	[tilespmem:$0x10A00] =	vst v63  }
0x31c: {  	s26 =	sadd.s32 $0x20, s19;
	s29 =	simm.s32 $0xD3D0  }
0x31d: {  	[hbm4b:s26+s3] =	stream.linear.scatter [tilespmem:s29], [sflag:$0xB], $0x80, $0x38;
	[tilespmem:$0x10A00] =	vst v63  }
0x31e: {  	s21 =	sadd.s32 $0x30, s19;
	s24 =	simm.s32 $0xD458  }
0x31f: {  	[hbm4b:s21+s3] =	stream.linear.scatter [tilespmem:s24], [sflag:$0xB], $0x80, $0x38;
	[tilespmem:$0x10A00] =	vst v63  }
0x320: {  	s26 =	sadd.s32 $0x40, s19;
	s29 =	simm.s32 $0xD4E0  }
0x321: {  	[hbm4b:s26+s3] =	stream.linear.scatter [tilespmem:s29], [sflag:$0xB], $0x80, $0x38;
	[tilespmem:$0x10A00] =	vst v63  }
0x322: {  	s21 =	sadd.s32 $0x50, s19;
	s24 =	simm.s32 $0xD568  }
0x323: {  	[hbm4b:s21+s3] =	stream.linear.scatter [tilespmem:s24], [sflag:$0xB], $0x80, $0x38;
	[tilespmem:$0x10A00] =	vst v63  }
0x324: {  	s26 =	sadd.s32 $0x60, s19;
	s29 =	simm.s32 $0xD5F0  }
0x325: {  	[hbm4b:s26+s3] =	stream.linear.scatter [tilespmem:s29], [sflag:$0xB], $0x80, $0x38;
	[tilespmem:$0x10A00] =	vst v63  }
0x326: {  	s19 =	sadd.s32 $0x70, s19;
	s21 =	simm.s32 $0xD678  }
0x327: {  	[hbm4b:s19+s3] =	stream.linear.scatter [tilespmem:s21], [sflag:$0xB], $0x80, $0x38;
	[tilespmem:$0x10A00] =	vst v63  }
0x328: {  	s24 =	simm.s32 $0xD700;
	s19 =	sadd.s32 s9, s14  }
0x329: {  	[hbm4b:s19+s3] =	stream.linear.scatter [tilespmem:s24], [sflag:$0xB], $0x80, $0x38;
	[tilespmem:$0x10A00] =	vst v63  }
0x32a: {  	s29 =	simm.s32 $0xD788;
	s26 =	sadd.s32 $0x10, s19  }
0x32b: {  	[hbm4b:s26+s3] =	stream.linear.scatter [tilespmem:s29], [sflag:$0xB], $0x80, $0x38;
	[tilespmem:$0x10A00] =	vst v63  }
0x32c: {  	s21 =	sadd.s32 $0x20, s19;
	s24 =	simm.s32 $0xD810  }
0x32d: {  	[hbm4b:s21+s3] =	stream.linear.scatter [tilespmem:s24], [sflag:$0xB], $0x80, $0x38;
	[tilespmem:$0x10A00] =	vst v63  }
0x32e: {  	s26 =	sadd.s32 $0x30, s19;
	s29 =	simm.s32 $0xD898  }
0x32f: {  	[hbm4b:s26+s3] =	stream.linear.scatter [tilespmem:s29], [sflag:$0xB], $0x80, $0x38;
	[tilespmem:$0x10A00] =	vst v63  }
0x330: {  	s21 =	sadd.s32 $0x40, s19;
	s24 =	simm.s32 $0xD920  }
0x331: {  	[hbm4b:s21+s3] =	stream.linear.scatter [tilespmem:s24], [sflag:$0xB], $0x80, $0x38;
	[tilespmem:$0x10A00] =	vst v63  }
0x332: {  	s26 =	sadd.s32 $0x50, s19;
	s29 =	simm.s32 $0xD9A8  }
0x333: {  	[hbm4b:s26+s3] =	stream.linear.scatter [tilespmem:s29], [sflag:$0xB], $0x80, $0x38;
	[tilespmem:$0x10A00] =	vst v63  }
0x334: {  	s21 =	sadd.s32 $0x60, s19;
	s24 =	simm.s32 $0xDA30  }
0x335: {  	[hbm4b:s21+s3] =	stream.linear.scatter [tilespmem:s24], [sflag:$0xB], $0x80, $0x38;
	[tilespmem:$0x10A00] =	vst v63  }
0x336: {  	s19 =	sadd.s32 $0x70, s19;
	s26 =	simm.s32 $0xDAB8  }
0x337: {  	[hbm4b:s19+s3] =	stream.linear.scatter [tilespmem:s26], [sflag:$0xB], $0x80, $0x38;
	[tilespmem:$0x10A00] =	vst v63  }
0x338: {  	s29 =	simm.s32 $0xDB40;
	s19 =	sadd.s32 s9, s15  }
0x339: {  	[hbm4b:s19+s3] =	stream.linear.scatter [tilespmem:s29], [sflag:$0xB], $0x80, $0x38;
	[tilespmem:$0x10A00] =	vst v63  }
0x33a: {  	s24 =	simm.s32 $0xDBC8;
	s21 =	sadd.s32 $0x10, s19  }
0x33b: {  	[hbm4b:s21+s3] =	stream.linear.scatter [tilespmem:s24], [sflag:$0xB], $0x80, $0x38;
	[tilespmem:$0x10A00] =	vst v63  }
0x33c: {  	s26 =	sadd.s32 $0x20, s19;
	s29 =	simm.s32 $0xDC50  }
0x33d: {  	[hbm4b:s26+s3] =	stream.linear.scatter [tilespmem:s29], [sflag:$0xB], $0x80, $0x38;
	[tilespmem:$0x10A00] =	vst v63  }
0x33e: {  	s21 =	sadd.s32 $0x30, s19;
	s24 =	simm.s32 $0xDCD8  }
0x33f: {  	[hbm4b:s21+s3] =	stream.linear.scatter [tilespmem:s24], [sflag:$0xB], $0x80, $0x38;
	[tilespmem:$0x10A00] =	vst v63  }
0x340: {  	s26 =	sadd.s32 $0x40, s19;
	s29 =	simm.s32 $0xDD60  }
0x341: {  	[hbm4b:s26+s3] =	stream.linear.scatter [tilespmem:s29], [sflag:$0xB], $0x80, $0x38;
	[tilespmem:$0x10A00] =	vst v63  }
0x342: {  	s21 =	sadd.s32 $0x50, s19;
	s24 =	simm.s32 $0xDDE8  }
0x343: {  	[hbm4b:s21+s3] =	stream.linear.scatter [tilespmem:s24], [sflag:$0xB], $0x80, $0x38;
	[tilespmem:$0x10A00] =	vst v63  }
0x344: {  	s26 =	sadd.s32 $0x60, s19;
	s29 =	simm.s32 $0xDE70  }
0x345: {  	[hbm4b:s26+s3] =	stream.linear.scatter [tilespmem:s29], [sflag:$0xB], $0x80, $0x38;
	[tilespmem:$0x10A00] =	vst v63  }
0x346: {  	s19 =	sadd.s32 $0x70, s19;
	s21 =	simm.s32 $0xDEF8  }
0x347: {  	[hbm4b:s19+s3] =	stream.linear.scatter [tilespmem:s21], [sflag:$0xB], $0x80, $0x38;
	[tilespmem:$0x10A00] =	vst v63  }
0x348: {  	s24 =	simm.s32 $0xDF80;
	s19 =	sadd.s32 s9, s16  }
0x349: {  	[hbm4b:s19+s3] =	stream.linear.scatter [tilespmem:s24], [sflag:$0xB], $0x80, $0x38;
	[tilespmem:$0x10A00] =	vst v63  }
0x34a: {  	s29 =	simm.s32 $0xE008;
	s26 =	sadd.s32 $0x10, s19  }
0x34b: {  	[hbm4b:s26+s3] =	stream.linear.scatter [tilespmem:s29], [sflag:$0xB], $0x80, $0x38;
	[tilespmem:$0x10A00] =	vst v63  }
0x34c: {  	s21 =	sadd.s32 $0x20, s19;
	s24 =	simm.s32 $0xE090  }
0x34d: {  	[hbm4b:s21+s3] =	stream.linear.scatter [tilespmem:s24], [sflag:$0xB], $0x80, $0x38;
	[tilespmem:$0x10A00] =	vst v63  }
0x34e: {  	s26 =	sadd.s32 $0x30, s19;
	s29 =	simm.s32 $0xE118  }
0x34f: {  	[hbm4b:s26+s3] =	stream.linear.scatter [tilespmem:s29], [sflag:$0xB], $0x80, $0x38;
	[tilespmem:$0x10A00] =	vst v63  }
0x350: {  	s21 =	sadd.s32 $0x40, s19;
	s24 =	simm.s32 $0xE1A0  }
0x351: {  	[hbm4b:s21+s3] =	stream.linear.scatter [tilespmem:s24], [sflag:$0xB], $0x80, $0x38;
	[tilespmem:$0x10A00] =	vst v63  }
0x352: {  	s26 =	sadd.s32 $0x50, s19;
	s29 =	simm.s32 $0xE228  }
0x353: {  	[hbm4b:s26+s3] =	stream.linear.scatter [tilespmem:s29], [sflag:$0xB], $0x80, $0x38;
	[tilespmem:$0x10A00] =	vst v63  }
0x354: {  	s24 =	sadd.s32 $0x60, s19;
	s26 =	simm.s32 $0xE2B0  }
0x355: {  	[hbm4b:s24+s3] =	stream.linear.scatter [tilespmem:s26], [sflag:$0xB], $0x80, $0x38;
	[tilespmem:$0x10A00] =	vst v63  }
0x356: {  	s19 =	sadd.s32 $0x70, s19;
	s29 =	simm.s32 $0xE338  }
0x357: {  	[hbm4b:s19+s3] =	stream.linear.scatter [tilespmem:s29], [sflag:$0xB], $0x80, $0x38;
	[tilespmem:$0x10A00] =	vst v63  }
0x358: {  	s20 =	simm.s32 $0xE3C0;
	s9 =	sadd.s32 s9, s17  }
0x359: {  	[hbm4b:s9+s3] =	stream.linear.scatter [tilespmem:s20], [sflag:$0xB], $0x80, $0x38;
	[tilespmem:$0x10A00] =	vst v63  }
0x35a: {  	s21 =	sadd.s32 $0x10, s9;
	s24 =	simm.s32 $0xE448  }
0x35b: {  	[hbm4b:s21+s3] =	stream.linear.scatter [tilespmem:s24], [sflag:$0xB], $0x80, $0x38;
	[tilespmem:$0x10A00] =	vst v63  }
0x35c: {  	s26 =	sadd.s32 $0x20, s9;
	s29 =	simm.s32 $0xE4D0  }
0x35d: {  	[hbm4b:s26+s3] =	stream.linear.scatter [tilespmem:s29], [sflag:$0xB], $0x80, $0x38;
	[tilespmem:$0x10A00] =	vst v63  }
0x35e: {  	s21 =	sadd.s32 $0x30, s9;
	s24 =	simm.s32 $0xE558  }
0x35f: {  	[hbm4b:s21+s3] =	stream.linear.scatter [tilespmem:s24], [sflag:$0xB], $0x80, $0x38;
	[tilespmem:$0x10A00] =	vst v63  }
0x360: {  	s26 =	sadd.s32 $0x40, s9;
	s29 =	simm.s32 $0xE5E0  }
0x361: {  	[hbm4b:s26+s3] =	stream.linear.scatter [tilespmem:s29], [sflag:$0xB], $0x80, $0x38;
	[tilespmem:$0x10A00] =	vst v63  }
0x362: {  	p2 =	sne.s32 s18, $0x31;
	s20 =	sadd.s32 $0x50, s9;
	s21 =	simm.s32 $0xE668  }
0x363: {  	[hbm4b:s20+s3] =	stream.linear.scatter [tilespmem:s21], [sflag:$0xB], $0x80, $0x38;
	[tilespmem:$0x10A00] =	vst v63  }
.Ltmp7:
0x364: {  	_ = 	snop;
	(pc) =	sbr.rel @p2 .LBB2_13-.Ltmp7, $4  }
0x365: {  	s24 =	sadd.s32 $0x60, s9;
	s26 =	simm.s32 $0xE6F0  }
0x366: {  	[hbm4b:s24+s3] =	stream.linear.scatter [tilespmem:s26], [sflag:$0xB], $0x80, $0x38;
	[tilespmem:$0x10A00] =	vst v63  }
0x367: {  	s9 =	sadd.s32 $0x70, s9;
	s29 =	simm.s32 $0xE778  }
0x368: {  	[hbm4b:s9+s3] =	stream.linear.scatter [tilespmem:s29], [sflag:$0xB], $0x80, $0x38;
	[tilespmem:$0x10A00] =	vst v63  }
.Ltmp8:
0x369: {  	(pc) =	sbr.rel .LBB2_14-.Ltmp8, $4  }
0x36a: {  	_ = 	snop  }
0x36b: {  	_ =	swait.ge [sflag:s22], $0x2000  }
0x36c: {  	[sflag:s22] =	ssyncset.done $0x0  }
0x36d: {  	s26 =	simm.s32 $0x80;
	[sflag:s22] =	ssyncadd.s32 $0xFFFFE000  }
.LBB2_13:
0x36e: {  	s9 =	simm.s32 $0x2  }
0x36f: {  	_ =	swait.ge [sflag:s9], $0x80  }
0x370: {  	[sflag:s9] =	ssyncset.done $0x0  }
0x371: {  	s26 =	simm.s32 $0x80;
	s24 =	simm.s32 $0x2200;
	[sflag:s9] =	ssyncadd.s32 $0xFFFFFF80  }
0x372: {  	[tilespmem:s24], [sflag:$0x6] =	stream.indirect.gather [hbm4b:s4+s26], $0x40, s26, s26, $0xb8;
	[tilespmem:$0x10A00] =	vst v63  }
.Ltmp9:
0x373: {  	_ = 	snop;
	(pc) =	sbr.rel @p1 .LBB2_15-.Ltmp9, $4  }
0x374: {  	s29 =	sadd.s32 s5, s6;
	_ =	swait.ge [sflag:s22], $0x2000  }
0x375: {  	s9 =	sshll.u32 s29, $0x4;
	[sflag:s22] =	ssyncset.done $0x0  }
0x376: {  	s19 =	simm.s32 $0x180;
	s9 =	sadd.s32 s9, s10;
	[sflag:s22] =	ssyncadd.s32 $0xFFFFE000  }
0x377: {  	[tilespmem:s19], [sflag:$0x4] =	stream.linear.gather [hbm4b:s9+s3], $0x80, $0x38;
	[tilespmem:$0x10A00] =	vst v63  }
.LBB2_14:
0x378: {  	_ =	swait.ge [sflag:s31], $0x400  }
0x379: {  	[sflag:s31] =	ssyncset.done $0x0  }
0x37a: {  	[sflag:s31] =	ssyncadd.s32 $0xFFFFFC00  }
0x37b: {  	_ =	swait.ge [sflag:s31], $0x400  }
0x37c: {  	[sflag:s31] =	ssyncset.done $0x0  }
0x37d: {  	[sflag:s31] =	ssyncadd.s32 $0xFFFFFC00  }
0x37e: {  	_ =	swait.ge [sflag:s31], $0x400  }
0x37f: {  	[sflag:s31] =	ssyncset.done $0x0  }
0x380: {  	[sflag:s31] =	ssyncadd.s32 $0xFFFFFC00  }
0x381: {  	_ =	swait.ge [sflag:s31], $0x400  }
0x382: {  	[sflag:s31] =	ssyncset.done $0x0  }
0x383: {  	[sflag:s31] =	ssyncadd.s32 $0xFFFFFC00  }
0x384: {  	_ =	swait.ge [sflag:s31], $0x400  }
0x385: {  	[sflag:s31] =	ssyncset.done $0x0  }
0x386: {  	[sflag:s31] =	ssyncadd.s32 $0xFFFFFC00  }
0x387: {  	_ =	swait.ge [sflag:s31], $0x400  }
0x388: {  	[sflag:s31] =	ssyncset.done $0x0  }
0x389: {  	[sflag:s31] =	ssyncadd.s32 $0xFFFFFC00  }
0x38a: {  	_ =	swait.ge [sflag:s31], $0x400  }
0x38b: {  	[sflag:s31] =	ssyncset.done $0x0  }
0x38c: {  	[sflag:s31] =	ssyncadd.s32 $0xFFFFFC00  }
0x38d: {  	_ =	swait.ge [sflag:s31], $0x400  }
0x38e: {  	[sflag:s31] =	ssyncset.done $0x0  }
0x38f: {  	[sflag:s31] =	ssyncadd.s32 $0xFFFFFC00  }
.LBB2_15:
0x390: {  	s21 =	simm.s32 $0x6280;
	s9 =	simm.s32 $0x3  }
0x391: {  	v4 =	vmov s9;
	v5 =	vld [tilespmem:s21+$0x40]  }
0x392: {  	v9 =	vand.u32 $0x7F, v4  }
0x393: {  	s20 =	simm.s32 $0x0;
	v4 =	vadd.s32 v0, v9  }
0x394: {  	s24 =	simm.s32 $0x1;
	s19 =	simm.s32 $0x2;
	v6 =	vmov s20;
	v7 =	vld [tilespmem:s21+$0xFFFFFF80]  }
0x395: {  	v10 =	vld [tilespmem:s21+$0xFFFFFFC0];
	v11 =	vmov s19;
	v8 =	vand.u32 $0x7C, v6;
	v6 =	vmov s24  }
0x396: {  	v12 =	vadd.s32 v0, v8;
	v15 =	vand.u32 $0x7D, v6;
	v6 =	vld [tilespmem:s21+$0x0];
	v5 =	vmul.f32 $8.000000000e+00, v5  }
0x397: {  	v17 =	vand.u32 $0x7E, v11;
	v13 =	vadd.s32 v0, v15  }
0x398: {  	v11 =	vadd.s32 v0, v17;
	[tilespmem:v4+s1+$0x0] =	vst.idx.msk $0xffff, v5  }
0x399: {  	v4 =	vmul.f32 $8.000000000e+00, v7;
	v5 =	vld [tilespmem:s21+$0x50]  }
0x39a: {  	v7 =	vmul.f32 $8.000000000e+00, v10  }
0x39b: {  	[tilespmem:v12+s1+$0x0] =	vst.idx.msk $0xffff, v4;
	v4 =	vmul.f32 $8.000000000e+00, v6;
	v6 =	vadd.s32 v1, v9  }
0x39c: {  	[tilespmem:v13+s1+$0x0] =	vst.idx.msk $0xffff, v7;
	v10 =	vld [tilespmem:s21+$0xFFFFFF90]  }
0x39d: {  	v7 =	vld [tilespmem:s21+$0xFFFFFFD0];
	[tilespmem:v11+s1+$0x0] =	vst.idx.msk $0xffff, v4  }
0x39e: {  	v11 =	vld [tilespmem:s21+$0x10];
	v4 =	vmul.f32 $8.000000000e+00, v5  }
0x39f: {  	s29 =	simm.s32 $0x4;
	s20 =	simm.s32 $0x7;
	s9 =	simm.s32 $0x6380;
	v12 =	vadd.s32 v1, v15  }
0x3a0: {  	v14 =	vld [tilespmem:s9+$0x40];
	v13 =	vadd.s32 v1, v17;
	v5 =	vmov s29;
	[tilespmem:v6+s1+$0x0] =	vst.idx.msk $0xffff, v4;
	v6 =	vmov s20  }
0x3a1: {  	v16 =	vadd.s32 v1, v8;
	v4 =	vand.u32 $0x7C, v5;
	v5 =	vand.u32 $0x7F, v6;
	v18 =	vld [tilespmem:s21+$0x60]  }
0x3a2: {  	s24 =	simm.s32 $0x5;
	v19 =	vld [tilespmem:s9+$0xFFFFFF80];
	v22 =	vadd.s32 v2, v9;
	v6 =	vmul.f32 $8.000000000e+00, v7;
	v20 =	vadd.s32 v0, v5  }
0x3a3: {  	v21 =	vld [tilespmem:s9+$0xFFFFFFC0];
	s29 =	simm.s32 $0x6;
	v10 =	vmul.f32 $8.000000000e+00, v10;
	v7 =	vmul.f32 $8.000000000e+00, v11;
	v11 =	vmov s24  }
0x3a4: {  	v23 =	vadd.s32 v0, v4;
	[tilespmem:v12+s1+$0x0] =	vst.idx.msk $0xffff, v6;
	v12 =	vmov s29;
	v6 =	vand.u32 $0x7D, v11;
	v11 =	vld [tilespmem:s9+$0x0]  }
0x3a5: {  	[tilespmem:v13+s1+$0x0] =	vst.idx.msk $0xffff, v7;
	v13 =	vadd.s32 v0, v6;
	v7 =	vand.u32 $0x7E, v12;
	v12 =	vmul.f32 $8.000000000e+00, v14;
	v14 =	vld [tilespmem:s21+$0xFFFFFFE0]  }
0x3a6: {  	[tilespmem:v16+s1+$0x0] =	vst.idx.msk $0xffff, v10;
	v10 =	vadd.s32 v0, v7;
	v16 =	vld [tilespmem:s21+$0x20];
	v18 =	vmul.f32 $8.000000000e+00, v18  }
0x3a7: {  	v19 =	vmul.f32 $8.000000000e+00, v19;
	[tilespmem:v20+s1+$0x0] =	vst.idx.msk $0xffff, v12;
	v12 =	vld [tilespmem:s21+$0xFFFFFFA0];
	v20 =	vadd.s32 v2, v15  }
0x3a8: {  	v25 =	vadd.s32 v2, v17;
	v21 =	vmul.f32 $8.000000000e+00, v21;
	v24 =	vld [tilespmem:s9+$0x50];
	[tilespmem:v22+s1+$0x0] =	vst.idx.msk $0xffff, v18  }
0x3a9: {  	[tilespmem:v23+s1+$0x0] =	vst.idx.msk $0xffff, v19;
	v19 =	vadd.s32 v2, v8;
	v11 =	vmul.f32 $8.000000000e+00, v11;
	v22 =	vld [tilespmem:s21+$0x70]  }
0x3aa: {  	v23 =	vld [tilespmem:s9+$0xFFFFFF90];
	[tilespmem:v13+s1+$0x0] =	vst.idx.msk $0xffff, v21;
	v21 =	vadd.s32 v1, v5;
	v14 =	vmul.f32 $8.000000000e+00, v14  }
0x3ab: {  	v27 =	vadd.s32 v3, v9;
	v26 =	vld [tilespmem:s9+$0xFFFFFFD0];
	[tilespmem:v10+s1+$0x0] =	vst.idx.msk $0xffff, v11;
	v10 =	vmul.f32 $8.000000000e+00, v16  }
0x3ac: {  	v18 =	vadd.s32 v1, v4;
	v13 =	vld [tilespmem:s9+$0x10];
	v9 =	vmul.f32 $8.000000000e+00, v12;
	[tilespmem:v20+s1+$0x0] =	vst.idx.msk $0xffff, v14  }
0x3ad: {  	s19 =	simm.s32 $0x8;
	v16 =	vadd.s32 v1, v6;
	[tilespmem:v25+s1+$0x0] =	vst.idx.msk $0xffff, v10;
	v14 =	vmul.f32 $8.000000000e+00, v24;
	v12 =	vld [tilespmem:s21+$0xFFFFFFF0]  }
0x3ae: {  	v20 =	vmov s19;
	v10 =	vadd.s32 v1, v7;
	v11 =	vld [tilespmem:s21+$0x30];
	[tilespmem:v19+s1+$0x0] =	vst.idx.msk $0xffff, v9;
	v63 =	vmul.f32 $8.000000000e+00, v22  }
0x3af: {  	s20 =	simm.s32 $0x6480;
	s24 =	simm.s32 $0xB;
	v15 =	vadd.s32 v3, v15;
	v9 =	vand.u32 $0x7C, v20;
	v20 =	vmul.f32 $8.000000000e+00, v23;
	[tilespmem:v21+s1+$0x0] =	vst.idx.msk $0xffff, v14;
	v14 =	vld [tilespmem:s21+$0xFFFFFFB0]  }
0x3b0: {  	v17 =	vadd.s32 v3, v17;
	v22 =	vmov s24;
	v19 =	vld [tilespmem:s20+$0x40];
	s21 =	simm.s32 $0xC;
	v21 =	vmul.f32 $8.000000000e+00, v26;
	[tilespmem:v27+s1+$0x0] =	vst.idx.msk $0xffff, v63  }
.LBB2_16:
0x3b1: {  	p1 =	slt.u32 s21, $0x7C;
	s24 =	sadd.s32 $0x1, s19;
	v22 =	vand.u32 $0x7F, v22;
	[tilespmem:v18+s1+$0x0] =	vst.idx.msk $0xffff, v20;
	v13 =	vmul.f32 $8.000000000e+00, v13;
	v18 =	vld [tilespmem:s9+$0x60];
	v20 =	vadd.s32 v3, v8;
	v8 =	vmovc v4  }
0x3b2: {  	v4 =	vmovc v9;
	v23 =	vld [tilespmem:s20+$0xFFFFFF80];
	v24 =	vmov s24;
	s24 =	sadd.s32 $0x2, s19;
	v25 =	vadd.s32 v0, v22;
	[tilespmem:v16+s1+$0x0] =	vst.idx.msk $0xffff, v21;
	v12 =	vmul.f32 $8.000000000e+00, v12;
	s19 =	smov.u32 s21  }
0x3b3: {  	v9 =	vld [tilespmem:s20+$0xFFFFFFC0];
	v16 =	vmov s24;
	[tilespmem:v10+s1+$0x0] =	vst.idx.msk $0xffff, v13;
	v10 =	vadd.s32 v2, v5;
	v11 =	vmul.f32 $8.000000000e+00, v11  }
0x3b4: {  	v13 =	vadd.s32 v0, v4;
	v21 =	vand.u32 $0x7D, v24;
	v24 =	vld [tilespmem:s20+$0x0];
	v14 =	vmul.f32 $8.000000000e+00, v14;
	[tilespmem:v15+s1+$0x0] =	vst.idx.msk $0xffff, v12  }
0x3b5: {  	v12 =	vadd.s32 v0, v21;
	v26 =	vand.u32 $0x7E, v16;
	v15 =	vmul.f32 $8.000000000e+00, v19;
	v16 =	vld [tilespmem:s9+$0xFFFFFFE0];
	[tilespmem:v17+s1+$0x0] =	vst.idx.msk $0xffff, v11  }
0x3b6: {  	v11 =	vadd.s32 v0, v26;
	v17 =	vld [tilespmem:s9+$0x20];
	v18 =	vmul.f32 $8.000000000e+00, v18;
	[tilespmem:v20+s1+$0x0] =	vst.idx.msk $0xffff, v14  }
0x3b7: {  	v19 =	vadd.s32 v2, v6;
	v14 =	vmul.f32 $8.000000000e+00, v23;
	[tilespmem:v25+s1+$0x0] =	vst.idx.msk $0xffff, v15;
	v15 =	vld [tilespmem:s9+$0xFFFFFFA0]  }
0x3b8: {  	v23 =	vadd.s32 v2, v7;
	v9 =	vmul.f32 $8.000000000e+00, v9;
	v20 =	vld [tilespmem:s20+$0x50];
	[tilespmem:v10+s1+$0x0] =	vst.idx.msk $0xffff, v18  }
0x3b9: {  	[tilespmem:v13+s1+$0x0] =	vst.idx.msk $0xffff, v14;
	v10 =	vmul.f32 $8.000000000e+00, v24;
	v14 =	vadd.s32 v2, v8;
	v24 =	vld [tilespmem:s9+$0x70]  }
0x3ba: {  	v27 =	vadd.s32 v1, v22;
	v25 =	vld [tilespmem:s20+$0xFFFFFF90];
	[tilespmem:v12+s1+$0x0] =	vst.idx.msk $0xffff, v9;
	v9 =	vmul.f32 $8.000000000e+00, v16  }
0x3bb: {  	v29 =	vadd.s32 v3, v5;
	v5 =	vmov v22;
	v28 =	vld [tilespmem:s20+$0xFFFFFFD0];
	[tilespmem:v11+s1+$0x0] =	vst.idx.msk $0xffff, v10;
	v10 =	vmul.f32 $8.000000000e+00, v17  }
.Ltmp10:
0x3bc: {  	v18 =	vadd.s32 v1, v4;
	v13 =	vld [tilespmem:s20+$0x10];
	v11 =	vmul.f32 $8.000000000e+00, v15;
	[tilespmem:v19+s1+$0x0] =	vst.idx.msk $0xffff, v9;
	(pc) =	sbr.rel @p1 .LBB2_16-.Ltmp10, $4  }
0x3bd: {  	v16 =	vadd.s32 v1, v21;
	v15 =	vmul.f32 $8.000000000e+00, v20;
	v12 =	vld [tilespmem:s9+$0xFFFFFFF0];
	[tilespmem:v23+s1+$0x0] =	vst.idx.msk $0xffff, v10  }
0x3be: {  	v9 =	vmov s21;
	v10 =	vadd.s32 v1, v26;
	[tilespmem:v14+s1+$0x0] =	vst.idx.msk $0xffff, v11;
	v11 =	vld [tilespmem:s9+$0x30];
	v23 =	vmul.f32 $8.000000000e+00, v24  }
0x3bf: {  	s24 =	sadd.s32 $0x3, s21;
	v9 =	vand.u32 $0x7C, v9;
	v20 =	vmul.f32 $8.000000000e+00, v25;
	[tilespmem:v27+s1+$0x0] =	vst.idx.msk $0xffff, v15;
	v14 =	vld [tilespmem:s9+$0xFFFFFFB0];
	v15 =	vadd.s32 v3, v6;
	v6 =	vmovc v21;
	s9 =	smov.u32 s20;
	s20 =	sadd.s32 $0x100, s20  }
0x3c0: {  	v22 =	vmov s24;
	v17 =	vadd.s32 v3, v7;
	v7 =	vmovc v26;
	s21 =	sadd.s32 $0x4, s21;
	v19 =	vld [tilespmem:s20+$0x40];
	v21 =	vmul.f32 $8.000000000e+00, v28;
	[tilespmem:v29+s1+$0x0] =	vst.idx.msk $0xffff, v23  }
0x3c1: {  	s21 =	sadd.s32 $0x1, s19;
	v22 =	vand.u32 $0x7F, v22;
	v28 =	vld [tilespmem:s20+$0xFFFFFF80]  }
0x3c2: {  	s29 =	sadd.s32 $0x2, s19;
	v24 =	vld [tilespmem:s20+$0xFFFFFFC0];
	v23 =	vmov s21;
	v26 =	vadd.s32 v0, v22  }
0x3c3: {  	v27 =	vld [tilespmem:s20+$0x0];
	v51 =	vadd.s32 v0, v9;
	v25 =	vmov s29;
	v23 =	vand.u32 $0x7D, v23  }
0x3c4: {  	v25 =	vand.u32 $0x7E, v25;
	v29 =	vadd.s32 v0, v23  }
0x3c5: {  	[tilespmem:v18+s1+$0x0] =	vst.idx.msk $0xffff, v20;
	v30 =	vadd.s32 v0, v25;
	v19 =	vmul.f32 $8.000000000e+00, v19  }
0x3c6: {  	[tilespmem:v16+s1+$0x0] =	vst.idx.msk $0xffff, v21;
	v54 =	vmul.f32 $8.000000000e+00, v28  }
0x3c7: {  	v52 =	vmul.f32 $8.000000000e+00, v24;
	[tilespmem:v26+s1+$0x0] =	vst.idx.msk $0xffff, v19  }
0x3c8: {  	v53 =	vmul.f32 $8.000000000e+00, v27;
	v55 =	vld [tilespmem:s20+$0x50];
	[tilespmem:v51+s1+$0x0] =	vst.idx.msk $0xffff, v54  }
0x3c9: {  	v13 =	vmul.f32 $8.000000000e+00, v13;
	v8 =	vadd.s32 v3, v8;
	[tilespmem:v29+s1+$0x0] =	vst.idx.msk $0xffff, v52;
	v59 =	vld [tilespmem:s20+$0xFFFFFF90]  }
0x3ca: {  	v12 =	vmul.f32 $8.000000000e+00, v12;
	v57 =	vadd.s32 v1, v22;
	[tilespmem:v30+s1+$0x0] =	vst.idx.msk $0xffff, v53;
	v56 =	vld [tilespmem:s20+$0xFFFFFFD0]  }
0x3cb: {  	[tilespmem:v10+s1+$0x0] =	vst.idx.msk $0xffff, v13;
	v58 =	vmul.f32 $8.000000000e+00, v11;
	v28 =	vadd.s32 v1, v9;
	v19 =	vld [tilespmem:s20+$0x10]  }
0x3cc: {  	v61 =	vld [tilespmem:s9+$0x60];
	v60 =	vadd.s32 v1, v23;
	v14 =	vmul.f32 $8.000000000e+00, v14;
	[tilespmem:v15+s1+$0x0] =	vst.idx.msk $0xffff, v12  }
0x3cd: {  	v32 =	vld [tilespmem:s9+$0xFFFFFFA0];
	v62 =	vadd.s32 v1, v25;
	[tilespmem:v17+s1+$0x0] =	vst.idx.msk $0xffff, v58;
	v16 =	vmul.f32 $8.000000000e+00, v55  }
0x3ce: {  	[tilespmem:v8+s1+$0x0] =	vst.idx.msk $0xffff, v14;
	v29 =	vadd.s32 v2, v5;
	v30 =	vld [tilespmem:s9+$0x20];
	v11 =	vmul.f32 $8.000000000e+00, v59  }
0x3cf: {  	v38 =	vadd.s32 v2, v4;
	v63 =	vld [tilespmem:s9+$0xFFFFFFE0];
	v31 =	vmul.f32 $8.000000000e+00, v56;
	[tilespmem:v57+s1+$0x0] =	vst.idx.msk $0xffff, v16  }
0x3d0: {  	v35 =	vadd.s32 v2, v7;
	v34 =	vmul.f32 $8.000000000e+00, v19;
	v36 =	vld [tilespmem:s20+$0x60];
	[tilespmem:v28+s1+$0x0] =	vst.idx.msk $0xffff, v11  }
0x3d1: {  	v33 =	vadd.s32 v2, v6;
	v37 =	vmul.f32 $8.000000000e+00, v61;
	[tilespmem:v60+s1+$0x0] =	vst.idx.msk $0xffff, v31;
	v43 =	vld [tilespmem:s20+$0xFFFFFFA0]  }
0x3d2: {  	v40 =	vadd.s32 v2, v22;
	v14 =	vmul.f32 $8.000000000e+00, v32;
	[tilespmem:v62+s1+$0x0] =	vst.idx.msk $0xffff, v34;
	v39 =	vld [tilespmem:s20+$0xFFFFFFE0]  }
0x3d3: {  	v48 =	vadd.s32 v2, v9;
	[tilespmem:v29+s1+$0x0] =	vst.idx.msk $0xffff, v37;
	v42 =	vmul.f32 $8.000000000e+00, v30;
	v41 =	vld [tilespmem:s20+$0x20]  }
0x3d4: {  	v44 =	vadd.s32 v2, v23;
	v15 =	vmul.f32 $8.000000000e+00, v63;
	[tilespmem:v38+s1+$0x0] =	vst.idx.msk $0xffff, v14;
	v45 =	vld [tilespmem:s9+$0x70]  }
0x3d5: {  	v46 =	vadd.s32 v2, v25;
	v14 =	vld [tilespmem:s9+$0xFFFFFFB0];
	[tilespmem:v35+s1+$0x0] =	vst.idx.msk $0xffff, v42;
	v47 =	vmul.f32 $8.000000000e+00, v36  }
0x3d6: {  	v5 =	vadd.s32 v3, v5;
	[tilespmem:v33+s1+$0x0] =	vst.idx.msk $0xffff, v15;
	v49 =	vld [tilespmem:s9+$0x30];
	v53 =	vmul.f32 $8.000000000e+00, v43  }
0x3d7: {  	v4 =	vadd.s32 v3, v4;
	v21 =	vld [tilespmem:s9+$0xFFFFFFF0];
	v12 =	vmul.f32 $8.000000000e+00, v39;
	[tilespmem:v40+s1+$0x0] =	vst.idx.msk $0xffff, v47  }
0x3d8: {  	v52 =	vadd.s32 v3, v7;
	v51 =	vmul.f32 $8.000000000e+00, v41;
	v10 =	vld [tilespmem:s20+$0x70];
	[tilespmem:v48+s1+$0x0] =	vst.idx.msk $0xffff, v53  }
0x3d9: {  	v50 =	vadd.s32 v3, v6;
	v54 =	vmul.f32 $8.000000000e+00, v45;
	[tilespmem:v44+s1+$0x0] =	vst.idx.msk $0xffff, v12;
	v59 =	vld [tilespmem:s20+$0xFFFFFFB0]  }
0x3da: {  	v57 =	vadd.s32 v3, v22;
	v14 =	vmul.f32 $8.000000000e+00, v14;
	[tilespmem:v46+s1+$0x0] =	vst.idx.msk $0xffff, v51;
	v55 =	vld [tilespmem:s20+$0xFFFFFFF0]  }
0x3db: {  	v62 =	vadd.s32 v3, v9;
	[tilespmem:v5+s1+$0x0] =	vst.idx.msk $0xffff, v54;
	v5 =	vmul.f32 $8.000000000e+00, v49;
	v58 =	vld [tilespmem:s20+$0x30]  }
0x3dc: {  	v56 =	vmul.f32 $8.000000000e+00, v21;
	v60 =	vadd.s32 v3, v23;
	[tilespmem:v4+s1+$0x0] =	vst.idx.msk $0xffff, v14  }
0x3dd: {  	v61 =	vadd.s32 v3, v25;
	[tilespmem:v52+s1+$0x0] =	vst.idx.msk $0xffff, v5;
	v5 =	vmul.f32 $8.000000000e+00, v10  }
0x3de: {  	s6 =	sadd.s32 s5, s6;
	[tilespmem:v50+s1+$0x0] =	vst.idx.msk $0xffff, v56;
	v63 =	vmul.f32 $8.000000000e+00, v59  }
0x3df: {  	s21 =	sshll.u32 s6, $0xA;
	s6 =	sshll.u32 s6, $0x7;
	v4 =	vmul.f32 $8.000000000e+00, v55;
	[tilespmem:v57+s1+$0x0] =	vst.idx.msk $0xffff, v5  }
0x3e0: {  	s6 =	sand.u32 $0xF80, s6;
	s9 =	sand.u32 $0xFFF8000, s21;
	v5 =	vmul.f32 $8.000000000e+00, v58;
	[tilespmem:v62+s1+$0x0] =	vst.idx.msk $0xffff, v63  }
0x3e1: {  	s6 =	sor.u32 s6, s9;
	[tilespmem:v60+s1+$0x0] =	vst.idx.msk $0xffff, v4  }
0x3e2: {  	s9 =	sadd.s32 s2, s6;
	[tilespmem:v61+s1+$0x0] =	vst.idx.msk $0xffff, v5  }
0x3e3: {  	[hbm4b:s9+s3] =	stream.linear.scatter [tilespmem:s1], [sflag:$0xC], $0x80, $0x38;
	[tilespmem:$0x10A00] =	vst v63  }
0x3e4: {  	s29 =	simm.s32 $0xE888;
	s24 =	sadd.s32 $0x10, s9  }
0x3e5: {  	[hbm4b:s24+s3] =	stream.linear.scatter [tilespmem:s29], [sflag:$0xC], $0x80, $0x38;
	[tilespmem:$0x10A00] =	vst v63  }
0x3e6: {  	s21 =	simm.s32 $0xE910;
	s20 =	sadd.s32 $0x20, s9  }
0x3e7: {  	[hbm4b:s20+s3] =	stream.linear.scatter [tilespmem:s21], [sflag:$0xC], $0x80, $0x38;
	[tilespmem:$0x10A00] =	vst v63  }
0x3e8: {  	s24 =	sadd.s32 $0x30, s9;
	s29 =	simm.s32 $0xE998  }
0x3e9: {  	[hbm4b:s24+s3] =	stream.linear.scatter [tilespmem:s29], [sflag:$0xC], $0x80, $0x38;
	[tilespmem:$0x10A00] =	vst v63  }
0x3ea: {  	s20 =	sadd.s32 $0x40, s9;
	s21 =	simm.s32 $0xEA20  }
0x3eb: {  	[hbm4b:s20+s3] =	stream.linear.scatter [tilespmem:s21], [sflag:$0xC], $0x80, $0x38;
	[tilespmem:$0x10A00] =	vst v63  }
0x3ec: {  	s24 =	sadd.s32 $0x50, s9;
	s29 =	simm.s32 $0xEAA8  }
0x3ed: {  	[hbm4b:s24+s3] =	stream.linear.scatter [tilespmem:s29], [sflag:$0xC], $0x80, $0x38;
	[tilespmem:$0x10A00] =	vst v63  }
0x3ee: {  	s20 =	sadd.s32 $0x60, s9;
	s21 =	simm.s32 $0xEB30  }
0x3ef: {  	[hbm4b:s20+s3] =	stream.linear.scatter [tilespmem:s21], [sflag:$0xC], $0x80, $0x38;
	[tilespmem:$0x10A00] =	vst v63  }
0x3f0: {  	s9 =	sadd.s32 $0x70, s9;
	s24 =	simm.s32 $0xEBB8  }
0x3f1: {  	[hbm4b:s9+s3] =	stream.linear.scatter [tilespmem:s24], [sflag:$0xC], $0x80, $0x38;
	[tilespmem:$0x10A00] =	vst v63  }
0x3f2: {  	s29 =	simm.s32 $0xEC40;
	s9 =	sadd.s32 s6, s11  }
0x3f3: {  	[hbm4b:s9+s3] =	stream.linear.scatter [tilespmem:s29], [sflag:$0xC], $0x80, $0x38;
	[tilespmem:$0x10A00] =	vst v63  }
0x3f4: {  	s21 =	simm.s32 $0xECC8;
	s20 =	sadd.s32 $0x10, s9  }
0x3f5: {  	[hbm4b:s20+s3] =	stream.linear.scatter [tilespmem:s21], [sflag:$0xC], $0x80, $0x38;
	[tilespmem:$0x10A00] =	vst v63  }
0x3f6: {  	s24 =	sadd.s32 $0x20, s9;
	s29 =	simm.s32 $0xED50  }
0x3f7: {  	[hbm4b:s24+s3] =	stream.linear.scatter [tilespmem:s29], [sflag:$0xC], $0x80, $0x38;
	[tilespmem:$0x10A00] =	vst v63  }
0x3f8: {  	s20 =	sadd.s32 $0x30, s9;
	s21 =	simm.s32 $0xEDD8  }
0x3f9: {  	[hbm4b:s20+s3] =	stream.linear.scatter [tilespmem:s21], [sflag:$0xC], $0x80, $0x38;
	[tilespmem:$0x10A00] =	vst v63  }
0x3fa: {  	s24 =	sadd.s32 $0x40, s9;
	s29 =	simm.s32 $0xEE60  }
0x3fb: {  	[hbm4b:s24+s3] =	stream.linear.scatter [tilespmem:s29], [sflag:$0xC], $0x80, $0x38;
	[tilespmem:$0x10A00] =	vst v63  }
0x3fc: {  	s20 =	sadd.s32 $0x50, s9;
	s21 =	simm.s32 $0xEEE8  }
0x3fd: {  	[hbm4b:s20+s3] =	stream.linear.scatter [tilespmem:s21], [sflag:$0xC], $0x80, $0x38;
	[tilespmem:$0x10A00] =	vst v63  }
0x3fe: {  	s24 =	sadd.s32 $0x60, s9;
	s29 =	simm.s32 $0xEF70  }
0x3ff: {  	[hbm4b:s24+s3] =	stream.linear.scatter [tilespmem:s29], [sflag:$0xC], $0x80, $0x38;
	[tilespmem:$0x10A00] =	vst v63  }
0x400: {  	s9 =	sadd.s32 $0x70, s9;
	s20 =	simm.s32 $0xEFF8  }
0x401: {  	[hbm4b:s9+s3] =	stream.linear.scatter [tilespmem:s20], [sflag:$0xC], $0x80, $0x38;
	[tilespmem:$0x10A00] =	vst v63  }
0x402: {  	s21 =	simm.s32 $0xF080;
	s9 =	sadd.s32 s6, s12  }
0x403: {  	[hbm4b:s9+s3] =	stream.linear.scatter [tilespmem:s21], [sflag:$0xC], $0x80, $0x38;
	[tilespmem:$0x10A00] =	vst v63  }
0x404: {  	s29 =	simm.s32 $0xF108;
	s24 =	sadd.s32 $0x10, s9  }
0x405: {  	[hbm4b:s24+s3] =	stream.linear.scatter [tilespmem:s29], [sflag:$0xC], $0x80, $0x38;
	[tilespmem:$0x10A00] =	vst v63  }
0x406: {  	s20 =	sadd.s32 $0x20, s9;
	s21 =	simm.s32 $0xF190  }
0x407: {  	[hbm4b:s20+s3] =	stream.linear.scatter [tilespmem:s21], [sflag:$0xC], $0x80, $0x38;
	[tilespmem:$0x10A00] =	vst v63  }
0x408: {  	s24 =	sadd.s32 $0x30, s9;
	s29 =	simm.s32 $0xF218  }
0x409: {  	[hbm4b:s24+s3] =	stream.linear.scatter [tilespmem:s29], [sflag:$0xC], $0x80, $0x38;
	[tilespmem:$0x10A00] =	vst v63  }
0x40a: {  	s20 =	sadd.s32 $0x40, s9;
	s21 =	simm.s32 $0xF2A0  }
0x40b: {  	[hbm4b:s20+s3] =	stream.linear.scatter [tilespmem:s21], [sflag:$0xC], $0x80, $0x38;
	[tilespmem:$0x10A00] =	vst v63  }
0x40c: {  	s24 =	sadd.s32 $0x50, s9;
	s29 =	simm.s32 $0xF328  }
0x40d: {  	[hbm4b:s24+s3] =	stream.linear.scatter [tilespmem:s29], [sflag:$0xC], $0x80, $0x38;
	[tilespmem:$0x10A00] =	vst v63  }
0x40e: {  	s20 =	sadd.s32 $0x60, s9;
	s21 =	simm.s32 $0xF3B0  }
0x40f: {  	[hbm4b:s20+s3] =	stream.linear.scatter [tilespmem:s21], [sflag:$0xC], $0x80, $0x38;
	[tilespmem:$0x10A00] =	vst v63  }
0x410: {  	s9 =	sadd.s32 $0x70, s9;
	s24 =	simm.s32 $0xF438  }
0x411: {  	[hbm4b:s9+s3] =	stream.linear.scatter [tilespmem:s24], [sflag:$0xC], $0x80, $0x38;
	[tilespmem:$0x10A00] =	vst v63  }
0x412: {  	s29 =	simm.s32 $0xF4C0;
	s9 =	sadd.s32 s6, s13  }
0x413: {  	[hbm4b:s9+s3] =	stream.linear.scatter [tilespmem:s29], [sflag:$0xC], $0x80, $0x38;
	[tilespmem:$0x10A00] =	vst v63  }
0x414: {  	s21 =	simm.s32 $0xF548;
	s20 =	sadd.s32 $0x10, s9  }
0x415: {  	[hbm4b:s20+s3] =	stream.linear.scatter [tilespmem:s21], [sflag:$0xC], $0x80, $0x38;
	[tilespmem:$0x10A00] =	vst v63  }
0x416: {  	s24 =	sadd.s32 $0x20, s9;
	s29 =	simm.s32 $0xF5D0  }
0x417: {  	[hbm4b:s24+s3] =	stream.linear.scatter [tilespmem:s29], [sflag:$0xC], $0x80, $0x38;
	[tilespmem:$0x10A00] =	vst v63  }
0x418: {  	s20 =	sadd.s32 $0x30, s9;
	s21 =	simm.s32 $0xF658  }
0x419: {  	[hbm4b:s20+s3] =	stream.linear.scatter [tilespmem:s21], [sflag:$0xC], $0x80, $0x38;
	[tilespmem:$0x10A00] =	vst v63  }
0x41a: {  	s24 =	sadd.s32 $0x40, s9;
	s29 =	simm.s32 $0xF6E0  }
0x41b: {  	[hbm4b:s24+s3] =	stream.linear.scatter [tilespmem:s29], [sflag:$0xC], $0x80, $0x38;
	[tilespmem:$0x10A00] =	vst v63  }
0x41c: {  	s20 =	sadd.s32 $0x50, s9;
	s21 =	simm.s32 $0xF768  }
0x41d: {  	[hbm4b:s20+s3] =	stream.linear.scatter [tilespmem:s21], [sflag:$0xC], $0x80, $0x38;
	[tilespmem:$0x10A00] =	vst v63  }
0x41e: {  	s24 =	sadd.s32 $0x60, s9;
	s29 =	simm.s32 $0xF7F0  }
0x41f: {  	[hbm4b:s24+s3] =	stream.linear.scatter [tilespmem:s29], [sflag:$0xC], $0x80, $0x38;
	[tilespmem:$0x10A00] =	vst v63  }
0x420: {  	s9 =	sadd.s32 $0x70, s9;
	s20 =	simm.s32 $0xF878  }
0x421: {  	[hbm4b:s9+s3] =	stream.linear.scatter [tilespmem:s20], [sflag:$0xC], $0x80, $0x38;
	[tilespmem:$0x10A00] =	vst v63  }
0x422: {  	s21 =	simm.s32 $0xF900;
	s9 =	sadd.s32 s6, s14  }
0x423: {  	[hbm4b:s9+s3] =	stream.linear.scatter [tilespmem:s21], [sflag:$0xC], $0x80, $0x38;
	[tilespmem:$0x10A00] =	vst v63  }
0x424: {  	s29 =	simm.s32 $0xF988;
	s24 =	sadd.s32 $0x10, s9  }
0x425: {  	[hbm4b:s24+s3] =	stream.linear.scatter [tilespmem:s29], [sflag:$0xC], $0x80, $0x38;
	[tilespmem:$0x10A00] =	vst v63  }
0x426: {  	s20 =	sadd.s32 $0x20, s9;
	s21 =	simm.s32 $0xFA10  }
0x427: {  	[hbm4b:s20+s3] =	stream.linear.scatter [tilespmem:s21], [sflag:$0xC], $0x80, $0x38;
	[tilespmem:$0x10A00] =	vst v63  }
0x428: {  	s24 =	sadd.s32 $0x30, s9;
	s29 =	simm.s32 $0xFA98  }
0x429: {  	[hbm4b:s24+s3] =	stream.linear.scatter [tilespmem:s29], [sflag:$0xC], $0x80, $0x38;
	[tilespmem:$0x10A00] =	vst v63  }
0x42a: {  	s20 =	sadd.s32 $0x40, s9;
	s21 =	simm.s32 $0xFB20  }
0x42b: {  	[hbm4b:s20+s3] =	stream.linear.scatter [tilespmem:s21], [sflag:$0xC], $0x80, $0x38;
	[tilespmem:$0x10A00] =	vst v63  }
0x42c: {  	s24 =	sadd.s32 $0x50, s9;
	s29 =	simm.s32 $0xFBA8  }
0x42d: {  	[hbm4b:s24+s3] =	stream.linear.scatter [tilespmem:s29], [sflag:$0xC], $0x80, $0x38;
	[tilespmem:$0x10A00] =	vst v63  }
0x42e: {  	s20 =	sadd.s32 $0x60, s9;
	s21 =	simm.s32 $0xFC30  }
0x42f: {  	[hbm4b:s20+s3] =	stream.linear.scatter [tilespmem:s21], [sflag:$0xC], $0x80, $0x38;
	[tilespmem:$0x10A00] =	vst v63  }
0x430: {  	s9 =	sadd.s32 $0x70, s9;
	s24 =	simm.s32 $0xFCB8  }
0x431: {  	[hbm4b:s9+s3] =	stream.linear.scatter [tilespmem:s24], [sflag:$0xC], $0x80, $0x38;
	[tilespmem:$0x10A00] =	vst v63  }
0x432: {  	s29 =	simm.s32 $0xFD40;
	s9 =	sadd.s32 s6, s15  }
0x433: {  	[hbm4b:s9+s3] =	stream.linear.scatter [tilespmem:s29], [sflag:$0xC], $0x80, $0x38;
	[tilespmem:$0x10A00] =	vst v63  }
0x434: {  	s21 =	simm.s32 $0xFDC8;
	s20 =	sadd.s32 $0x10, s9  }
0x435: {  	[hbm4b:s20+s3] =	stream.linear.scatter [tilespmem:s21], [sflag:$0xC], $0x80, $0x38;
	[tilespmem:$0x10A00] =	vst v63  }
0x436: {  	s24 =	sadd.s32 $0x20, s9;
	s29 =	simm.s32 $0xFE50  }
0x437: {  	[hbm4b:s24+s3] =	stream.linear.scatter [tilespmem:s29], [sflag:$0xC], $0x80, $0x38;
	[tilespmem:$0x10A00] =	vst v63  }
0x438: {  	s20 =	sadd.s32 $0x30, s9;
	s21 =	simm.s32 $0xFED8  }
0x439: {  	[hbm4b:s20+s3] =	stream.linear.scatter [tilespmem:s21], [sflag:$0xC], $0x80, $0x38;
	[tilespmem:$0x10A00] =	vst v63  }
0x43a: {  	s24 =	sadd.s32 $0x40, s9;
	s29 =	simm.s32 $0xFF60  }
0x43b: {  	[hbm4b:s24+s3] =	stream.linear.scatter [tilespmem:s29], [sflag:$0xC], $0x80, $0x38;
	[tilespmem:$0x10A00] =	vst v63  }
0x43c: {  	s20 =	sadd.s32 $0x50, s9;
	s21 =	simm.s32 $0xFFE8  }
0x43d: {  	[hbm4b:s20+s3] =	stream.linear.scatter [tilespmem:s21], [sflag:$0xC], $0x80, $0x38;
	[tilespmem:$0x10A00] =	vst v63  }
0x43e: {  	s24 =	sadd.s32 $0x60, s9;
	s29 =	simm.s32 $0x10070  }
0x43f: {  	[hbm4b:s24+s3] =	stream.linear.scatter [tilespmem:s29], [sflag:$0xC], $0x80, $0x38;
	[tilespmem:$0x10A00] =	vst v63  }
0x440: {  	s9 =	sadd.s32 $0x70, s9;
	s20 =	simm.s32 $0x100F8  }
0x441: {  	[hbm4b:s9+s3] =	stream.linear.scatter [tilespmem:s20], [sflag:$0xC], $0x80, $0x38;
	[tilespmem:$0x10A00] =	vst v63  }
0x442: {  	s21 =	simm.s32 $0x10180;
	s9 =	sadd.s32 s6, s16  }
0x443: {  	[hbm4b:s9+s3] =	stream.linear.scatter [tilespmem:s21], [sflag:$0xC], $0x80, $0x38;
	[tilespmem:$0x10A00] =	vst v63  }
0x444: {  	s29 =	simm.s32 $0x10208;
	s24 =	sadd.s32 $0x10, s9  }
0x445: {  	[hbm4b:s24+s3] =	stream.linear.scatter [tilespmem:s29], [sflag:$0xC], $0x80, $0x38;
	[tilespmem:$0x10A00] =	vst v63  }
0x446: {  	s20 =	sadd.s32 $0x20, s9;
	s21 =	simm.s32 $0x10290  }
0x447: {  	[hbm4b:s20+s3] =	stream.linear.scatter [tilespmem:s21], [sflag:$0xC], $0x80, $0x38;
	[tilespmem:$0x10A00] =	vst v63  }
0x448: {  	s24 =	sadd.s32 $0x30, s9;
	s29 =	simm.s32 $0x10318  }
0x449: {  	[hbm4b:s24+s3] =	stream.linear.scatter [tilespmem:s29], [sflag:$0xC], $0x80, $0x38;
	[tilespmem:$0x10A00] =	vst v63  }
0x44a: {  	s20 =	sadd.s32 $0x40, s9;
	s21 =	simm.s32 $0x103A0  }
0x44b: {  	[hbm4b:s20+s3] =	stream.linear.scatter [tilespmem:s21], [sflag:$0xC], $0x80, $0x38;
	[tilespmem:$0x10A00] =	vst v63  }
0x44c: {  	s24 =	sadd.s32 $0x50, s9;
	s29 =	simm.s32 $0x10428  }
0x44d: {  	[hbm4b:s24+s3] =	stream.linear.scatter [tilespmem:s29], [sflag:$0xC], $0x80, $0x38;
	[tilespmem:$0x10A00] =	vst v63  }
0x44e: {  	s21 =	sadd.s32 $0x60, s9;
	s24 =	simm.s32 $0x104B0  }
0x44f: {  	[hbm4b:s21+s3] =	stream.linear.scatter [tilespmem:s24], [sflag:$0xC], $0x80, $0x38;
	[tilespmem:$0x10A00] =	vst v63  }
0x450: {  	s9 =	sadd.s32 $0x70, s9;
	s29 =	simm.s32 $0x10538  }
0x451: {  	[hbm4b:s9+s3] =	stream.linear.scatter [tilespmem:s29], [sflag:$0xC], $0x80, $0x38;
	[tilespmem:$0x10A00] =	vst v63  }
0x452: {  	s19 =	simm.s32 $0x105C0;
	s6 =	sadd.s32 s6, s17  }
0x453: {  	[hbm4b:s6+s3] =	stream.linear.scatter [tilespmem:s19], [sflag:$0xC], $0x80, $0x38;
	[tilespmem:$0x10A00] =	vst v63  }
0x454: {  	s20 =	sadd.s32 $0x10, s6;
	s21 =	simm.s32 $0x10648  }
0x455: {  	[hbm4b:s20+s3] =	stream.linear.scatter [tilespmem:s21], [sflag:$0xC], $0x80, $0x38;
	[tilespmem:$0x10A00] =	vst v63  }
0x456: {  	s24 =	sadd.s32 $0x20, s6;
	s29 =	simm.s32 $0x106D0  }
0x457: {  	[hbm4b:s24+s3] =	stream.linear.scatter [tilespmem:s29], [sflag:$0xC], $0x80, $0x38;
	[tilespmem:$0x10A00] =	vst v63  }
0x458: {  	s20 =	sadd.s32 $0x30, s6;
	s21 =	simm.s32 $0x10758  }
0x459: {  	[hbm4b:s20+s3] =	stream.linear.scatter [tilespmem:s21], [sflag:$0xC], $0x80, $0x38;
	[tilespmem:$0x10A00] =	vst v63  }
0x45a: {  	s24 =	sadd.s32 $0x40, s6;
	s29 =	simm.s32 $0x107E0  }
0x45b: {  	[hbm4b:s24+s3] =	stream.linear.scatter [tilespmem:s29], [sflag:$0xC], $0x80, $0x38;
	[tilespmem:$0x10A00] =	vst v63  }
0x45c: {  	s19 =	sadd.s32 $0x50, s6;
	s20 =	simm.s32 $0x10868  }
0x45d: {  	[hbm4b:s19+s3] =	stream.linear.scatter [tilespmem:s20], [sflag:$0xC], $0x80, $0x38;
	[tilespmem:$0x10A00] =	vst v63  }
.Ltmp11:
0x45e: {  	_ = 	snop;
	(pc) =	sbr.rel @p0 .LBB2_19-.Ltmp11, $4  }
0x45f: {  	s21 =	sadd.s32 $0x60, s6;
	s24 =	simm.s32 $0x108F0  }
0x460: {  	[hbm4b:s21+s3] =	stream.linear.scatter [tilespmem:s24], [sflag:$0xC], $0x80, $0x38;
	[tilespmem:$0x10A00] =	vst v63  }
0x461: {  	s6 =	sadd.s32 $0x70, s6;
	s29 =	simm.s32 $0x10978  }
0x462: {  	[hbm4b:s6+s3] =	stream.linear.scatter [tilespmem:s29], [sflag:$0xC], $0x80, $0x38;
	[tilespmem:$0x10A00] =	vst v63  }
.Ltmp12:
0x463: {  	s6 =	simm.s32 $0x3;
	(pc) =	sbr.rel .LBB2_2-.Ltmp12, $4  }
0x464: {  	_ =	swait.ge [sflag:s6], $0x80  }
0x465: {  	s29 =	simm.s32 $0x100;
	[sflag:s6] =	ssyncset.done $0x0  }
0x466: {  	s9 =	simm.s32 $0x4200;
	s18 =	sadd.s32 $0x1, s18;
	[sflag:s6] =	ssyncadd.s32 $0xFFFFFF80  }
0x467: {  	[tilespmem:s9], [sflag:$0x7] =	stream.indirect.gather [hbm4b:s4+s26], $0x40, s29, s26, $0xb8;
	[tilespmem:$0x10A00] =	vst v63  }
.LBB2_20:
0x468: {  	_ =	sfence.sel $0x180000  }
0x469: {  	[bflag:$0x0] =	sbarrier.arrive $0xFFFF  }
0x46a: {  	_ =	strace $0x90000047  }
0x46b: {  	s0 =	stileid.u32;
	[bflag:$0x2] =	sbarrier.arrive $0xFFFF  }
0x46c: {  	p0 =	sne.s32 s0, $0x0;
	s0 =	rddreg [dreg:$0x2]  }
0x46d: {  	s0 =	sadd.s32 @!p0 $0x100000, s0  }
0x46e: {  	[sflag:s0] =	ssyncadd.tile.s32 @!p0 $0x1;
	_ =	shalt  }
.Lfunc_end2:
_tile_overlayer_lowered:
.L_overlay_start_2:
0x46f: {  	(tag) =	ssettag $0x2  }
0x470: {  	s0 =	rddreg [dreg:$0x0];
	s2 =	stileid.u32  }
0x471: {  	s1 =	rddreg [dreg:$0x1];
	p0 =	sne.s32 s2, $0x0  }
0x472: {  	s3 =	rddreg [dreg:$0x2];
	[bflag:$0x3] =	sbarrier.arrive $0xFFFF;
	s2 =	simm.s32 @!p0 $0x1C0D  }
0x473: {  	[timem:s3], [sflag:s2] =	dma.local @!p0 [hbm:s0], s1  }
0x474: {  	s0 =	simm.s32 @!p0 $0xD  }
0x475: {  	_ =	swait.ge @!p0 [sflag:s0], s1  }
0x476: {  	s1 =	ssub.s32 @!p0 $0x0, s1;
	[sflag:s0] =	ssyncset.done @!p0 $0x0  }
0x477: {  	[sflag:s0] =	ssyncadd.s32 @!p0 s1  }
0x478: {  	[bflag:$0x3] =	sbarrier.arrive $0xFFFF  }
0x479: {  	_ =	shalt  }

</sc_bundles>
